<compile_context>
chip_gen: v7x
topology: tpu7x:2x2x1
jax: 0.10.2.dev20260603
libtpu: 0.0.44.dev20260713+nightly
codegen_flags: <defaults>
</compile_context>

<pallas_src>
import functools

import jax
import jax.numpy as jnp
from jax import lax
from jax.experimental import pallas as pl
from jax.experimental.pallas import tpu as pltpu
from jax.experimental.pallas import tpu_sc as plsc

N = 10000
E = 160000
D_IN = 256
HID = 128
D_OUT = 12

NC, NS = 2, 16
NW = NC * NS
N_PAD = 10240
E_PAD = 163840
PER_W = E_PAD // NW
ROWS_PER_TILE = N_PAD // NS
OUT_PER_TILE = N // NS
PAD_SPREAD = 240

_mesh = plsc.VectorSubcoreMesh(core_axis_name="c", subcore_axis_name="s",
                               num_cores=NC, num_subcores=NS)


def _zero_fill(zero_v, F):
  @pl.loop(0, 16)
  def _(r):
    @pl.loop(0, F, step=16)
    def _(j):
      zero_v.at[pl.ds(r, 1), pl.ds(j, 16)][...] = jnp.zeros((1, 16), jnp.float32)


def _make_seg_scatter(F, C, nbuf):
  n_chunk = PER_W // C
  cparams = pltpu.CompilerParams(use_tc_tiling_on_sc=False)

  @functools.partial(
      pl.kernel,
      compiler_params=cparams,
      out_type=jax.ShapeDtypeStruct((NC, N, F), jnp.float32),
      mesh=_mesh,
      scratch_types=[
          pltpu.VMEM((n_chunk, C), jnp.int32),
          pltpu.VMEM((n_chunk, C), jnp.int32),
          pltpu.VMEM((nbuf, C, F), jnp.float32),
          pltpu.VMEM((16, F), jnp.float32),
          pltpu.VMEM_SHARED((N_PAD, F), jnp.float32),
          [pltpu.SemaphoreType.DMA] * nbuf,
          [pltpu.SemaphoreType.DMA] * nbuf,
      ],
  )
  def k(g_hbm, src_hbm, dst_hbm, out_hbm, src_v, dst_v, rows_v,
        zero_v, acc, gsems, ssems):
    cid = lax.axis_index("c")
    sid = lax.axis_index("s")
    wid = sid * NC + cid
    row0 = sid * ROWS_PER_TILE

    pltpu.sync_copy(src_hbm.at[pl.ds(wid * n_chunk, n_chunk)], src_v)
    pltpu.sync_copy(dst_hbm.at[pl.ds(wid * n_chunk, n_chunk)], dst_v)

    _zero_fill(zero_v, F)
    @pl.loop(0, ROWS_PER_TILE, step=16)
    def _(r):
      pltpu.sync_copy(zero_v, acc.at[pl.ds(row0 + r, 16)])
    plsc.subcore_barrier()

    bufs = [rows_v.at[b] for b in range(nbuf)]

    def g_start(i, b):
      pltpu.async_copy(g_hbm.at[src_v.at[i]], bufs[b], gsems[b])

    def g_wait(i, b):
      pltpu.make_async_copy(g_hbm.at[src_v.at[i]], bufs[b], gsems[b]).wait()

    def s_start(i, b):
      pltpu.async_copy(bufs[b], acc.at[dst_v.at[i]], ssems[b], add=True)

    def s_wait(i, b):
      pltpu.make_async_copy(bufs[b], acc.at[dst_v.at[i]], ssems[b]).wait()

    lag = nbuf // 2

    def slot(i, b, static):
      g_wait(i, b)
      s_start(i, b)
      if not static or i - lag >= 0:
        s_wait(i - lag, (b - lag) % nbuf)
      if not static or i + lag <= n_chunk - 1:
        g_start(i + lag, (b + lag) % nbuf)

    loop_end = ((n_chunk - lag) // nbuf) * nbuf
    for i in range(min(lag, n_chunk)):
      g_start(i, i % nbuf)
    for i in range(min(nbuf, loop_end)):
      slot(i, i % nbuf, static=True)

    @pl.loop(nbuf, loop_end, step=nbuf)
    def _(i0):
      for j in range(nbuf):
        slot(i0 + j, j, static=False)

    for i in range(loop_end, n_chunk):
      slot(i, i % nbuf, static=True)
    for i in range(max(0, n_chunk - lag), n_chunk):
      s_wait(i, i % nbuf)

    plsc.subcore_barrier()
    o0 = sid * OUT_PER_TILE
    pltpu.sync_copy(acc.at[pl.ds(o0, OUT_PER_TILE)],
                    out_hbm.at[cid].at[pl.ds(o0, OUT_PER_TILE)])

  return k


C_E = 128
C_HID = 64
_seg_scatter_hid = _make_seg_scatter(HID, C_HID, 4)
_seg_scatter_16 = _make_seg_scatter(16, C_E, 8)


@functools.partial(
    pl.kernel,
    out_type=jax.ShapeDtypeStruct((NC, N, 16), jnp.float32),
    mesh=_mesh,
    compiler_params=pltpu.CompilerParams(use_tc_tiling_on_sc=False),
    scratch_types=[
        pltpu.VMEM((PER_W // C_E, C_E), jnp.int32),
        pltpu.VMEM((C_E, 16), jnp.float32),
        pltpu.VMEM((16, 16), jnp.float32),
        pltpu.VMEM_SHARED((N_PAD, 16), jnp.float32),
        pltpu.SemaphoreType.DMA,
    ],
)
def _degree_kernel(dst_hbm, out_hbm, dst_v, ones_v, zero_v, acc, sem):
  n_chunk = PER_W // C_E
  cid = lax.axis_index("c")
  sid = lax.axis_index("s")
  wid = sid * NC + cid
  row0 = sid * ROWS_PER_TILE

  pltpu.sync_copy(dst_hbm.at[pl.ds(wid * n_chunk, n_chunk)], dst_v)

  @pl.loop(0, C_E)
  def _(r):
    ones_v.at[pl.ds(r, 1), pl.ds(0, 16)][...] = jnp.ones((1, 16), jnp.float32)
  _zero_fill(zero_v, 16)
  @pl.loop(0, ROWS_PER_TILE, step=16)
  def _(r):
    pltpu.sync_copy(zero_v, acc.at[pl.ds(row0 + r, 16)])
  plsc.subcore_barrier()

  @pl.loop(0, 8)
  def _(i):
    pltpu.async_copy(ones_v, acc.at[dst_v.at[i]], sem, add=True)

  @pl.loop(8, n_chunk)
  def _(i):
    pltpu.async_copy(ones_v, acc.at[dst_v.at[i]], sem, add=True)
    pltpu.make_async_copy(ones_v, acc.at[dst_v.at[i - 8]], sem).wait()

  @pl.loop(n_chunk - 8, n_chunk)
  def _(i):
    pltpu.make_async_copy(ones_v, acc.at[dst_v.at[i]], sem).wait()

  plsc.subcore_barrier()
  o0 = sid * OUT_PER_TILE
  pltpu.sync_copy(acc.at[pl.ds(o0, OUT_PER_TILE)],
                  out_hbm.at[cid].at[pl.ds(o0, OUT_PER_TILE)])



ROWS_BLK = 2000
GRID = (N // ROWS_BLK,)

_DOT = dict(dimension_numbers=(((1,), (0,)), ((), ())),
            preferred_element_type=jnp.float32,
            precision=lax.Precision.DEFAULT)


def _selu(x):
  alpha = 1.6732632423543772
  scale = 1.0507009873554805
  return scale * jnp.where(x > 0, x, alpha * (jnp.exp(x) - 1.0))


def _mm_body(x_ref, w_ref, o_ref):
  o_ref[...] = lax.dot_general(x_ref[...], w_ref[...], **_DOT)


def _scale_body(deg_hbm, xw_ref, g_ref, dv_ref, deg_v, sem):
  i = pl.program_id(0)
  cp = pltpu.make_async_copy(
      deg_hbm.at[:, pl.ds(i * ROWS_BLK, ROWS_BLK)], deg_v, sem)
  cp.start()
  cp.wait()
  deg = deg_v[...]
  dinv = lax.rsqrt(deg[0] + deg[1] + 1.0)
  g_ref[...] = dinv[:, :1] * xw_ref[...]
  dv_ref[...] = dinv


def _layer_body(p_ref, g_ref, dv_ref, b_ref, w_ref, o_ref):
  dinv = dv_ref[...][:, :1]
  a = p_ref[0] + p_ref[1] + g_ref[...]
  h = _selu(dinv * a + b_ref[...])
  o_ref[...] = lax.dot_general(h * dinv, w_ref[...], **_DOT)


def _final_body(p_ref, g_ref, dv_ref, b_ref, o_ref):
  dinv = dv_ref[...][:, :1]
  o = dinv * (p_ref[0] + p_ref[1] + g_ref[...]) + b_ref[...]
  col = lax.broadcasted_iota(jnp.int32, o.shape, 1)
  xm = jnp.where(col < D_OUT, o, -1e30)
  m = jnp.max(xm, axis=1, keepdims=True)
  lse = jnp.log(jnp.sum(jnp.exp(xm - m), axis=1, keepdims=True)) + m
  o_ref[...] = (o - lse)[:, :D_OUT]


def _rows_spec(f):
  return pl.BlockSpec((ROWS_BLK, f), lambda i: (i, 0))


def _pair_spec(f):
  return pl.BlockSpec((2, ROWS_BLK, f), lambda i: (0, i, 0))




def _full_spec(shape):
  return pl.BlockSpec(shape, lambda i: tuple(0 for _ in shape))


def _mm_call(x, w):
  return pl.pallas_call(
      _mm_body, grid=GRID,
      in_specs=[_rows_spec(x.shape[1]), _full_spec(w.shape)],
      out_specs=_rows_spec(w.shape[1]),
      out_shape=jax.ShapeDtypeStruct((N, w.shape[1]), jnp.float32),
  )(x, w)


def _scale_call(degp, xw):
  return pl.pallas_call(
      _scale_body, grid=GRID,
      in_specs=[pl.BlockSpec(memory_space=pl.ANY), _rows_spec(HID)],
      out_specs=(_rows_spec(HID), _rows_spec(16)),
      out_shape=(jax.ShapeDtypeStruct((N, HID), jnp.float32),
                 jax.ShapeDtypeStruct((N, 16), jnp.float32)),
      scratch_shapes=[pltpu.VMEM((2, ROWS_BLK, 16), jnp.float32),
                      pltpu.SemaphoreType.DMA],
  )(degp, xw)


def _layer_call(p, g, dv, b, w):
  f_in, f_out = w.shape
  return pl.pallas_call(
      _layer_body, grid=GRID,
      in_specs=[_pair_spec(f_in), _rows_spec(f_in), _rows_spec(16),
                _full_spec((1, f_in)), _full_spec(w.shape)],
      out_specs=_rows_spec(f_out),
      out_shape=jax.ShapeDtypeStruct((N, f_out), jnp.float32),
  )(p, g, dv, b, w)


def _final_call(p, g, dv, b):
  return pl.pallas_call(
      _final_body, grid=GRID,
      in_specs=[_pair_spec(16), _rows_spec(16), _rows_spec(16),
                _full_spec((1, 16))],
      out_specs=_rows_spec(D_OUT),
      out_shape=jax.ShapeDtypeStruct((N, D_OUT), jnp.float32),
  )(p, g, dv, b)


def kernel(x, edge_index, W1, b1, W2, b2, W3, b3):
  src = edge_index[0]
  dst = edge_index[1]
  pad_i = jnp.arange(E_PAD - E, dtype=jnp.int32) % PAD_SPREAD
  src_p = jnp.concatenate([src, pad_i])
  dst_p = jnp.concatenate([dst, N + pad_i])
  src2 = src_p.reshape(E_PAD // C_E, C_E)
  dst2 = dst_p.reshape(E_PAD // C_E, C_E)
  src2h = src_p.reshape(E_PAD // C_HID, C_HID)
  dst2h = dst_p.reshape(E_PAD // C_HID, C_HID)
  w3p = jnp.pad(W3, ((0, 0), (0, 16 - D_OUT)))
  b1r = b1.reshape(1, HID)
  b2r = b2.reshape(1, HID)
  b3r = jnp.pad(b3, (0, 16 - D_OUT)).reshape(1, 16)

  degp = _degree_kernel(dst2)
  xw1 = _mm_call(x, W1)
  g1, dv = _scale_call(degp, xw1)
  p1 = _seg_scatter_hid(g1, src2h, dst2h)
  g2 = _layer_call(p1, g1, dv, b1r, W2)
  p2 = _seg_scatter_hid(g2, src2h, dst2h)
  g3 = _layer_call(p2, g2, dv, b2r, w3p)
  p3 = _seg_scatter_16(g3, src2, dst2)
  return _final_call(p3, g3, dv, b3r)

# --- scband reference (transcript-rebuilt; emitter-appended) ---
"""Pipeline reference for scband-gcn-net-16681652977695 (READ-ONLY COPY).

The authoritative reference and input builder live on the scoring server;
editing this copy changes nothing except your own understanding.
"""

import jax, jax.numpy as jnp
import numpy as np

N = 10000
E = 160000
D_IN = 256
HID = 128
D_OUT = 12


def setup_inputs(seed: int = 0) -> dict:
    key = jax.random.key(seed)
    ks = jax.random.split(key, 8)
    x = jax.random.normal(ks[0], (N, D_IN), dtype=jnp.float32)
    edge_index = jax.random.randint(ks[1], (2, E), 0, N, dtype=jnp.int32)
    W1 = jax.random.normal(ks[2], (D_IN, HID), dtype=jnp.float32) * 0.05
    b1 = jnp.zeros((HID,), dtype=jnp.float32)
    W2 = jax.random.normal(ks[3], (HID, HID), dtype=jnp.float32) * 0.05
    b2 = jnp.zeros((HID,), dtype=jnp.float32)
    W3 = jax.random.normal(ks[4], (HID, D_OUT), dtype=jnp.float32) * 0.05
    b3 = jnp.zeros((D_OUT,), dtype=jnp.float32)
    return {"x": x, "edge_index": edge_index, "W1": W1, "b1": b1, "W2": W2, "b2": b2, "W3": W3, "b3": b3}


def _gcn_conv(x, W, b, src, dst, norm):
    # GCNConv: out = D^{-1/2} (A + I) D^{-1/2} (X W) + b
    h = x @ W
    msg = h[src] * norm[:, None]          # gather by src, scale by edge norm
    agg = jax.ops.segment_sum(msg, dst, num_segments=N)  # scatter-add by dst
    return agg + b


def reference(x, edge_index, W1, b1, W2, b2, W3, b3):
    src0 = edge_index[0]
    dst0 = edge_index[1]
    loops = jnp.arange(N, dtype=src0.dtype)
    src = jnp.concatenate([src0, loops])   # add self loops
    dst = jnp.concatenate([dst0, loops])
    deg = jax.ops.segment_sum(jnp.ones(src.shape[0], dtype=jnp.float32), dst, num_segments=N)
    dinv = jnp.where(deg > 0, 1.0 / jnp.sqrt(deg), 0.0)
    norm = dinv[src] * dinv[dst]
    h = _gcn_conv(x, W1, b1, src, dst, norm)
    h = jax.nn.selu(h)
    h = _gcn_conv(h, W2, b2, src, dst, norm)
    h = jax.nn.selu(h)
    h = _gcn_conv(h, W3, b3, src, dst, norm)
    return jax.nn.log_softmax(h, axis=1)

if __name__ == "__main__":
    import jax
    _d = setup_inputs()
    print(jax.jit(kernel)(*tuple(_d.values())))

</pallas_src>

<mosaic_0001>
#map = affine_map<(d0, d1) -> (0, 0)>
#map1 = affine_map<(d0, d1) -> (0, 0, 0)>
module attributes {stable_mosaic.version = 14 : i64} {
  func.func @k(%arg0: i32, %arg1: i32, %arg2: memref<10000x16xf32, #tpu.memory_space<hbm>>, %arg3: memref<1280x128xi32, #tpu.memory_space<hbm>>, %arg4: memref<1280x128xi32, #tpu.memory_space<hbm>>, %arg5: memref<2x10000x16xf32, #tpu.memory_space<hbm>>, %arg6: memref<40x128xi32, #tpu.memory_space<vmem>>, %arg7: memref<40x128xi32, #tpu.memory_space<vmem>>, %arg8: memref<8x128x16xf32, #tpu.memory_space<vmem>>, %arg9: memref<16x16xf32, #tpu.memory_space<vmem>>, %arg10: memref<10240x16xf32, #tpu.memory_space<vmem_shared>>, %arg11: memref<!tpu.dma_semaphore, #tpu.memory_space<semaphore_mem>>, %arg12: memref<!tpu.dma_semaphore, #tpu.memory_space<semaphore_mem>>, %arg13: memref<!tpu.dma_semaphore, #tpu.memory_space<semaphore_mem>>, %arg14: memref<!tpu.dma_semaphore, #tpu.memory_space<semaphore_mem>>, %arg15: memref<!tpu.dma_semaphore, #tpu.memory_space<semaphore_mem>>, %arg16: memref<!tpu.dma_semaphore, #tpu.memory_space<semaphore_mem>>, %arg17: memref<!tpu.dma_semaphore, #tpu.memory_space<semaphore_mem>>, %arg18: memref<!tpu.dma_semaphore, #tpu.memory_space<semaphore_mem>>, %arg19: memref<!tpu.dma_semaphore, #tpu.memory_space<semaphore_mem>>, %arg20: memref<!tpu.dma_semaphore, #tpu.memory_space<semaphore_mem>>, %arg21: memref<!tpu.dma_semaphore, #tpu.memory_space<semaphore_mem>>, %arg22: memref<!tpu.dma_semaphore, #tpu.memory_space<semaphore_mem>>, %arg23: memref<!tpu.dma_semaphore, #tpu.memory_space<semaphore_mem>>, %arg24: memref<!tpu.dma_semaphore, #tpu.memory_space<semaphore_mem>>, %arg25: memref<!tpu.dma_semaphore, #tpu.memory_space<semaphore_mem>>, %arg26: memref<!tpu.dma_semaphore, #tpu.memory_space<semaphore_mem>>) attributes {dimension_semantics = [#tpu.dimension_semantics<core_parallel>, #tpu.dimension_semantics<subcore_parallel>], iteration_bounds = array<i64: 2, 16>, scalar_prefetch = 0 : i64, scratch_operands = 21 : i64, tpu.core_type = #tpu.core_type<sc_vector_subcore>, window_params = [{transform_indices = #map}, {transform_indices = #map}, {transform_indices = #map}, {transform_indices = #map1}]} {
    %mul3A = arith.constant 2 : i32
    %mul3A_0 = arith.muli %arg1, %mul3A : i32
    %add3A = arith.addi %mul3A_0, %arg0 : i32
    %mul3A_1 = arith.constant 640 : i32
    %mul3A_2 = arith.muli %arg1, %mul3A_1 : i32
    %mul3A_3 = arith.constant 40 : i32
    %mul3A_4 = arith.muli %add3A, %mul3A_3 : i32
    "tpu.region"() ({
      %run_scoped3A = tpu.sem_alloc : memref<!tpu.dma_semaphore, #tpu.memory_space<semaphore_mem>>
      %dma_start3A_798 = arith.constant 0 : i32
      %dma_start3A_799 = tpu.memref_slice %arg3[%mul3A_4, %dma_start3A_798] : memref<1280x128xi32, #tpu.memory_space<hbm>> -> memref<40x128xi32, #tpu.memory_space<hbm>>
      %dma_start3A_800 = arith.constant 0 : i32
      %dma_start3A_801 = tpu.memref_slice %arg3[%mul3A_4, %dma_start3A_800] : memref<1280x128xi32, #tpu.memory_space<hbm>> -> memref<40x128xi32, #tpu.memory_space<hbm>>
      tpu.enqueue_dma source(%dma_start3A_801 : memref<40x128xi32, #tpu.memory_space<hbm>>) target(%arg6 : memref<40x128xi32, #tpu.memory_space<vmem>>) target_semaphore(%run_scoped3A : memref<!tpu.dma_semaphore, #tpu.memory_space<semaphore_mem>>)
      %dma_wait3A_802 = arith.constant 0 : i32
      %dma_wait3A_803 = tpu.memref_slice %arg3[%mul3A_4, %dma_wait3A_802] : memref<1280x128xi32, #tpu.memory_space<hbm>> -> memref<40x128xi32, #tpu.memory_space<hbm>>
      %dma_wait3A_804 = arith.constant 0 : i32
      %dma_wait3A_805 = tpu.memref_slice %arg3[%mul3A_4, %dma_wait3A_804] : memref<1280x128xi32, #tpu.memory_space<hbm>> -> memref<40x128xi32, #tpu.memory_space<hbm>>
      tpu.wait_dma2 semaphore(%run_scoped3A : memref<!tpu.dma_semaphore, #tpu.memory_space<semaphore_mem>>) src(%dma_wait3A_805 : memref<40x128xi32, #tpu.memory_space<hbm>>) dst(%arg6 : memref<40x128xi32, #tpu.memory_space<vmem>>)
      tpu.yield
    }) : () -> ()
    %mul3A_5 = arith.constant 40 : i32
    %mul3A_6 = arith.muli %add3A, %mul3A_5 : i32
    "tpu.region"() ({
      %run_scoped3A = tpu.sem_alloc : memref<!tpu.dma_semaphore, #tpu.memory_space<semaphore_mem>>
      %dma_start3A_798 = arith.constant 0 : i32
      %dma_start3A_799 = tpu.memref_slice %arg4[%mul3A_6, %dma_start3A_798] : memref<1280x128xi32, #tpu.memory_space<hbm>> -> memref<40x128xi32, #tpu.memory_space<hbm>>
      %dma_start3A_800 = arith.constant 0 : i32
      %dma_start3A_801 = tpu.memref_slice %arg4[%mul3A_6, %dma_start3A_800] : memref<1280x128xi32, #tpu.memory_space<hbm>> -> memref<40x128xi32, #tpu.memory_space<hbm>>
      tpu.enqueue_dma source(%dma_start3A_801 : memref<40x128xi32, #tpu.memory_space<hbm>>) target(%arg7 : memref<40x128xi32, #tpu.memory_space<vmem>>) target_semaphore(%run_scoped3A : memref<!tpu.dma_semaphore, #tpu.memory_space<semaphore_mem>>)
      %dma_wait3A_802 = arith.constant 0 : i32
      %dma_wait3A_803 = tpu.memref_slice %arg4[%mul3A_6, %dma_wait3A_802] : memref<1280x128xi32, #tpu.memory_space<hbm>> -> memref<40x128xi32, #tpu.memory_space<hbm>>
      %dma_wait3A_804 = arith.constant 0 : i32
      %dma_wait3A_805 = tpu.memref_slice %arg4[%mul3A_6, %dma_wait3A_804] : memref<1280x128xi32, #tpu.memory_space<hbm>> -> memref<40x128xi32, #tpu.memory_space<hbm>>
      tpu.wait_dma2 semaphore(%run_scoped3A : memref<!tpu.dma_semaphore, #tpu.memory_space<semaphore_mem>>) src(%dma_wait3A_805 : memref<40x128xi32, #tpu.memory_space<hbm>>) dst(%arg7 : memref<40x128xi32, #tpu.memory_space<vmem>>)
      tpu.yield
    }) : () -> ()
    %scan3A = arith.constant 0 : i32
    %scan3A_7 = arith.constant 16 : i32
    %scan3A_8 = arith.addi %scan3A, %scan3A_7 : i32
    %scan3A_9 = arith.constant 1 : i32
    scf.for %scan3A_798 = %scan3A to %scan3A_8 step %scan3A_9  : i32 {
      %mul3A_799 = arith.constant 1 : i32
      %mul3A_800 = arith.muli %scan3A_798, %mul3A_799 : i32
      %add3A_801 = arith.constant 0 : i32
      %add3A_802 = arith.addi %add3A_801, %mul3A_800 : i32
      %scan3A_803 = arith.constant 0 : i32
      %mul3A_804 = arith.constant 16 : i32
      %mul3A_805 = arith.muli %scan3A_803, %mul3A_804 : i32
      %add3A_806 = arith.constant 0 : i32
      %add3A_807 = arith.addi %add3A_806, %mul3A_805 : i32
      %broadcast_in_dim3A = arith.constant 0.000000e+00 : f32
      %broadcast_in_dim3A_808 = vector.broadcast %broadcast_in_dim3A : f32 to vector<1x16xf32>
      %swap3A = arith.index_cast %add3A_802 : i32 to index
      %swap3A_809 = arith.index_cast %add3A_807 : i32 to index
      %swap3A_810 = tpu.vector_load %arg9[%swap3A, %swap3A_809] {strides = array<i32>} : memref<16x16xf32, #tpu.memory_space<vmem>>, vector<1x16xf32>,
      %swap3A_811 = vector.shape_cast %swap3A_810 : vector<1x16xf32> to vector<1x16xf32>
      %swap3A_812 = vector.shape_cast %broadcast_in_dim3A_808 : vector<1x16xf32> to vector<1x16xf32>
      tpu.vector_store %arg9[%swap3A, %swap3A_809], %swap3A_812 {strides = array<i32>} : memref<16x16xf32, #tpu.memory_space<vmem>>, vector<1x16xf32>,
      %scan3A_813 = arith.constant 1 : i32
    }
    %scan3A_10 = arith.constant 16 : i32
    %scan3A_11 = arith.constant 0 : i32
    %scan3A_12 = arith.constant 40 : i32
    %scan3A_13 = arith.addi %scan3A_11, %scan3A_12 : i32
    %scan3A_14 = arith.constant 1 : i32
    scf.for %scan3A_798 = %scan3A_11 to %scan3A_13 step %scan3A_14  : i32 {
      %mul3A_799 = arith.constant 16 : i32
      %mul3A_800 = arith.muli %scan3A_798, %mul3A_799 : i32
      %add3A_801 = arith.constant 0 : i32
      %add3A_802 = arith.addi %add3A_801, %mul3A_800 : i32
      %add3A_803 = arith.addi %mul3A_2, %add3A_802 : i32
      "tpu.region"() ({
        %run_scoped3A = tpu.sem_alloc : memref<!tpu.dma_semaphore, #tpu.memory_space<semaphore_mem>>
        %dma_start3A_804 = arith.constant 0 : i32
        %dma_start3A_805 = tpu.memref_slice %arg10[%add3A_803, %dma_start3A_804] : memref<10240x16xf32, #tpu.memory_space<vmem_shared>> -> memref<16x16xf32, #tpu.memory_space<vmem_shared>>
        %dma_start3A_806 = arith.constant 0 : i32
        %dma_start3A_807 = tpu.memref_slice %arg10[%add3A_803, %dma_start3A_806] : memref<10240x16xf32, #tpu.memory_space<vmem_shared>> -> memref<16x16xf32, #tpu.memory_space<vmem_shared>>
        tpu.enqueue_dma source(%arg9 : memref<16x16xf32, #tpu.memory_space<vmem>>) target(%dma_start3A_807 : memref<16x16xf32, #tpu.memory_space<vmem_shared>>) target_semaphore(%run_scoped3A : memref<!tpu.dma_semaphore, #tpu.memory_space<semaphore_mem>>)
        %dma_wait3A_808 = arith.constant 0 : i32
        %dma_wait3A_809 = tpu.memref_slice %arg10[%add3A_803, %dma_wait3A_808] : memref<10240x16xf32, #tpu.memory_space<vmem_shared>> -> memref<16x16xf32, #tpu.memory_space<vmem_shared>>
        %dma_wait3A_810 = arith.constant 0 : i32
        %dma_wait3A_811 = tpu.memref_slice %arg10[%add3A_803, %dma_wait3A_810] : memref<10240x16xf32, #tpu.memory_space<vmem_shared>> -> memref<16x16xf32, #tpu.memory_space<vmem_shared>>
        tpu.wait_dma2 semaphore(%run_scoped3A : memref<!tpu.dma_semaphore, #tpu.memory_space<semaphore_mem>>) src(%arg9 : memref<16x16xf32, #tpu.memory_space<vmem>>) dst(%dma_wait3A_811 : memref<16x16xf32, #tpu.memory_space<vmem_shared>>)
        tpu.yield
      }) : () -> ()
    }
    %scan3A_15 = arith.constant 40 : i32
    %barrier3A = arith.constant 0 : index
    tpu.barrier barrier_id(%barrier3A)
    %dma_start3A = arith.constant 0 : i32
    %dma_start3A_16 = arith.constant 0 : i32
    %dma_start3A_17 = arith.constant 0 : i32
    %dma_start3A_18 = arith.constant 0 : i32
    %dma_start3A_19 = tpu.memref_slice %arg8[%dma_start3A_16, %dma_start3A_17, %dma_start3A_18] : memref<8x128x16xf32, #tpu.memory_space<vmem>> -> memref<1x128x16xf32, #tpu.memory_space<vmem>>
    %dma_start3A_20 = tpu.memref_squeeze %dma_start3A_19 : memref<1x128x16xf32, #tpu.memory_space<vmem>> -> memref<128x16xf32, #tpu.memory_space<vmem>>
    %dma_start3A_21 = arith.constant 0 : i32
    %dma_start3A_22 = tpu.memref_slice %arg6[%dma_start3A, %dma_start3A_21] : memref<40x128xi32, #tpu.memory_space<vmem>> -> memref<1x128xi32, #tpu.memory_space<vmem>>
    %dma_start3A_23 = tpu.memref_squeeze %dma_start3A_22 : memref<1x128xi32, #tpu.memory_space<vmem>> -> memref<128xi32, #tpu.memory_space<vmem>>
    %dma_start3A_24 = arith.constant 0 : i32
    %dma_start3A_25 = arith.constant 0 : i32
    %dma_start3A_26 = tpu.memref_slice %arg2[%dma_start3A_24, %dma_start3A_25] : memref<10000x16xf32, #tpu.memory_space<hbm>> -> memref<10000x16xf32, #tpu.memory_space<hbm>>
    tpu.enqueue_indirect_dma source(%dma_start3A_26 : memref<10000x16xf32, #tpu.memory_space<hbm>>) target(%dma_start3A_20 : memref<128x16xf32, #tpu.memory_space<vmem>>) offsets(%dma_start3A_23 : memref<128xi32, #tpu.memory_space<vmem>>) semaphore(%arg11 : memref<!tpu.dma_semaphore, #tpu.memory_space<semaphore_mem>>)
    %dma_start3A_27 = arith.constant 1 : i32
    %dma_start3A_28 = arith.constant 1 : i32
    %dma_start3A_29 = arith.constant 0 : i32
    %dma_start3A_30 = arith.constant 0 : i32
    %dma_start3A_31 = tpu.memref_slice %arg8[%dma_start3A_28, %dma_start3A_29, %dma_start3A_30] : memref<8x128x16xf32, #tpu.memory_space<vmem>> -> memref<1x128x16xf32, #tpu.memory_space<vmem>>
    %dma_start3A_32 = tpu.memref_squeeze %dma_start3A_31 : memref<1x128x16xf32, #tpu.memory_space<vmem>> -> memref<128x16xf32, #tpu.memory_space<vmem>>
    %dma_start3A_33 = arith.constant 0 : i32
    %dma_start3A_34 = tpu.memref_slice %arg6[%dma_start3A_27, %dma_start3A_33] : memref<40x128xi32, #tpu.memory_space<vmem>> -> memref<1x128xi32, #tpu.memory_space<vmem>>
    %dma_start3A_35 = tpu.memref_squeeze %dma_start3A_34 : memref<1x128xi32, #tpu.memory_space<vmem>> -> memref<128xi32, #tpu.memory_space<vmem>>
    %dma_start3A_36 = arith.constant 0 : i32
    %dma_start3A_37 = arith.constant 0 : i32
    %dma_start3A_38 = tpu.memref_slice %arg2[%dma_start3A_36, %dma_start3A_37] : memref<10000x16xf32, #tpu.memory_space<hbm>> -> memref<10000x16xf32, #tpu.memory_space<hbm>>
    tpu.enqueue_indirect_dma source(%dma_start3A_38 : memref<10000x16xf32, #tpu.memory_space<hbm>>) target(%dma_start3A_32 : memref<128x16xf32, #tpu.memory_space<vmem>>) offsets(%dma_start3A_35 : memref<128xi32, #tpu.memory_space<vmem>>) semaphore(%arg12 : memref<!tpu.dma_semaphore, #tpu.memory_space<semaphore_mem>>)
    %dma_start3A_39 = arith.constant 2 : i32
    %dma_start3A_40 = arith.constant 2 : i32
    %dma_start3A_41 = arith.constant 0 : i32
    %dma_start3A_42 = arith.constant 0 : i32
    %dma_start3A_43 = tpu.memref_slice %arg8[%dma_start3A_40, %dma_start3A_41, %dma_start3A_42] : memref<8x128x16xf32, #tpu.memory_space<vmem>> -> memref<1x128x16xf32, #tpu.memory_space<vmem>>
    %dma_start3A_44 = tpu.memref_squeeze %dma_start3A_43 : memref<1x128x16xf32, #tpu.memory_space<vmem>> -> memref<128x16xf32, #tpu.memory_space<vmem>>
    %dma_start3A_45 = arith.constant 0 : i32
    %dma_start3A_46 = tpu.memref_slice %arg6[%dma_start3A_39, %dma_start3A_45] : memref<40x128xi32, #tpu.memory_space<vmem>> -> memref<1x128xi32, #tpu.memory_space<vmem>>
    %dma_start3A_47 = tpu.memref_squeeze %dma_start3A_46 : memref<1x128xi32, #tpu.memory_space<vmem>> -> memref<128xi32, #tpu.memory_space<vmem>>
    %dma_start3A_48 = arith.constant 0 : i32
    %dma_start3A_49 = arith.constant 0 : i32
    %dma_start3A_50 = tpu.memref_slice %arg2[%dma_start3A_48, %dma_start3A_49] : memref<10000x16xf32, #tpu.memory_space<hbm>> -> memref<10000x16xf32, #tpu.memory_space<hbm>>
    tpu.enqueue_indirect_dma source(%dma_start3A_50 : memref<10000x16xf32, #tpu.memory_space<hbm>>) target(%dma_start3A_44 : memref<128x16xf32, #tpu.memory_space<vmem>>) offsets(%dma_start3A_47 : memref<128xi32, #tpu.memory_space<vmem>>) semaphore(%arg13 : memref<!tpu.dma_semaphore, #tpu.memory_space<semaphore_mem>>)
    %dma_start3A_51 = arith.constant 3 : i32
    %dma_start3A_52 = arith.constant 3 : i32
    %dma_start3A_53 = arith.constant 0 : i32
    %dma_start3A_54 = arith.constant 0 : i32
    %dma_start3A_55 = tpu.memref_slice %arg8[%dma_start3A_52, %dma_start3A_53, %dma_start3A_54] : memref<8x128x16xf32, #tpu.memory_space<vmem>> -> memref<1x128x16xf32, #tpu.memory_space<vmem>>
    %dma_start3A_56 = tpu.memref_squeeze %dma_start3A_55 : memref<1x128x16xf32, #tpu.memory_space<vmem>> -> memref<128x16xf32, #tpu.memory_space<vmem>>
    %dma_start3A_57 = arith.constant 0 : i32
    %dma_start3A_58 = tpu.memref_slice %arg6[%dma_start3A_51, %dma_start3A_57] : memref<40x128xi32, #tpu.memory_space<vmem>> -> memref<1x128xi32, #tpu.memory_space<vmem>>
    %dma_start3A_59 = tpu.memref_squeeze %dma_start3A_58 : memref<1x128xi32, #tpu.memory_space<vmem>> -> memref<128xi32, #tpu.memory_space<vmem>>
    %dma_start3A_60 = arith.constant 0 : i32
    %dma_start3A_61 = arith.constant 0 : i32
    %dma_start3A_62 = tpu.memref_slice %arg2[%dma_start3A_60, %dma_start3A_61] : memref<10000x16xf32, #tpu.memory_space<hbm>> -> memref<10000x16xf32, #tpu.memory_space<hbm>>
    tpu.enqueue_indirect_dma source(%dma_start3A_62 : memref<10000x16xf32, #tpu.memory_space<hbm>>) target(%dma_start3A_56 : memref<128x16xf32, #tpu.memory_space<vmem>>) offsets(%dma_start3A_59 : memref<128xi32, #tpu.memory_space<vmem>>) semaphore(%arg14 : memref<!tpu.dma_semaphore, #tpu.memory_space<semaphore_mem>>)
    %dma_wait3A = arith.constant 0 : i32
    %dma_wait3A_63 = arith.constant 0 : i32
    %dma_wait3A_64 = arith.constant 0 : i32
    %dma_wait3A_65 = arith.constant 0 : i32
    %dma_wait3A_66 = tpu.memref_slice %arg8[%dma_wait3A_63, %dma_wait3A_64, %dma_wait3A_65] : memref<8x128x16xf32, #tpu.memory_space<vmem>> -> memref<1x128x16xf32, #tpu.memory_space<vmem>>
    %dma_wait3A_67 = tpu.memref_squeeze %dma_wait3A_66 : memref<1x128x16xf32, #tpu.memory_space<vmem>> -> memref<128x16xf32, #tpu.memory_space<vmem>>
    %dma_wait3A_68 = arith.constant 0 : i32
    %dma_wait3A_69 = tpu.memref_slice %arg6[%dma_wait3A, %dma_wait3A_68] : memref<40x128xi32, #tpu.memory_space<vmem>> -> memref<1x128xi32, #tpu.memory_space<vmem>>
    %dma_wait3A_70 = tpu.memref_squeeze %dma_wait3A_69 : memref<1x128xi32, #tpu.memory_space<vmem>> -> memref<128xi32, #tpu.memory_space<vmem>>
    %dma_wait3A_71 = arith.constant 0 : i32
    %dma_wait3A_72 = arith.constant 0 : i32
    %dma_wait3A_73 = tpu.memref_slice %arg2[%dma_wait3A_71, %dma_wait3A_72] : memref<10000x16xf32, #tpu.memory_space<hbm>> -> memref<10000x16xf32, #tpu.memory_space<hbm>>
    tpu.wait_indirect_dma semaphore(%arg11 : memref<!tpu.dma_semaphore, #tpu.memory_space<semaphore_mem>>) src(%dma_wait3A_73 : memref<10000x16xf32, #tpu.memory_space<hbm>>) dst(%dma_wait3A_67 : memref<128x16xf32, #tpu.memory_space<vmem>>)
    %dma_start3A_74 = arith.constant 0 : i32
    %dma_start3A_75 = arith.constant 0 : i32
    %dma_start3A_76 = arith.constant 0 : i32
    %dma_start3A_77 = arith.constant 0 : i32
    %dma_start3A_78 = tpu.memref_slice %arg8[%dma_start3A_74, %dma_start3A_76, %dma_start3A_77] : memref<8x128x16xf32, #tpu.memory_space<vmem>> -> memref<1x128x16xf32, #tpu.memory_space<vmem>>
    %dma_start3A_79 = tpu.memref_squeeze %dma_start3A_78 : memref<1x128x16xf32, #tpu.memory_space<vmem>> -> memref<128x16xf32, #tpu.memory_space<vmem>>
    %dma_start3A_80 = arith.constant 0 : i32
    %dma_start3A_81 = tpu.memref_slice %arg7[%dma_start3A_75, %dma_start3A_80] : memref<40x128xi32, #tpu.memory_space<vmem>> -> memref<1x128xi32, #tpu.memory_space<vmem>>
    %dma_start3A_82 = tpu.memref_squeeze %dma_start3A_81 : memref<1x128xi32, #tpu.memory_space<vmem>> -> memref<128xi32, #tpu.memory_space<vmem>>
    %dma_start3A_83 = arith.constant 0 : i32
    %dma_start3A_84 = arith.constant 0 : i32
    %dma_start3A_85 = tpu.memref_slice %arg10[%dma_start3A_83, %dma_start3A_84] : memref<10240x16xf32, #tpu.memory_space<vmem_shared>> -> memref<10240x16xf32, #tpu.memory_space<vmem_shared>>
    tpu.enqueue_indirect_dma source(%dma_start3A_79 : memref<128x16xf32, #tpu.memory_space<vmem>>) target(%dma_start3A_85 : memref<10240x16xf32, #tpu.memory_space<vmem_shared>>) offsets(%dma_start3A_82 : memref<128xi32, #tpu.memory_space<vmem>>) semaphore(%arg19 : memref<!tpu.dma_semaphore, #tpu.memory_space<semaphore_mem>>) {add = true}
    %dma_start3A_86 = arith.constant 4 : i32
    %dma_start3A_87 = arith.constant 4 : i32
    %dma_start3A_88 = arith.constant 0 : i32
    %dma_start3A_89 = arith.constant 0 : i32
    %dma_start3A_90 = tpu.memref_slice %arg8[%dma_start3A_87, %dma_start3A_88, %dma_start3A_89] : memref<8x128x16xf32, #tpu.memory_space<vmem>> -> memref<1x128x16xf32, #tpu.memory_space<vmem>>
    %dma_start3A_91 = tpu.memref_squeeze %dma_start3A_90 : memref<1x128x16xf32, #tpu.memory_space<vmem>> -> memref<128x16xf32, #tpu.memory_space<vmem>>
    %dma_start3A_92 = arith.constant 0 : i32
    %dma_start3A_93 = tpu.memref_slice %arg6[%dma_start3A_86, %dma_start3A_92] : memref<40x128xi32, #tpu.memory_space<vmem>> -> memref<1x128xi32, #tpu.memory_space<vmem>>
    %dma_start3A_94 = tpu.memref_squeeze %dma_start3A_93 : memref<1x128xi32, #tpu.memory_space<vmem>> -> memref<128xi32, #tpu.memory_space<vmem>>
    %dma_start3A_95 = arith.constant 0 : i32
    %dma_start3A_96 = arith.constant 0 : i32
    %dma_start3A_97 = tpu.memref_slice %arg2[%dma_start3A_95, %dma_start3A_96] : memref<10000x16xf32, #tpu.memory_space<hbm>> -> memref<10000x16xf32, #tpu.memory_space<hbm>>
    tpu.enqueue_indirect_dma source(%dma_start3A_97 : memref<10000x16xf32, #tpu.memory_space<hbm>>) target(%dma_start3A_91 : memref<128x16xf32, #tpu.memory_space<vmem>>) offsets(%dma_start3A_94 : memref<128xi32, #tpu.memory_space<vmem>>) semaphore(%arg15 : memref<!tpu.dma_semaphore, #tpu.memory_space<semaphore_mem>>)
    %dma_wait3A_98 = arith.constant 1 : i32
    %dma_wait3A_99 = arith.constant 1 : i32
    %dma_wait3A_100 = arith.constant 0 : i32
    %dma_wait3A_101 = arith.constant 0 : i32
    %dma_wait3A_102 = tpu.memref_slice %arg8[%dma_wait3A_99, %dma_wait3A_100, %dma_wait3A_101] : memref<8x128x16xf32, #tpu.memory_space<vmem>> -> memref<1x128x16xf32, #tpu.memory_space<vmem>>
    %dma_wait3A_103 = tpu.memref_squeeze %dma_wait3A_102 : memref<1x128x16xf32, #tpu.memory_space<vmem>> -> memref<128x16xf32, #tpu.memory_space<vmem>>
    %dma_wait3A_104 = arith.constant 0 : i32
    %dma_wait3A_105 = tpu.memref_slice %arg6[%dma_wait3A_98, %dma_wait3A_104] : memref<40x128xi32, #tpu.memory_space<vmem>> -> memref<1x128xi32, #tpu.memory_space<vmem>>
    %dma_wait3A_106 = tpu.memref_squeeze %dma_wait3A_105 : memref<1x128xi32, #tpu.memory_space<vmem>> -> memref<128xi32, #tpu.memory_space<vmem>>
    %dma_wait3A_107 = arith.constant 0 : i32
    %dma_wait3A_108 = arith.constant 0 : i32
    %dma_wait3A_109 = tpu.memref_slice %arg2[%dma_wait3A_107, %dma_wait3A_108] : memref<10000x16xf32, #tpu.memory_space<hbm>> -> memref<10000x16xf32, #tpu.memory_space<hbm>>
    tpu.wait_indirect_dma semaphore(%arg12 : memref<!tpu.dma_semaphore, #tpu.memory_space<semaphore_mem>>) src(%dma_wait3A_109 : memref<10000x16xf32, #tpu.memory_space<hbm>>) dst(%dma_wait3A_103 : memref<128x16xf32, #tpu.memory_space<vmem>>)
    %dma_start3A_110 = arith.constant 1 : i32
    %dma_start3A_111 = arith.constant 1 : i32
    %dma_start3A_112 = arith.constant 0 : i32
    %dma_start3A_113 = arith.constant 0 : i32
    %dma_start3A_114 = tpu.memref_slice %arg8[%dma_start3A_110, %dma_start3A_112, %dma_start3A_113] : memref<8x128x16xf32, #tpu.memory_space<vmem>> -> memref<1x128x16xf32, #tpu.memory_space<vmem>>
    %dma_start3A_115 = tpu.memref_squeeze %dma_start3A_114 : memref<1x128x16xf32, #tpu.memory_space<vmem>> -> memref<128x16xf32, #tpu.memory_space<vmem>>
    %dma_start3A_116 = arith.constant 0 : i32
    %dma_start3A_117 = tpu.memref_slice %arg7[%dma_start3A_111, %dma_start3A_116] : memref<40x128xi32, #tpu.memory_space<vmem>> -> memref<1x128xi32, #tpu.memory_space<vmem>>
    %dma_start3A_118 = tpu.memref_squeeze %dma_start3A_117 : memref<1x128xi32, #tpu.memory_space<vmem>> -> memref<128xi32, #tpu.memory_space<vmem>>
    %dma_start3A_119 = arith.constant 0 : i32
    %dma_start3A_120 = arith.constant 0 : i32
    %dma_start3A_121 = tpu.memref_slice %arg10[%dma_start3A_119, %dma_start3A_120] : memref<10240x16xf32, #tpu.memory_space<vmem_shared>> -> memref<10240x16xf32, #tpu.memory_space<vmem_shared>>
    tpu.enqueue_indirect_dma source(%dma_start3A_115 : memref<128x16xf32, #tpu.memory_space<vmem>>) target(%dma_start3A_121 : memref<10240x16xf32, #tpu.memory_space<vmem_shared>>) offsets(%dma_start3A_118 : memref<128xi32, #tpu.memory_space<vmem>>) semaphore(%arg20 : memref<!tpu.dma_semaphore, #tpu.memory_space<semaphore_mem>>) {add = true}
    %dma_start3A_122 = arith.constant 5 : i32
    %dma_start3A_123 = arith.constant 5 : i32
    %dma_start3A_124 = arith.constant 0 : i32
    %dma_start3A_125 = arith.constant 0 : i32
    %dma_start3A_126 = tpu.memref_slice %arg8[%dma_start3A_123, %dma_start3A_124, %dma_start3A_125] : memref<8x128x16xf32, #tpu.memory_space<vmem>> -> memref<1x128x16xf32, #tpu.memory_space<vmem>>
    %dma_start3A_127 = tpu.memref_squeeze %dma_start3A_126 : memref<1x128x16xf32, #tpu.memory_space<vmem>> -> memref<128x16xf32, #tpu.memory_space<vmem>>
    %dma_start3A_128 = arith.constant 0 : i32
    %dma_start3A_129 = tpu.memref_slice %arg6[%dma_start3A_122, %dma_start3A_128] : memref<40x128xi32, #tpu.memory_space<vmem>> -> memref<1x128xi32, #tpu.memory_space<vmem>>
    %dma_start3A_130 = tpu.memref_squeeze %dma_start3A_129 : memref<1x128xi32, #tpu.memory_space<vmem>> -> memref<128xi32, #tpu.memory_space<vmem>>
    %dma_start3A_131 = arith.constant 0 : i32
    %dma_start3A_132 = arith.constant 0 : i32
    %dma_start3A_133 = tpu.memref_slice %arg2[%dma_start3A_131, %dma_start3A_132] : memref<10000x16xf32, #tpu.memory_space<hbm>> -> memref<10000x16xf32, #tpu.memory_space<hbm>>
    tpu.enqueue_indirect_dma source(%dma_start3A_133 : memref<10000x16xf32, #tpu.memory_space<hbm>>) target(%dma_start3A_127 : memref<128x16xf32, #tpu.memory_space<vmem>>) offsets(%dma_start3A_130 : memref<128xi32, #tpu.memory_space<vmem>>) semaphore(%arg16 : memref<!tpu.dma_semaphore, #tpu.memory_space<semaphore_mem>>)
    %dma_wait3A_134 = arith.constant 2 : i32
    %dma_wait3A_135 = arith.constant 2 : i32
    %dma_wait3A_136 = arith.constant 0 : i32
    %dma_wait3A_137 = arith.constant 0 : i32
    %dma_wait3A_138 = tpu.memref_slice %arg8[%dma_wait3A_135, %dma_wait3A_136, %dma_wait3A_137] : memref<8x128x16xf32, #tpu.memory_space<vmem>> -> memref<1x128x16xf32, #tpu.memory_space<vmem>>
    %dma_wait3A_139 = tpu.memref_squeeze %dma_wait3A_138 : memref<1x128x16xf32, #tpu.memory_space<vmem>> -> memref<128x16xf32, #tpu.memory_space<vmem>>
    %dma_wait3A_140 = arith.constant 0 : i32
    %dma_wait3A_141 = tpu.memref_slice %arg6[%dma_wait3A_134, %dma_wait3A_140] : memref<40x128xi32, #tpu.memory_space<vmem>> -> memref<1x128xi32, #tpu.memory_space<vmem>>
    %dma_wait3A_142 = tpu.memref_squeeze %dma_wait3A_141 : memref<1x128xi32, #tpu.memory_space<vmem>> -> memref<128xi32, #tpu.memory_space<vmem>>
    %dma_wait3A_143 = arith.constant 0 : i32
    %dma_wait3A_144 = arith.constant 0 : i32
    %dma_wait3A_145 = tpu.memref_slice %arg2[%dma_wait3A_143, %dma_wait3A_144] : memref<10000x16xf32, #tpu.memory_space<hbm>> -> memref<10000x16xf32, #tpu.memory_space<hbm>>
    tpu.wait_indirect_dma semaphore(%arg13 : memref<!tpu.dma_semaphore, #tpu.memory_space<semaphore_mem>>) src(%dma_wait3A_145 : memref<10000x16xf32, #tpu.memory_space<hbm>>) dst(%dma_wait3A_139 : memref<128x16xf32, #tpu.memory_space<vmem>>)
    %dma_start3A_146 = arith.constant 2 : i32
    %dma_start3A_147 = arith.constant 2 : i32
    %dma_start3A_148 = arith.constant 0 : i32
    %dma_start3A_149 = arith.constant 0 : i32
    %dma_start3A_150 = tpu.memref_slice %arg8[%dma_start3A_146, %dma_start3A_148, %dma_start3A_149] : memref<8x128x16xf32, #tpu.memory_space<vmem>> -> memref<1x128x16xf32, #tpu.memory_space<vmem>>
    %dma_start3A_151 = tpu.memref_squeeze %dma_start3A_150 : memref<1x128x16xf32, #tpu.memory_space<vmem>> -> memref<128x16xf32, #tpu.memory_space<vmem>>
    %dma_start3A_152 = arith.constant 0 : i32
    %dma_start3A_153 = tpu.memref_slice %arg7[%dma_start3A_147, %dma_start3A_152] : memref<40x128xi32, #tpu.memory_space<vmem>> -> memref<1x128xi32, #tpu.memory_space<vmem>>
    %dma_start3A_154 = tpu.memref_squeeze %dma_start3A_153 : memref<1x128xi32, #tpu.memory_space<vmem>> -> memref<128xi32, #tpu.memory_space<vmem>>
    %dma_start3A_155 = arith.constant 0 : i32
    %dma_start3A_156 = arith.constant 0 : i32
    %dma_start3A_157 = tpu.memref_slice %arg10[%dma_start3A_155, %dma_start3A_156] : memref<10240x16xf32, #tpu.memory_space<vmem_shared>> -> memref<10240x16xf32, #tpu.memory_space<vmem_shared>>
    tpu.enqueue_indirect_dma source(%dma_start3A_151 : memref<128x16xf32, #tpu.memory_space<vmem>>) target(%dma_start3A_157 : memref<10240x16xf32, #tpu.memory_space<vmem_shared>>) offsets(%dma_start3A_154 : memref<128xi32, #tpu.memory_space<vmem>>) semaphore(%arg21 : memref<!tpu.dma_semaphore, #tpu.memory_space<semaphore_mem>>) {add = true}
    %dma_start3A_158 = arith.constant 6 : i32
    %dma_start3A_159 = arith.constant 6 : i32
    %dma_start3A_160 = arith.constant 0 : i32
    %dma_start3A_161 = arith.constant 0 : i32
    %dma_start3A_162 = tpu.memref_slice %arg8[%dma_start3A_159, %dma_start3A_160, %dma_start3A_161] : memref<8x128x16xf32, #tpu.memory_space<vmem>> -> memref<1x128x16xf32, #tpu.memory_space<vmem>>
    %dma_start3A_163 = tpu.memref_squeeze %dma_start3A_162 : memref<1x128x16xf32, #tpu.memory_space<vmem>> -> memref<128x16xf32, #tpu.memory_space<vmem>>
    %dma_start3A_164 = arith.constant 0 : i32
    %dma_start3A_165 = tpu.memref_slice %arg6[%dma_start3A_158, %dma_start3A_164] : memref<40x128xi32, #tpu.memory_space<vmem>> -> memref<1x128xi32, #tpu.memory_space<vmem>>
    %dma_start3A_166 = tpu.memref_squeeze %dma_start3A_165 : memref<1x128xi32, #tpu.memory_space<vmem>> -> memref<128xi32, #tpu.memory_space<vmem>>
    %dma_start3A_167 = arith.constant 0 : i32
    %dma_start3A_168 = arith.constant 0 : i32
    %dma_start3A_169 = tpu.memref_slice %arg2[%dma_start3A_167, %dma_start3A_168] : memref<10000x16xf32, #tpu.memory_space<hbm>> -> memref<10000x16xf32, #tpu.memory_space<hbm>>
    tpu.enqueue_indirect_dma source(%dma_start3A_169 : memref<10000x16xf32, #tpu.memory_space<hbm>>) target(%dma_start3A_163 : memref<128x16xf32, #tpu.memory_space<vmem>>) offsets(%dma_start3A_166 : memref<128xi32, #tpu.memory_space<vmem>>) semaphore(%arg17 : memref<!tpu.dma_semaphore, #tpu.memory_space<semaphore_mem>>)
    %dma_wait3A_170 = arith.constant 3 : i32
    %dma_wait3A_171 = arith.constant 3 : i32
    %dma_wait3A_172 = arith.constant 0 : i32
    %dma_wait3A_173 = arith.constant 0 : i32
    %dma_wait3A_174 = tpu.memref_slice %arg8[%dma_wait3A_171, %dma_wait3A_172, %dma_wait3A_173] : memref<8x128x16xf32, #tpu.memory_space<vmem>> -> memref<1x128x16xf32, #tpu.memory_space<vmem>>
    %dma_wait3A_175 = tpu.memref_squeeze %dma_wait3A_174 : memref<1x128x16xf32, #tpu.memory_space<vmem>> -> memref<128x16xf32, #tpu.memory_space<vmem>>
    %dma_wait3A_176 = arith.constant 0 : i32
    %dma_wait3A_177 = tpu.memref_slice %arg6[%dma_wait3A_170, %dma_wait3A_176] : memref<40x128xi32, #tpu.memory_space<vmem>> -> memref<1x128xi32, #tpu.memory_space<vmem>>
    %dma_wait3A_178 = tpu.memref_squeeze %dma_wait3A_177 : memref<1x128xi32, #tpu.memory_space<vmem>> -> memref<128xi32, #tpu.memory_space<vmem>>
    %dma_wait3A_179 = arith.constant 0 : i32
    %dma_wait3A_180 = arith.constant 0 : i32
    %dma_wait3A_181 = tpu.memref_slice %arg2[%dma_wait3A_179, %dma_wait3A_180] : memref<10000x16xf32, #tpu.memory_space<hbm>> -> memref<10000x16xf32, #tpu.memory_space<hbm>>
    tpu.wait_indirect_dma semaphore(%arg14 : memref<!tpu.dma_semaphore, #tpu.memory_space<semaphore_mem>>) src(%dma_wait3A_181 : memref<10000x16xf32, #tpu.memory_space<hbm>>) dst(%dma_wait3A_175 : memref<128x16xf32, #tpu.memory_space<vmem>>)
    %dma_start3A_182 = arith.constant 3 : i32
    %dma_start3A_183 = arith.constant 3 : i32
    %dma_start3A_184 = arith.constant 0 : i32
    %dma_start3A_185 = arith.constant 0 : i32
    %dma_start3A_186 = tpu.memref_slice %arg8[%dma_start3A_182, %dma_start3A_184, %dma_start3A_185] : memref<8x128x16xf32, #tpu.memory_space<vmem>> -> memref<1x128x16xf32, #tpu.memory_space<vmem>>
    %dma_start3A_187 = tpu.memref_squeeze %dma_start3A_186 : memref<1x128x16xf32, #tpu.memory_space<vmem>> -> memref<128x16xf32, #tpu.memory_space<vmem>>
    %dma_start3A_188 = arith.constant 0 : i32
    %dma_start3A_189 = tpu.memref_slice %arg7[%dma_start3A_183, %dma_start3A_188] : memref<40x128xi32, #tpu.memory_space<vmem>> -> memref<1x128xi32, #tpu.memory_space<vmem>>
    %dma_start3A_190 = tpu.memref_squeeze %dma_start3A_189 : memref<1x128xi32, #tpu.memory_space<vmem>> -> memref<128xi32, #tpu.memory_space<vmem>>
    %dma_start3A_191 = arith.constant 0 : i32
    %dma_start3A_192 = arith.constant 0 : i32
    %dma_start3A_193 = tpu.memref_slice %arg10[%dma_start3A_191, %dma_start3A_192] : memref<10240x16xf32, #tpu.memory_space<vmem_shared>> -> memref<10240x16xf32, #tpu.memory_space<vmem_shared>>
    tpu.enqueue_indirect_dma source(%dma_start3A_187 : memref<128x16xf32, #tpu.memory_space<vmem>>) target(%dma_start3A_193 : memref<10240x16xf32, #tpu.memory_space<vmem_shared>>) offsets(%dma_start3A_190 : memref<128xi32, #tpu.memory_space<vmem>>) semaphore(%arg22 : memref<!tpu.dma_semaphore, #tpu.memory_space<semaphore_mem>>) {add = true}
    %dma_start3A_194 = arith.constant 7 : i32
    %dma_start3A_195 = arith.constant 7 : i32
    %dma_start3A_196 = arith.constant 0 : i32
    %dma_start3A_197 = arith.constant 0 : i32
    %dma_start3A_198 = tpu.memref_slice %arg8[%dma_start3A_195, %dma_start3A_196, %dma_start3A_197] : memref<8x128x16xf32, #tpu.memory_space<vmem>> -> memref<1x128x16xf32, #tpu.memory_space<vmem>>
    %dma_start3A_199 = tpu.memref_squeeze %dma_start3A_198 : memref<1x128x16xf32, #tpu.memory_space<vmem>> -> memref<128x16xf32, #tpu.memory_space<vmem>>
    %dma_start3A_200 = arith.constant 0 : i32
    %dma_start3A_201 = tpu.memref_slice %arg6[%dma_start3A_194, %dma_start3A_200] : memref<40x128xi32, #tpu.memory_space<vmem>> -> memref<1x128xi32, #tpu.memory_space<vmem>>
    %dma_start3A_202 = tpu.memref_squeeze %dma_start3A_201 : memref<1x128xi32, #tpu.memory_space<vmem>> -> memref<128xi32, #tpu.memory_space<vmem>>
    %dma_start3A_203 = arith.constant 0 : i32
    %dma_start3A_204 = arith.constant 0 : i32
    %dma_start3A_205 = tpu.memref_slice %arg2[%dma_start3A_203, %dma_start3A_204] : memref<10000x16xf32, #tpu.memory_space<hbm>> -> memref<10000x16xf32, #tpu.memory_space<hbm>>
    tpu.enqueue_indirect_dma source(%dma_start3A_205 : memref<10000x16xf32, #tpu.memory_space<hbm>>) target(%dma_start3A_199 : memref<128x16xf32, #tpu.memory_space<vmem>>) offsets(%dma_start3A_202 : memref<128xi32, #tpu.memory_space<vmem>>) semaphore(%arg18 : memref<!tpu.dma_semaphore, #tpu.memory_space<semaphore_mem>>)
    %dma_wait3A_206 = arith.constant 4 : i32
    %dma_wait3A_207 = arith.constant 4 : i32
    %dma_wait3A_208 = arith.constant 0 : i32
    %dma_wait3A_209 = arith.constant 0 : i32
    %dma_wait3A_210 = tpu.memref_slice %arg8[%dma_wait3A_207, %dma_wait3A_208, %dma_wait3A_209] : memref<8x128x16xf32, #tpu.memory_space<vmem>> -> memref<1x128x16xf32, #tpu.memory_space<vmem>>
    %dma_wait3A_211 = tpu.memref_squeeze %dma_wait3A_210 : memref<1x128x16xf32, #tpu.memory_space<vmem>> -> memref<128x16xf32, #tpu.memory_space<vmem>>
    %dma_wait3A_212 = arith.constant 0 : i32
    %dma_wait3A_213 = tpu.memref_slice %arg6[%dma_wait3A_206, %dma_wait3A_212] : memref<40x128xi32, #tpu.memory_space<vmem>> -> memref<1x128xi32, #tpu.memory_space<vmem>>
    %dma_wait3A_214 = tpu.memref_squeeze %dma_wait3A_213 : memref<1x128xi32, #tpu.memory_space<vmem>> -> memref<128xi32, #tpu.memory_space<vmem>>
    %dma_wait3A_215 = arith.constant 0 : i32
    %dma_wait3A_216 = arith.constant 0 : i32
    %dma_wait3A_217 = tpu.memref_slice %arg2[%dma_wait3A_215, %dma_wait3A_216] : memref<10000x16xf32, #tpu.memory_space<hbm>> -> memref<10000x16xf32, #tpu.memory_space<hbm>>
    tpu.wait_indirect_dma semaphore(%arg15 : memref<!tpu.dma_semaphore, #tpu.memory_space<semaphore_mem>>) src(%dma_wait3A_217 : memref<10000x16xf32, #tpu.memory_space<hbm>>) dst(%dma_wait3A_211 : memref<128x16xf32, #tpu.memory_space<vmem>>)
    %dma_start3A_218 = arith.constant 4 : i32
    %dma_start3A_219 = arith.constant 4 : i32
    %dma_start3A_220 = arith.constant 0 : i32
    %dma_start3A_221 = arith.constant 0 : i32
    %dma_start3A_222 = tpu.memref_slice %arg8[%dma_start3A_218, %dma_start3A_220, %dma_start3A_221] : memref<8x128x16xf32, #tpu.memory_space<vmem>> -> memref<1x128x16xf32, #tpu.memory_space<vmem>>
    %dma_start3A_223 = tpu.memref_squeeze %dma_start3A_222 : memref<1x128x16xf32, #tpu.memory_space<vmem>> -> memref<128x16xf32, #tpu.memory_space<vmem>>
    %dma_start3A_224 = arith.constant 0 : i32
    %dma_start3A_225 = tpu.memref_slice %arg7[%dma_start3A_219, %dma_start3A_224] : memref<40x128xi32, #tpu.memory_space<vmem>> -> memref<1x128xi32, #tpu.memory_space<vmem>>
    %dma_start3A_226 = tpu.memref_squeeze %dma_start3A_225 : memref<1x128xi32, #tpu.memory_space<vmem>> -> memref<128xi32, #tpu.memory_space<vmem>>
    %dma_start3A_227 = arith.constant 0 : i32
    %dma_start3A_228 = arith.constant 0 : i32
    %dma_start3A_229 = tpu.memref_slice %arg10[%dma_start3A_227, %dma_start3A_228] : memref<10240x16xf32, #tpu.memory_space<vmem_shared>> -> memref<10240x16xf32, #tpu.memory_space<vmem_shared>>
    tpu.enqueue_indirect_dma source(%dma_start3A_223 : memref<128x16xf32, #tpu.memory_space<vmem>>) target(%dma_start3A_229 : memref<10240x16xf32, #tpu.memory_space<vmem_shared>>) offsets(%dma_start3A_226 : memref<128xi32, #tpu.memory_space<vmem>>) semaphore(%arg23 : memref<!tpu.dma_semaphore, #tpu.memory_space<semaphore_mem>>) {add = true}
    %dma_wait3A_230 = arith.constant 0 : i32
    %dma_wait3A_231 = arith.constant 0 : i32
    %dma_wait3A_232 = arith.constant 0 : i32
    %dma_wait3A_233 = arith.constant 0 : i32
    %dma_wait3A_234 = tpu.memref_slice %arg8[%dma_wait3A_230, %dma_wait3A_232, %dma_wait3A_233] : memref<8x128x16xf32, #tpu.memory_space<vmem>> -> memref<1x128x16xf32, #tpu.memory_space<vmem>>
    %dma_wait3A_235 = tpu.memref_squeeze %dma_wait3A_234 : memref<1x128x16xf32, #tpu.memory_space<vmem>> -> memref<128x16xf32, #tpu.memory_space<vmem>>
    %dma_wait3A_236 = arith.constant 0 : i32
    %dma_wait3A_237 = tpu.memref_slice %arg7[%dma_wait3A_231, %dma_wait3A_236] : memref<40x128xi32, #tpu.memory_space<vmem>> -> memref<1x128xi32, #tpu.memory_space<vmem>>
    %dma_wait3A_238 = tpu.memref_squeeze %dma_wait3A_237 : memref<1x128xi32, #tpu.memory_space<vmem>> -> memref<128xi32, #tpu.memory_space<vmem>>
    %dma_wait3A_239 = arith.constant 0 : i32
    %dma_wait3A_240 = arith.constant 0 : i32
    %dma_wait3A_241 = tpu.memref_slice %arg10[%dma_wait3A_239, %dma_wait3A_240] : memref<10240x16xf32, #tpu.memory_space<vmem_shared>> -> memref<10240x16xf32, #tpu.memory_space<vmem_shared>>
    tpu.wait_indirect_dma semaphore(%arg19 : memref<!tpu.dma_semaphore, #tpu.memory_space<semaphore_mem>>) src(%dma_wait3A_235 : memref<128x16xf32, #tpu.memory_space<vmem>>) dst(%dma_wait3A_241 : memref<10240x16xf32, #tpu.memory_space<vmem_shared>>)
    %dma_start3A_242 = arith.constant 8 : i32
    %dma_start3A_243 = arith.constant 0 : i32
    %dma_start3A_244 = arith.constant 0 : i32
    %dma_start3A_245 = arith.constant 0 : i32
    %dma_start3A_246 = tpu.memref_slice %arg8[%dma_start3A_243, %dma_start3A_244, %dma_start3A_245] : memref<8x128x16xf32, #tpu.memory_space<vmem>> -> memref<1x128x16xf32, #tpu.memory_space<vmem>>
    %dma_start3A_247 = tpu.memref_squeeze %dma_start3A_246 : memref<1x128x16xf32, #tpu.memory_space<vmem>> -> memref<128x16xf32, #tpu.memory_space<vmem>>
    %dma_start3A_248 = arith.constant 0 : i32
    %dma_start3A_249 = tpu.memref_slice %arg6[%dma_start3A_242, %dma_start3A_248] : memref<40x128xi32, #tpu.memory_space<vmem>> -> memref<1x128xi32, #tpu.memory_space<vmem>>
    %dma_start3A_250 = tpu.memref_squeeze %dma_start3A_249 : memref<1x128xi32, #tpu.memory_space<vmem>> -> memref<128xi32, #tpu.memory_space<vmem>>
    %dma_start3A_251 = arith.constant 0 : i32
    %dma_start3A_252 = arith.constant 0 : i32
    %dma_start3A_253 = tpu.memref_slice %arg2[%dma_start3A_251, %dma_start3A_252] : memref<10000x16xf32, #tpu.memory_space<hbm>> -> memref<10000x16xf32, #tpu.memory_space<hbm>>
    tpu.enqueue_indirect_dma source(%dma_start3A_253 : memref<10000x16xf32, #tpu.memory_space<hbm>>) target(%dma_start3A_247 : memref<128x16xf32, #tpu.memory_space<vmem>>) offsets(%dma_start3A_250 : memref<128xi32, #tpu.memory_space<vmem>>) semaphore(%arg11 : memref<!tpu.dma_semaphore, #tpu.memory_space<semaphore_mem>>)
    %dma_wait3A_254 = arith.constant 5 : i32
    %dma_wait3A_255 = arith.constant 5 : i32
    %dma_wait3A_256 = arith.constant 0 : i32
    %dma_wait3A_257 = arith.constant 0 : i32
    %dma_wait3A_258 = tpu.memref_slice %arg8[%dma_wait3A_255, %dma_wait3A_256, %dma_wait3A_257] : memref<8x128x16xf32, #tpu.memory_space<vmem>> -> memref<1x128x16xf32, #tpu.memory_space<vmem>>
    %dma_wait3A_259 = tpu.memref_squeeze %dma_wait3A_258 : memref<1x128x16xf32, #tpu.memory_space<vmem>> -> memref<128x16xf32, #tpu.memory_space<vmem>>
    %dma_wait3A_260 = arith.constant 0 : i32
    %dma_wait3A_261 = tpu.memref_slice %arg6[%dma_wait3A_254, %dma_wait3A_260] : memref<40x128xi32, #tpu.memory_space<vmem>> -> memref<1x128xi32, #tpu.memory_space<vmem>>
    %dma_wait3A_262 = tpu.memref_squeeze %dma_wait3A_261 : memref<1x128xi32, #tpu.memory_space<vmem>> -> memref<128xi32, #tpu.memory_space<vmem>>
    %dma_wait3A_263 = arith.constant 0 : i32
    %dma_wait3A_264 = arith.constant 0 : i32
    %dma_wait3A_265 = tpu.memref_slice %arg2[%dma_wait3A_263, %dma_wait3A_264] : memref<10000x16xf32, #tpu.memory_space<hbm>> -> memref<10000x16xf32, #tpu.memory_space<hbm>>
    tpu.wait_indirect_dma semaphore(%arg16 : memref<!tpu.dma_semaphore, #tpu.memory_space<semaphore_mem>>) src(%dma_wait3A_265 : memref<10000x16xf32, #tpu.memory_space<hbm>>) dst(%dma_wait3A_259 : memref<128x16xf32, #tpu.memory_space<vmem>>)
    %dma_start3A_266 = arith.constant 5 : i32
    %dma_start3A_267 = arith.constant 5 : i32
    %dma_start3A_268 = arith.constant 0 : i32
    %dma_start3A_269 = arith.constant 0 : i32
    %dma_start3A_270 = tpu.memref_slice %arg8[%dma_start3A_266, %dma_start3A_268, %dma_start3A_269] : memref<8x128x16xf32, #tpu.memory_space<vmem>> -> memref<1x128x16xf32, #tpu.memory_space<vmem>>
    %dma_start3A_271 = tpu.memref_squeeze %dma_start3A_270 : memref<1x128x16xf32, #tpu.memory_space<vmem>> -> memref<128x16xf32, #tpu.memory_space<vmem>>
    %dma_start3A_272 = arith.constant 0 : i32
    %dma_start3A_273 = tpu.memref_slice %arg7[%dma_start3A_267, %dma_start3A_272] : memref<40x128xi32, #tpu.memory_space<vmem>> -> memref<1x128xi32, #tpu.memory_space<vmem>>
    %dma_start3A_274 = tpu.memref_squeeze %dma_start3A_273 : memref<1x128xi32, #tpu.memory_space<vmem>> -> memref<128xi32, #tpu.memory_space<vmem>>
    %dma_start3A_275 = arith.constant 0 : i32
    %dma_start3A_276 = arith.constant 0 : i32
    %dma_start3A_277 = tpu.memref_slice %arg10[%dma_start3A_275, %dma_start3A_276] : memref<10240x16xf32, #tpu.memory_space<vmem_shared>> -> memref<10240x16xf32, #tpu.memory_space<vmem_shared>>
    tpu.enqueue_indirect_dma source(%dma_start3A_271 : memref<128x16xf32, #tpu.memory_space<vmem>>) target(%dma_start3A_277 : memref<10240x16xf32, #tpu.memory_space<vmem_shared>>) offsets(%dma_start3A_274 : memref<128xi32, #tpu.memory_space<vmem>>) semaphore(%arg24 : memref<!tpu.dma_semaphore, #tpu.memory_space<semaphore_mem>>) {add = true}
    %dma_wait3A_278 = arith.constant 1 : i32
    %dma_wait3A_279 = arith.constant 1 : i32
    %dma_wait3A_280 = arith.constant 0 : i32
    %dma_wait3A_281 = arith.constant 0 : i32
    %dma_wait3A_282 = tpu.memref_slice %arg8[%dma_wait3A_278, %dma_wait3A_280, %dma_wait3A_281] : memref<8x128x16xf32, #tpu.memory_space<vmem>> -> memref<1x128x16xf32, #tpu.memory_space<vmem>>
    %dma_wait3A_283 = tpu.memref_squeeze %dma_wait3A_282 : memref<1x128x16xf32, #tpu.memory_space<vmem>> -> memref<128x16xf32, #tpu.memory_space<vmem>>
    %dma_wait3A_284 = arith.constant 0 : i32
    %dma_wait3A_285 = tpu.memref_slice %arg7[%dma_wait3A_279, %dma_wait3A_284] : memref<40x128xi32, #tpu.memory_space<vmem>> -> memref<1x128xi32, #tpu.memory_space<vmem>>
    %dma_wait3A_286 = tpu.memref_squeeze %dma_wait3A_285 : memref<1x128xi32, #tpu.memory_space<vmem>> -> memref<128xi32, #tpu.memory_space<vmem>>
    %dma_wait3A_287 = arith.constant 0 : i32
    %dma_wait3A_288 = arith.constant 0 : i32
    %dma_wait3A_289 = tpu.memref_slice %arg10[%dma_wait3A_287, %dma_wait3A_288] : memref<10240x16xf32, #tpu.memory_space<vmem_shared>> -> memref<10240x16xf32, #tpu.memory_space<vmem_shared>>
    tpu.wait_indirect_dma semaphore(%arg20 : memref<!tpu.dma_semaphore, #tpu.memory_space<semaphore_mem>>) src(%dma_wait3A_283 : memref<128x16xf32, #tpu.memory_space<vmem>>) dst(%dma_wait3A_289 : memref<10240x16xf32, #tpu.memory_space<vmem_shared>>)
    %dma_start3A_290 = arith.constant 9 : i32
    %dma_start3A_291 = arith.constant 1 : i32
    %dma_start3A_292 = arith.constant 0 : i32
    %dma_start3A_293 = arith.constant 0 : i32
    %dma_start3A_294 = tpu.memref_slice %arg8[%dma_start3A_291, %dma_start3A_292, %dma_start3A_293] : memref<8x128x16xf32, #tpu.memory_space<vmem>> -> memref<1x128x16xf32, #tpu.memory_space<vmem>>
    %dma_start3A_295 = tpu.memref_squeeze %dma_start3A_294 : memref<1x128x16xf32, #tpu.memory_space<vmem>> -> memref<128x16xf32, #tpu.memory_space<vmem>>
    %dma_start3A_296 = arith.constant 0 : i32
    %dma_start3A_297 = tpu.memref_slice %arg6[%dma_start3A_290, %dma_start3A_296] : memref<40x128xi32, #tpu.memory_space<vmem>> -> memref<1x128xi32, #tpu.memory_space<vmem>>
    %dma_start3A_298 = tpu.memref_squeeze %dma_start3A_297 : memref<1x128xi32, #tpu.memory_space<vmem>> -> memref<128xi32, #tpu.memory_space<vmem>>
    %dma_start3A_299 = arith.constant 0 : i32
    %dma_start3A_300 = arith.constant 0 : i32
    %dma_start3A_301 = tpu.memref_slice %arg2[%dma_start3A_299, %dma_start3A_300] : memref<10000x16xf32, #tpu.memory_space<hbm>> -> memref<10000x16xf32, #tpu.memory_space<hbm>>
    tpu.enqueue_indirect_dma source(%dma_start3A_301 : memref<10000x16xf32, #tpu.memory_space<hbm>>) target(%dma_start3A_295 : memref<128x16xf32, #tpu.memory_space<vmem>>) offsets(%dma_start3A_298 : memref<128xi32, #tpu.memory_space<vmem>>) semaphore(%arg12 : memref<!tpu.dma_semaphore, #tpu.memory_space<semaphore_mem>>)
    %dma_wait3A_302 = arith.constant 6 : i32
    %dma_wait3A_303 = arith.constant 6 : i32
    %dma_wait3A_304 = arith.constant 0 : i32
    %dma_wait3A_305 = arith.constant 0 : i32
    %dma_wait3A_306 = tpu.memref_slice %arg8[%dma_wait3A_303, %dma_wait3A_304, %dma_wait3A_305] : memref<8x128x16xf32, #tpu.memory_space<vmem>> -> memref<1x128x16xf32, #tpu.memory_space<vmem>>
    %dma_wait3A_307 = tpu.memref_squeeze %dma_wait3A_306 : memref<1x128x16xf32, #tpu.memory_space<vmem>> -> memref<128x16xf32, #tpu.memory_space<vmem>>
    %dma_wait3A_308 = arith.constant 0 : i32
    %dma_wait3A_309 = tpu.memref_slice %arg6[%dma_wait3A_302, %dma_wait3A_308] : memref<40x128xi32, #tpu.memory_space<vmem>> -> memref<1x128xi32, #tpu.memory_space<vmem>>
    %dma_wait3A_310 = tpu.memref_squeeze %dma_wait3A_309 : memref<1x128xi32, #tpu.memory_space<vmem>> -> memref<128xi32, #tpu.memory_space<vmem>>
    %dma_wait3A_311 = arith.constant 0 : i32
    %dma_wait3A_312 = arith.constant 0 : i32
    %dma_wait3A_313 = tpu.memref_slice %arg2[%dma_wait3A_311, %dma_wait3A_312] : memref<10000x16xf32, #tpu.memory_space<hbm>> -> memref<10000x16xf32, #tpu.memory_space<hbm>>
    tpu.wait_indirect_dma semaphore(%arg17 : memref<!tpu.dma_semaphore, #tpu.memory_space<semaphore_mem>>) src(%dma_wait3A_313 : memref<10000x16xf32, #tpu.memory_space<hbm>>) dst(%dma_wait3A_307 : memref<128x16xf32, #tpu.memory_space<vmem>>)
    %dma_start3A_314 = arith.constant 6 : i32
    %dma_start3A_315 = arith.constant 6 : i32
    %dma_start3A_316 = arith.constant 0 : i32
    %dma_start3A_317 = arith.constant 0 : i32
    %dma_start3A_318 = tpu.memref_slice %arg8[%dma_start3A_314, %dma_start3A_316, %dma_start3A_317] : memref<8x128x16xf32, #tpu.memory_space<vmem>> -> memref<1x128x16xf32, #tpu.memory_space<vmem>>
    %dma_start3A_319 = tpu.memref_squeeze %dma_start3A_318 : memref<1x128x16xf32, #tpu.memory_space<vmem>> -> memref<128x16xf32, #tpu.memory_space<vmem>>
    %dma_start3A_320 = arith.constant 0 : i32
    %dma_start3A_321 = tpu.memref_slice %arg7[%dma_start3A_315, %dma_start3A_320] : memref<40x128xi32, #tpu.memory_space<vmem>> -> memref<1x128xi32, #tpu.memory_space<vmem>>
    %dma_start3A_322 = tpu.memref_squeeze %dma_start3A_321 : memref<1x128xi32, #tpu.memory_space<vmem>> -> memref<128xi32, #tpu.memory_space<vmem>>
    %dma_start3A_323 = arith.constant 0 : i32
    %dma_start3A_324 = arith.constant 0 : i32
    %dma_start3A_325 = tpu.memref_slice %arg10[%dma_start3A_323, %dma_start3A_324] : memref<10240x16xf32, #tpu.memory_space<vmem_shared>> -> memref<10240x16xf32, #tpu.memory_space<vmem_shared>>
    tpu.enqueue_indirect_dma source(%dma_start3A_319 : memref<128x16xf32, #tpu.memory_space<vmem>>) target(%dma_start3A_325 : memref<10240x16xf32, #tpu.memory_space<vmem_shared>>) offsets(%dma_start3A_322 : memref<128xi32, #tpu.memory_space<vmem>>) semaphore(%arg25 : memref<!tpu.dma_semaphore, #tpu.memory_space<semaphore_mem>>) {add = true}
    %dma_wait3A_326 = arith.constant 2 : i32
    %dma_wait3A_327 = arith.constant 2 : i32
    %dma_wait3A_328 = arith.constant 0 : i32
    %dma_wait3A_329 = arith.constant 0 : i32
    %dma_wait3A_330 = tpu.memref_slice %arg8[%dma_wait3A_326, %dma_wait3A_328, %dma_wait3A_329] : memref<8x128x16xf32, #tpu.memory_space<vmem>> -> memref<1x128x16xf32, #tpu.memory_space<vmem>>
    %dma_wait3A_331 = tpu.memref_squeeze %dma_wait3A_330 : memref<1x128x16xf32, #tpu.memory_space<vmem>> -> memref<128x16xf32, #tpu.memory_space<vmem>>
    %dma_wait3A_332 = arith.constant 0 : i32
    %dma_wait3A_333 = tpu.memref_slice %arg7[%dma_wait3A_327, %dma_wait3A_332] : memref<40x128xi32, #tpu.memory_space<vmem>> -> memref<1x128xi32, #tpu.memory_space<vmem>>
    %dma_wait3A_334 = tpu.memref_squeeze %dma_wait3A_333 : memref<1x128xi32, #tpu.memory_space<vmem>> -> memref<128xi32, #tpu.memory_space<vmem>>
    %dma_wait3A_335 = arith.constant 0 : i32
    %dma_wait3A_336 = arith.constant 0 : i32
    %dma_wait3A_337 = tpu.memref_slice %arg10[%dma_wait3A_335, %dma_wait3A_336] : memref<10240x16xf32, #tpu.memory_space<vmem_shared>> -> memref<10240x16xf32, #tpu.memory_space<vmem_shared>>
    tpu.wait_indirect_dma semaphore(%arg21 : memref<!tpu.dma_semaphore, #tpu.memory_space<semaphore_mem>>) src(%dma_wait3A_331 : memref<128x16xf32, #tpu.memory_space<vmem>>) dst(%dma_wait3A_337 : memref<10240x16xf32, #tpu.memory_space<vmem_shared>>)
    %dma_start3A_338 = arith.constant 10 : i32
    %dma_start3A_339 = arith.constant 2 : i32
    %dma_start3A_340 = arith.constant 0 : i32
    %dma_start3A_341 = arith.constant 0 : i32
    %dma_start3A_342 = tpu.memref_slice %arg8[%dma_start3A_339, %dma_start3A_340, %dma_start3A_341] : memref<8x128x16xf32, #tpu.memory_space<vmem>> -> memref<1x128x16xf32, #tpu.memory_space<vmem>>
    %dma_start3A_343 = tpu.memref_squeeze %dma_start3A_342 : memref<1x128x16xf32, #tpu.memory_space<vmem>> -> memref<128x16xf32, #tpu.memory_space<vmem>>
    %dma_start3A_344 = arith.constant 0 : i32
    %dma_start3A_345 = tpu.memref_slice %arg6[%dma_start3A_338, %dma_start3A_344] : memref<40x128xi32, #tpu.memory_space<vmem>> -> memref<1x128xi32, #tpu.memory_space<vmem>>
    %dma_start3A_346 = tpu.memref_squeeze %dma_start3A_345 : memref<1x128xi32, #tpu.memory_space<vmem>> -> memref<128xi32, #tpu.memory_space<vmem>>
    %dma_start3A_347 = arith.constant 0 : i32
    %dma_start3A_348 = arith.constant 0 : i32
    %dma_start3A_349 = tpu.memref_slice %arg2[%dma_start3A_347, %dma_start3A_348] : memref<10000x16xf32, #tpu.memory_space<hbm>> -> memref<10000x16xf32, #tpu.memory_space<hbm>>
    tpu.enqueue_indirect_dma source(%dma_start3A_349 : memref<10000x16xf32, #tpu.memory_space<hbm>>) target(%dma_start3A_343 : memref<128x16xf32, #tpu.memory_space<vmem>>) offsets(%dma_start3A_346 : memref<128xi32, #tpu.memory_space<vmem>>) semaphore(%arg13 : memref<!tpu.dma_semaphore, #tpu.memory_space<semaphore_mem>>)
    %dma_wait3A_350 = arith.constant 7 : i32
    %dma_wait3A_351 = arith.constant 7 : i32
    %dma_wait3A_352 = arith.constant 0 : i32
    %dma_wait3A_353 = arith.constant 0 : i32
    %dma_wait3A_354 = tpu.memref_slice %arg8[%dma_wait3A_351, %dma_wait3A_352, %dma_wait3A_353] : memref<8x128x16xf32, #tpu.memory_space<vmem>> -> memref<1x128x16xf32, #tpu.memory_space<vmem>>
    %dma_wait3A_355 = tpu.memref_squeeze %dma_wait3A_354 : memref<1x128x16xf32, #tpu.memory_space<vmem>> -> memref<128x16xf32, #tpu.memory_space<vmem>>
    %dma_wait3A_356 = arith.constant 0 : i32
    %dma_wait3A_357 = tpu.memref_slice %arg6[%dma_wait3A_350, %dma_wait3A_356] : memref<40x128xi32, #tpu.memory_space<vmem>> -> memref<1x128xi32, #tpu.memory_space<vmem>>
    %dma_wait3A_358 = tpu.memref_squeeze %dma_wait3A_357 : memref<1x128xi32, #tpu.memory_space<vmem>> -> memref<128xi32, #tpu.memory_space<vmem>>
    %dma_wait3A_359 = arith.constant 0 : i32
    %dma_wait3A_360 = arith.constant 0 : i32
    %dma_wait3A_361 = tpu.memref_slice %arg2[%dma_wait3A_359, %dma_wait3A_360] : memref<10000x16xf32, #tpu.memory_space<hbm>> -> memref<10000x16xf32, #tpu.memory_space<hbm>>
    tpu.wait_indirect_dma semaphore(%arg18 : memref<!tpu.dma_semaphore, #tpu.memory_space<semaphore_mem>>) src(%dma_wait3A_361 : memref<10000x16xf32, #tpu.memory_space<hbm>>) dst(%dma_wait3A_355 : memref<128x16xf32, #tpu.memory_space<vmem>>)
    %dma_start3A_362 = arith.constant 7 : i32
    %dma_start3A_363 = arith.constant 7 : i32
    %dma_start3A_364 = arith.constant 0 : i32
    %dma_start3A_365 = arith.constant 0 : i32
    %dma_start3A_366 = tpu.memref_slice %arg8[%dma_start3A_362, %dma_start3A_364, %dma_start3A_365] : memref<8x128x16xf32, #tpu.memory_space<vmem>> -> memref<1x128x16xf32, #tpu.memory_space<vmem>>
    %dma_start3A_367 = tpu.memref_squeeze %dma_start3A_366 : memref<1x128x16xf32, #tpu.memory_space<vmem>> -> memref<128x16xf32, #tpu.memory_space<vmem>>
    %dma_start3A_368 = arith.constant 0 : i32
    %dma_start3A_369 = tpu.memref_slice %arg7[%dma_start3A_363, %dma_start3A_368] : memref<40x128xi32, #tpu.memory_space<vmem>> -> memref<1x128xi32, #tpu.memory_space<vmem>>
    %dma_start3A_370 = tpu.memref_squeeze %dma_start3A_369 : memref<1x128xi32, #tpu.memory_space<vmem>> -> memref<128xi32, #tpu.memory_space<vmem>>
    %dma_start3A_371 = arith.constant 0 : i32
    %dma_start3A_372 = arith.constant 0 : i32
    %dma_start3A_373 = tpu.memref_slice %arg10[%dma_start3A_371, %dma_start3A_372] : memref<10240x16xf32, #tpu.memory_space<vmem_shared>> -> memref<10240x16xf32, #tpu.memory_space<vmem_shared>>
    tpu.enqueue_indirect_dma source(%dma_start3A_367 : memref<128x16xf32, #tpu.memory_space<vmem>>) target(%dma_start3A_373 : memref<10240x16xf32, #tpu.memory_space<vmem_shared>>) offsets(%dma_start3A_370 : memref<128xi32, #tpu.memory_space<vmem>>) semaphore(%arg26 : memref<!tpu.dma_semaphore, #tpu.memory_space<semaphore_mem>>) {add = true}
    %dma_wait3A_374 = arith.constant 3 : i32
    %dma_wait3A_375 = arith.constant 3 : i32
    %dma_wait3A_376 = arith.constant 0 : i32
    %dma_wait3A_377 = arith.constant 0 : i32
    %dma_wait3A_378 = tpu.memref_slice %arg8[%dma_wait3A_374, %dma_wait3A_376, %dma_wait3A_377] : memref<8x128x16xf32, #tpu.memory_space<vmem>> -> memref<1x128x16xf32, #tpu.memory_space<vmem>>
    %dma_wait3A_379 = tpu.memref_squeeze %dma_wait3A_378 : memref<1x128x16xf32, #tpu.memory_space<vmem>> -> memref<128x16xf32, #tpu.memory_space<vmem>>
    %dma_wait3A_380 = arith.constant 0 : i32
    %dma_wait3A_381 = tpu.memref_slice %arg7[%dma_wait3A_375, %dma_wait3A_380] : memref<40x128xi32, #tpu.memory_space<vmem>> -> memref<1x128xi32, #tpu.memory_space<vmem>>
    %dma_wait3A_382 = tpu.memref_squeeze %dma_wait3A_381 : memref<1x128xi32, #tpu.memory_space<vmem>> -> memref<128xi32, #tpu.memory_space<vmem>>
    %dma_wait3A_383 = arith.constant 0 : i32
    %dma_wait3A_384 = arith.constant 0 : i32
    %dma_wait3A_385 = tpu.memref_slice %arg10[%dma_wait3A_383, %dma_wait3A_384] : memref<10240x16xf32, #tpu.memory_space<vmem_shared>> -> memref<10240x16xf32, #tpu.memory_space<vmem_shared>>
    tpu.wait_indirect_dma semaphore(%arg22 : memref<!tpu.dma_semaphore, #tpu.memory_space<semaphore_mem>>) src(%dma_wait3A_379 : memref<128x16xf32, #tpu.memory_space<vmem>>) dst(%dma_wait3A_385 : memref<10240x16xf32, #tpu.memory_space<vmem_shared>>)
    %dma_start3A_386 = arith.constant 11 : i32
    %dma_start3A_387 = arith.constant 3 : i32
    %dma_start3A_388 = arith.constant 0 : i32
    %dma_start3A_389 = arith.constant 0 : i32
    %dma_start3A_390 = tpu.memref_slice %arg8[%dma_start3A_387, %dma_start3A_388, %dma_start3A_389] : memref<8x128x16xf32, #tpu.memory_space<vmem>> -> memref<1x128x16xf32, #tpu.memory_space<vmem>>
    %dma_start3A_391 = tpu.memref_squeeze %dma_start3A_390 : memref<1x128x16xf32, #tpu.memory_space<vmem>> -> memref<128x16xf32, #tpu.memory_space<vmem>>
    %dma_start3A_392 = arith.constant 0 : i32
    %dma_start3A_393 = tpu.memref_slice %arg6[%dma_start3A_386, %dma_start3A_392] : memref<40x128xi32, #tpu.memory_space<vmem>> -> memref<1x128xi32, #tpu.memory_space<vmem>>
    %dma_start3A_394 = tpu.memref_squeeze %dma_start3A_393 : memref<1x128xi32, #tpu.memory_space<vmem>> -> memref<128xi32, #tpu.memory_space<vmem>>
    %dma_start3A_395 = arith.constant 0 : i32
    %dma_start3A_396 = arith.constant 0 : i32
    %dma_start3A_397 = tpu.memref_slice %arg2[%dma_start3A_395, %dma_start3A_396] : memref<10000x16xf32, #tpu.memory_space<hbm>> -> memref<10000x16xf32, #tpu.memory_space<hbm>>
    tpu.enqueue_indirect_dma source(%dma_start3A_397 : memref<10000x16xf32, #tpu.memory_space<hbm>>) target(%dma_start3A_391 : memref<128x16xf32, #tpu.memory_space<vmem>>) offsets(%dma_start3A_394 : memref<128xi32, #tpu.memory_space<vmem>>) semaphore(%arg14 : memref<!tpu.dma_semaphore, #tpu.memory_space<semaphore_mem>>)
    %scan3A_398 = arith.constant 0 : i32
    %scan3A_399 = arith.constant 4 : i32
    %scan3A_400 = arith.constant 1 : i32
    %scan3A_401 = arith.constant 5 : i32
    %scan3A_402 = arith.constant 2 : i32
    %scan3A_403 = arith.constant 6 : i32
    %scan3A_404 = arith.constant 3 : i32
    %scan3A_405 = arith.constant 7 : i32
    %scan3A_406 = arith.constant 0 : i32
    %scan3A_407 = arith.constant 3 : i32
    %scan3A_408 = arith.addi %scan3A_406, %scan3A_407 : i32
    %scan3A_409 = arith.constant 1 : i32
    scf.for %scan3A_798 = %scan3A_406 to %scan3A_408 step %scan3A_409  : i32 {
      %mul3A_799 = arith.constant 8 : i32
      %mul3A_800 = arith.muli %scan3A_798, %mul3A_799 : i32
      %add3A_801 = arith.constant 8 : i32
      %add3A_802 = arith.addi %add3A_801, %mul3A_800 : i32
      %add3A_803 = arith.constant 0 : i32
      %add3A_804 = arith.addi %add3A_802, %add3A_803 : i32
      %dma_wait3A_805 = arith.constant 0 : i32
      %dma_wait3A_806 = arith.constant 0 : i32
      %dma_wait3A_807 = tpu.memref_slice %arg8[%scan3A_398, %dma_wait3A_805, %dma_wait3A_806] : memref<8x128x16xf32, #tpu.memory_space<vmem>> -> memref<1x128x16xf32, #tpu.memory_space<vmem>>
      %dma_wait3A_808 = tpu.memref_squeeze %dma_wait3A_807 : memref<1x128x16xf32, #tpu.memory_space<vmem>> -> memref<128x16xf32, #tpu.memory_space<vmem>>
      %dma_wait3A_809 = arith.constant 0 : i32
      %dma_wait3A_810 = tpu.memref_slice %arg6[%add3A_804, %dma_wait3A_809] : memref<40x128xi32, #tpu.memory_space<vmem>> -> memref<1x128xi32, #tpu.memory_space<vmem>>
      %dma_wait3A_811 = tpu.memref_squeeze %dma_wait3A_810 : memref<1x128xi32, #tpu.memory_space<vmem>> -> memref<128xi32, #tpu.memory_space<vmem>>
      %dma_wait3A_812 = arith.constant 0 : i32
      %dma_wait3A_813 = arith.constant 0 : i32
      %dma_wait3A_814 = tpu.memref_slice %arg2[%dma_wait3A_812, %dma_wait3A_813] : memref<10000x16xf32, #tpu.memory_space<hbm>> -> memref<10000x16xf32, #tpu.memory_space<hbm>>
      tpu.wait_indirect_dma semaphore(%arg11 : memref<!tpu.dma_semaphore, #tpu.memory_space<semaphore_mem>>) src(%dma_wait3A_814 : memref<10000x16xf32, #tpu.memory_space<hbm>>) dst(%dma_wait3A_808 : memref<128x16xf32, #tpu.memory_space<vmem>>)
      %dma_start3A_815 = arith.constant 0 : i32
      %dma_start3A_816 = arith.constant 0 : i32
      %dma_start3A_817 = tpu.memref_slice %arg8[%scan3A_398, %dma_start3A_815, %dma_start3A_816] : memref<8x128x16xf32, #tpu.memory_space<vmem>> -> memref<1x128x16xf32, #tpu.memory_space<vmem>>
      %dma_start3A_818 = tpu.memref_squeeze %dma_start3A_817 : memref<1x128x16xf32, #tpu.memory_space<vmem>> -> memref<128x16xf32, #tpu.memory_space<vmem>>
      %dma_start3A_819 = arith.constant 0 : i32
      %dma_start3A_820 = tpu.memref_slice %arg7[%add3A_804, %dma_start3A_819] : memref<40x128xi32, #tpu.memory_space<vmem>> -> memref<1x128xi32, #tpu.memory_space<vmem>>
      %dma_start3A_821 = tpu.memref_squeeze %dma_start3A_820 : memref<1x128xi32, #tpu.memory_space<vmem>> -> memref<128xi32, #tpu.memory_space<vmem>>
      %dma_start3A_822 = arith.constant 0 : i32
      %dma_start3A_823 = arith.constant 0 : i32
      %dma_start3A_824 = tpu.memref_slice %arg10[%dma_start3A_822, %dma_start3A_823] : memref<10240x16xf32, #tpu.memory_space<vmem_shared>> -> memref<10240x16xf32, #tpu.memory_space<vmem_shared>>
      tpu.enqueue_indirect_dma source(%dma_start3A_818 : memref<128x16xf32, #tpu.memory_space<vmem>>) target(%dma_start3A_824 : memref<10240x16xf32, #tpu.memory_space<vmem_shared>>) offsets(%dma_start3A_821 : memref<128xi32, #tpu.memory_space<vmem>>) semaphore(%arg19 : memref<!tpu.dma_semaphore, #tpu.memory_space<semaphore_mem>>) {add = true}
      %sub3A = arith.constant 4 : i32
      %sub3A_825 = arith.subi %add3A_804, %sub3A : i32
      %dma_wait3A_826 = arith.constant 0 : i32
      %dma_wait3A_827 = arith.constant 0 : i32
      %dma_wait3A_828 = tpu.memref_slice %arg8[%scan3A_399, %dma_wait3A_826, %dma_wait3A_827] : memref<8x128x16xf32, #tpu.memory_space<vmem>> -> memref<1x128x16xf32, #tpu.memory_space<vmem>>
      %dma_wait3A_829 = tpu.memref_squeeze %dma_wait3A_828 : memref<1x128x16xf32, #tpu.memory_space<vmem>> -> memref<128x16xf32, #tpu.memory_space<vmem>>
      %dma_wait3A_830 = arith.constant 0 : i32
      %dma_wait3A_831 = tpu.memref_slice %arg7[%sub3A_825, %dma_wait3A_830] : memref<40x128xi32, #tpu.memory_space<vmem>> -> memref<1x128xi32, #tpu.memory_space<vmem>>
      %dma_wait3A_832 = tpu.memref_squeeze %dma_wait3A_831 : memref<1x128xi32, #tpu.memory_space<vmem>> -> memref<128xi32, #tpu.memory_space<vmem>>
      %dma_wait3A_833 = arith.constant 0 : i32
      %dma_wait3A_834 = arith.constant 0 : i32
      %dma_wait3A_835 = tpu.memref_slice %arg10[%dma_wait3A_833, %dma_wait3A_834] : memref<10240x16xf32, #tpu.memory_space<vmem_shared>> -> memref<10240x16xf32, #tpu.memory_space<vmem_shared>>
      tpu.wait_indirect_dma semaphore(%arg23 : memref<!tpu.dma_semaphore, #tpu.memory_space<semaphore_mem>>) src(%dma_wait3A_829 : memref<128x16xf32, #tpu.memory_space<vmem>>) dst(%dma_wait3A_835 : memref<10240x16xf32, #tpu.memory_space<vmem_shared>>)
      %add3A_836 = arith.constant 4 : i32
      %add3A_837 = arith.addi %add3A_804, %add3A_836 : i32
      %dma_start3A_838 = arith.constant 0 : i32
      %dma_start3A_839 = arith.constant 0 : i32
      %dma_start3A_840 = tpu.memref_slice %arg8[%scan3A_399, %dma_start3A_838, %dma_start3A_839] : memref<8x128x16xf32, #tpu.memory_space<vmem>> -> memref<1x128x16xf32, #tpu.memory_space<vmem>>
      %dma_start3A_841 = tpu.memref_squeeze %dma_start3A_840 : memref<1x128x16xf32, #tpu.memory_space<vmem>> -> memref<128x16xf32, #tpu.memory_space<vmem>>
      %dma_start3A_842 = arith.constant 0 : i32
      %dma_start3A_843 = tpu.memref_slice %arg6[%add3A_837, %dma_start3A_842] : memref<40x128xi32, #tpu.memory_space<vmem>> -> memref<1x128xi32, #tpu.memory_space<vmem>>
      %dma_start3A_844 = tpu.memref_squeeze %dma_start3A_843 : memref<1x128xi32, #tpu.memory_space<vmem>> -> memref<128xi32, #tpu.memory_space<vmem>>
      %dma_start3A_845 = arith.constant 0 : i32
      %dma_start3A_846 = arith.constant 0 : i32
      %dma_start3A_847 = tpu.memref_slice %arg2[%dma_start3A_845, %dma_start3A_846] : memref<10000x16xf32, #tpu.memory_space<hbm>> -> memref<10000x16xf32, #tpu.memory_space<hbm>>
      tpu.enqueue_indirect_dma source(%dma_start3A_847 : memref<10000x16xf32, #tpu.memory_space<hbm>>) target(%dma_start3A_841 : memref<128x16xf32, #tpu.memory_space<vmem>>) offsets(%dma_start3A_844 : memref<128xi32, #tpu.memory_space<vmem>>) semaphore(%arg15 : memref<!tpu.dma_semaphore, #tpu.memory_space<semaphore_mem>>)
      %add3A_848 = arith.constant 1 : i32
      %add3A_849 = arith.addi %add3A_802, %add3A_848 : i32
      %dma_wait3A_850 = arith.constant 0 : i32
      %dma_wait3A_851 = arith.constant 0 : i32
      %dma_wait3A_852 = tpu.memref_slice %arg8[%scan3A_400, %dma_wait3A_850, %dma_wait3A_851] : memref<8x128x16xf32, #tpu.memory_space<vmem>> -> memref<1x128x16xf32, #tpu.memory_space<vmem>>
      %dma_wait3A_853 = tpu.memref_squeeze %dma_wait3A_852 : memref<1x128x16xf32, #tpu.memory_space<vmem>> -> memref<128x16xf32, #tpu.memory_space<vmem>>
      %dma_wait3A_854 = arith.constant 0 : i32
      %dma_wait3A_855 = tpu.memref_slice %arg6[%add3A_849, %dma_wait3A_854] : memref<40x128xi32, #tpu.memory_space<vmem>> -> memref<1x128xi32, #tpu.memory_space<vmem>>
      %dma_wait3A_856 = tpu.memref_squeeze %dma_wait3A_855 : memref<1x128xi32, #tpu.memory_space<vmem>> -> memref<128xi32, #tpu.memory_space<vmem>>
      %dma_wait3A_857 = arith.constant 0 : i32
      %dma_wait3A_858 = arith.constant 0 : i32
      %dma_wait3A_859 = tpu.memref_slice %arg2[%dma_wait3A_857, %dma_wait3A_858] : memref<10000x16xf32, #tpu.memory_space<hbm>> -> memref<10000x16xf32, #tpu.memory_space<hbm>>
      tpu.wait_indirect_dma semaphore(%arg12 : memref<!tpu.dma_semaphore, #tpu.memory_space<semaphore_mem>>) src(%dma_wait3A_859 : memref<10000x16xf32, #tpu.memory_space<hbm>>) dst(%dma_wait3A_853 : memref<128x16xf32, #tpu.memory_space<vmem>>)
      %dma_start3A_860 = arith.constant 0 : i32
      %dma_start3A_861 = arith.constant 0 : i32
      %dma_start3A_862 = tpu.memref_slice %arg8[%scan3A_400, %dma_start3A_860, %dma_start3A_861] : memref<8x128x16xf32, #tpu.memory_space<vmem>> -> memref<1x128x16xf32, #tpu.memory_space<vmem>>
      %dma_start3A_863 = tpu.memref_squeeze %dma_start3A_862 : memref<1x128x16xf32, #tpu.memory_space<vmem>> -> memref<128x16xf32, #tpu.memory_space<vmem>>
      %dma_start3A_864 = arith.constant 0 : i32
      %dma_start3A_865 = tpu.memref_slice %arg7[%add3A_849, %dma_start3A_864] : memref<40x128xi32, #tpu.memory_space<vmem>> -> memref<1x128xi32, #tpu.memory_space<vmem>>
      %dma_start3A_866 = tpu.memref_squeeze %dma_start3A_865 : memref<1x128xi32, #tpu.memory_space<vmem>> -> memref<128xi32, #tpu.memory_space<vmem>>
      %dma_start3A_867 = arith.constant 0 : i32
      %dma_start3A_868 = arith.constant 0 : i32
      %dma_start3A_869 = tpu.memref_slice %arg10[%dma_start3A_867, %dma_start3A_868] : memref<10240x16xf32, #tpu.memory_space<vmem_shared>> -> memref<10240x16xf32, #tpu.memory_space<vmem_shared>>
      tpu.enqueue_indirect_dma source(%dma_start3A_863 : memref<128x16xf32, #tpu.memory_space<vmem>>) target(%dma_start3A_869 : memref<10240x16xf32, #tpu.memory_space<vmem_shared>>) offsets(%dma_start3A_866 : memref<128xi32, #tpu.memory_space<vmem>>) semaphore(%arg20 : memref<!tpu.dma_semaphore, #tpu.memory_space<semaphore_mem>>) {add = true}
      %sub3A_870 = arith.constant 4 : i32
      %sub3A_871 = arith.subi %add3A_849, %sub3A_870 : i32
      %dma_wait3A_872 = arith.constant 0 : i32
      %dma_wait3A_873 = arith.constant 0 : i32
      %dma_wait3A_874 = tpu.memref_slice %arg8[%scan3A_401, %dma_wait3A_872, %dma_wait3A_873] : memref<8x128x16xf32, #tpu.memory_space<vmem>> -> memref<1x128x16xf32, #tpu.memory_space<vmem>>
      %dma_wait3A_875 = tpu.memref_squeeze %dma_wait3A_874 : memref<1x128x16xf32, #tpu.memory_space<vmem>> -> memref<128x16xf32, #tpu.memory_space<vmem>>
      %dma_wait3A_876 = arith.constant 0 : i32
      %dma_wait3A_877 = tpu.memref_slice %arg7[%sub3A_871, %dma_wait3A_876] : memref<40x128xi32, #tpu.memory_space<vmem>> -> memref<1x128xi32, #tpu.memory_space<vmem>>
      %dma_wait3A_878 = tpu.memref_squeeze %dma_wait3A_877 : memref<1x128xi32, #tpu.memory_space<vmem>> -> memref<128xi32, #tpu.memory_space<vmem>>
      %dma_wait3A_879 = arith.constant 0 : i32
      %dma_wait3A_880 = arith.constant 0 : i32
      %dma_wait3A_881 = tpu.memref_slice %arg10[%dma_wait3A_879, %dma_wait3A_880] : memref<10240x16xf32, #tpu.memory_space<vmem_shared>> -> memref<10240x16xf32, #tpu.memory_space<vmem_shared>>
      tpu.wait_indirect_dma semaphore(%arg24 : memref<!tpu.dma_semaphore, #tpu.memory_space<semaphore_mem>>) src(%dma_wait3A_875 : memref<128x16xf32, #tpu.memory_space<vmem>>) dst(%dma_wait3A_881 : memref<10240x16xf32, #tpu.memory_space<vmem_shared>>)
      %add3A_882 = arith.constant 4 : i32
      %add3A_883 = arith.addi %add3A_849, %add3A_882 : i32
      %dma_start3A_884 = arith.constant 0 : i32
      %dma_start3A_885 = arith.constant 0 : i32
      %dma_start3A_886 = tpu.memref_slice %arg8[%scan3A_401, %dma_start3A_884, %dma_start3A_885] : memref<8x128x16xf32, #tpu.memory_space<vmem>> -> memref<1x128x16xf32, #tpu.memory_space<vmem>>
      %dma_start3A_887 = tpu.memref_squeeze %dma_start3A_886 : memref<1x128x16xf32, #tpu.memory_space<vmem>> -> memref<128x16xf32, #tpu.memory_space<vmem>>
      %dma_start3A_888 = arith.constant 0 : i32
      %dma_start3A_889 = tpu.memref_slice %arg6[%add3A_883, %dma_start3A_888] : memref<40x128xi32, #tpu.memory_space<vmem>> -> memref<1x128xi32, #tpu.memory_space<vmem>>
      %dma_start3A_890 = tpu.memref_squeeze %dma_start3A_889 : memref<1x128xi32, #tpu.memory_space<vmem>> -> memref<128xi32, #tpu.memory_space<vmem>>
      %dma_start3A_891 = arith.constant 0 : i32
      %dma_start3A_892 = arith.constant 0 : i32
      %dma_start3A_893 = tpu.memref_slice %arg2[%dma_start3A_891, %dma_start3A_892] : memref<10000x16xf32, #tpu.memory_space<hbm>> -> memref<10000x16xf32, #tpu.memory_space<hbm>>
      tpu.enqueue_indirect_dma source(%dma_start3A_893 : memref<10000x16xf32, #tpu.memory_space<hbm>>) target(%dma_start3A_887 : memref<128x16xf32, #tpu.memory_space<vmem>>) offsets(%dma_start3A_890 : memref<128xi32, #tpu.memory_space<vmem>>) semaphore(%arg16 : memref<!tpu.dma_semaphore, #tpu.memory_space<semaphore_mem>>)
      %add3A_894 = arith.constant 2 : i32
      %add3A_895 = arith.addi %add3A_802, %add3A_894 : i32
      %dma_wait3A_896 = arith.constant 0 : i32
      %dma_wait3A_897 = arith.constant 0 : i32
      %dma_wait3A_898 = tpu.memref_slice %arg8[%scan3A_402, %dma_wait3A_896, %dma_wait3A_897] : memref<8x128x16xf32, #tpu.memory_space<vmem>> -> memref<1x128x16xf32, #tpu.memory_space<vmem>>
      %dma_wait3A_899 = tpu.memref_squeeze %dma_wait3A_898 : memref<1x128x16xf32, #tpu.memory_space<vmem>> -> memref<128x16xf32, #tpu.memory_space<vmem>>
      %dma_wait3A_900 = arith.constant 0 : i32
      %dma_wait3A_901 = tpu.memref_slice %arg6[%add3A_895, %dma_wait3A_900] : memref<40x128xi32, #tpu.memory_space<vmem>> -> memref<1x128xi32, #tpu.memory_space<vmem>>
      %dma_wait3A_902 = tpu.memref_squeeze %dma_wait3A_901 : memref<1x128xi32, #tpu.memory_space<vmem>> -> memref<128xi32, #tpu.memory_space<vmem>>
      %dma_wait3A_903 = arith.constant 0 : i32
      %dma_wait3A_904 = arith.constant 0 : i32
      %dma_wait3A_905 = tpu.memref_slice %arg2[%dma_wait3A_903, %dma_wait3A_904] : memref<10000x16xf32, #tpu.memory_space<hbm>> -> memref<10000x16xf32, #tpu.memory_space<hbm>>
      tpu.wait_indirect_dma semaphore(%arg13 : memref<!tpu.dma_semaphore, #tpu.memory_space<semaphore_mem>>) src(%dma_wait3A_905 : memref<10000x16xf32, #tpu.memory_space<hbm>>) dst(%dma_wait3A_899 : memref<128x16xf32, #tpu.memory_space<vmem>>)
      %dma_start3A_906 = arith.constant 0 : i32
      %dma_start3A_907 = arith.constant 0 : i32
      %dma_start3A_908 = tpu.memref_slice %arg8[%scan3A_402, %dma_start3A_906, %dma_start3A_907] : memref<8x128x16xf32, #tpu.memory_space<vmem>> -> memref<1x128x16xf32, #tpu.memory_space<vmem>>
      %dma_start3A_909 = tpu.memref_squeeze %dma_start3A_908 : memref<1x128x16xf32, #tpu.memory_space<vmem>> -> memref<128x16xf32, #tpu.memory_space<vmem>>
      %dma_start3A_910 = arith.constant 0 : i32
      %dma_start3A_911 = tpu.memref_slice %arg7[%add3A_895, %dma_start3A_910] : memref<40x128xi32, #tpu.memory_space<vmem>> -> memref<1x128xi32, #tpu.memory_space<vmem>>
      %dma_start3A_912 = tpu.memref_squeeze %dma_start3A_911 : memref<1x128xi32, #tpu.memory_space<vmem>> -> memref<128xi32, #tpu.memory_space<vmem>>
      %dma_start3A_913 = arith.constant 0 : i32
      %dma_start3A_914 = arith.constant 0 : i32
      %dma_start3A_915 = tpu.memref_slice %arg10[%dma_start3A_913, %dma_start3A_914] : memref<10240x16xf32, #tpu.memory_space<vmem_shared>> -> memref<10240x16xf32, #tpu.memory_space<vmem_shared>>
      tpu.enqueue_indirect_dma source(%dma_start3A_909 : memref<128x16xf32, #tpu.memory_space<vmem>>) target(%dma_start3A_915 : memref<10240x16xf32, #tpu.memory_space<vmem_shared>>) offsets(%dma_start3A_912 : memref<128xi32, #tpu.memory_space<vmem>>) semaphore(%arg21 : memref<!tpu.dma_semaphore, #tpu.memory_space<semaphore_mem>>) {add = true}
      %sub3A_916 = arith.constant 4 : i32
      %sub3A_917 = arith.subi %add3A_895, %sub3A_916 : i32
      %dma_wait3A_918 = arith.constant 0 : i32
      %dma_wait3A_919 = arith.constant 0 : i32
      %dma_wait3A_920 = tpu.memref_slice %arg8[%scan3A_403, %dma_wait3A_918, %dma_wait3A_919] : memref<8x128x16xf32, #tpu.memory_space<vmem>> -> memref<1x128x16xf32, #tpu.memory_space<vmem>>
      %dma_wait3A_921 = tpu.memref_squeeze %dma_wait3A_920 : memref<1x128x16xf32, #tpu.memory_space<vmem>> -> memref<128x16xf32, #tpu.memory_space<vmem>>
      %dma_wait3A_922 = arith.constant 0 : i32
      %dma_wait3A_923 = tpu.memref_slice %arg7[%sub3A_917, %dma_wait3A_922] : memref<40x128xi32, #tpu.memory_space<vmem>> -> memref<1x128xi32, #tpu.memory_space<vmem>>
      %dma_wait3A_924 = tpu.memref_squeeze %dma_wait3A_923 : memref<1x128xi32, #tpu.memory_space<vmem>> -> memref<128xi32, #tpu.memory_space<vmem>>
      %dma_wait3A_925 = arith.constant 0 : i32
      %dma_wait3A_926 = arith.constant 0 : i32
      %dma_wait3A_927 = tpu.memref_slice %arg10[%dma_wait3A_925, %dma_wait3A_926] : memref<10240x16xf32, #tpu.memory_space<vmem_shared>> -> memref<10240x16xf32, #tpu.memory_space<vmem_shared>>
      tpu.wait_indirect_dma semaphore(%arg25 : memref<!tpu.dma_semaphore, #tpu.memory_space<semaphore_mem>>) src(%dma_wait3A_921 : memref<128x16xf32, #tpu.memory_space<vmem>>) dst(%dma_wait3A_927 : memref<10240x16xf32, #tpu.memory_space<vmem_shared>>)
      %add3A_928 = arith.constant 4 : i32
      %add3A_929 = arith.addi %add3A_895, %add3A_928 : i32
      %dma_start3A_930 = arith.constant 0 : i32
      %dma_start3A_931 = arith.constant 0 : i32
      %dma_start3A_932 = tpu.memref_slice %arg8[%scan3A_403, %dma_start3A_930, %dma_start3A_931] : memref<8x128x16xf32, #tpu.memory_space<vmem>> -> memref<1x128x16xf32, #tpu.memory_space<vmem>>
      %dma_start3A_933 = tpu.memref_squeeze %dma_start3A_932 : memref<1x128x16xf32, #tpu.memory_space<vmem>> -> memref<128x16xf32, #tpu.memory_space<vmem>>
      %dma_start3A_934 = arith.constant 0 : i32
      %dma_start3A_935 = tpu.memref_slice %arg6[%add3A_929, %dma_start3A_934] : memref<40x128xi32, #tpu.memory_space<vmem>> -> memref<1x128xi32, #tpu.memory_space<vmem>>
      %dma_start3A_936 = tpu.memref_squeeze %dma_start3A_935 : memref<1x128xi32, #tpu.memory_space<vmem>> -> memref<128xi32, #tpu.memory_space<vmem>>
      %dma_start3A_937 = arith.constant 0 : i32
      %dma_start3A_938 = arith.constant 0 : i32
      %dma_start3A_939 = tpu.memref_slice %arg2[%dma_start3A_937, %dma_start3A_938] : memref<10000x16xf32, #tpu.memory_space<hbm>> -> memref<10000x16xf32, #tpu.memory_space<hbm>>
      tpu.enqueue_indirect_dma source(%dma_start3A_939 : memref<10000x16xf32, #tpu.memory_space<hbm>>) target(%dma_start3A_933 : memref<128x16xf32, #tpu.memory_space<vmem>>) offsets(%dma_start3A_936 : memref<128xi32, #tpu.memory_space<vmem>>) semaphore(%arg17 : memref<!tpu.dma_semaphore, #tpu.memory_space<semaphore_mem>>)
      %add3A_940 = arith.constant 3 : i32
      %add3A_941 = arith.addi %add3A_802, %add3A_940 : i32
      %dma_wait3A_942 = arith.constant 0 : i32
      %dma_wait3A_943 = arith.constant 0 : i32
      %dma_wait3A_944 = tpu.memref_slice %arg8[%scan3A_404, %dma_wait3A_942, %dma_wait3A_943] : memref<8x128x16xf32, #tpu.memory_space<vmem>> -> memref<1x128x16xf32, #tpu.memory_space<vmem>>
      %dma_wait3A_945 = tpu.memref_squeeze %dma_wait3A_944 : memref<1x128x16xf32, #tpu.memory_space<vmem>> -> memref<128x16xf32, #tpu.memory_space<vmem>>
      %dma_wait3A_946 = arith.constant 0 : i32
      %dma_wait3A_947 = tpu.memref_slice %arg6[%add3A_941, %dma_wait3A_946] : memref<40x128xi32, #tpu.memory_space<vmem>> -> memref<1x128xi32, #tpu.memory_space<vmem>>
      %dma_wait3A_948 = tpu.memref_squeeze %dma_wait3A_947 : memref<1x128xi32, #tpu.memory_space<vmem>> -> memref<128xi32, #tpu.memory_space<vmem>>
      %dma_wait3A_949 = arith.constant 0 : i32
      %dma_wait3A_950 = arith.constant 0 : i32
      %dma_wait3A_951 = tpu.memref_slice %arg2[%dma_wait3A_949, %dma_wait3A_950] : memref<10000x16xf32, #tpu.memory_space<hbm>> -> memref<10000x16xf32, #tpu.memory_space<hbm>>
      tpu.wait_indirect_dma semaphore(%arg14 : memref<!tpu.dma_semaphore, #tpu.memory_space<semaphore_mem>>) src(%dma_wait3A_951 : memref<10000x16xf32, #tpu.memory_space<hbm>>) dst(%dma_wait3A_945 : memref<128x16xf32, #tpu.memory_space<vmem>>)
      %dma_start3A_952 = arith.constant 0 : i32
      %dma_start3A_953 = arith.constant 0 : i32
      %dma_start3A_954 = tpu.memref_slice %arg8[%scan3A_404, %dma_start3A_952, %dma_start3A_953] : memref<8x128x16xf32, #tpu.memory_space<vmem>> -> memref<1x128x16xf32, #tpu.memory_space<vmem>>
      %dma_start3A_955 = tpu.memref_squeeze %dma_start3A_954 : memref<1x128x16xf32, #tpu.memory_space<vmem>> -> memref<128x16xf32, #tpu.memory_space<vmem>>
      %dma_start3A_956 = arith.constant 0 : i32
      %dma_start3A_957 = tpu.memref_slice %arg7[%add3A_941, %dma_start3A_956] : memref<40x128xi32, #tpu.memory_space<vmem>> -> memref<1x128xi32, #tpu.memory_space<vmem>>
      %dma_start3A_958 = tpu.memref_squeeze %dma_start3A_957 : memref<1x128xi32, #tpu.memory_space<vmem>> -> memref<128xi32, #tpu.memory_space<vmem>>
      %dma_start3A_959 = arith.constant 0 : i32
      %dma_start3A_960 = arith.constant 0 : i32
      %dma_start3A_961 = tpu.memref_slice %arg10[%dma_start3A_959, %dma_start3A_960] : memref<10240x16xf32, #tpu.memory_space<vmem_shared>> -> memref<10240x16xf32, #tpu.memory_space<vmem_shared>>
      tpu.enqueue_indirect_dma source(%dma_start3A_955 : memref<128x16xf32, #tpu.memory_space<vmem>>) target(%dma_start3A_961 : memref<10240x16xf32, #tpu.memory_space<vmem_shared>>) offsets(%dma_start3A_958 : memref<128xi32, #tpu.memory_space<vmem>>) semaphore(%arg22 : memref<!tpu.dma_semaphore, #tpu.memory_space<semaphore_mem>>) {add = true}
      %sub3A_962 = arith.constant 4 : i32
      %sub3A_963 = arith.subi %add3A_941, %sub3A_962 : i32
      %dma_wait3A_964 = arith.constant 0 : i32
      %dma_wait3A_965 = arith.constant 0 : i32
      %dma_wait3A_966 = tpu.memref_slice %arg8[%scan3A_405, %dma_wait3A_964, %dma_wait3A_965] : memref<8x128x16xf32, #tpu.memory_space<vmem>> -> memref<1x128x16xf32, #tpu.memory_space<vmem>>
      %dma_wait3A_967 = tpu.memref_squeeze %dma_wait3A_966 : memref<1x128x16xf32, #tpu.memory_space<vmem>> -> memref<128x16xf32, #tpu.memory_space<vmem>>
      %dma_wait3A_968 = arith.constant 0 : i32
      %dma_wait3A_969 = tpu.memref_slice %arg7[%sub3A_963, %dma_wait3A_968] : memref<40x128xi32, #tpu.memory_space<vmem>> -> memref<1x128xi32, #tpu.memory_space<vmem>>
      %dma_wait3A_970 = tpu.memref_squeeze %dma_wait3A_969 : memref<1x128xi32, #tpu.memory_space<vmem>> -> memref<128xi32, #tpu.memory_space<vmem>>
      %dma_wait3A_971 = arith.constant 0 : i32
      %dma_wait3A_972 = arith.constant 0 : i32
      %dma_wait3A_973 = tpu.memref_slice %arg10[%dma_wait3A_971, %dma_wait3A_972] : memref<10240x16xf32, #tpu.memory_space<vmem_shared>> -> memref<10240x16xf32, #tpu.memory_space<vmem_shared>>
      tpu.wait_indirect_dma semaphore(%arg26 : memref<!tpu.dma_semaphore, #tpu.memory_space<semaphore_mem>>) src(%dma_wait3A_967 : memref<128x16xf32, #tpu.memory_space<vmem>>) dst(%dma_wait3A_973 : memref<10240x16xf32, #tpu.memory_space<vmem_shared>>)
      %add3A_974 = arith.constant 4 : i32
      %add3A_975 = arith.addi %add3A_941, %add3A_974 : i32
      %dma_start3A_976 = arith.constant 0 : i32
      %dma_start3A_977 = arith.constant 0 : i32
      %dma_start3A_978 = tpu.memref_slice %arg8[%scan3A_405, %dma_start3A_976, %dma_start3A_977] : memref<8x128x16xf32, #tpu.memory_space<vmem>> -> memref<1x128x16xf32, #tpu.memory_space<vmem>>
      %dma_start3A_979 = tpu.memref_squeeze %dma_start3A_978 : memref<1x128x16xf32, #tpu.memory_space<vmem>> -> memref<128x16xf32, #tpu.memory_space<vmem>>
      %dma_start3A_980 = arith.constant 0 : i32
      %dma_start3A_981 = tpu.memref_slice %arg6[%add3A_975, %dma_start3A_980] : memref<40x128xi32, #tpu.memory_space<vmem>> -> memref<1x128xi32, #tpu.memory_space<vmem>>
      %dma_start3A_982 = tpu.memref_squeeze %dma_start3A_981 : memref<1x128xi32, #tpu.memory_space<vmem>> -> memref<128xi32, #tpu.memory_space<vmem>>
      %dma_start3A_983 = arith.constant 0 : i32
      %dma_start3A_984 = arith.constant 0 : i32
      %dma_start3A_985 = tpu.memref_slice %arg2[%dma_start3A_983, %dma_start3A_984] : memref<10000x16xf32, #tpu.memory_space<hbm>> -> memref<10000x16xf32, #tpu.memory_space<hbm>>
      tpu.enqueue_indirect_dma source(%dma_start3A_985 : memref<10000x16xf32, #tpu.memory_space<hbm>>) target(%dma_start3A_979 : memref<128x16xf32, #tpu.memory_space<vmem>>) offsets(%dma_start3A_982 : memref<128xi32, #tpu.memory_space<vmem>>) semaphore(%arg18 : memref<!tpu.dma_semaphore, #tpu.memory_space<semaphore_mem>>)
      %add3A_986 = arith.constant 4 : i32
      %add3A_987 = arith.addi %add3A_802, %add3A_986 : i32
      %dma_wait3A_988 = arith.constant 0 : i32
      %dma_wait3A_989 = arith.constant 0 : i32
      %dma_wait3A_990 = tpu.memref_slice %arg8[%scan3A_399, %dma_wait3A_988, %dma_wait3A_989] : memref<8x128x16xf32, #tpu.memory_space<vmem>> -> memref<1x128x16xf32, #tpu.memory_space<vmem>>
      %dma_wait3A_991 = tpu.memref_squeeze %dma_wait3A_990 : memref<1x128x16xf32, #tpu.memory_space<vmem>> -> memref<128x16xf32, #tpu.memory_space<vmem>>
      %dma_wait3A_992 = arith.constant 0 : i32
      %dma_wait3A_993 = tpu.memref_slice %arg6[%add3A_987, %dma_wait3A_992] : memref<40x128xi32, #tpu.memory_space<vmem>> -> memref<1x128xi32, #tpu.memory_space<vmem>>
      %dma_wait3A_994 = tpu.memref_squeeze %dma_wait3A_993 : memref<1x128xi32, #tpu.memory_space<vmem>> -> memref<128xi32, #tpu.memory_space<vmem>>
      %dma_wait3A_995 = arith.constant 0 : i32
      %dma_wait3A_996 = arith.constant 0 : i32
      %dma_wait3A_997 = tpu.memref_slice %arg2[%dma_wait3A_995, %dma_wait3A_996] : memref<10000x16xf32, #tpu.memory_space<hbm>> -> memref<10000x16xf32, #tpu.memory_space<hbm>>
      tpu.wait_indirect_dma semaphore(%arg15 : memref<!tpu.dma_semaphore, #tpu.memory_space<semaphore_mem>>) src(%dma_wait3A_997 : memref<10000x16xf32, #tpu.memory_space<hbm>>) dst(%dma_wait3A_991 : memref<128x16xf32, #tpu.memory_space<vmem>>)
      %dma_start3A_998 = arith.constant 0 : i32
      %dma_start3A_999 = arith.constant 0 : i32
      %dma_start3A_1000 = tpu.memref_slice %arg8[%scan3A_399, %dma_start3A_998, %dma_start3A_999] : memref<8x128x16xf32, #tpu.memory_space<vmem>> -> memref<1x128x16xf32, #tpu.memory_space<vmem>>
      %dma_start3A_1001 = tpu.memref_squeeze %dma_start3A_1000 : memref<1x128x16xf32, #tpu.memory_space<vmem>> -> memref<128x16xf32, #tpu.memory_space<vmem>>
      %dma_start3A_1002 = arith.constant 0 : i32
      %dma_start3A_1003 = tpu.memref_slice %arg7[%add3A_987, %dma_start3A_1002] : memref<40x128xi32, #tpu.memory_space<vmem>> -> memref<1x128xi32, #tpu.memory_space<vmem>>
      %dma_start3A_1004 = tpu.memref_squeeze %dma_start3A_1003 : memref<1x128xi32, #tpu.memory_space<vmem>> -> memref<128xi32, #tpu.memory_space<vmem>>
      %dma_start3A_1005 = arith.constant 0 : i32
      %dma_start3A_1006 = arith.constant 0 : i32
      %dma_start3A_1007 = tpu.memref_slice %arg10[%dma_start3A_1005, %dma_start3A_1006] : memref<10240x16xf32, #tpu.memory_space<vmem_shared>> -> memref<10240x16xf32, #tpu.memory_space<vmem_shared>>
      tpu.enqueue_indirect_dma source(%dma_start3A_1001 : memref<128x16xf32, #tpu.memory_space<vmem>>) target(%dma_start3A_1007 : memref<10240x16xf32, #tpu.memory_space<vmem_shared>>) offsets(%dma_start3A_1004 : memref<128xi32, #tpu.memory_space<vmem>>) semaphore(%arg23 : memref<!tpu.dma_semaphore, #tpu.memory_space<semaphore_mem>>) {add = true}
      %sub3A_1008 = arith.constant 4 : i32
      %sub3A_1009 = arith.subi %add3A_987, %sub3A_1008 : i32
      %dma_wait3A_1010 = arith.constant 0 : i32
      %dma_wait3A_1011 = arith.constant 0 : i32
      %dma_wait3A_1012 = tpu.memref_slice %arg8[%scan3A_398, %dma_wait3A_1010, %dma_wait3A_1011] : memref<8x128x16xf32, #tpu.memory_space<vmem>> -> memref<1x128x16xf32, #tpu.memory_space<vmem>>
      %dma_wait3A_1013 = tpu.memref_squeeze %dma_wait3A_1012 : memref<1x128x16xf32, #tpu.memory_space<vmem>> -> memref<128x16xf32, #tpu.memory_space<vmem>>
      %dma_wait3A_1014 = arith.constant 0 : i32
      %dma_wait3A_1015 = tpu.memref_slice %arg7[%sub3A_1009, %dma_wait3A_1014] : memref<40x128xi32, #tpu.memory_space<vmem>> -> memref<1x128xi32, #tpu.memory_space<vmem>>
      %dma_wait3A_1016 = tpu.memref_squeeze %dma_wait3A_1015 : memref<1x128xi32, #tpu.memory_space<vmem>> -> memref<128xi32, #tpu.memory_space<vmem>>
      %dma_wait3A_1017 = arith.constant 0 : i32
      %dma_wait3A_1018 = arith.constant 0 : i32
      %dma_wait3A_1019 = tpu.memref_slice %arg10[%dma_wait3A_1017, %dma_wait3A_1018] : memref<10240x16xf32, #tpu.memory_space<vmem_shared>> -> memref<10240x16xf32, #tpu.memory_space<vmem_shared>>
      tpu.wait_indirect_dma semaphore(%arg19 : memref<!tpu.dma_semaphore, #tpu.memory_space<semaphore_mem>>) src(%dma_wait3A_1013 : memref<128x16xf32, #tpu.memory_space<vmem>>) dst(%dma_wait3A_1019 : memref<10240x16xf32, #tpu.memory_space<vmem_shared>>)
      %add3A_1020 = arith.constant 4 : i32
      %add3A_1021 = arith.addi %add3A_987, %add3A_1020 : i32
      %dma_start3A_1022 = arith.constant 0 : i32
      %dma_start3A_1023 = arith.constant 0 : i32
      %dma_start3A_1024 = tpu.memref_slice %arg8[%scan3A_398, %dma_start3A_1022, %dma_start3A_1023] : memref<8x128x16xf32, #tpu.memory_space<vmem>> -> memref<1x128x16xf32, #tpu.memory_space<vmem>>
      %dma_start3A_1025 = tpu.memref_squeeze %dma_start3A_1024 : memref<1x128x16xf32, #tpu.memory_space<vmem>> -> memref<128x16xf32, #tpu.memory_space<vmem>>
      %dma_start3A_1026 = arith.constant 0 : i32
      %dma_start3A_1027 = tpu.memref_slice %arg6[%add3A_1021, %dma_start3A_1026] : memref<40x128xi32, #tpu.memory_space<vmem>> -> memref<1x128xi32, #tpu.memory_space<vmem>>
      %dma_start3A_1028 = tpu.memref_squeeze %dma_start3A_1027 : memref<1x128xi32, #tpu.memory_space<vmem>> -> memref<128xi32, #tpu.memory_space<vmem>>
      %dma_start3A_1029 = arith.constant 0 : i32
      %dma_start3A_1030 = arith.constant 0 : i32
      %dma_start3A_1031 = tpu.memref_slice %arg2[%dma_start3A_1029, %dma_start3A_1030] : memref<10000x16xf32, #tpu.memory_space<hbm>> -> memref<10000x16xf32, #tpu.memory_space<hbm>>
      tpu.enqueue_indirect_dma source(%dma_start3A_1031 : memref<10000x16xf32, #tpu.memory_space<hbm>>) target(%dma_start3A_1025 : memref<128x16xf32, #tpu.memory_space<vmem>>) offsets(%dma_start3A_1028 : memref<128xi32, #tpu.memory_space<vmem>>) semaphore(%arg11 : memref<!tpu.dma_semaphore, #tpu.memory_space<semaphore_mem>>)
      %add3A_1032 = arith.constant 5 : i32
      %add3A_1033 = arith.addi %add3A_802, %add3A_1032 : i32
      %dma_wait3A_1034 = arith.constant 0 : i32
      %dma_wait3A_1035 = arith.constant 0 : i32
      %dma_wait3A_1036 = tpu.memref_slice %arg8[%scan3A_401, %dma_wait3A_1034, %dma_wait3A_1035] : memref<8x128x16xf32, #tpu.memory_space<vmem>> -> memref<1x128x16xf32, #tpu.memory_space<vmem>>
      %dma_wait3A_1037 = tpu.memref_squeeze %dma_wait3A_1036 : memref<1x128x16xf32, #tpu.memory_space<vmem>> -> memref<128x16xf32, #tpu.memory_space<vmem>>
      %dma_wait3A_1038 = arith.constant 0 : i32
      %dma_wait3A_1039 = tpu.memref_slice %arg6[%add3A_1033, %dma_wait3A_1038] : memref<40x128xi32, #tpu.memory_space<vmem>> -> memref<1x128xi32, #tpu.memory_space<vmem>>
      %dma_wait3A_1040 = tpu.memref_squeeze %dma_wait3A_1039 : memref<1x128xi32, #tpu.memory_space<vmem>> -> memref<128xi32, #tpu.memory_space<vmem>>
      %dma_wait3A_1041 = arith.constant 0 : i32
      %dma_wait3A_1042 = arith.constant 0 : i32
      %dma_wait3A_1043 = tpu.memref_slice %arg2[%dma_wait3A_1041, %dma_wait3A_1042] : memref<10000x16xf32, #tpu.memory_space<hbm>> -> memref<10000x16xf32, #tpu.memory_space<hbm>>
      tpu.wait_indirect_dma semaphore(%arg16 : memref<!tpu.dma_semaphore, #tpu.memory_space<semaphore_mem>>) src(%dma_wait3A_1043 : memref<10000x16xf32, #tpu.memory_space<hbm>>) dst(%dma_wait3A_1037 : memref<128x16xf32, #tpu.memory_space<vmem>>)
      %dma_start3A_1044 = arith.constant 0 : i32
      %dma_start3A_1045 = arith.constant 0 : i32
      %dma_start3A_1046 = tpu.memref_slice %arg8[%scan3A_401, %dma_start3A_1044, %dma_start3A_1045] : memref<8x128x16xf32, #tpu.memory_space<vmem>> -> memref<1x128x16xf32, #tpu.memory_space<vmem>>
      %dma_start3A_1047 = tpu.memref_squeeze %dma_start3A_1046 : memref<1x128x16xf32, #tpu.memory_space<vmem>> -> memref<128x16xf32, #tpu.memory_space<vmem>>
      %dma_start3A_1048 = arith.constant 0 : i32
      %dma_start3A_1049 = tpu.memref_slice %arg7[%add3A_1033, %dma_start3A_1048] : memref<40x128xi32, #tpu.memory_space<vmem>> -> memref<1x128xi32, #tpu.memory_space<vmem>>
      %dma_start3A_1050 = tpu.memref_squeeze %dma_start3A_1049 : memref<1x128xi32, #tpu.memory_space<vmem>> -> memref<128xi32, #tpu.memory_space<vmem>>
      %dma_start3A_1051 = arith.constant 0 : i32
      %dma_start3A_1052 = arith.constant 0 : i32
      %dma_start3A_1053 = tpu.memref_slice %arg10[%dma_start3A_1051, %dma_start3A_1052] : memref<10240x16xf32, #tpu.memory_space<vmem_shared>> -> memref<10240x16xf32, #tpu.memory_space<vmem_shared>>
      tpu.enqueue_indirect_dma source(%dma_start3A_1047 : memref<128x16xf32, #tpu.memory_space<vmem>>) target(%dma_start3A_1053 : memref<10240x16xf32, #tpu.memory_space<vmem_shared>>) offsets(%dma_start3A_1050 : memref<128xi32, #tpu.memory_space<vmem>>) semaphore(%arg24 : memref<!tpu.dma_semaphore, #tpu.memory_space<semaphore_mem>>) {add = true}
      %sub3A_1054 = arith.constant 4 : i32
      %sub3A_1055 = arith.subi %add3A_1033, %sub3A_1054 : i32
      %dma_wait3A_1056 = arith.constant 0 : i32
      %dma_wait3A_1057 = arith.constant 0 : i32
      %dma_wait3A_1058 = tpu.memref_slice %arg8[%scan3A_400, %dma_wait3A_1056, %dma_wait3A_1057] : memref<8x128x16xf32, #tpu.memory_space<vmem>> -> memref<1x128x16xf32, #tpu.memory_space<vmem>>
      %dma_wait3A_1059 = tpu.memref_squeeze %dma_wait3A_1058 : memref<1x128x16xf32, #tpu.memory_space<vmem>> -> memref<128x16xf32, #tpu.memory_space<vmem>>
      %dma_wait3A_1060 = arith.constant 0 : i32
      %dma_wait3A_1061 = tpu.memref_slice %arg7[%sub3A_1055, %dma_wait3A_1060] : memref<40x128xi32, #tpu.memory_space<vmem>> -> memref<1x128xi32, #tpu.memory_space<vmem>>
      %dma_wait3A_1062 = tpu.memref_squeeze %dma_wait3A_1061 : memref<1x128xi32, #tpu.memory_space<vmem>> -> memref<128xi32, #tpu.memory_space<vmem>>
      %dma_wait3A_1063 = arith.constant 0 : i32
      %dma_wait3A_1064 = arith.constant 0 : i32
      %dma_wait3A_1065 = tpu.memref_slice %arg10[%dma_wait3A_1063, %dma_wait3A_1064] : memref<10240x16xf32, #tpu.memory_space<vmem_shared>> -> memref<10240x16xf32, #tpu.memory_space<vmem_shared>>
      tpu.wait_indirect_dma semaphore(%arg20 : memref<!tpu.dma_semaphore, #tpu.memory_space<semaphore_mem>>) src(%dma_wait3A_1059 : memref<128x16xf32, #tpu.memory_space<vmem>>) dst(%dma_wait3A_1065 : memref<10240x16xf32, #tpu.memory_space<vmem_shared>>)
      %add3A_1066 = arith.constant 4 : i32
      %add3A_1067 = arith.addi %add3A_1033, %add3A_1066 : i32
      %dma_start3A_1068 = arith.constant 0 : i32
      %dma_start3A_1069 = arith.constant 0 : i32
      %dma_start3A_1070 = tpu.memref_slice %arg8[%scan3A_400, %dma_start3A_1068, %dma_start3A_1069] : memref<8x128x16xf32, #tpu.memory_space<vmem>> -> memref<1x128x16xf32, #tpu.memory_space<vmem>>
      %dma_start3A_1071 = tpu.memref_squeeze %dma_start3A_1070 : memref<1x128x16xf32, #tpu.memory_space<vmem>> -> memref<128x16xf32, #tpu.memory_space<vmem>>
      %dma_start3A_1072 = arith.constant 0 : i32
      %dma_start3A_1073 = tpu.memref_slice %arg6[%add3A_1067, %dma_start3A_1072] : memref<40x128xi32, #tpu.memory_space<vmem>> -> memref<1x128xi32, #tpu.memory_space<vmem>>
      %dma_start3A_1074 = tpu.memref_squeeze %dma_start3A_1073 : memref<1x128xi32, #tpu.memory_space<vmem>> -> memref<128xi32, #tpu.memory_space<vmem>>
      %dma_start3A_1075 = arith.constant 0 : i32
      %dma_start3A_1076 = arith.constant 0 : i32
      %dma_start3A_1077 = tpu.memref_slice %arg2[%dma_start3A_1075, %dma_start3A_1076] : memref<10000x16xf32, #tpu.memory_space<hbm>> -> memref<10000x16xf32, #tpu.memory_space<hbm>>
      tpu.enqueue_indirect_dma source(%dma_start3A_1077 : memref<10000x16xf32, #tpu.memory_space<hbm>>) target(%dma_start3A_1071 : memref<128x16xf32, #tpu.memory_space<vmem>>) offsets(%dma_start3A_1074 : memref<128xi32, #tpu.memory_space<vmem>>) semaphore(%arg12 : memref<!tpu.dma_semaphore, #tpu.memory_space<semaphore_mem>>)
      %add3A_1078 = arith.constant 6 : i32
      %add3A_1079 = arith.addi %add3A_802, %add3A_1078 : i32
      %dma_wait3A_1080 = arith.constant 0 : i32
      %dma_wait3A_1081 = arith.constant 0 : i32
      %dma_wait3A_1082 = tpu.memref_slice %arg8[%scan3A_403, %dma_wait3A_1080, %dma_wait3A_1081] : memref<8x128x16xf32, #tpu.memory_space<vmem>> -> memref<1x128x16xf32, #tpu.memory_space<vmem>>
      %dma_wait3A_1083 = tpu.memref_squeeze %dma_wait3A_1082 : memref<1x128x16xf32, #tpu.memory_space<vmem>> -> memref<128x16xf32, #tpu.memory_space<vmem>>
      %dma_wait3A_1084 = arith.constant 0 : i32
      %dma_wait3A_1085 = tpu.memref_slice %arg6[%add3A_1079, %dma_wait3A_1084] : memref<40x128xi32, #tpu.memory_space<vmem>> -> memref<1x128xi32, #tpu.memory_space<vmem>>
      %dma_wait3A_1086 = tpu.memref_squeeze %dma_wait3A_1085 : memref<1x128xi32, #tpu.memory_space<vmem>> -> memref<128xi32, #tpu.memory_space<vmem>>
      %dma_wait3A_1087 = arith.constant 0 : i32
      %dma_wait3A_1088 = arith.constant 0 : i32
      %dma_wait3A_1089 = tpu.memref_slice %arg2[%dma_wait3A_1087, %dma_wait3A_1088] : memref<10000x16xf32, #tpu.memory_space<hbm>> -> memref<10000x16xf32, #tpu.memory_space<hbm>>
      tpu.wait_indirect_dma semaphore(%arg17 : memref<!tpu.dma_semaphore, #tpu.memory_space<semaphore_mem>>) src(%dma_wait3A_1089 : memref<10000x16xf32, #tpu.memory_space<hbm>>) dst(%dma_wait3A_1083 : memref<128x16xf32, #tpu.memory_space<vmem>>)
      %dma_start3A_1090 = arith.constant 0 : i32
      %dma_start3A_1091 = arith.constant 0 : i32
      %dma_start3A_1092 = tpu.memref_slice %arg8[%scan3A_403, %dma_start3A_1090, %dma_start3A_1091] : memref<8x128x16xf32, #tpu.memory_space<vmem>> -> memref<1x128x16xf32, #tpu.memory_space<vmem>>
      %dma_start3A_1093 = tpu.memref_squeeze %dma_start3A_1092 : memref<1x128x16xf32, #tpu.memory_space<vmem>> -> memref<128x16xf32, #tpu.memory_space<vmem>>
      %dma_start3A_1094 = arith.constant 0 : i32
      %dma_start3A_1095 = tpu.memref_slice %arg7[%add3A_1079, %dma_start3A_1094] : memref<40x128xi32, #tpu.memory_space<vmem>> -> memref<1x128xi32, #tpu.memory_space<vmem>>
      %dma_start3A_1096 = tpu.memref_squeeze %dma_start3A_1095 : memref<1x128xi32, #tpu.memory_space<vmem>> -> memref<128xi32, #tpu.memory_space<vmem>>
      %dma_start3A_1097 = arith.constant 0 : i32
      %dma_start3A_1098 = arith.constant 0 : i32
      %dma_start3A_1099 = tpu.memref_slice %arg10[%dma_start3A_1097, %dma_start3A_1098] : memref<10240x16xf32, #tpu.memory_space<vmem_shared>> -> memref<10240x16xf32, #tpu.memory_space<vmem_shared>>
      tpu.enqueue_indirect_dma source(%dma_start3A_1093 : memref<128x16xf32, #tpu.memory_space<vmem>>) target(%dma_start3A_1099 : memref<10240x16xf32, #tpu.memory_space<vmem_shared>>) offsets(%dma_start3A_1096 : memref<128xi32, #tpu.memory_space<vmem>>) semaphore(%arg25 : memref<!tpu.dma_semaphore, #tpu.memory_space<semaphore_mem>>) {add = true}
      %sub3A_1100 = arith.constant 4 : i32
      %sub3A_1101 = arith.subi %add3A_1079, %sub3A_1100 : i32
      %dma_wait3A_1102 = arith.constant 0 : i32
      %dma_wait3A_1103 = arith.constant 0 : i32
      %dma_wait3A_1104 = tpu.memref_slice %arg8[%scan3A_402, %dma_wait3A_1102, %dma_wait3A_1103] : memref<8x128x16xf32, #tpu.memory_space<vmem>> -> memref<1x128x16xf32, #tpu.memory_space<vmem>>
      %dma_wait3A_1105 = tpu.memref_squeeze %dma_wait3A_1104 : memref<1x128x16xf32, #tpu.memory_space<vmem>> -> memref<128x16xf32, #tpu.memory_space<vmem>>
      %dma_wait3A_1106 = arith.constant 0 : i32
      %dma_wait3A_1107 = tpu.memref_slice %arg7[%sub3A_1101, %dma_wait3A_1106] : memref<40x128xi32, #tpu.memory_space<vmem>> -> memref<1x128xi32, #tpu.memory_space<vmem>>
      %dma_wait3A_1108 = tpu.memref_squeeze %dma_wait3A_1107 : memref<1x128xi32, #tpu.memory_space<vmem>> -> memref<128xi32, #tpu.memory_space<vmem>>
      %dma_wait3A_1109 = arith.constant 0 : i32
      %dma_wait3A_1110 = arith.constant 0 : i32
      %dma_wait3A_1111 = tpu.memref_slice %arg10[%dma_wait3A_1109, %dma_wait3A_1110] : memref<10240x16xf32, #tpu.memory_space<vmem_shared>> -> memref<10240x16xf32, #tpu.memory_space<vmem_shared>>
      tpu.wait_indirect_dma semaphore(%arg21 : memref<!tpu.dma_semaphore, #tpu.memory_space<semaphore_mem>>) src(%dma_wait3A_1105 : memref<128x16xf32, #tpu.memory_space<vmem>>) dst(%dma_wait3A_1111 : memref<10240x16xf32, #tpu.memory_space<vmem_shared>>)
      %add3A_1112 = arith.constant 4 : i32
      %add3A_1113 = arith.addi %add3A_1079, %add3A_1112 : i32
      %dma_start3A_1114 = arith.constant 0 : i32
      %dma_start3A_1115 = arith.constant 0 : i32
      %dma_start3A_1116 = tpu.memref_slice %arg8[%scan3A_402, %dma_start3A_1114, %dma_start3A_1115] : memref<8x128x16xf32, #tpu.memory_space<vmem>> -> memref<1x128x16xf32, #tpu.memory_space<vmem>>
      %dma_start3A_1117 = tpu.memref_squeeze %dma_start3A_1116 : memref<1x128x16xf32, #tpu.memory_space<vmem>> -> memref<128x16xf32, #tpu.memory_space<vmem>>
      %dma_start3A_1118 = arith.constant 0 : i32
      %dma_start3A_1119 = tpu.memref_slice %arg6[%add3A_1113, %dma_start3A_1118] : memref<40x128xi32, #tpu.memory_space<vmem>> -> memref<1x128xi32, #tpu.memory_space<vmem>>
      %dma_start3A_1120 = tpu.memref_squeeze %dma_start3A_1119 : memref<1x128xi32, #tpu.memory_space<vmem>> -> memref<128xi32, #tpu.memory_space<vmem>>
      %dma_start3A_1121 = arith.constant 0 : i32
      %dma_start3A_1122 = arith.constant 0 : i32
      %dma_start3A_1123 = tpu.memref_slice %arg2[%dma_start3A_1121, %dma_start3A_1122] : memref<10000x16xf32, #tpu.memory_space<hbm>> -> memref<10000x16xf32, #tpu.memory_space<hbm>>
      tpu.enqueue_indirect_dma source(%dma_start3A_1123 : memref<10000x16xf32, #tpu.memory_space<hbm>>) target(%dma_start3A_1117 : memref<128x16xf32, #tpu.memory_space<vmem>>) offsets(%dma_start3A_1120 : memref<128xi32, #tpu.memory_space<vmem>>) semaphore(%arg13 : memref<!tpu.dma_semaphore, #tpu.memory_space<semaphore_mem>>)
      %add3A_1124 = arith.constant 7 : i32
      %add3A_1125 = arith.addi %add3A_802, %add3A_1124 : i32
      %dma_wait3A_1126 = arith.constant 0 : i32
      %dma_wait3A_1127 = arith.constant 0 : i32
      %dma_wait3A_1128 = tpu.memref_slice %arg8[%scan3A_405, %dma_wait3A_1126, %dma_wait3A_1127] : memref<8x128x16xf32, #tpu.memory_space<vmem>> -> memref<1x128x16xf32, #tpu.memory_space<vmem>>
      %dma_wait3A_1129 = tpu.memref_squeeze %dma_wait3A_1128 : memref<1x128x16xf32, #tpu.memory_space<vmem>> -> memref<128x16xf32, #tpu.memory_space<vmem>>
      %dma_wait3A_1130 = arith.constant 0 : i32
      %dma_wait3A_1131 = tpu.memref_slice %arg6[%add3A_1125, %dma_wait3A_1130] : memref<40x128xi32, #tpu.memory_space<vmem>> -> memref<1x128xi32, #tpu.memory_space<vmem>>
      %dma_wait3A_1132 = tpu.memref_squeeze %dma_wait3A_1131 : memref<1x128xi32, #tpu.memory_space<vmem>> -> memref<128xi32, #tpu.memory_space<vmem>>
      %dma_wait3A_1133 = arith.constant 0 : i32
      %dma_wait3A_1134 = arith.constant 0 : i32
      %dma_wait3A_1135 = tpu.memref_slice %arg2[%dma_wait3A_1133, %dma_wait3A_1134] : memref<10000x16xf32, #tpu.memory_space<hbm>> -> memref<10000x16xf32, #tpu.memory_space<hbm>>
      tpu.wait_indirect_dma semaphore(%arg18 : memref<!tpu.dma_semaphore, #tpu.memory_space<semaphore_mem>>) src(%dma_wait3A_1135 : memref<10000x16xf32, #tpu.memory_space<hbm>>) dst(%dma_wait3A_1129 : memref<128x16xf32, #tpu.memory_space<vmem>>)
      %dma_start3A_1136 = arith.constant 0 : i32
      %dma_start3A_1137 = arith.constant 0 : i32
      %dma_start3A_1138 = tpu.memref_slice %arg8[%scan3A_405, %dma_start3A_1136, %dma_start3A_1137] : memref<8x128x16xf32, #tpu.memory_space<vmem>> -> memref<1x128x16xf32, #tpu.memory_space<vmem>>
      %dma_start3A_1139 = tpu.memref_squeeze %dma_start3A_1138 : memref<1x128x16xf32, #tpu.memory_space<vmem>> -> memref<128x16xf32, #tpu.memory_space<vmem>>
      %dma_start3A_1140 = arith.constant 0 : i32
      %dma_start3A_1141 = tpu.memref_slice %arg7[%add3A_1125, %dma_start3A_1140] : memref<40x128xi32, #tpu.memory_space<vmem>> -> memref<1x128xi32, #tpu.memory_space<vmem>>
      %dma_start3A_1142 = tpu.memref_squeeze %dma_start3A_1141 : memref<1x128xi32, #tpu.memory_space<vmem>> -> memref<128xi32, #tpu.memory_space<vmem>>
      %dma_start3A_1143 = arith.constant 0 : i32
      %dma_start3A_1144 = arith.constant 0 : i32
      %dma_start3A_1145 = tpu.memref_slice %arg10[%dma_start3A_1143, %dma_start3A_1144] : memref<10240x16xf32, #tpu.memory_space<vmem_shared>> -> memref<10240x16xf32, #tpu.memory_space<vmem_shared>>
      tpu.enqueue_indirect_dma source(%dma_start3A_1139 : memref<128x16xf32, #tpu.memory_space<vmem>>) target(%dma_start3A_1145 : memref<10240x16xf32, #tpu.memory_space<vmem_shared>>) offsets(%dma_start3A_1142 : memref<128xi32, #tpu.memory_space<vmem>>) semaphore(%arg26 : memref<!tpu.dma_semaphore, #tpu.memory_space<semaphore_mem>>) {add = true}
      %sub3A_1146 = arith.constant 4 : i32
      %sub3A_1147 = arith.subi %add3A_1125, %sub3A_1146 : i32
      %dma_wait3A_1148 = arith.constant 0 : i32
      %dma_wait3A_1149 = arith.constant 0 : i32
      %dma_wait3A_1150 = tpu.memref_slice %arg8[%scan3A_404, %dma_wait3A_1148, %dma_wait3A_1149] : memref<8x128x16xf32, #tpu.memory_space<vmem>> -> memref<1x128x16xf32, #tpu.memory_space<vmem>>
      %dma_wait3A_1151 = tpu.memref_squeeze %dma_wait3A_1150 : memref<1x128x16xf32, #tpu.memory_space<vmem>> -> memref<128x16xf32, #tpu.memory_space<vmem>>
      %dma_wait3A_1152 = arith.constant 0 : i32
      %dma_wait3A_1153 = tpu.memref_slice %arg7[%sub3A_1147, %dma_wait3A_1152] : memref<40x128xi32, #tpu.memory_space<vmem>> -> memref<1x128xi32, #tpu.memory_space<vmem>>
      %dma_wait3A_1154 = tpu.memref_squeeze %dma_wait3A_1153 : memref<1x128xi32, #tpu.memory_space<vmem>> -> memref<128xi32, #tpu.memory_space<vmem>>
      %dma_wait3A_1155 = arith.constant 0 : i32
      %dma_wait3A_1156 = arith.constant 0 : i32
      %dma_wait3A_1157 = tpu.memref_slice %arg10[%dma_wait3A_1155, %dma_wait3A_1156] : memref<10240x16xf32, #tpu.memory_space<vmem_shared>> -> memref<10240x16xf32, #tpu.memory_space<vmem_shared>>
      tpu.wait_indirect_dma semaphore(%arg22 : memref<!tpu.dma_semaphore, #tpu.memory_space<semaphore_mem>>) src(%dma_wait3A_1151 : memref<128x16xf32, #tpu.memory_space<vmem>>) dst(%dma_wait3A_1157 : memref<10240x16xf32, #tpu.memory_space<vmem_shared>>)
      %add3A_1158 = arith.constant 4 : i32
      %add3A_1159 = arith.addi %add3A_1125, %add3A_1158 : i32
      %dma_start3A_1160 = arith.constant 0 : i32
      %dma_start3A_1161 = arith.constant 0 : i32
      %dma_start3A_1162 = tpu.memref_slice %arg8[%scan3A_404, %dma_start3A_1160, %dma_start3A_1161] : memref<8x128x16xf32, #tpu.memory_space<vmem>> -> memref<1x128x16xf32, #tpu.memory_space<vmem>>
      %dma_start3A_1163 = tpu.memref_squeeze %dma_start3A_1162 : memref<1x128x16xf32, #tpu.memory_space<vmem>> -> memref<128x16xf32, #tpu.memory_space<vmem>>
      %dma_start3A_1164 = arith.constant 0 : i32
      %dma_start3A_1165 = tpu.memref_slice %arg6[%add3A_1159, %dma_start3A_1164] : memref<40x128xi32, #tpu.memory_space<vmem>> -> memref<1x128xi32, #tpu.memory_space<vmem>>
      %dma_start3A_1166 = tpu.memref_squeeze %dma_start3A_1165 : memref<1x128xi32, #tpu.memory_space<vmem>> -> memref<128xi32, #tpu.memory_space<vmem>>
      %dma_start3A_1167 = arith.constant 0 : i32
      %dma_start3A_1168 = arith.constant 0 : i32
      %dma_start3A_1169 = tpu.memref_slice %arg2[%dma_start3A_1167, %dma_start3A_1168] : memref<10000x16xf32, #tpu.memory_space<hbm>> -> memref<10000x16xf32, #tpu.memory_space<hbm>>
      tpu.enqueue_indirect_dma source(%dma_start3A_1169 : memref<10000x16xf32, #tpu.memory_space<hbm>>) target(%dma_start3A_1163 : memref<128x16xf32, #tpu.memory_space<vmem>>) offsets(%dma_start3A_1166 : memref<128xi32, #tpu.memory_space<vmem>>) semaphore(%arg14 : memref<!tpu.dma_semaphore, #tpu.memory_space<semaphore_mem>>)
    }
    %scan3A_410 = arith.constant 3 : i32
    %dma_wait3A_411 = arith.constant 32 : i32
    %dma_wait3A_412 = arith.constant 0 : i32
    %dma_wait3A_413 = arith.constant 0 : i32
    %dma_wait3A_414 = arith.constant 0 : i32
    %dma_wait3A_415 = tpu.memref_slice %arg8[%dma_wait3A_412, %dma_wait3A_413, %dma_wait3A_414] : memref<8x128x16xf32, #tpu.memory_space<vmem>> -> memref<1x128x16xf32, #tpu.memory_space<vmem>>
    %dma_wait3A_416 = tpu.memref_squeeze %dma_wait3A_415 : memref<1x128x16xf32, #tpu.memory_space<vmem>> -> memref<128x16xf32, #tpu.memory_space<vmem>>
    %dma_wait3A_417 = arith.constant 0 : i32
    %dma_wait3A_418 = tpu.memref_slice %arg6[%dma_wait3A_411, %dma_wait3A_417] : memref<40x128xi32, #tpu.memory_space<vmem>> -> memref<1x128xi32, #tpu.memory_space<vmem>>
    %dma_wait3A_419 = tpu.memref_squeeze %dma_wait3A_418 : memref<1x128xi32, #tpu.memory_space<vmem>> -> memref<128xi32, #tpu.memory_space<vmem>>
    %dma_wait3A_420 = arith.constant 0 : i32
    %dma_wait3A_421 = arith.constant 0 : i32
    %dma_wait3A_422 = tpu.memref_slice %arg2[%dma_wait3A_420, %dma_wait3A_421] : memref<10000x16xf32, #tpu.memory_space<hbm>> -> memref<10000x16xf32, #tpu.memory_space<hbm>>
    tpu.wait_indirect_dma semaphore(%arg11 : memref<!tpu.dma_semaphore, #tpu.memory_space<semaphore_mem>>) src(%dma_wait3A_422 : memref<10000x16xf32, #tpu.memory_space<hbm>>) dst(%dma_wait3A_416 : memref<128x16xf32, #tpu.memory_space<vmem>>)
    %dma_start3A_423 = arith.constant 0 : i32
    %dma_start3A_424 = arith.constant 32 : i32
    %dma_start3A_425 = arith.constant 0 : i32
    %dma_start3A_426 = arith.constant 0 : i32
    %dma_start3A_427 = tpu.memref_slice %arg8[%dma_start3A_423, %dma_start3A_425, %dma_start3A_426] : memref<8x128x16xf32, #tpu.memory_space<vmem>> -> memref<1x128x16xf32, #tpu.memory_space<vmem>>
    %dma_start3A_428 = tpu.memref_squeeze %dma_start3A_427 : memref<1x128x16xf32, #tpu.memory_space<vmem>> -> memref<128x16xf32, #tpu.memory_space<vmem>>
    %dma_start3A_429 = arith.constant 0 : i32
    %dma_start3A_430 = tpu.memref_slice %arg7[%dma_start3A_424, %dma_start3A_429] : memref<40x128xi32, #tpu.memory_space<vmem>> -> memref<1x128xi32, #tpu.memory_space<vmem>>
    %dma_start3A_431 = tpu.memref_squeeze %dma_start3A_430 : memref<1x128xi32, #tpu.memory_space<vmem>> -> memref<128xi32, #tpu.memory_space<vmem>>
    %dma_start3A_432 = arith.constant 0 : i32
    %dma_start3A_433 = arith.constant 0 : i32
    %dma_start3A_434 = tpu.memref_slice %arg10[%dma_start3A_432, %dma_start3A_433] : memref<10240x16xf32, #tpu.memory_space<vmem_shared>> -> memref<10240x16xf32, #tpu.memory_space<vmem_shared>>
    tpu.enqueue_indirect_dma source(%dma_start3A_428 : memref<128x16xf32, #tpu.memory_space<vmem>>) target(%dma_start3A_434 : memref<10240x16xf32, #tpu.memory_space<vmem_shared>>) offsets(%dma_start3A_431 : memref<128xi32, #tpu.memory_space<vmem>>) semaphore(%arg19 : memref<!tpu.dma_semaphore, #tpu.memory_space<semaphore_mem>>) {add = true}
    %dma_wait3A_435 = arith.constant 4 : i32
    %dma_wait3A_436 = arith.constant 28 : i32
    %dma_wait3A_437 = arith.constant 0 : i32
    %dma_wait3A_438 = arith.constant 0 : i32
    %dma_wait3A_439 = tpu.memref_slice %arg8[%dma_wait3A_435, %dma_wait3A_437, %dma_wait3A_438] : memref<8x128x16xf32, #tpu.memory_space<vmem>> -> memref<1x128x16xf32, #tpu.memory_space<vmem>>
    %dma_wait3A_440 = tpu.memref_squeeze %dma_wait3A_439 : memref<1x128x16xf32, #tpu.memory_space<vmem>> -> memref<128x16xf32, #tpu.memory_space<vmem>>
    %dma_wait3A_441 = arith.constant 0 : i32
    %dma_wait3A_442 = tpu.memref_slice %arg7[%dma_wait3A_436, %dma_wait3A_441] : memref<40x128xi32, #tpu.memory_space<vmem>> -> memref<1x128xi32, #tpu.memory_space<vmem>>
    %dma_wait3A_443 = tpu.memref_squeeze %dma_wait3A_442 : memref<1x128xi32, #tpu.memory_space<vmem>> -> memref<128xi32, #tpu.memory_space<vmem>>
    %dma_wait3A_444 = arith.constant 0 : i32
    %dma_wait3A_445 = arith.constant 0 : i32
    %dma_wait3A_446 = tpu.memref_slice %arg10[%dma_wait3A_444, %dma_wait3A_445] : memref<10240x16xf32, #tpu.memory_space<vmem_shared>> -> memref<10240x16xf32, #tpu.memory_space<vmem_shared>>
    tpu.wait_indirect_dma semaphore(%arg23 : memref<!tpu.dma_semaphore, #tpu.memory_space<semaphore_mem>>) src(%dma_wait3A_440 : memref<128x16xf32, #tpu.memory_space<vmem>>) dst(%dma_wait3A_446 : memref<10240x16xf32, #tpu.memory_space<vmem_shared>>)
    %dma_start3A_447 = arith.constant 36 : i32
    %dma_start3A_448 = arith.constant 4 : i32
    %dma_start3A_449 = arith.constant 0 : i32
    %dma_start3A_450 = arith.constant 0 : i32
    %dma_start3A_451 = tpu.memref_slice %arg8[%dma_start3A_448, %dma_start3A_449, %dma_start3A_450] : memref<8x128x16xf32, #tpu.memory_space<vmem>> -> memref<1x128x16xf32, #tpu.memory_space<vmem>>
    %dma_start3A_452 = tpu.memref_squeeze %dma_start3A_451 : memref<1x128x16xf32, #tpu.memory_space<vmem>> -> memref<128x16xf32, #tpu.memory_space<vmem>>
    %dma_start3A_453 = arith.constant 0 : i32
    %dma_start3A_454 = tpu.memref_slice %arg6[%dma_start3A_447, %dma_start3A_453] : memref<40x128xi32, #tpu.memory_space<vmem>> -> memref<1x128xi32, #tpu.memory_space<vmem>>
    %dma_start3A_455 = tpu.memref_squeeze %dma_start3A_454 : memref<1x128xi32, #tpu.memory_space<vmem>> -> memref<128xi32, #tpu.memory_space<vmem>>
    %dma_start3A_456 = arith.constant 0 : i32
    %dma_start3A_457 = arith.constant 0 : i32
    %dma_start3A_458 = tpu.memref_slice %arg2[%dma_start3A_456, %dma_start3A_457] : memref<10000x16xf32, #tpu.memory_space<hbm>> -> memref<10000x16xf32, #tpu.memory_space<hbm>>
    tpu.enqueue_indirect_dma source(%dma_start3A_458 : memref<10000x16xf32, #tpu.memory_space<hbm>>) target(%dma_start3A_452 : memref<128x16xf32, #tpu.memory_space<vmem>>) offsets(%dma_start3A_455 : memref<128xi32, #tpu.memory_space<vmem>>) semaphore(%arg15 : memref<!tpu.dma_semaphore, #tpu.memory_space<semaphore_mem>>)
    %dma_wait3A_459 = arith.constant 33 : i32
    %dma_wait3A_460 = arith.constant 1 : i32
    %dma_wait3A_461 = arith.constant 0 : i32
    %dma_wait3A_462 = arith.constant 0 : i32
    %dma_wait3A_463 = tpu.memref_slice %arg8[%dma_wait3A_460, %dma_wait3A_461, %dma_wait3A_462] : memref<8x128x16xf32, #tpu.memory_space<vmem>> -> memref<1x128x16xf32, #tpu.memory_space<vmem>>
    %dma_wait3A_464 = tpu.memref_squeeze %dma_wait3A_463 : memref<1x128x16xf32, #tpu.memory_space<vmem>> -> memref<128x16xf32, #tpu.memory_space<vmem>>
    %dma_wait3A_465 = arith.constant 0 : i32
    %dma_wait3A_466 = tpu.memref_slice %arg6[%dma_wait3A_459, %dma_wait3A_465] : memref<40x128xi32, #tpu.memory_space<vmem>> -> memref<1x128xi32, #tpu.memory_space<vmem>>
    %dma_wait3A_467 = tpu.memref_squeeze %dma_wait3A_466 : memref<1x128xi32, #tpu.memory_space<vmem>> -> memref<128xi32, #tpu.memory_space<vmem>>
    %dma_wait3A_468 = arith.constant 0 : i32
    %dma_wait3A_469 = arith.constant 0 : i32
    %dma_wait3A_470 = tpu.memref_slice %arg2[%dma_wait3A_468, %dma_wait3A_469] : memref<10000x16xf32, #tpu.memory_space<hbm>> -> memref<10000x16xf32, #tpu.memory_space<hbm>>
    tpu.wait_indirect_dma semaphore(%arg12 : memref<!tpu.dma_semaphore, #tpu.memory_space<semaphore_mem>>) src(%dma_wait3A_470 : memref<10000x16xf32, #tpu.memory_space<hbm>>) dst(%dma_wait3A_464 : memref<128x16xf32, #tpu.memory_space<vmem>>)
    %dma_start3A_471 = arith.constant 1 : i32
    %dma_start3A_472 = arith.constant 33 : i32
    %dma_start3A_473 = arith.constant 0 : i32
    %dma_start3A_474 = arith.constant 0 : i32
    %dma_start3A_475 = tpu.memref_slice %arg8[%dma_start3A_471, %dma_start3A_473, %dma_start3A_474] : memref<8x128x16xf32, #tpu.memory_space<vmem>> -> memref<1x128x16xf32, #tpu.memory_space<vmem>>
    %dma_start3A_476 = tpu.memref_squeeze %dma_start3A_475 : memref<1x128x16xf32, #tpu.memory_space<vmem>> -> memref<128x16xf32, #tpu.memory_space<vmem>>
    %dma_start3A_477 = arith.constant 0 : i32
    %dma_start3A_478 = tpu.memref_slice %arg7[%dma_start3A_472, %dma_start3A_477] : memref<40x128xi32, #tpu.memory_space<vmem>> -> memref<1x128xi32, #tpu.memory_space<vmem>>
    %dma_start3A_479 = tpu.memref_squeeze %dma_start3A_478 : memref<1x128xi32, #tpu.memory_space<vmem>> -> memref<128xi32, #tpu.memory_space<vmem>>
    %dma_start3A_480 = arith.constant 0 : i32
    %dma_start3A_481 = arith.constant 0 : i32
    %dma_start3A_482 = tpu.memref_slice %arg10[%dma_start3A_480, %dma_start3A_481] : memref<10240x16xf32, #tpu.memory_space<vmem_shared>> -> memref<10240x16xf32, #tpu.memory_space<vmem_shared>>
    tpu.enqueue_indirect_dma source(%dma_start3A_476 : memref<128x16xf32, #tpu.memory_space<vmem>>) target(%dma_start3A_482 : memref<10240x16xf32, #tpu.memory_space<vmem_shared>>) offsets(%dma_start3A_479 : memref<128xi32, #tpu.memory_space<vmem>>) semaphore(%arg20 : memref<!tpu.dma_semaphore, #tpu.memory_space<semaphore_mem>>) {add = true}
    %dma_wait3A_483 = arith.constant 5 : i32
    %dma_wait3A_484 = arith.constant 29 : i32
    %dma_wait3A_485 = arith.constant 0 : i32
    %dma_wait3A_486 = arith.constant 0 : i32
    %dma_wait3A_487 = tpu.memref_slice %arg8[%dma_wait3A_483, %dma_wait3A_485, %dma_wait3A_486] : memref<8x128x16xf32, #tpu.memory_space<vmem>> -> memref<1x128x16xf32, #tpu.memory_space<vmem>>
    %dma_wait3A_488 = tpu.memref_squeeze %dma_wait3A_487 : memref<1x128x16xf32, #tpu.memory_space<vmem>> -> memref<128x16xf32, #tpu.memory_space<vmem>>
    %dma_wait3A_489 = arith.constant 0 : i32
    %dma_wait3A_490 = tpu.memref_slice %arg7[%dma_wait3A_484, %dma_wait3A_489] : memref<40x128xi32, #tpu.memory_space<vmem>> -> memref<1x128xi32, #tpu.memory_space<vmem>>
    %dma_wait3A_491 = tpu.memref_squeeze %dma_wait3A_490 : memref<1x128xi32, #tpu.memory_space<vmem>> -> memref<128xi32, #tpu.memory_space<vmem>>
    %dma_wait3A_492 = arith.constant 0 : i32
    %dma_wait3A_493 = arith.constant 0 : i32
    %dma_wait3A_494 = tpu.memref_slice %arg10[%dma_wait3A_492, %dma_wait3A_493] : memref<10240x16xf32, #tpu.memory_space<vmem_shared>> -> memref<10240x16xf32, #tpu.memory_space<vmem_shared>>
    tpu.wait_indirect_dma semaphore(%arg24 : memref<!tpu.dma_semaphore, #tpu.memory_space<semaphore_mem>>) src(%dma_wait3A_488 : memref<128x16xf32, #tpu.memory_space<vmem>>) dst(%dma_wait3A_494 : memref<10240x16xf32, #tpu.memory_space<vmem_shared>>)
    %dma_start3A_495 = arith.constant 37 : i32
    %dma_start3A_496 = arith.constant 5 : i32
    %dma_start3A_497 = arith.constant 0 : i32
    %dma_start3A_498 = arith.constant 0 : i32
    %dma_start3A_499 = tpu.memref_slice %arg8[%dma_start3A_496, %dma_start3A_497, %dma_start3A_498] : memref<8x128x16xf32, #tpu.memory_space<vmem>> -> memref<1x128x16xf32, #tpu.memory_space<vmem>>
    %dma_start3A_500 = tpu.memref_squeeze %dma_start3A_499 : memref<1x128x16xf32, #tpu.memory_space<vmem>> -> memref<128x16xf32, #tpu.memory_space<vmem>>
    %dma_start3A_501 = arith.constant 0 : i32
    %dma_start3A_502 = tpu.memref_slice %arg6[%dma_start3A_495, %dma_start3A_501] : memref<40x128xi32, #tpu.memory_space<vmem>> -> memref<1x128xi32, #tpu.memory_space<vmem>>
    %dma_start3A_503 = tpu.memref_squeeze %dma_start3A_502 : memref<1x128xi32, #tpu.memory_space<vmem>> -> memref<128xi32, #tpu.memory_space<vmem>>
    %dma_start3A_504 = arith.constant 0 : i32
    %dma_start3A_505 = arith.constant 0 : i32
    %dma_start3A_506 = tpu.memref_slice %arg2[%dma_start3A_504, %dma_start3A_505] : memref<10000x16xf32, #tpu.memory_space<hbm>> -> memref<10000x16xf32, #tpu.memory_space<hbm>>
    tpu.enqueue_indirect_dma source(%dma_start3A_506 : memref<10000x16xf32, #tpu.memory_space<hbm>>) target(%dma_start3A_500 : memref<128x16xf32, #tpu.memory_space<vmem>>) offsets(%dma_start3A_503 : memref<128xi32, #tpu.memory_space<vmem>>) semaphore(%arg16 : memref<!tpu.dma_semaphore, #tpu.memory_space<semaphore_mem>>)
    %dma_wait3A_507 = arith.constant 34 : i32
    %dma_wait3A_508 = arith.constant 2 : i32
    %dma_wait3A_509 = arith.constant 0 : i32
    %dma_wait3A_510 = arith.constant 0 : i32
    %dma_wait3A_511 = tpu.memref_slice %arg8[%dma_wait3A_508, %dma_wait3A_509, %dma_wait3A_510] : memref<8x128x16xf32, #tpu.memory_space<vmem>> -> memref<1x128x16xf32, #tpu.memory_space<vmem>>
    %dma_wait3A_512 = tpu.memref_squeeze %dma_wait3A_511 : memref<1x128x16xf32, #tpu.memory_space<vmem>> -> memref<128x16xf32, #tpu.memory_space<vmem>>
    %dma_wait3A_513 = arith.constant 0 : i32
    %dma_wait3A_514 = tpu.memref_slice %arg6[%dma_wait3A_507, %dma_wait3A_513] : memref<40x128xi32, #tpu.memory_space<vmem>> -> memref<1x128xi32, #tpu.memory_space<vmem>>
    %dma_wait3A_515 = tpu.memref_squeeze %dma_wait3A_514 : memref<1x128xi32, #tpu.memory_space<vmem>> -> memref<128xi32, #tpu.memory_space<vmem>>
    %dma_wait3A_516 = arith.constant 0 : i32
    %dma_wait3A_517 = arith.constant 0 : i32
    %dma_wait3A_518 = tpu.memref_slice %arg2[%dma_wait3A_516, %dma_wait3A_517] : memref<10000x16xf32, #tpu.memory_space<hbm>> -> memref<10000x16xf32, #tpu.memory_space<hbm>>
    tpu.wait_indirect_dma semaphore(%arg13 : memref<!tpu.dma_semaphore, #tpu.memory_space<semaphore_mem>>) src(%dma_wait3A_518 : memref<10000x16xf32, #tpu.memory_space<hbm>>) dst(%dma_wait3A_512 : memref<128x16xf32, #tpu.memory_space<vmem>>)
    %dma_start3A_519 = arith.constant 2 : i32
    %dma_start3A_520 = arith.constant 34 : i32
    %dma_start3A_521 = arith.constant 0 : i32
    %dma_start3A_522 = arith.constant 0 : i32
    %dma_start3A_523 = tpu.memref_slice %arg8[%dma_start3A_519, %dma_start3A_521, %dma_start3A_522] : memref<8x128x16xf32, #tpu.memory_space<vmem>> -> memref<1x128x16xf32, #tpu.memory_space<vmem>>
    %dma_start3A_524 = tpu.memref_squeeze %dma_start3A_523 : memref<1x128x16xf32, #tpu.memory_space<vmem>> -> memref<128x16xf32, #tpu.memory_space<vmem>>
    %dma_start3A_525 = arith.constant 0 : i32
    %dma_start3A_526 = tpu.memref_slice %arg7[%dma_start3A_520, %dma_start3A_525] : memref<40x128xi32, #tpu.memory_space<vmem>> -> memref<1x128xi32, #tpu.memory_space<vmem>>
    %dma_start3A_527 = tpu.memref_squeeze %dma_start3A_526 : memref<1x128xi32, #tpu.memory_space<vmem>> -> memref<128xi32, #tpu.memory_space<vmem>>
    %dma_start3A_528 = arith.constant 0 : i32
    %dma_start3A_529 = arith.constant 0 : i32
    %dma_start3A_530 = tpu.memref_slice %arg10[%dma_start3A_528, %dma_start3A_529] : memref<10240x16xf32, #tpu.memory_space<vmem_shared>> -> memref<10240x16xf32, #tpu.memory_space<vmem_shared>>
    tpu.enqueue_indirect_dma source(%dma_start3A_524 : memref<128x16xf32, #tpu.memory_space<vmem>>) target(%dma_start3A_530 : memref<10240x16xf32, #tpu.memory_space<vmem_shared>>) offsets(%dma_start3A_527 : memref<128xi32, #tpu.memory_space<vmem>>) semaphore(%arg21 : memref<!tpu.dma_semaphore, #tpu.memory_space<semaphore_mem>>) {add = true}
    %dma_wait3A_531 = arith.constant 6 : i32
    %dma_wait3A_532 = arith.constant 30 : i32
    %dma_wait3A_533 = arith.constant 0 : i32
    %dma_wait3A_534 = arith.constant 0 : i32
    %dma_wait3A_535 = tpu.memref_slice %arg8[%dma_wait3A_531, %dma_wait3A_533, %dma_wait3A_534] : memref<8x128x16xf32, #tpu.memory_space<vmem>> -> memref<1x128x16xf32, #tpu.memory_space<vmem>>
    %dma_wait3A_536 = tpu.memref_squeeze %dma_wait3A_535 : memref<1x128x16xf32, #tpu.memory_space<vmem>> -> memref<128x16xf32, #tpu.memory_space<vmem>>
    %dma_wait3A_537 = arith.constant 0 : i32
    %dma_wait3A_538 = tpu.memref_slice %arg7[%dma_wait3A_532, %dma_wait3A_537] : memref<40x128xi32, #tpu.memory_space<vmem>> -> memref<1x128xi32, #tpu.memory_space<vmem>>
    %dma_wait3A_539 = tpu.memref_squeeze %dma_wait3A_538 : memref<1x128xi32, #tpu.memory_space<vmem>> -> memref<128xi32, #tpu.memory_space<vmem>>
    %dma_wait3A_540 = arith.constant 0 : i32
    %dma_wait3A_541 = arith.constant 0 : i32
    %dma_wait3A_542 = tpu.memref_slice %arg10[%dma_wait3A_540, %dma_wait3A_541] : memref<10240x16xf32, #tpu.memory_space<vmem_shared>> -> memref<10240x16xf32, #tpu.memory_space<vmem_shared>>
    tpu.wait_indirect_dma semaphore(%arg25 : memref<!tpu.dma_semaphore, #tpu.memory_space<semaphore_mem>>) src(%dma_wait3A_536 : memref<128x16xf32, #tpu.memory_space<vmem>>) dst(%dma_wait3A_542 : memref<10240x16xf32, #tpu.memory_space<vmem_shared>>)
    %dma_start3A_543 = arith.constant 38 : i32
    %dma_start3A_544 = arith.constant 6 : i32
    %dma_start3A_545 = arith.constant 0 : i32
    %dma_start3A_546 = arith.constant 0 : i32
    %dma_start3A_547 = tpu.memref_slice %arg8[%dma_start3A_544, %dma_start3A_545, %dma_start3A_546] : memref<8x128x16xf32, #tpu.memory_space<vmem>> -> memref<1x128x16xf32, #tpu.memory_space<vmem>>
    %dma_start3A_548 = tpu.memref_squeeze %dma_start3A_547 : memref<1x128x16xf32, #tpu.memory_space<vmem>> -> memref<128x16xf32, #tpu.memory_space<vmem>>
    %dma_start3A_549 = arith.constant 0 : i32
    %dma_start3A_550 = tpu.memref_slice %arg6[%dma_start3A_543, %dma_start3A_549] : memref<40x128xi32, #tpu.memory_space<vmem>> -> memref<1x128xi32, #tpu.memory_space<vmem>>
    %dma_start3A_551 = tpu.memref_squeeze %dma_start3A_550 : memref<1x128xi32, #tpu.memory_space<vmem>> -> memref<128xi32, #tpu.memory_space<vmem>>
    %dma_start3A_552 = arith.constant 0 : i32
    %dma_start3A_553 = arith.constant 0 : i32
    %dma_start3A_554 = tpu.memref_slice %arg2[%dma_start3A_552, %dma_start3A_553] : memref<10000x16xf32, #tpu.memory_space<hbm>> -> memref<10000x16xf32, #tpu.memory_space<hbm>>
    tpu.enqueue_indirect_dma source(%dma_start3A_554 : memref<10000x16xf32, #tpu.memory_space<hbm>>) target(%dma_start3A_548 : memref<128x16xf32, #tpu.memory_space<vmem>>) offsets(%dma_start3A_551 : memref<128xi32, #tpu.memory_space<vmem>>) semaphore(%arg17 : memref<!tpu.dma_semaphore, #tpu.memory_space<semaphore_mem>>)
    %dma_wait3A_555 = arith.constant 35 : i32
    %dma_wait3A_556 = arith.constant 3 : i32
    %dma_wait3A_557 = arith.constant 0 : i32
    %dma_wait3A_558 = arith.constant 0 : i32
    %dma_wait3A_559 = tpu.memref_slice %arg8[%dma_wait3A_556, %dma_wait3A_557, %dma_wait3A_558] : memref<8x128x16xf32, #tpu.memory_space<vmem>> -> memref<1x128x16xf32, #tpu.memory_space<vmem>>
    %dma_wait3A_560 = tpu.memref_squeeze %dma_wait3A_559 : memref<1x128x16xf32, #tpu.memory_space<vmem>> -> memref<128x16xf32, #tpu.memory_space<vmem>>
    %dma_wait3A_561 = arith.constant 0 : i32
    %dma_wait3A_562 = tpu.memref_slice %arg6[%dma_wait3A_555, %dma_wait3A_561] : memref<40x128xi32, #tpu.memory_space<vmem>> -> memref<1x128xi32, #tpu.memory_space<vmem>>
    %dma_wait3A_563 = tpu.memref_squeeze %dma_wait3A_562 : memref<1x128xi32, #tpu.memory_space<vmem>> -> memref<128xi32, #tpu.memory_space<vmem>>
    %dma_wait3A_564 = arith.constant 0 : i32
    %dma_wait3A_565 = arith.constant 0 : i32
    %dma_wait3A_566 = tpu.memref_slice %arg2[%dma_wait3A_564, %dma_wait3A_565] : memref<10000x16xf32, #tpu.memory_space<hbm>> -> memref<10000x16xf32, #tpu.memory_space<hbm>>
    tpu.wait_indirect_dma semaphore(%arg14 : memref<!tpu.dma_semaphore, #tpu.memory_space<semaphore_mem>>) src(%dma_wait3A_566 : memref<10000x16xf32, #tpu.memory_space<hbm>>) dst(%dma_wait3A_560 : memref<128x16xf32, #tpu.memory_space<vmem>>)
    %dma_start3A_567 = arith.constant 3 : i32
    %dma_start3A_568 = arith.constant 35 : i32
    %dma_start3A_569 = arith.constant 0 : i32
    %dma_start3A_570 = arith.constant 0 : i32
    %dma_start3A_571 = tpu.memref_slice %arg8[%dma_start3A_567, %dma_start3A_569, %dma_start3A_570] : memref<8x128x16xf32, #tpu.memory_space<vmem>> -> memref<1x128x16xf32, #tpu.memory_space<vmem>>
    %dma_start3A_572 = tpu.memref_squeeze %dma_start3A_571 : memref<1x128x16xf32, #tpu.memory_space<vmem>> -> memref<128x16xf32, #tpu.memory_space<vmem>>
    %dma_start3A_573 = arith.constant 0 : i32
    %dma_start3A_574 = tpu.memref_slice %arg7[%dma_start3A_568, %dma_start3A_573] : memref<40x128xi32, #tpu.memory_space<vmem>> -> memref<1x128xi32, #tpu.memory_space<vmem>>
    %dma_start3A_575 = tpu.memref_squeeze %dma_start3A_574 : memref<1x128xi32, #tpu.memory_space<vmem>> -> memref<128xi32, #tpu.memory_space<vmem>>
    %dma_start3A_576 = arith.constant 0 : i32
    %dma_start3A_577 = arith.constant 0 : i32
    %dma_start3A_578 = tpu.memref_slice %arg10[%dma_start3A_576, %dma_start3A_577] : memref<10240x16xf32, #tpu.memory_space<vmem_shared>> -> memref<10240x16xf32, #tpu.memory_space<vmem_shared>>
    tpu.enqueue_indirect_dma source(%dma_start3A_572 : memref<128x16xf32, #tpu.memory_space<vmem>>) target(%dma_start3A_578 : memref<10240x16xf32, #tpu.memory_space<vmem_shared>>) offsets(%dma_start3A_575 : memref<128xi32, #tpu.memory_space<vmem>>) semaphore(%arg22 : memref<!tpu.dma_semaphore, #tpu.memory_space<semaphore_mem>>) {add = true}
    %dma_wait3A_579 = arith.constant 7 : i32
    %dma_wait3A_580 = arith.constant 31 : i32
    %dma_wait3A_581 = arith.constant 0 : i32
    %dma_wait3A_582 = arith.constant 0 : i32
    %dma_wait3A_583 = tpu.memref_slice %arg8[%dma_wait3A_579, %dma_wait3A_581, %dma_wait3A_582] : memref<8x128x16xf32, #tpu.memory_space<vmem>> -> memref<1x128x16xf32, #tpu.memory_space<vmem>>
    %dma_wait3A_584 = tpu.memref_squeeze %dma_wait3A_583 : memref<1x128x16xf32, #tpu.memory_space<vmem>> -> memref<128x16xf32, #tpu.memory_space<vmem>>
    %dma_wait3A_585 = arith.constant 0 : i32
    %dma_wait3A_586 = tpu.memref_slice %arg7[%dma_wait3A_580, %dma_wait3A_585] : memref<40x128xi32, #tpu.memory_space<vmem>> -> memref<1x128xi32, #tpu.memory_space<vmem>>
    %dma_wait3A_587 = tpu.memref_squeeze %dma_wait3A_586 : memref<1x128xi32, #tpu.memory_space<vmem>> -> memref<128xi32, #tpu.memory_space<vmem>>
    %dma_wait3A_588 = arith.constant 0 : i32
    %dma_wait3A_589 = arith.constant 0 : i32
    %dma_wait3A_590 = tpu.memref_slice %arg10[%dma_wait3A_588, %dma_wait3A_589] : memref<10240x16xf32, #tpu.memory_space<vmem_shared>> -> memref<10240x16xf32, #tpu.memory_space<vmem_shared>>
    tpu.wait_indirect_dma semaphore(%arg26 : memref<!tpu.dma_semaphore, #tpu.memory_space<semaphore_mem>>) src(%dma_wait3A_584 : memref<128x16xf32, #tpu.memory_space<vmem>>) dst(%dma_wait3A_590 : memref<10240x16xf32, #tpu.memory_space<vmem_shared>>)
    %dma_start3A_591 = arith.constant 39 : i32
    %dma_start3A_592 = arith.constant 7 : i32
    %dma_start3A_593 = arith.constant 0 : i32
    %dma_start3A_594 = arith.constant 0 : i32
    %dma_start3A_595 = tpu.memref_slice %arg8[%dma_start3A_592, %dma_start3A_593, %dma_start3A_594] : memref<8x128x16xf32, #tpu.memory_space<vmem>> -> memref<1x128x16xf32, #tpu.memory_space<vmem>>
    %dma_start3A_596 = tpu.memref_squeeze %dma_start3A_595 : memref<1x128x16xf32, #tpu.memory_space<vmem>> -> memref<128x16xf32, #tpu.memory_space<vmem>>
    %dma_start3A_597 = arith.constant 0 : i32
    %dma_start3A_598 = tpu.memref_slice %arg6[%dma_start3A_591, %dma_start3A_597] : memref<40x128xi32, #tpu.memory_space<vmem>> -> memref<1x128xi32, #tpu.memory_space<vmem>>
    %dma_start3A_599 = tpu.memref_squeeze %dma_start3A_598 : memref<1x128xi32, #tpu.memory_space<vmem>> -> memref<128xi32, #tpu.memory_space<vmem>>
    %dma_start3A_600 = arith.constant 0 : i32
    %dma_start3A_601 = arith.constant 0 : i32
    %dma_start3A_602 = tpu.memref_slice %arg2[%dma_start3A_600, %dma_start3A_601] : memref<10000x16xf32, #tpu.memory_space<hbm>> -> memref<10000x16xf32, #tpu.memory_space<hbm>>
    tpu.enqueue_indirect_dma source(%dma_start3A_602 : memref<10000x16xf32, #tpu.memory_space<hbm>>) target(%dma_start3A_596 : memref<128x16xf32, #tpu.memory_space<vmem>>) offsets(%dma_start3A_599 : memref<128xi32, #tpu.memory_space<vmem>>) semaphore(%arg18 : memref<!tpu.dma_semaphore, #tpu.memory_space<semaphore_mem>>)
    %dma_wait3A_603 = arith.constant 36 : i32
    %dma_wait3A_604 = arith.constant 4 : i32
    %dma_wait3A_605 = arith.constant 0 : i32
    %dma_wait3A_606 = arith.constant 0 : i32
    %dma_wait3A_607 = tpu.memref_slice %arg8[%dma_wait3A_604, %dma_wait3A_605, %dma_wait3A_606] : memref<8x128x16xf32, #tpu.memory_space<vmem>> -> memref<1x128x16xf32, #tpu.memory_space<vmem>>
    %dma_wait3A_608 = tpu.memref_squeeze %dma_wait3A_607 : memref<1x128x16xf32, #tpu.memory_space<vmem>> -> memref<128x16xf32, #tpu.memory_space<vmem>>
    %dma_wait3A_609 = arith.constant 0 : i32
    %dma_wait3A_610 = tpu.memref_slice %arg6[%dma_wait3A_603, %dma_wait3A_609] : memref<40x128xi32, #tpu.memory_space<vmem>> -> memref<1x128xi32, #tpu.memory_space<vmem>>
    %dma_wait3A_611 = tpu.memref_squeeze %dma_wait3A_610 : memref<1x128xi32, #tpu.memory_space<vmem>> -> memref<128xi32, #tpu.memory_space<vmem>>
    %dma_wait3A_612 = arith.constant 0 : i32
    %dma_wait3A_613 = arith.constant 0 : i32
    %dma_wait3A_614 = tpu.memref_slice %arg2[%dma_wait3A_612, %dma_wait3A_613] : memref<10000x16xf32, #tpu.memory_space<hbm>> -> memref<10000x16xf32, #tpu.memory_space<hbm>>
    tpu.wait_indirect_dma semaphore(%arg15 : memref<!tpu.dma_semaphore, #tpu.memory_space<semaphore_mem>>) src(%dma_wait3A_614 : memref<10000x16xf32, #tpu.memory_space<hbm>>) dst(%dma_wait3A_608 : memref<128x16xf32, #tpu.memory_space<vmem>>)
    %dma_start3A_615 = arith.constant 4 : i32
    %dma_start3A_616 = arith.constant 36 : i32
    %dma_start3A_617 = arith.constant 0 : i32
    %dma_start3A_618 = arith.constant 0 : i32
    %dma_start3A_619 = tpu.memref_slice %arg8[%dma_start3A_615, %dma_start3A_617, %dma_start3A_618] : memref<8x128x16xf32, #tpu.memory_space<vmem>> -> memref<1x128x16xf32, #tpu.memory_space<vmem>>
    %dma_start3A_620 = tpu.memref_squeeze %dma_start3A_619 : memref<1x128x16xf32, #tpu.memory_space<vmem>> -> memref<128x16xf32, #tpu.memory_space<vmem>>
    %dma_start3A_621 = arith.constant 0 : i32
    %dma_start3A_622 = tpu.memref_slice %arg7[%dma_start3A_616, %dma_start3A_621] : memref<40x128xi32, #tpu.memory_space<vmem>> -> memref<1x128xi32, #tpu.memory_space<vmem>>
    %dma_start3A_623 = tpu.memref_squeeze %dma_start3A_622 : memref<1x128xi32, #tpu.memory_space<vmem>> -> memref<128xi32, #tpu.memory_space<vmem>>
    %dma_start3A_624 = arith.constant 0 : i32
    %dma_start3A_625 = arith.constant 0 : i32
    %dma_start3A_626 = tpu.memref_slice %arg10[%dma_start3A_624, %dma_start3A_625] : memref<10240x16xf32, #tpu.memory_space<vmem_shared>> -> memref<10240x16xf32, #tpu.memory_space<vmem_shared>>
    tpu.enqueue_indirect_dma source(%dma_start3A_620 : memref<128x16xf32, #tpu.memory_space<vmem>>) target(%dma_start3A_626 : memref<10240x16xf32, #tpu.memory_space<vmem_shared>>) offsets(%dma_start3A_623 : memref<128xi32, #tpu.memory_space<vmem>>) semaphore(%arg23 : memref<!tpu.dma_semaphore, #tpu.memory_space<semaphore_mem>>) {add = true}
    %dma_wait3A_627 = arith.constant 0 : i32
    %dma_wait3A_628 = arith.constant 32 : i32
    %dma_wait3A_629 = arith.constant 0 : i32
    %dma_wait3A_630 = arith.constant 0 : i32
    %dma_wait3A_631 = tpu.memref_slice %arg8[%dma_wait3A_627, %dma_wait3A_629, %dma_wait3A_630] : memref<8x128x16xf32, #tpu.memory_space<vmem>> -> memref<1x128x16xf32, #tpu.memory_space<vmem>>
    %dma_wait3A_632 = tpu.memref_squeeze %dma_wait3A_631 : memref<1x128x16xf32, #tpu.memory_space<vmem>> -> memref<128x16xf32, #tpu.memory_space<vmem>>
    %dma_wait3A_633 = arith.constant 0 : i32
    %dma_wait3A_634 = tpu.memref_slice %arg7[%dma_wait3A_628, %dma_wait3A_633] : memref<40x128xi32, #tpu.memory_space<vmem>> -> memref<1x128xi32, #tpu.memory_space<vmem>>
    %dma_wait3A_635 = tpu.memref_squeeze %dma_wait3A_634 : memref<1x128xi32, #tpu.memory_space<vmem>> -> memref<128xi32, #tpu.memory_space<vmem>>
    %dma_wait3A_636 = arith.constant 0 : i32
    %dma_wait3A_637 = arith.constant 0 : i32
    %dma_wait3A_638 = tpu.memref_slice %arg10[%dma_wait3A_636, %dma_wait3A_637] : memref<10240x16xf32, #tpu.memory_space<vmem_shared>> -> memref<10240x16xf32, #tpu.memory_space<vmem_shared>>
    tpu.wait_indirect_dma semaphore(%arg19 : memref<!tpu.dma_semaphore, #tpu.memory_space<semaphore_mem>>) src(%dma_wait3A_632 : memref<128x16xf32, #tpu.memory_space<vmem>>) dst(%dma_wait3A_638 : memref<10240x16xf32, #tpu.memory_space<vmem_shared>>)
    %dma_wait3A_639 = arith.constant 37 : i32
    %dma_wait3A_640 = arith.constant 5 : i32
    %dma_wait3A_641 = arith.constant 0 : i32
    %dma_wait3A_642 = arith.constant 0 : i32
    %dma_wait3A_643 = tpu.memref_slice %arg8[%dma_wait3A_640, %dma_wait3A_641, %dma_wait3A_642] : memref<8x128x16xf32, #tpu.memory_space<vmem>> -> memref<1x128x16xf32, #tpu.memory_space<vmem>>
    %dma_wait3A_644 = tpu.memref_squeeze %dma_wait3A_643 : memref<1x128x16xf32, #tpu.memory_space<vmem>> -> memref<128x16xf32, #tpu.memory_space<vmem>>
    %dma_wait3A_645 = arith.constant 0 : i32
    %dma_wait3A_646 = tpu.memref_slice %arg6[%dma_wait3A_639, %dma_wait3A_645] : memref<40x128xi32, #tpu.memory_space<vmem>> -> memref<1x128xi32, #tpu.memory_space<vmem>>
    %dma_wait3A_647 = tpu.memref_squeeze %dma_wait3A_646 : memref<1x128xi32, #tpu.memory_space<vmem>> -> memref<128xi32, #tpu.memory_space<vmem>>
    %dma_wait3A_648 = arith.constant 0 : i32
    %dma_wait3A_649 = arith.constant 0 : i32
    %dma_wait3A_650 = tpu.memref_slice %arg2[%dma_wait3A_648, %dma_wait3A_649] : memref<10000x16xf32, #tpu.memory_space<hbm>> -> memref<10000x16xf32, #tpu.memory_space<hbm>>
    tpu.wait_indirect_dma semaphore(%arg16 : memref<!tpu.dma_semaphore, #tpu.memory_space<semaphore_mem>>) src(%dma_wait3A_650 : memref<10000x16xf32, #tpu.memory_space<hbm>>) dst(%dma_wait3A_644 : memref<128x16xf32, #tpu.memory_space<vmem>>)
    %dma_start3A_651 = arith.constant 5 : i32
    %dma_start3A_652 = arith.constant 37 : i32
    %dma_start3A_653 = arith.constant 0 : i32
    %dma_start3A_654 = arith.constant 0 : i32
    %dma_start3A_655 = tpu.memref_slice %arg8[%dma_start3A_651, %dma_start3A_653, %dma_start3A_654] : memref<8x128x16xf32, #tpu.memory_space<vmem>> -> memref<1x128x16xf32, #tpu.memory_space<vmem>>
    %dma_start3A_656 = tpu.memref_squeeze %dma_start3A_655 : memref<1x128x16xf32, #tpu.memory_space<vmem>> -> memref<128x16xf32, #tpu.memory_space<vmem>>
    %dma_start3A_657 = arith.constant 0 : i32
    %dma_start3A_658 = tpu.memref_slice %arg7[%dma_start3A_652, %dma_start3A_657] : memref<40x128xi32, #tpu.memory_space<vmem>> -> memref<1x128xi32, #tpu.memory_space<vmem>>
    %dma_start3A_659 = tpu.memref_squeeze %dma_start3A_658 : memref<1x128xi32, #tpu.memory_space<vmem>> -> memref<128xi32, #tpu.memory_space<vmem>>
    %dma_start3A_660 = arith.constant 0 : i32
    %dma_start3A_661 = arith.constant 0 : i32
    %dma_start3A_662 = tpu.memref_slice %arg10[%dma_start3A_660, %dma_start3A_661] : memref<10240x16xf32, #tpu.memory_space<vmem_shared>> -> memref<10240x16xf32, #tpu.memory_space<vmem_shared>>
    tpu.enqueue_indirect_dma source(%dma_start3A_656 : memref<128x16xf32, #tpu.memory_space<vmem>>) target(%dma_start3A_662 : memref<10240x16xf32, #tpu.memory_space<vmem_shared>>) offsets(%dma_start3A_659 : memref<128xi32, #tpu.memory_space<vmem>>) semaphore(%arg24 : memref<!tpu.dma_semaphore, #tpu.memory_space<semaphore_mem>>) {add = true}
    %dma_wait3A_663 = arith.constant 1 : i32
    %dma_wait3A_664 = arith.constant 33 : i32
    %dma_wait3A_665 = arith.constant 0 : i32
    %dma_wait3A_666 = arith.constant 0 : i32
    %dma_wait3A_667 = tpu.memref_slice %arg8[%dma_wait3A_663, %dma_wait3A_665, %dma_wait3A_666] : memref<8x128x16xf32, #tpu.memory_space<vmem>> -> memref<1x128x16xf32, #tpu.memory_space<vmem>>
    %dma_wait3A_668 = tpu.memref_squeeze %dma_wait3A_667 : memref<1x128x16xf32, #tpu.memory_space<vmem>> -> memref<128x16xf32, #tpu.memory_space<vmem>>
    %dma_wait3A_669 = arith.constant 0 : i32
    %dma_wait3A_670 = tpu.memref_slice %arg7[%dma_wait3A_664, %dma_wait3A_669] : memref<40x128xi32, #tpu.memory_space<vmem>> -> memref<1x128xi32, #tpu.memory_space<vmem>>
    %dma_wait3A_671 = tpu.memref_squeeze %dma_wait3A_670 : memref<1x128xi32, #tpu.memory_space<vmem>> -> memref<128xi32, #tpu.memory_space<vmem>>
    %dma_wait3A_672 = arith.constant 0 : i32
    %dma_wait3A_673 = arith.constant 0 : i32
    %dma_wait3A_674 = tpu.memref_slice %arg10[%dma_wait3A_672, %dma_wait3A_673] : memref<10240x16xf32, #tpu.memory_space<vmem_shared>> -> memref<10240x16xf32, #tpu.memory_space<vmem_shared>>
    tpu.wait_indirect_dma semaphore(%arg20 : memref<!tpu.dma_semaphore, #tpu.memory_space<semaphore_mem>>) src(%dma_wait3A_668 : memref<128x16xf32, #tpu.memory_space<vmem>>) dst(%dma_wait3A_674 : memref<10240x16xf32, #tpu.memory_space<vmem_shared>>)
    %dma_wait3A_675 = arith.constant 38 : i32
    %dma_wait3A_676 = arith.constant 6 : i32
    %dma_wait3A_677 = arith.constant 0 : i32
    %dma_wait3A_678 = arith.constant 0 : i32
    %dma_wait3A_679 = tpu.memref_slice %arg8[%dma_wait3A_676, %dma_wait3A_677, %dma_wait3A_678] : memref<8x128x16xf32, #tpu.memory_space<vmem>> -> memref<1x128x16xf32, #tpu.memory_space<vmem>>
    %dma_wait3A_680 = tpu.memref_squeeze %dma_wait3A_679 : memref<1x128x16xf32, #tpu.memory_space<vmem>> -> memref<128x16xf32, #tpu.memory_space<vmem>>
    %dma_wait3A_681 = arith.constant 0 : i32
    %dma_wait3A_682 = tpu.memref_slice %arg6[%dma_wait3A_675, %dma_wait3A_681] : memref<40x128xi32, #tpu.memory_space<vmem>> -> memref<1x128xi32, #tpu.memory_space<vmem>>
    %dma_wait3A_683 = tpu.memref_squeeze %dma_wait3A_682 : memref<1x128xi32, #tpu.memory_space<vmem>> -> memref<128xi32, #tpu.memory_space<vmem>>
    %dma_wait3A_684 = arith.constant 0 : i32
    %dma_wait3A_685 = arith.constant 0 : i32
    %dma_wait3A_686 = tpu.memref_slice %arg2[%dma_wait3A_684, %dma_wait3A_685] : memref<10000x16xf32, #tpu.memory_space<hbm>> -> memref<10000x16xf32, #tpu.memory_space<hbm>>
    tpu.wait_indirect_dma semaphore(%arg17 : memref<!tpu.dma_semaphore, #tpu.memory_space<semaphore_mem>>) src(%dma_wait3A_686 : memref<10000x16xf32, #tpu.memory_space<hbm>>) dst(%dma_wait3A_680 : memref<128x16xf32, #tpu.memory_space<vmem>>)
    %dma_start3A_687 = arith.constant 6 : i32
    %dma_start3A_688 = arith.constant 38 : i32
    %dma_start3A_689 = arith.constant 0 : i32
    %dma_start3A_690 = arith.constant 0 : i32
    %dma_start3A_691 = tpu.memref_slice %arg8[%dma_start3A_687, %dma_start3A_689, %dma_start3A_690] : memref<8x128x16xf32, #tpu.memory_space<vmem>> -> memref<1x128x16xf32, #tpu.memory_space<vmem>>
    %dma_start3A_692 = tpu.memref_squeeze %dma_start3A_691 : memref<1x128x16xf32, #tpu.memory_space<vmem>> -> memref<128x16xf32, #tpu.memory_space<vmem>>
    %dma_start3A_693 = arith.constant 0 : i32
    %dma_start3A_694 = tpu.memref_slice %arg7[%dma_start3A_688, %dma_start3A_693] : memref<40x128xi32, #tpu.memory_space<vmem>> -> memref<1x128xi32, #tpu.memory_space<vmem>>
    %dma_start3A_695 = tpu.memref_squeeze %dma_start3A_694 : memref<1x128xi32, #tpu.memory_space<vmem>> -> memref<128xi32, #tpu.memory_space<vmem>>
    %dma_start3A_696 = arith.constant 0 : i32
    %dma_start3A_697 = arith.constant 0 : i32
    %dma_start3A_698 = tpu.memref_slice %arg10[%dma_start3A_696, %dma_start3A_697] : memref<10240x16xf32, #tpu.memory_space<vmem_shared>> -> memref<10240x16xf32, #tpu.memory_space<vmem_shared>>
    tpu.enqueue_indirect_dma source(%dma_start3A_692 : memref<128x16xf32, #tpu.memory_space<vmem>>) target(%dma_start3A_698 : memref<10240x16xf32, #tpu.memory_space<vmem_shared>>) offsets(%dma_start3A_695 : memref<128xi32, #tpu.memory_space<vmem>>) semaphore(%arg25 : memref<!tpu.dma_semaphore, #tpu.memory_space<semaphore_mem>>) {add = true}
    %dma_wait3A_699 = arith.constant 2 : i32
    %dma_wait3A_700 = arith.constant 34 : i32
    %dma_wait3A_701 = arith.constant 0 : i32
    %dma_wait3A_702 = arith.constant 0 : i32
    %dma_wait3A_703 = tpu.memref_slice %arg8[%dma_wait3A_699, %dma_wait3A_701, %dma_wait3A_702] : memref<8x128x16xf32, #tpu.memory_space<vmem>> -> memref<1x128x16xf32, #tpu.memory_space<vmem>>
    %dma_wait3A_704 = tpu.memref_squeeze %dma_wait3A_703 : memref<1x128x16xf32, #tpu.memory_space<vmem>> -> memref<128x16xf32, #tpu.memory_space<vmem>>
    %dma_wait3A_705 = arith.constant 0 : i32
    %dma_wait3A_706 = tpu.memref_slice %arg7[%dma_wait3A_700, %dma_wait3A_705] : memref<40x128xi32, #tpu.memory_space<vmem>> -> memref<1x128xi32, #tpu.memory_space<vmem>>
    %dma_wait3A_707 = tpu.memref_squeeze %dma_wait3A_706 : memref<1x128xi32, #tpu.memory_space<vmem>> -> memref<128xi32, #tpu.memory_space<vmem>>
    %dma_wait3A_708 = arith.constant 0 : i32
    %dma_wait3A_709 = arith.constant 0 : i32
    %dma_wait3A_710 = tpu.memref_slice %arg10[%dma_wait3A_708, %dma_wait3A_709] : memref<10240x16xf32, #tpu.memory_space<vmem_shared>> -> memref<10240x16xf32, #tpu.memory_space<vmem_shared>>
    tpu.wait_indirect_dma semaphore(%arg21 : memref<!tpu.dma_semaphore, #tpu.memory_space<semaphore_mem>>) src(%dma_wait3A_704 : memref<128x16xf32, #tpu.memory_space<vmem>>) dst(%dma_wait3A_710 : memref<10240x16xf32, #tpu.memory_space<vmem_shared>>)
    %dma_wait3A_711 = arith.constant 39 : i32
    %dma_wait3A_712 = arith.constant 7 : i32
    %dma_wait3A_713 = arith.constant 0 : i32
    %dma_wait3A_714 = arith.constant 0 : i32
    %dma_wait3A_715 = tpu.memref_slice %arg8[%dma_wait3A_712, %dma_wait3A_713, %dma_wait3A_714] : memref<8x128x16xf32, #tpu.memory_space<vmem>> -> memref<1x128x16xf32, #tpu.memory_space<vmem>>
    %dma_wait3A_716 = tpu.memref_squeeze %dma_wait3A_715 : memref<1x128x16xf32, #tpu.memory_space<vmem>> -> memref<128x16xf32, #tpu.memory_space<vmem>>
    %dma_wait3A_717 = arith.constant 0 : i32
    %dma_wait3A_718 = tpu.memref_slice %arg6[%dma_wait3A_711, %dma_wait3A_717] : memref<40x128xi32, #tpu.memory_space<vmem>> -> memref<1x128xi32, #tpu.memory_space<vmem>>
    %dma_wait3A_719 = tpu.memref_squeeze %dma_wait3A_718 : memref<1x128xi32, #tpu.memory_space<vmem>> -> memref<128xi32, #tpu.memory_space<vmem>>
    %dma_wait3A_720 = arith.constant 0 : i32
    %dma_wait3A_721 = arith.constant 0 : i32
    %dma_wait3A_722 = tpu.memref_slice %arg2[%dma_wait3A_720, %dma_wait3A_721] : memref<10000x16xf32, #tpu.memory_space<hbm>> -> memref<10000x16xf32, #tpu.memory_space<hbm>>
    tpu.wait_indirect_dma semaphore(%arg18 : memref<!tpu.dma_semaphore, #tpu.memory_space<semaphore_mem>>) src(%dma_wait3A_722 : memref<10000x16xf32, #tpu.memory_space<hbm>>) dst(%dma_wait3A_716 : memref<128x16xf32, #tpu.memory_space<vmem>>)
    %dma_start3A_723 = arith.constant 7 : i32
    %dma_start3A_724 = arith.constant 39 : i32
    %dma_start3A_725 = arith.constant 0 : i32
    %dma_start3A_726 = arith.constant 0 : i32
    %dma_start3A_727 = tpu.memref_slice %arg8[%dma_start3A_723, %dma_start3A_725, %dma_start3A_726] : memref<8x128x16xf32, #tpu.memory_space<vmem>> -> memref<1x128x16xf32, #tpu.memory_space<vmem>>
    %dma_start3A_728 = tpu.memref_squeeze %dma_start3A_727 : memref<1x128x16xf32, #tpu.memory_space<vmem>> -> memref<128x16xf32, #tpu.memory_space<vmem>>
    %dma_start3A_729 = arith.constant 0 : i32
    %dma_start3A_730 = tpu.memref_slice %arg7[%dma_start3A_724, %dma_start3A_729] : memref<40x128xi32, #tpu.memory_space<vmem>> -> memref<1x128xi32, #tpu.memory_space<vmem>>
    %dma_start3A_731 = tpu.memref_squeeze %dma_start3A_730 : memref<1x128xi32, #tpu.memory_space<vmem>> -> memref<128xi32, #tpu.memory_space<vmem>>
    %dma_start3A_732 = arith.constant 0 : i32
    %dma_start3A_733 = arith.constant 0 : i32
    %dma_start3A_734 = tpu.memref_slice %arg10[%dma_start3A_732, %dma_start3A_733] : memref<10240x16xf32, #tpu.memory_space<vmem_shared>> -> memref<10240x16xf32, #tpu.memory_space<vmem_shared>>
    tpu.enqueue_indirect_dma source(%dma_start3A_728 : memref<128x16xf32, #tpu.memory_space<vmem>>) target(%dma_start3A_734 : memref<10240x16xf32, #tpu.memory_space<vmem_shared>>) offsets(%dma_start3A_731 : memref<128xi32, #tpu.memory_space<vmem>>) semaphore(%arg26 : memref<!tpu.dma_semaphore, #tpu.memory_space<semaphore_mem>>) {add = true}
    %dma_wait3A_735 = arith.constant 3 : i32
    %dma_wait3A_736 = arith.constant 35 : i32
    %dma_wait3A_737 = arith.constant 0 : i32
    %dma_wait3A_738 = arith.constant 0 : i32
    %dma_wait3A_739 = tpu.memref_slice %arg8[%dma_wait3A_735, %dma_wait3A_737, %dma_wait3A_738] : memref<8x128x16xf32, #tpu.memory_space<vmem>> -> memref<1x128x16xf32, #tpu.memory_space<vmem>>
    %dma_wait3A_740 = tpu.memref_squeeze %dma_wait3A_739 : memref<1x128x16xf32, #tpu.memory_space<vmem>> -> memref<128x16xf32, #tpu.memory_space<vmem>>
    %dma_wait3A_741 = arith.constant 0 : i32
    %dma_wait3A_742 = tpu.memref_slice %arg7[%dma_wait3A_736, %dma_wait3A_741] : memref<40x128xi32, #tpu.memory_space<vmem>> -> memref<1x128xi32, #tpu.memory_space<vmem>>
    %dma_wait3A_743 = tpu.memref_squeeze %dma_wait3A_742 : memref<1x128xi32, #tpu.memory_space<vmem>> -> memref<128xi32, #tpu.memory_space<vmem>>
    %dma_wait3A_744 = arith.constant 0 : i32
    %dma_wait3A_745 = arith.constant 0 : i32
    %dma_wait3A_746 = tpu.memref_slice %arg10[%dma_wait3A_744, %dma_wait3A_745] : memref<10240x16xf32, #tpu.memory_space<vmem_shared>> -> memref<10240x16xf32, #tpu.memory_space<vmem_shared>>
    tpu.wait_indirect_dma semaphore(%arg22 : memref<!tpu.dma_semaphore, #tpu.memory_space<semaphore_mem>>) src(%dma_wait3A_740 : memref<128x16xf32, #tpu.memory_space<vmem>>) dst(%dma_wait3A_746 : memref<10240x16xf32, #tpu.memory_space<vmem_shared>>)
    %dma_wait3A_747 = arith.constant 4 : i32
    %dma_wait3A_748 = arith.constant 36 : i32
    %dma_wait3A_749 = arith.constant 0 : i32
    %dma_wait3A_750 = arith.constant 0 : i32
    %dma_wait3A_751 = tpu.memref_slice %arg8[%dma_wait3A_747, %dma_wait3A_749, %dma_wait3A_750] : memref<8x128x16xf32, #tpu.memory_space<vmem>> -> memref<1x128x16xf32, #tpu.memory_space<vmem>>
    %dma_wait3A_752 = tpu.memref_squeeze %dma_wait3A_751 : memref<1x128x16xf32, #tpu.memory_space<vmem>> -> memref<128x16xf32, #tpu.memory_space<vmem>>
    %dma_wait3A_753 = arith.constant 0 : i32
    %dma_wait3A_754 = tpu.memref_slice %arg7[%dma_wait3A_748, %dma_wait3A_753] : memref<40x128xi32, #tpu.memory_space<vmem>> -> memref<1x128xi32, #tpu.memory_space<vmem>>
    %dma_wait3A_755 = tpu.memref_squeeze %dma_wait3A_754 : memref<1x128xi32, #tpu.memory_space<vmem>> -> memref<128xi32, #tpu.memory_space<vmem>>
    %dma_wait3A_756 = arith.constant 0 : i32
    %dma_wait3A_757 = arith.constant 0 : i32
    %dma_wait3A_758 = tpu.memref_slice %arg10[%dma_wait3A_756, %dma_wait3A_757] : memref<10240x16xf32, #tpu.memory_space<vmem_shared>> -> memref<10240x16xf32, #tpu.memory_space<vmem_shared>>
    tpu.wait_indirect_dma semaphore(%arg23 : memref<!tpu.dma_semaphore, #tpu.memory_space<semaphore_mem>>) src(%dma_wait3A_752 : memref<128x16xf32, #tpu.memory_space<vmem>>) dst(%dma_wait3A_758 : memref<10240x16xf32, #tpu.memory_space<vmem_shared>>)
    %dma_wait3A_759 = arith.constant 5 : i32
    %dma_wait3A_760 = arith.constant 37 : i32
    %dma_wait3A_761 = arith.constant 0 : i32
    %dma_wait3A_762 = arith.constant 0 : i32
    %dma_wait3A_763 = tpu.memref_slice %arg8[%dma_wait3A_759, %dma_wait3A_761, %dma_wait3A_762] : memref<8x128x16xf32, #tpu.memory_space<vmem>> -> memref<1x128x16xf32, #tpu.memory_space<vmem>>
    %dma_wait3A_764 = tpu.memref_squeeze %dma_wait3A_763 : memref<1x128x16xf32, #tpu.memory_space<vmem>> -> memref<128x16xf32, #tpu.memory_space<vmem>>
    %dma_wait3A_765 = arith.constant 0 : i32
    %dma_wait3A_766 = tpu.memref_slice %arg7[%dma_wait3A_760, %dma_wait3A_765] : memref<40x128xi32, #tpu.memory_space<vmem>> -> memref<1x128xi32, #tpu.memory_space<vmem>>
    %dma_wait3A_767 = tpu.memref_squeeze %dma_wait3A_766 : memref<1x128xi32, #tpu.memory_space<vmem>> -> memref<128xi32, #tpu.memory_space<vmem>>
    %dma_wait3A_768 = arith.constant 0 : i32
    %dma_wait3A_769 = arith.constant 0 : i32
    %dma_wait3A_770 = tpu.memref_slice %arg10[%dma_wait3A_768, %dma_wait3A_769] : memref<10240x16xf32, #tpu.memory_space<vmem_shared>> -> memref<10240x16xf32, #tpu.memory_space<vmem_shared>>
    tpu.wait_indirect_dma semaphore(%arg24 : memref<!tpu.dma_semaphore, #tpu.memory_space<semaphore_mem>>) src(%dma_wait3A_764 : memref<128x16xf32, #tpu.memory_space<vmem>>) dst(%dma_wait3A_770 : memref<10240x16xf32, #tpu.memory_space<vmem_shared>>)
    %dma_wait3A_771 = arith.constant 6 : i32
    %dma_wait3A_772 = arith.constant 38 : i32
    %dma_wait3A_773 = arith.constant 0 : i32
    %dma_wait3A_774 = arith.constant 0 : i32
    %dma_wait3A_775 = tpu.memref_slice %arg8[%dma_wait3A_771, %dma_wait3A_773, %dma_wait3A_774] : memref<8x128x16xf32, #tpu.memory_space<vmem>> -> memref<1x128x16xf32, #tpu.memory_space<vmem>>
    %dma_wait3A_776 = tpu.memref_squeeze %dma_wait3A_775 : memref<1x128x16xf32, #tpu.memory_space<vmem>> -> memref<128x16xf32, #tpu.memory_space<vmem>>
    %dma_wait3A_777 = arith.constant 0 : i32
    %dma_wait3A_778 = tpu.memref_slice %arg7[%dma_wait3A_772, %dma_wait3A_777] : memref<40x128xi32, #tpu.memory_space<vmem>> -> memref<1x128xi32, #tpu.memory_space<vmem>>
    %dma_wait3A_779 = tpu.memref_squeeze %dma_wait3A_778 : memref<1x128xi32, #tpu.memory_space<vmem>> -> memref<128xi32, #tpu.memory_space<vmem>>
    %dma_wait3A_780 = arith.constant 0 : i32
    %dma_wait3A_781 = arith.constant 0 : i32
    %dma_wait3A_782 = tpu.memref_slice %arg10[%dma_wait3A_780, %dma_wait3A_781] : memref<10240x16xf32, #tpu.memory_space<vmem_shared>> -> memref<10240x16xf32, #tpu.memory_space<vmem_shared>>
    tpu.wait_indirect_dma semaphore(%arg25 : memref<!tpu.dma_semaphore, #tpu.memory_space<semaphore_mem>>) src(%dma_wait3A_776 : memref<128x16xf32, #tpu.memory_space<vmem>>) dst(%dma_wait3A_782 : memref<10240x16xf32, #tpu.memory_space<vmem_shared>>)
    %dma_wait3A_783 = arith.constant 7 : i32
    %dma_wait3A_784 = arith.constant 39 : i32
    %dma_wait3A_785 = arith.constant 0 : i32
    %dma_wait3A_786 = arith.constant 0 : i32
    %dma_wait3A_787 = tpu.memref_slice %arg8[%dma_wait3A_783, %dma_wait3A_785, %dma_wait3A_786] : memref<8x128x16xf32, #tpu.memory_space<vmem>> -> memref<1x128x16xf32, #tpu.memory_space<vmem>>
    %dma_wait3A_788 = tpu.memref_squeeze %dma_wait3A_787 : memref<1x128x16xf32, #tpu.memory_space<vmem>> -> memref<128x16xf32, #tpu.memory_space<vmem>>
    %dma_wait3A_789 = arith.constant 0 : i32
    %dma_wait3A_790 = tpu.memref_slice %arg7[%dma_wait3A_784, %dma_wait3A_789] : memref<40x128xi32, #tpu.memory_space<vmem>> -> memref<1x128xi32, #tpu.memory_space<vmem>>
    %dma_wait3A_791 = tpu.memref_squeeze %dma_wait3A_790 : memref<1x128xi32, #tpu.memory_space<vmem>> -> memref<128xi32, #tpu.memory_space<vmem>>
    %dma_wait3A_792 = arith.constant 0 : i32
    %dma_wait3A_793 = arith.constant 0 : i32
    %dma_wait3A_794 = tpu.memref_slice %arg10[%dma_wait3A_792, %dma_wait3A_793] : memref<10240x16xf32, #tpu.memory_space<vmem_shared>> -> memref<10240x16xf32, #tpu.memory_space<vmem_shared>>
    tpu.wait_indirect_dma semaphore(%arg26 : memref<!tpu.dma_semaphore, #tpu.memory_space<semaphore_mem>>) src(%dma_wait3A_788 : memref<128x16xf32, #tpu.memory_space<vmem>>) dst(%dma_wait3A_794 : memref<10240x16xf32, #tpu.memory_space<vmem_shared>>)
    %barrier3A_795 = arith.constant 0 : index
    tpu.barrier barrier_id(%barrier3A_795)
    %mul3A_796 = arith.constant 625 : i32
    %mul3A_797 = arith.muli %arg1, %mul3A_796 : i32
    "tpu.region"() ({
      %run_scoped3A = tpu.sem_alloc : memref<!tpu.dma_semaphore, #tpu.memory_space<semaphore_mem>>
      %dma_start3A_798 = arith.constant 0 : i32
      %dma_start3A_799 = arith.constant 0 : i32
      %dma_start3A_800 = tpu.memref_slice %arg5[%arg0, %dma_start3A_798, %dma_start3A_799] : memref<2x10000x16xf32, #tpu.memory_space<hbm>> -> memref<1x10000x16xf32, #tpu.memory_space<hbm>>
      %dma_start3A_801 = tpu.memref_squeeze %dma_start3A_800 : memref<1x10000x16xf32, #tpu.memory_space<hbm>> -> memref<10000x16xf32, #tpu.memory_space<hbm>>
      %dma_start3A_802 = arith.constant 0 : i32
      %dma_start3A_803 = tpu.memref_slice %dma_start3A_801[%mul3A_797, %dma_start3A_802] : memref<10000x16xf32, #tpu.memory_space<hbm>> -> memref<625x16xf32, #tpu.memory_space<hbm>>
      %dma_start3A_804 = arith.constant 0 : i32
      %dma_start3A_805 = tpu.memref_slice %arg10[%mul3A_797, %dma_start3A_804] : memref<10240x16xf32, #tpu.memory_space<vmem_shared>> -> memref<625x16xf32, #tpu.memory_space<vmem_shared>>
      tpu.enqueue_dma source(%dma_start3A_805 : memref<625x16xf32, #tpu.memory_space<vmem_shared>>) target(%dma_start3A_803 : memref<625x16xf32, #tpu.memory_space<hbm>>) target_semaphore(%run_scoped3A : memref<!tpu.dma_semaphore, #tpu.memory_space<semaphore_mem>>)
      %dma_wait3A_806 = arith.constant 0 : i32
      %dma_wait3A_807 = arith.constant 0 : i32
      %dma_wait3A_808 = tpu.memref_slice %arg5[%arg0, %dma_wait3A_806, %dma_wait3A_807] : memref<2x10000x16xf32, #tpu.memory_space<hbm>> -> memref<1x10000x16xf32, #tpu.memory_space<hbm>>
      %dma_wait3A_809 = tpu.memref_squeeze %dma_wait3A_808 : memref<1x10000x16xf32, #tpu.memory_space<hbm>> -> memref<10000x16xf32, #tpu.memory_space<hbm>>
      %dma_wait3A_810 = arith.constant 0 : i32
      %dma_wait3A_811 = tpu.memref_slice %dma_wait3A_809[%mul3A_797, %dma_wait3A_810] : memref<10000x16xf32, #tpu.memory_space<hbm>> -> memref<625x16xf32, #tpu.memory_space<hbm>>
      %dma_wait3A_812 = arith.constant 0 : i32
      %dma_wait3A_813 = tpu.memref_slice %arg10[%mul3A_797, %dma_wait3A_812] : memref<10240x16xf32, #tpu.memory_space<vmem_shared>> -> memref<625x16xf32, #tpu.memory_space<vmem_shared>>
      tpu.wait_dma2 semaphore(%run_scoped3A : memref<!tpu.dma_semaphore, #tpu.memory_space<semaphore_mem>>) src(%dma_wait3A_813 : memref<625x16xf32, #tpu.memory_space<vmem_shared>>) dst(%dma_wait3A_811 : memref<625x16xf32, #tpu.memory_space<hbm>>)
      tpu.yield
    }) : () -> ()
    return
  }
}

#map = affine_map<(d0, d1) -> (0, 0)>
#map1 = affine_map<(d0, d1) -> (0, 0, 0)>
module attributes {stable_mosaic.version = 14 : i64} {
  func.func @k(%arg0: i32, %arg1: i32, %arg2: memref<10000x128xf32, #tpu.memory_space<hbm>>, %arg3: memref<2560x64xi32, #tpu.memory_space<hbm>>, %arg4: memref<2560x64xi32, #tpu.memory_space<hbm>>, %arg5: memref<2x10000x128xf32, #tpu.memory_space<hbm>>, %arg6: memref<80x64xi32, #tpu.memory_space<vmem>>, %arg7: memref<80x64xi32, #tpu.memory_space<vmem>>, %arg8: memref<4x64x128xf32, #tpu.memory_space<vmem>>, %arg9: memref<16x128xf32, #tpu.memory_space<vmem>>, %arg10: memref<10240x128xf32, #tpu.memory_space<vmem_shared>>, %arg11: memref<!tpu.dma_semaphore, #tpu.memory_space<semaphore_mem>>, %arg12: memref<!tpu.dma_semaphore, #tpu.memory_space<semaphore_mem>>, %arg13: memref<!tpu.dma_semaphore, #tpu.memory_space<semaphore_mem>>, %arg14: memref<!tpu.dma_semaphore, #tpu.memory_space<semaphore_mem>>, %arg15: memref<!tpu.dma_semaphore, #tpu.memory_space<semaphore_mem>>, %arg16: memref<!tpu.dma_semaphore, #tpu.memory_space<semaphore_mem>>, %arg17: memref<!tpu.dma_semaphore, #tpu.memory_space<semaphore_mem>>, %arg18: memref<!tpu.dma_semaphore, #tpu.memory_space<semaphore_mem>>) attributes {dimension_semantics = [#tpu.dimension_semantics<core_parallel>, #tpu.dimension_semantics<subcore_parallel>], iteration_bounds = array<i64: 2, 16>, scalar_prefetch = 0 : i64, scratch_operands = 13 : i64, tpu.core_type = #tpu.core_type<sc_vector_subcore>, window_params = [{transform_indices = #map}, {transform_indices = #map}, {transform_indices = #map}, {transform_indices = #map1}]} {
    %mul3A = arith.constant 2 : i32
    %mul3A_0 = arith.muli %arg1, %mul3A : i32
    %add3A = arith.addi %mul3A_0, %arg0 : i32
    %mul3A_1 = arith.constant 640 : i32
    %mul3A_2 = arith.muli %arg1, %mul3A_1 : i32
    %mul3A_3 = arith.constant 80 : i32
    %mul3A_4 = arith.muli %add3A, %mul3A_3 : i32
    "tpu.region"() ({
      %run_scoped3A = tpu.sem_alloc : memref<!tpu.dma_semaphore, #tpu.memory_space<semaphore_mem>>
      %dma_start3A_410 = arith.constant 0 : i32
      %dma_start3A_411 = tpu.memref_slice %arg3[%mul3A_4, %dma_start3A_410] : memref<2560x64xi32, #tpu.memory_space<hbm>> -> memref<80x64xi32, #tpu.memory_space<hbm>>
      %dma_start3A_412 = arith.constant 0 : i32
      %dma_start3A_413 = tpu.memref_slice %arg3[%mul3A_4, %dma_start3A_412] : memref<2560x64xi32, #tpu.memory_space<hbm>> -> memref<80x64xi32, #tpu.memory_space<hbm>>
      tpu.enqueue_dma source(%dma_start3A_413 : memref<80x64xi32, #tpu.memory_space<hbm>>) target(%arg6 : memref<80x64xi32, #tpu.memory_space<vmem>>) target_semaphore(%run_scoped3A : memref<!tpu.dma_semaphore, #tpu.memory_space<semaphore_mem>>)
      %dma_wait3A_414 = arith.constant 0 : i32
      %dma_wait3A_415 = tpu.memref_slice %arg3[%mul3A_4, %dma_wait3A_414] : memref<2560x64xi32, #tpu.memory_space<hbm>> -> memref<80x64xi32, #tpu.memory_space<hbm>>
      %dma_wait3A_416 = arith.constant 0 : i32
      %dma_wait3A_417 = tpu.memref_slice %arg3[%mul3A_4, %dma_wait3A_416] : memref<2560x64xi32, #tpu.memory_space<hbm>> -> memref<80x64xi32, #tpu.memory_space<hbm>>
      tpu.wait_dma2 semaphore(%run_scoped3A : memref<!tpu.dma_semaphore, #tpu.memory_space<semaphore_mem>>) src(%dma_wait3A_417 : memref<80x64xi32, #tpu.memory_space<hbm>>) dst(%arg6 : memref<80x64xi32, #tpu.memory_space<vmem>>)
      tpu.yield
    }) : () -> ()
    %mul3A_5 = arith.constant 80 : i32
    %mul3A_6 = arith.muli %add3A, %mul3A_5 : i32
    "tpu.region"() ({
      %run_scoped3A = tpu.sem_alloc : memref<!tpu.dma_semaphore, #tpu.memory_space<semaphore_mem>>
      %dma_start3A_410 = arith.constant 0 : i32
      %dma_start3A_411 = tpu.memref_slice %arg4[%mul3A_6, %dma_start3A_410] : memref<2560x64xi32, #tpu.memory_space<hbm>> -> memref<80x64xi32, #tpu.memory_space<hbm>>
      %dma_start3A_412 = arith.constant 0 : i32
      %dma_start3A_413 = tpu.memref_slice %arg4[%mul3A_6, %dma_start3A_412] : memref<2560x64xi32, #tpu.memory_space<hbm>> -> memref<80x64xi32, #tpu.memory_space<hbm>>
      tpu.enqueue_dma source(%dma_start3A_413 : memref<80x64xi32, #tpu.memory_space<hbm>>) target(%arg7 : memref<80x64xi32, #tpu.memory_space<vmem>>) target_semaphore(%run_scoped3A : memref<!tpu.dma_semaphore, #tpu.memory_space<semaphore_mem>>)
      %dma_wait3A_414 = arith.constant 0 : i32
      %dma_wait3A_415 = tpu.memref_slice %arg4[%mul3A_6, %dma_wait3A_414] : memref<2560x64xi32, #tpu.memory_space<hbm>> -> memref<80x64xi32, #tpu.memory_space<hbm>>
      %dma_wait3A_416 = arith.constant 0 : i32
      %dma_wait3A_417 = tpu.memref_slice %arg4[%mul3A_6, %dma_wait3A_416] : memref<2560x64xi32, #tpu.memory_space<hbm>> -> memref<80x64xi32, #tpu.memory_space<hbm>>
      tpu.wait_dma2 semaphore(%run_scoped3A : memref<!tpu.dma_semaphore, #tpu.memory_space<semaphore_mem>>) src(%dma_wait3A_417 : memref<80x64xi32, #tpu.memory_space<hbm>>) dst(%arg7 : memref<80x64xi32, #tpu.memory_space<vmem>>)
      tpu.yield
    }) : () -> ()
    %scan3A = arith.constant 0 : i32
    %scan3A_7 = arith.constant 16 : i32
    %scan3A_8 = arith.addi %scan3A, %scan3A_7 : i32
    %scan3A_9 = arith.constant 1 : i32
    scf.for %scan3A_410 = %scan3A to %scan3A_8 step %scan3A_9  : i32 {
      %mul3A_411 = arith.constant 1 : i32
      %mul3A_412 = arith.muli %scan3A_410, %mul3A_411 : i32
      %add3A_413 = arith.constant 0 : i32
      %add3A_414 = arith.addi %add3A_413, %mul3A_412 : i32
      %scan3A_415 = arith.constant 0 : i32
      %scan3A_416 = arith.constant 8 : i32
      %scan3A_417 = arith.addi %scan3A_415, %scan3A_416 : i32
      %scan3A_418 = arith.constant 1 : i32
      scf.for %scan3A_420 = %scan3A_415 to %scan3A_417 step %scan3A_418  : i32 {
        %mul3A_421 = arith.constant 16 : i32
        %mul3A_422 = arith.muli %scan3A_420, %mul3A_421 : i32
        %add3A_423 = arith.constant 0 : i32
        %add3A_424 = arith.addi %add3A_423, %mul3A_422 : i32
        %broadcast_in_dim3A = arith.constant 0.000000e+00 : f32
        %broadcast_in_dim3A_425 = vector.broadcast %broadcast_in_dim3A : f32 to vector<1x16xf32>
        %swap3A = arith.index_cast %add3A_414 : i32 to index
        %swap3A_426 = arith.index_cast %add3A_424 : i32 to index
        %swap3A_427 = tpu.vector_load %arg9[%swap3A, %swap3A_426] {strides = array<i32>} : memref<16x128xf32, #tpu.memory_space<vmem>>, vector<1x16xf32>,
        %swap3A_428 = vector.shape_cast %swap3A_427 : vector<1x16xf32> to vector<1x16xf32>
        %swap3A_429 = vector.shape_cast %broadcast_in_dim3A_425 : vector<1x16xf32> to vector<1x16xf32>
        tpu.vector_store %arg9[%swap3A, %swap3A_426], %swap3A_429 {strides = array<i32>} : memref<16x128xf32, #tpu.memory_space<vmem>>, vector<1x16xf32>,
      }
      %scan3A_419 = arith.constant 8 : i32
    }
    %scan3A_10 = arith.constant 16 : i32
    %scan3A_11 = arith.constant 0 : i32
    %scan3A_12 = arith.constant 40 : i32
    %scan3A_13 = arith.addi %scan3A_11, %scan3A_12 : i32
    %scan3A_14 = arith.constant 1 : i32
    scf.for %scan3A_410 = %scan3A_11 to %scan3A_13 step %scan3A_14  : i32 {
      %mul3A_411 = arith.constant 16 : i32
      %mul3A_412 = arith.muli %scan3A_410, %mul3A_411 : i32
      %add3A_413 = arith.constant 0 : i32
      %add3A_414 = arith.addi %add3A_413, %mul3A_412 : i32
      %add3A_415 = arith.addi %mul3A_2, %add3A_414 : i32
      "tpu.region"() ({
        %run_scoped3A = tpu.sem_alloc : memref<!tpu.dma_semaphore, #tpu.memory_space<semaphore_mem>>
        %dma_start3A_416 = arith.constant 0 : i32
        %dma_start3A_417 = tpu.memref_slice %arg10[%add3A_415, %dma_start3A_416] : memref<10240x128xf32, #tpu.memory_space<vmem_shared>> -> memref<16x128xf32, #tpu.memory_space<vmem_shared>>
        %dma_start3A_418 = arith.constant 0 : i32
        %dma_start3A_419 = tpu.memref_slice %arg10[%add3A_415, %dma_start3A_418] : memref<10240x128xf32, #tpu.memory_space<vmem_shared>> -> memref<16x128xf32, #tpu.memory_space<vmem_shared>>
        tpu.enqueue_dma source(%arg9 : memref<16x128xf32, #tpu.memory_space<vmem>>) target(%dma_start3A_419 : memref<16x128xf32, #tpu.memory_space<vmem_shared>>) target_semaphore(%run_scoped3A : memref<!tpu.dma_semaphore, #tpu.memory_space<semaphore_mem>>)
        %dma_wait3A_420 = arith.constant 0 : i32
        %dma_wait3A_421 = tpu.memref_slice %arg10[%add3A_415, %dma_wait3A_420] : memref<10240x128xf32, #tpu.memory_space<vmem_shared>> -> memref<16x128xf32, #tpu.memory_space<vmem_shared>>
        %dma_wait3A_422 = arith.constant 0 : i32
        %dma_wait3A_423 = tpu.memref_slice %arg10[%add3A_415, %dma_wait3A_422] : memref<10240x128xf32, #tpu.memory_space<vmem_shared>> -> memref<16x128xf32, #tpu.memory_space<vmem_shared>>
        tpu.wait_dma2 semaphore(%run_scoped3A : memref<!tpu.dma_semaphore, #tpu.memory_space<semaphore_mem>>) src(%arg9 : memref<16x128xf32, #tpu.memory_space<vmem>>) dst(%dma_wait3A_423 : memref<16x128xf32, #tpu.memory_space<vmem_shared>>)
        tpu.yield
      }) : () -> ()
    }
    %scan3A_15 = arith.constant 40 : i32
    %barrier3A = arith.constant 0 : index
    tpu.barrier barrier_id(%barrier3A)
    %dma_start3A = arith.constant 0 : i32
    %dma_start3A_16 = arith.constant 0 : i32
    %dma_start3A_17 = arith.constant 0 : i32
    %dma_start3A_18 = arith.constant 0 : i32
    %dma_start3A_19 = tpu.memref_slice %arg8[%dma_start3A_16, %dma_start3A_17, %dma_start3A_18] : memref<4x64x128xf32, #tpu.memory_space<vmem>> -> memref<1x64x128xf32, #tpu.memory_space<vmem>>
    %dma_start3A_20 = tpu.memref_squeeze %dma_start3A_19 : memref<1x64x128xf32, #tpu.memory_space<vmem>> -> memref<64x128xf32, #tpu.memory_space<vmem>>
    %dma_start3A_21 = arith.constant 0 : i32
    %dma_start3A_22 = tpu.memref_slice %arg6[%dma_start3A, %dma_start3A_21] : memref<80x64xi32, #tpu.memory_space<vmem>> -> memref<1x64xi32, #tpu.memory_space<vmem>>
    %dma_start3A_23 = tpu.memref_squeeze %dma_start3A_22 : memref<1x64xi32, #tpu.memory_space<vmem>> -> memref<64xi32, #tpu.memory_space<vmem>>
    %dma_start3A_24 = arith.constant 0 : i32
    %dma_start3A_25 = arith.constant 0 : i32
    %dma_start3A_26 = tpu.memref_slice %arg2[%dma_start3A_24, %dma_start3A_25] : memref<10000x128xf32, #tpu.memory_space<hbm>> -> memref<10000x128xf32, #tpu.memory_space<hbm>>
    tpu.enqueue_indirect_dma source(%dma_start3A_26 : memref<10000x128xf32, #tpu.memory_space<hbm>>) target(%dma_start3A_20 : memref<64x128xf32, #tpu.memory_space<vmem>>) offsets(%dma_start3A_23 : memref<64xi32, #tpu.memory_space<vmem>>) semaphore(%arg11 : memref<!tpu.dma_semaphore, #tpu.memory_space<semaphore_mem>>)
    %dma_start3A_27 = arith.constant 1 : i32
    %dma_start3A_28 = arith.constant 1 : i32
    %dma_start3A_29 = arith.constant 0 : i32
    %dma_start3A_30 = arith.constant 0 : i32
    %dma_start3A_31 = tpu.memref_slice %arg8[%dma_start3A_28, %dma_start3A_29, %dma_start3A_30] : memref<4x64x128xf32, #tpu.memory_space<vmem>> -> memref<1x64x128xf32, #tpu.memory_space<vmem>>
    %dma_start3A_32 = tpu.memref_squeeze %dma_start3A_31 : memref<1x64x128xf32, #tpu.memory_space<vmem>> -> memref<64x128xf32, #tpu.memory_space<vmem>>
    %dma_start3A_33 = arith.constant 0 : i32
    %dma_start3A_34 = tpu.memref_slice %arg6[%dma_start3A_27, %dma_start3A_33] : memref<80x64xi32, #tpu.memory_space<vmem>> -> memref<1x64xi32, #tpu.memory_space<vmem>>
    %dma_start3A_35 = tpu.memref_squeeze %dma_start3A_34 : memref<1x64xi32, #tpu.memory_space<vmem>> -> memref<64xi32, #tpu.memory_space<vmem>>
    %dma_start3A_36 = arith.constant 0 : i32
    %dma_start3A_37 = arith.constant 0 : i32
    %dma_start3A_38 = tpu.memref_slice %arg2[%dma_start3A_36, %dma_start3A_37] : memref<10000x128xf32, #tpu.memory_space<hbm>> -> memref<10000x128xf32, #tpu.memory_space<hbm>>
    tpu.enqueue_indirect_dma source(%dma_start3A_38 : memref<10000x128xf32, #tpu.memory_space<hbm>>) target(%dma_start3A_32 : memref<64x128xf32, #tpu.memory_space<vmem>>) offsets(%dma_start3A_35 : memref<64xi32, #tpu.memory_space<vmem>>) semaphore(%arg12 : memref<!tpu.dma_semaphore, #tpu.memory_space<semaphore_mem>>)
    %dma_wait3A = arith.constant 0 : i32
    %dma_wait3A_39 = arith.constant 0 : i32
    %dma_wait3A_40 = arith.constant 0 : i32
    %dma_wait3A_41 = arith.constant 0 : i32
    %dma_wait3A_42 = tpu.memref_slice %arg8[%dma_wait3A_39, %dma_wait3A_40, %dma_wait3A_41] : memref<4x64x128xf32, #tpu.memory_space<vmem>> -> memref<1x64x128xf32, #tpu.memory_space<vmem>>
    %dma_wait3A_43 = tpu.memref_squeeze %dma_wait3A_42 : memref<1x64x128xf32, #tpu.memory_space<vmem>> -> memref<64x128xf32, #tpu.memory_space<vmem>>
    %dma_wait3A_44 = arith.constant 0 : i32
    %dma_wait3A_45 = tpu.memref_slice %arg6[%dma_wait3A, %dma_wait3A_44] : memref<80x64xi32, #tpu.memory_space<vmem>> -> memref<1x64xi32, #tpu.memory_space<vmem>>
    %dma_wait3A_46 = tpu.memref_squeeze %dma_wait3A_45 : memref<1x64xi32, #tpu.memory_space<vmem>> -> memref<64xi32, #tpu.memory_space<vmem>>
    %dma_wait3A_47 = arith.constant 0 : i32
    %dma_wait3A_48 = arith.constant 0 : i32
    %dma_wait3A_49 = tpu.memref_slice %arg2[%dma_wait3A_47, %dma_wait3A_48] : memref<10000x128xf32, #tpu.memory_space<hbm>> -> memref<10000x128xf32, #tpu.memory_space<hbm>>
    tpu.wait_indirect_dma semaphore(%arg11 : memref<!tpu.dma_semaphore, #tpu.memory_space<semaphore_mem>>) src(%dma_wait3A_49 : memref<10000x128xf32, #tpu.memory_space<hbm>>) dst(%dma_wait3A_43 : memref<64x128xf32, #tpu.memory_space<vmem>>)
    %dma_start3A_50 = arith.constant 0 : i32
    %dma_start3A_51 = arith.constant 0 : i32
    %dma_start3A_52 = arith.constant 0 : i32
    %dma_start3A_53 = arith.constant 0 : i32
    %dma_start3A_54 = tpu.memref_slice %arg8[%dma_start3A_50, %dma_start3A_52, %dma_start3A_53] : memref<4x64x128xf32, #tpu.memory_space<vmem>> -> memref<1x64x128xf32, #tpu.memory_space<vmem>>
    %dma_start3A_55 = tpu.memref_squeeze %dma_start3A_54 : memref<1x64x128xf32, #tpu.memory_space<vmem>> -> memref<64x128xf32, #tpu.memory_space<vmem>>
    %dma_start3A_56 = arith.constant 0 : i32
    %dma_start3A_57 = tpu.memref_slice %arg7[%dma_start3A_51, %dma_start3A_56] : memref<80x64xi32, #tpu.memory_space<vmem>> -> memref<1x64xi32, #tpu.memory_space<vmem>>
    %dma_start3A_58 = tpu.memref_squeeze %dma_start3A_57 : memref<1x64xi32, #tpu.memory_space<vmem>> -> memref<64xi32, #tpu.memory_space<vmem>>
    %dma_start3A_59 = arith.constant 0 : i32
    %dma_start3A_60 = arith.constant 0 : i32
    %dma_start3A_61 = tpu.memref_slice %arg10[%dma_start3A_59, %dma_start3A_60] : memref<10240x128xf32, #tpu.memory_space<vmem_shared>> -> memref<10240x128xf32, #tpu.memory_space<vmem_shared>>
    tpu.enqueue_indirect_dma source(%dma_start3A_55 : memref<64x128xf32, #tpu.memory_space<vmem>>) target(%dma_start3A_61 : memref<10240x128xf32, #tpu.memory_space<vmem_shared>>) offsets(%dma_start3A_58 : memref<64xi32, #tpu.memory_space<vmem>>) semaphore(%arg15 : memref<!tpu.dma_semaphore, #tpu.memory_space<semaphore_mem>>) {add = true}
    %dma_start3A_62 = arith.constant 2 : i32
    %dma_start3A_63 = arith.constant 2 : i32
    %dma_start3A_64 = arith.constant 0 : i32
    %dma_start3A_65 = arith.constant 0 : i32
    %dma_start3A_66 = tpu.memref_slice %arg8[%dma_start3A_63, %dma_start3A_64, %dma_start3A_65] : memref<4x64x128xf32, #tpu.memory_space<vmem>> -> memref<1x64x128xf32, #tpu.memory_space<vmem>>
    %dma_start3A_67 = tpu.memref_squeeze %dma_start3A_66 : memref<1x64x128xf32, #tpu.memory_space<vmem>> -> memref<64x128xf32, #tpu.memory_space<vmem>>
    %dma_start3A_68 = arith.constant 0 : i32
    %dma_start3A_69 = tpu.memref_slice %arg6[%dma_start3A_62, %dma_start3A_68] : memref<80x64xi32, #tpu.memory_space<vmem>> -> memref<1x64xi32, #tpu.memory_space<vmem>>
    %dma_start3A_70 = tpu.memref_squeeze %dma_start3A_69 : memref<1x64xi32, #tpu.memory_space<vmem>> -> memref<64xi32, #tpu.memory_space<vmem>>
    %dma_start3A_71 = arith.constant 0 : i32
    %dma_start3A_72 = arith.constant 0 : i32
    %dma_start3A_73 = tpu.memref_slice %arg2[%dma_start3A_71, %dma_start3A_72] : memref<10000x128xf32, #tpu.memory_space<hbm>> -> memref<10000x128xf32, #tpu.memory_space<hbm>>
    tpu.enqueue_indirect_dma source(%dma_start3A_73 : memref<10000x128xf32, #tpu.memory_space<hbm>>) target(%dma_start3A_67 : memref<64x128xf32, #tpu.memory_space<vmem>>) offsets(%dma_start3A_70 : memref<64xi32, #tpu.memory_space<vmem>>) semaphore(%arg13 : memref<!tpu.dma_semaphore, #tpu.memory_space<semaphore_mem>>)
    %dma_wait3A_74 = arith.constant 1 : i32
    %dma_wait3A_75 = arith.constant 1 : i32
    %dma_wait3A_76 = arith.constant 0 : i32
    %dma_wait3A_77 = arith.constant 0 : i32
    %dma_wait3A_78 = tpu.memref_slice %arg8[%dma_wait3A_75, %dma_wait3A_76, %dma_wait3A_77] : memref<4x64x128xf32, #tpu.memory_space<vmem>> -> memref<1x64x128xf32, #tpu.memory_space<vmem>>
    %dma_wait3A_79 = tpu.memref_squeeze %dma_wait3A_78 : memref<1x64x128xf32, #tpu.memory_space<vmem>> -> memref<64x128xf32, #tpu.memory_space<vmem>>
    %dma_wait3A_80 = arith.constant 0 : i32
    %dma_wait3A_81 = tpu.memref_slice %arg6[%dma_wait3A_74, %dma_wait3A_80] : memref<80x64xi32, #tpu.memory_space<vmem>> -> memref<1x64xi32, #tpu.memory_space<vmem>>
    %dma_wait3A_82 = tpu.memref_squeeze %dma_wait3A_81 : memref<1x64xi32, #tpu.memory_space<vmem>> -> memref<64xi32, #tpu.memory_space<vmem>>
    %dma_wait3A_83 = arith.constant 0 : i32
    %dma_wait3A_84 = arith.constant 0 : i32
    %dma_wait3A_85 = tpu.memref_slice %arg2[%dma_wait3A_83, %dma_wait3A_84] : memref<10000x128xf32, #tpu.memory_space<hbm>> -> memref<10000x128xf32, #tpu.memory_space<hbm>>
    tpu.wait_indirect_dma semaphore(%arg12 : memref<!tpu.dma_semaphore, #tpu.memory_space<semaphore_mem>>) src(%dma_wait3A_85 : memref<10000x128xf32, #tpu.memory_space<hbm>>) dst(%dma_wait3A_79 : memref<64x128xf32, #tpu.memory_space<vmem>>)
    %dma_start3A_86 = arith.constant 1 : i32
    %dma_start3A_87 = arith.constant 1 : i32
    %dma_start3A_88 = arith.constant 0 : i32
    %dma_start3A_89 = arith.constant 0 : i32
    %dma_start3A_90 = tpu.memref_slice %arg8[%dma_start3A_86, %dma_start3A_88, %dma_start3A_89] : memref<4x64x128xf32, #tpu.memory_space<vmem>> -> memref<1x64x128xf32, #tpu.memory_space<vmem>>
    %dma_start3A_91 = tpu.memref_squeeze %dma_start3A_90 : memref<1x64x128xf32, #tpu.memory_space<vmem>> -> memref<64x128xf32, #tpu.memory_space<vmem>>
    %dma_start3A_92 = arith.constant 0 : i32
    %dma_start3A_93 = tpu.memref_slice %arg7[%dma_start3A_87, %dma_start3A_92] : memref<80x64xi32, #tpu.memory_space<vmem>> -> memref<1x64xi32, #tpu.memory_space<vmem>>
    %dma_start3A_94 = tpu.memref_squeeze %dma_start3A_93 : memref<1x64xi32, #tpu.memory_space<vmem>> -> memref<64xi32, #tpu.memory_space<vmem>>
    %dma_start3A_95 = arith.constant 0 : i32
    %dma_start3A_96 = arith.constant 0 : i32
    %dma_start3A_97 = tpu.memref_slice %arg10[%dma_start3A_95, %dma_start3A_96] : memref<10240x128xf32, #tpu.memory_space<vmem_shared>> -> memref<10240x128xf32, #tpu.memory_space<vmem_shared>>
    tpu.enqueue_indirect_dma source(%dma_start3A_91 : memref<64x128xf32, #tpu.memory_space<vmem>>) target(%dma_start3A_97 : memref<10240x128xf32, #tpu.memory_space<vmem_shared>>) offsets(%dma_start3A_94 : memref<64xi32, #tpu.memory_space<vmem>>) semaphore(%arg16 : memref<!tpu.dma_semaphore, #tpu.memory_space<semaphore_mem>>) {add = true}
    %dma_start3A_98 = arith.constant 3 : i32
    %dma_start3A_99 = arith.constant 3 : i32
    %dma_start3A_100 = arith.constant 0 : i32
    %dma_start3A_101 = arith.constant 0 : i32
    %dma_start3A_102 = tpu.memref_slice %arg8[%dma_start3A_99, %dma_start3A_100, %dma_start3A_101] : memref<4x64x128xf32, #tpu.memory_space<vmem>> -> memref<1x64x128xf32, #tpu.memory_space<vmem>>
    %dma_start3A_103 = tpu.memref_squeeze %dma_start3A_102 : memref<1x64x128xf32, #tpu.memory_space<vmem>> -> memref<64x128xf32, #tpu.memory_space<vmem>>
    %dma_start3A_104 = arith.constant 0 : i32
    %dma_start3A_105 = tpu.memref_slice %arg6[%dma_start3A_98, %dma_start3A_104] : memref<80x64xi32, #tpu.memory_space<vmem>> -> memref<1x64xi32, #tpu.memory_space<vmem>>
    %dma_start3A_106 = tpu.memref_squeeze %dma_start3A_105 : memref<1x64xi32, #tpu.memory_space<vmem>> -> memref<64xi32, #tpu.memory_space<vmem>>
    %dma_start3A_107 = arith.constant 0 : i32
    %dma_start3A_108 = arith.constant 0 : i32
    %dma_start3A_109 = tpu.memref_slice %arg2[%dma_start3A_107, %dma_start3A_108] : memref<10000x128xf32, #tpu.memory_space<hbm>> -> memref<10000x128xf32, #tpu.memory_space<hbm>>
    tpu.enqueue_indirect_dma source(%dma_start3A_109 : memref<10000x128xf32, #tpu.memory_space<hbm>>) target(%dma_start3A_103 : memref<64x128xf32, #tpu.memory_space<vmem>>) offsets(%dma_start3A_106 : memref<64xi32, #tpu.memory_space<vmem>>) semaphore(%arg14 : memref<!tpu.dma_semaphore, #tpu.memory_space<semaphore_mem>>)
    %dma_wait3A_110 = arith.constant 2 : i32
    %dma_wait3A_111 = arith.constant 2 : i32
    %dma_wait3A_112 = arith.constant 0 : i32
    %dma_wait3A_113 = arith.constant 0 : i32
    %dma_wait3A_114 = tpu.memref_slice %arg8[%dma_wait3A_111, %dma_wait3A_112, %dma_wait3A_113] : memref<4x64x128xf32, #tpu.memory_space<vmem>> -> memref<1x64x128xf32, #tpu.memory_space<vmem>>
    %dma_wait3A_115 = tpu.memref_squeeze %dma_wait3A_114 : memref<1x64x128xf32, #tpu.memory_space<vmem>> -> memref<64x128xf32, #tpu.memory_space<vmem>>
    %dma_wait3A_116 = arith.constant 0 : i32
    %dma_wait3A_117 = tpu.memref_slice %arg6[%dma_wait3A_110, %dma_wait3A_116] : memref<80x64xi32, #tpu.memory_space<vmem>> -> memref<1x64xi32, #tpu.memory_space<vmem>>
    %dma_wait3A_118 = tpu.memref_squeeze %dma_wait3A_117 : memref<1x64xi32, #tpu.memory_space<vmem>> -> memref<64xi32, #tpu.memory_space<vmem>>
    %dma_wait3A_119 = arith.constant 0 : i32
    %dma_wait3A_120 = arith.constant 0 : i32
    %dma_wait3A_121 = tpu.memref_slice %arg2[%dma_wait3A_119, %dma_wait3A_120] : memref<10000x128xf32, #tpu.memory_space<hbm>> -> memref<10000x128xf32, #tpu.memory_space<hbm>>
    tpu.wait_indirect_dma semaphore(%arg13 : memref<!tpu.dma_semaphore, #tpu.memory_space<semaphore_mem>>) src(%dma_wait3A_121 : memref<10000x128xf32, #tpu.memory_space<hbm>>) dst(%dma_wait3A_115 : memref<64x128xf32, #tpu.memory_space<vmem>>)
    %dma_start3A_122 = arith.constant 2 : i32
    %dma_start3A_123 = arith.constant 2 : i32
    %dma_start3A_124 = arith.constant 0 : i32
    %dma_start3A_125 = arith.constant 0 : i32
    %dma_start3A_126 = tpu.memref_slice %arg8[%dma_start3A_122, %dma_start3A_124, %dma_start3A_125] : memref<4x64x128xf32, #tpu.memory_space<vmem>> -> memref<1x64x128xf32, #tpu.memory_space<vmem>>
    %dma_start3A_127 = tpu.memref_squeeze %dma_start3A_126 : memref<1x64x128xf32, #tpu.memory_space<vmem>> -> memref<64x128xf32, #tpu.memory_space<vmem>>
    %dma_start3A_128 = arith.constant 0 : i32
    %dma_start3A_129 = tpu.memref_slice %arg7[%dma_start3A_123, %dma_start3A_128] : memref<80x64xi32, #tpu.memory_space<vmem>> -> memref<1x64xi32, #tpu.memory_space<vmem>>
    %dma_start3A_130 = tpu.memref_squeeze %dma_start3A_129 : memref<1x64xi32, #tpu.memory_space<vmem>> -> memref<64xi32, #tpu.memory_space<vmem>>
    %dma_start3A_131 = arith.constant 0 : i32
    %dma_start3A_132 = arith.constant 0 : i32
    %dma_start3A_133 = tpu.memref_slice %arg10[%dma_start3A_131, %dma_start3A_132] : memref<10240x128xf32, #tpu.memory_space<vmem_shared>> -> memref<10240x128xf32, #tpu.memory_space<vmem_shared>>
    tpu.enqueue_indirect_dma source(%dma_start3A_127 : memref<64x128xf32, #tpu.memory_space<vmem>>) target(%dma_start3A_133 : memref<10240x128xf32, #tpu.memory_space<vmem_shared>>) offsets(%dma_start3A_130 : memref<64xi32, #tpu.memory_space<vmem>>) semaphore(%arg17 : memref<!tpu.dma_semaphore, #tpu.memory_space<semaphore_mem>>) {add = true}
    %dma_wait3A_134 = arith.constant 0 : i32
    %dma_wait3A_135 = arith.constant 0 : i32
    %dma_wait3A_136 = arith.constant 0 : i32
    %dma_wait3A_137 = arith.constant 0 : i32
    %dma_wait3A_138 = tpu.memref_slice %arg8[%dma_wait3A_134, %dma_wait3A_136, %dma_wait3A_137] : memref<4x64x128xf32, #tpu.memory_space<vmem>> -> memref<1x64x128xf32, #tpu.memory_space<vmem>>
    %dma_wait3A_139 = tpu.memref_squeeze %dma_wait3A_138 : memref<1x64x128xf32, #tpu.memory_space<vmem>> -> memref<64x128xf32, #tpu.memory_space<vmem>>
    %dma_wait3A_140 = arith.constant 0 : i32
    %dma_wait3A_141 = tpu.memref_slice %arg7[%dma_wait3A_135, %dma_wait3A_140] : memref<80x64xi32, #tpu.memory_space<vmem>> -> memref<1x64xi32, #tpu.memory_space<vmem>>
    %dma_wait3A_142 = tpu.memref_squeeze %dma_wait3A_141 : memref<1x64xi32, #tpu.memory_space<vmem>> -> memref<64xi32, #tpu.memory_space<vmem>>
    %dma_wait3A_143 = arith.constant 0 : i32
    %dma_wait3A_144 = arith.constant 0 : i32
    %dma_wait3A_145 = tpu.memref_slice %arg10[%dma_wait3A_143, %dma_wait3A_144] : memref<10240x128xf32, #tpu.memory_space<vmem_shared>> -> memref<10240x128xf32, #tpu.memory_space<vmem_shared>>
    tpu.wait_indirect_dma semaphore(%arg15 : memref<!tpu.dma_semaphore, #tpu.memory_space<semaphore_mem>>) src(%dma_wait3A_139 : memref<64x128xf32, #tpu.memory_space<vmem>>) dst(%dma_wait3A_145 : memref<10240x128xf32, #tpu.memory_space<vmem_shared>>)
    %dma_start3A_146 = arith.constant 4 : i32
    %dma_start3A_147 = arith.constant 0 : i32
    %dma_start3A_148 = arith.constant 0 : i32
    %dma_start3A_149 = arith.constant 0 : i32
    %dma_start3A_150 = tpu.memref_slice %arg8[%dma_start3A_147, %dma_start3A_148, %dma_start3A_149] : memref<4x64x128xf32, #tpu.memory_space<vmem>> -> memref<1x64x128xf32, #tpu.memory_space<vmem>>
    %dma_start3A_151 = tpu.memref_squeeze %dma_start3A_150 : memref<1x64x128xf32, #tpu.memory_space<vmem>> -> memref<64x128xf32, #tpu.memory_space<vmem>>
    %dma_start3A_152 = arith.constant 0 : i32
    %dma_start3A_153 = tpu.memref_slice %arg6[%dma_start3A_146, %dma_start3A_152] : memref<80x64xi32, #tpu.memory_space<vmem>> -> memref<1x64xi32, #tpu.memory_space<vmem>>
    %dma_start3A_154 = tpu.memref_squeeze %dma_start3A_153 : memref<1x64xi32, #tpu.memory_space<vmem>> -> memref<64xi32, #tpu.memory_space<vmem>>
    %dma_start3A_155 = arith.constant 0 : i32
    %dma_start3A_156 = arith.constant 0 : i32
    %dma_start3A_157 = tpu.memref_slice %arg2[%dma_start3A_155, %dma_start3A_156] : memref<10000x128xf32, #tpu.memory_space<hbm>> -> memref<10000x128xf32, #tpu.memory_space<hbm>>
    tpu.enqueue_indirect_dma source(%dma_start3A_157 : memref<10000x128xf32, #tpu.memory_space<hbm>>) target(%dma_start3A_151 : memref<64x128xf32, #tpu.memory_space<vmem>>) offsets(%dma_start3A_154 : memref<64xi32, #tpu.memory_space<vmem>>) semaphore(%arg11 : memref<!tpu.dma_semaphore, #tpu.memory_space<semaphore_mem>>)
    %dma_wait3A_158 = arith.constant 3 : i32
    %dma_wait3A_159 = arith.constant 3 : i32
    %dma_wait3A_160 = arith.constant 0 : i32
    %dma_wait3A_161 = arith.constant 0 : i32
    %dma_wait3A_162 = tpu.memref_slice %arg8[%dma_wait3A_159, %dma_wait3A_160, %dma_wait3A_161] : memref<4x64x128xf32, #tpu.memory_space<vmem>> -> memref<1x64x128xf32, #tpu.memory_space<vmem>>
    %dma_wait3A_163 = tpu.memref_squeeze %dma_wait3A_162 : memref<1x64x128xf32, #tpu.memory_space<vmem>> -> memref<64x128xf32, #tpu.memory_space<vmem>>
    %dma_wait3A_164 = arith.constant 0 : i32
    %dma_wait3A_165 = tpu.memref_slice %arg6[%dma_wait3A_158, %dma_wait3A_164] : memref<80x64xi32, #tpu.memory_space<vmem>> -> memref<1x64xi32, #tpu.memory_space<vmem>>
    %dma_wait3A_166 = tpu.memref_squeeze %dma_wait3A_165 : memref<1x64xi32, #tpu.memory_space<vmem>> -> memref<64xi32, #tpu.memory_space<vmem>>
    %dma_wait3A_167 = arith.constant 0 : i32
    %dma_wait3A_168 = arith.constant 0 : i32
    %dma_wait3A_169 = tpu.memref_slice %arg2[%dma_wait3A_167, %dma_wait3A_168] : memref<10000x128xf32, #tpu.memory_space<hbm>> -> memref<10000x128xf32, #tpu.memory_space<hbm>>
    tpu.wait_indirect_dma semaphore(%arg14 : memref<!tpu.dma_semaphore, #tpu.memory_space<semaphore_mem>>) src(%dma_wait3A_169 : memref<10000x128xf32, #tpu.memory_space<hbm>>) dst(%dma_wait3A_163 : memref<64x128xf32, #tpu.memory_space<vmem>>)
    %dma_start3A_170 = arith.constant 3 : i32
    %dma_start3A_171 = arith.constant 3 : i32
    %dma_start3A_172 = arith.constant 0 : i32
    %dma_start3A_173 = arith.constant 0 : i32
    %dma_start3A_174 = tpu.memref_slice %arg8[%dma_start3A_170, %dma_start3A_172, %dma_start3A_173] : memref<4x64x128xf32, #tpu.memory_space<vmem>> -> memref<1x64x128xf32, #tpu.memory_space<vmem>>
    %dma_start3A_175 = tpu.memref_squeeze %dma_start3A_174 : memref<1x64x128xf32, #tpu.memory_space<vmem>> -> memref<64x128xf32, #tpu.memory_space<vmem>>
    %dma_start3A_176 = arith.constant 0 : i32
    %dma_start3A_177 = tpu.memref_slice %arg7[%dma_start3A_171, %dma_start3A_176] : memref<80x64xi32, #tpu.memory_space<vmem>> -> memref<1x64xi32, #tpu.memory_space<vmem>>
    %dma_start3A_178 = tpu.memref_squeeze %dma_start3A_177 : memref<1x64xi32, #tpu.memory_space<vmem>> -> memref<64xi32, #tpu.memory_space<vmem>>
    %dma_start3A_179 = arith.constant 0 : i32
    %dma_start3A_180 = arith.constant 0 : i32
    %dma_start3A_181 = tpu.memref_slice %arg10[%dma_start3A_179, %dma_start3A_180] : memref<10240x128xf32, #tpu.memory_space<vmem_shared>> -> memref<10240x128xf32, #tpu.memory_space<vmem_shared>>
    tpu.enqueue_indirect_dma source(%dma_start3A_175 : memref<64x128xf32, #tpu.memory_space<vmem>>) target(%dma_start3A_181 : memref<10240x128xf32, #tpu.memory_space<vmem_shared>>) offsets(%dma_start3A_178 : memref<64xi32, #tpu.memory_space<vmem>>) semaphore(%arg18 : memref<!tpu.dma_semaphore, #tpu.memory_space<semaphore_mem>>) {add = true}
    %dma_wait3A_182 = arith.constant 1 : i32
    %dma_wait3A_183 = arith.constant 1 : i32
    %dma_wait3A_184 = arith.constant 0 : i32
    %dma_wait3A_185 = arith.constant 0 : i32
    %dma_wait3A_186 = tpu.memref_slice %arg8[%dma_wait3A_182, %dma_wait3A_184, %dma_wait3A_185] : memref<4x64x128xf32, #tpu.memory_space<vmem>> -> memref<1x64x128xf32, #tpu.memory_space<vmem>>
    %dma_wait3A_187 = tpu.memref_squeeze %dma_wait3A_186 : memref<1x64x128xf32, #tpu.memory_space<vmem>> -> memref<64x128xf32, #tpu.memory_space<vmem>>
    %dma_wait3A_188 = arith.constant 0 : i32
    %dma_wait3A_189 = tpu.memref_slice %arg7[%dma_wait3A_183, %dma_wait3A_188] : memref<80x64xi32, #tpu.memory_space<vmem>> -> memref<1x64xi32, #tpu.memory_space<vmem>>
    %dma_wait3A_190 = tpu.memref_squeeze %dma_wait3A_189 : memref<1x64xi32, #tpu.memory_space<vmem>> -> memref<64xi32, #tpu.memory_space<vmem>>
    %dma_wait3A_191 = arith.constant 0 : i32
    %dma_wait3A_192 = arith.constant 0 : i32
    %dma_wait3A_193 = tpu.memref_slice %arg10[%dma_wait3A_191, %dma_wait3A_192] : memref<10240x128xf32, #tpu.memory_space<vmem_shared>> -> memref<10240x128xf32, #tpu.memory_space<vmem_shared>>
    tpu.wait_indirect_dma semaphore(%arg16 : memref<!tpu.dma_semaphore, #tpu.memory_space<semaphore_mem>>) src(%dma_wait3A_187 : memref<64x128xf32, #tpu.memory_space<vmem>>) dst(%dma_wait3A_193 : memref<10240x128xf32, #tpu.memory_space<vmem_shared>>)
    %dma_start3A_194 = arith.constant 5 : i32
    %dma_start3A_195 = arith.constant 1 : i32
    %dma_start3A_196 = arith.constant 0 : i32
    %dma_start3A_197 = arith.constant 0 : i32
    %dma_start3A_198 = tpu.memref_slice %arg8[%dma_start3A_195, %dma_start3A_196, %dma_start3A_197] : memref<4x64x128xf32, #tpu.memory_space<vmem>> -> memref<1x64x128xf32, #tpu.memory_space<vmem>>
    %dma_start3A_199 = tpu.memref_squeeze %dma_start3A_198 : memref<1x64x128xf32, #tpu.memory_space<vmem>> -> memref<64x128xf32, #tpu.memory_space<vmem>>
    %dma_start3A_200 = arith.constant 0 : i32
    %dma_start3A_201 = tpu.memref_slice %arg6[%dma_start3A_194, %dma_start3A_200] : memref<80x64xi32, #tpu.memory_space<vmem>> -> memref<1x64xi32, #tpu.memory_space<vmem>>
    %dma_start3A_202 = tpu.memref_squeeze %dma_start3A_201 : memref<1x64xi32, #tpu.memory_space<vmem>> -> memref<64xi32, #tpu.memory_space<vmem>>
    %dma_start3A_203 = arith.constant 0 : i32
    %dma_start3A_204 = arith.constant 0 : i32
    %dma_start3A_205 = tpu.memref_slice %arg2[%dma_start3A_203, %dma_start3A_204] : memref<10000x128xf32, #tpu.memory_space<hbm>> -> memref<10000x128xf32, #tpu.memory_space<hbm>>
    tpu.enqueue_indirect_dma source(%dma_start3A_205 : memref<10000x128xf32, #tpu.memory_space<hbm>>) target(%dma_start3A_199 : memref<64x128xf32, #tpu.memory_space<vmem>>) offsets(%dma_start3A_202 : memref<64xi32, #tpu.memory_space<vmem>>) semaphore(%arg12 : memref<!tpu.dma_semaphore, #tpu.memory_space<semaphore_mem>>)
    %scan3A_206 = arith.constant 0 : i32
    %scan3A_207 = arith.constant 2 : i32
    %scan3A_208 = arith.constant 1 : i32
    %scan3A_209 = arith.constant 3 : i32
    %scan3A_210 = arith.constant 0 : i32
    %scan3A_211 = arith.constant 18 : i32
    %scan3A_212 = arith.addi %scan3A_210, %scan3A_211 : i32
    %scan3A_213 = arith.constant 1 : i32
    scf.for %scan3A_410 = %scan3A_210 to %scan3A_212 step %scan3A_213  : i32 {
      %mul3A_411 = arith.constant 4 : i32
      %mul3A_412 = arith.muli %scan3A_410, %mul3A_411 : i32
      %add3A_413 = arith.constant 4 : i32
      %add3A_414 = arith.addi %add3A_413, %mul3A_412 : i32
      %add3A_415 = arith.constant 0 : i32
      %add3A_416 = arith.addi %add3A_414, %add3A_415 : i32
      %dma_wait3A_417 = arith.constant 0 : i32
      %dma_wait3A_418 = arith.constant 0 : i32
      %dma_wait3A_419 = tpu.memref_slice %arg8[%scan3A_206, %dma_wait3A_417, %dma_wait3A_418] : memref<4x64x128xf32, #tpu.memory_space<vmem>> -> memref<1x64x128xf32, #tpu.memory_space<vmem>>
      %dma_wait3A_420 = tpu.memref_squeeze %dma_wait3A_419 : memref<1x64x128xf32, #tpu.memory_space<vmem>> -> memref<64x128xf32, #tpu.memory_space<vmem>>
      %dma_wait3A_421 = arith.constant 0 : i32
      %dma_wait3A_422 = tpu.memref_slice %arg6[%add3A_416, %dma_wait3A_421] : memref<80x64xi32, #tpu.memory_space<vmem>> -> memref<1x64xi32, #tpu.memory_space<vmem>>
      %dma_wait3A_423 = tpu.memref_squeeze %dma_wait3A_422 : memref<1x64xi32, #tpu.memory_space<vmem>> -> memref<64xi32, #tpu.memory_space<vmem>>
      %dma_wait3A_424 = arith.constant 0 : i32
      %dma_wait3A_425 = arith.constant 0 : i32
      %dma_wait3A_426 = tpu.memref_slice %arg2[%dma_wait3A_424, %dma_wait3A_425] : memref<10000x128xf32, #tpu.memory_space<hbm>> -> memref<10000x128xf32, #tpu.memory_space<hbm>>
      tpu.wait_indirect_dma semaphore(%arg11 : memref<!tpu.dma_semaphore, #tpu.memory_space<semaphore_mem>>) src(%dma_wait3A_426 : memref<10000x128xf32, #tpu.memory_space<hbm>>) dst(%dma_wait3A_420 : memref<64x128xf32, #tpu.memory_space<vmem>>)
      %dma_start3A_427 = arith.constant 0 : i32
      %dma_start3A_428 = arith.constant 0 : i32
      %dma_start3A_429 = tpu.memref_slice %arg8[%scan3A_206, %dma_start3A_427, %dma_start3A_428] : memref<4x64x128xf32, #tpu.memory_space<vmem>> -> memref<1x64x128xf32, #tpu.memory_space<vmem>>
      %dma_start3A_430 = tpu.memref_squeeze %dma_start3A_429 : memref<1x64x128xf32, #tpu.memory_space<vmem>> -> memref<64x128xf32, #tpu.memory_space<vmem>>
      %dma_start3A_431 = arith.constant 0 : i32
      %dma_start3A_432 = tpu.memref_slice %arg7[%add3A_416, %dma_start3A_431] : memref<80x64xi32, #tpu.memory_space<vmem>> -> memref<1x64xi32, #tpu.memory_space<vmem>>
      %dma_start3A_433 = tpu.memref_squeeze %dma_start3A_432 : memref<1x64xi32, #tpu.memory_space<vmem>> -> memref<64xi32, #tpu.memory_space<vmem>>
      %dma_start3A_434 = arith.constant 0 : i32
      %dma_start3A_435 = arith.constant 0 : i32
      %dma_start3A_436 = tpu.memref_slice %arg10[%dma_start3A_434, %dma_start3A_435] : memref<10240x128xf32, #tpu.memory_space<vmem_shared>> -> memref<10240x128xf32, #tpu.memory_space<vmem_shared>>
      tpu.enqueue_indirect_dma source(%dma_start3A_430 : memref<64x128xf32, #tpu.memory_space<vmem>>) target(%dma_start3A_436 : memref<10240x128xf32, #tpu.memory_space<vmem_shared>>) offsets(%dma_start3A_433 : memref<64xi32, #tpu.memory_space<vmem>>) semaphore(%arg15 : memref<!tpu.dma_semaphore, #tpu.memory_space<semaphore_mem>>) {add = true}
      %sub3A = arith.constant 2 : i32
      %sub3A_437 = arith.subi %add3A_416, %sub3A : i32
      %dma_wait3A_438 = arith.constant 0 : i32
      %dma_wait3A_439 = arith.constant 0 : i32
      %dma_wait3A_440 = tpu.memref_slice %arg8[%scan3A_207, %dma_wait3A_438, %dma_wait3A_439] : memref<4x64x128xf32, #tpu.memory_space<vmem>> -> memref<1x64x128xf32, #tpu.memory_space<vmem>>
      %dma_wait3A_441 = tpu.memref_squeeze %dma_wait3A_440 : memref<1x64x128xf32, #tpu.memory_space<vmem>> -> memref<64x128xf32, #tpu.memory_space<vmem>>
      %dma_wait3A_442 = arith.constant 0 : i32
      %dma_wait3A_443 = tpu.memref_slice %arg7[%sub3A_437, %dma_wait3A_442] : memref<80x64xi32, #tpu.memory_space<vmem>> -> memref<1x64xi32, #tpu.memory_space<vmem>>
      %dma_wait3A_444 = tpu.memref_squeeze %dma_wait3A_443 : memref<1x64xi32, #tpu.memory_space<vmem>> -> memref<64xi32, #tpu.memory_space<vmem>>
      %dma_wait3A_445 = arith.constant 0 : i32
      %dma_wait3A_446 = arith.constant 0 : i32
      %dma_wait3A_447 = tpu.memref_slice %arg10[%dma_wait3A_445, %dma_wait3A_446] : memref<10240x128xf32, #tpu.memory_space<vmem_shared>> -> memref<10240x128xf32, #tpu.memory_space<vmem_shared>>
      tpu.wait_indirect_dma semaphore(%arg17 : memref<!tpu.dma_semaphore, #tpu.memory_space<semaphore_mem>>) src(%dma_wait3A_441 : memref<64x128xf32, #tpu.memory_space<vmem>>) dst(%dma_wait3A_447 : memref<10240x128xf32, #tpu.memory_space<vmem_shared>>)
      %add3A_448 = arith.constant 2 : i32
      %add3A_449 = arith.addi %add3A_416, %add3A_448 : i32
      %dma_start3A_450 = arith.constant 0 : i32
      %dma_start3A_451 = arith.constant 0 : i32
      %dma_start3A_452 = tpu.memref_slice %arg8[%scan3A_207, %dma_start3A_450, %dma_start3A_451] : memref<4x64x128xf32, #tpu.memory_space<vmem>> -> memref<1x64x128xf32, #tpu.memory_space<vmem>>
      %dma_start3A_453 = tpu.memref_squeeze %dma_start3A_452 : memref<1x64x128xf32, #tpu.memory_space<vmem>> -> memref<64x128xf32, #tpu.memory_space<vmem>>
      %dma_start3A_454 = arith.constant 0 : i32
      %dma_start3A_455 = tpu.memref_slice %arg6[%add3A_449, %dma_start3A_454] : memref<80x64xi32, #tpu.memory_space<vmem>> -> memref<1x64xi32, #tpu.memory_space<vmem>>
      %dma_start3A_456 = tpu.memref_squeeze %dma_start3A_455 : memref<1x64xi32, #tpu.memory_space<vmem>> -> memref<64xi32, #tpu.memory_space<vmem>>
      %dma_start3A_457 = arith.constant 0 : i32
      %dma_start3A_458 = arith.constant 0 : i32
      %dma_start3A_459 = tpu.memref_slice %arg2[%dma_start3A_457, %dma_start3A_458] : memref<10000x128xf32, #tpu.memory_space<hbm>> -> memref<10000x128xf32, #tpu.memory_space<hbm>>
      tpu.enqueue_indirect_dma source(%dma_start3A_459 : memref<10000x128xf32, #tpu.memory_space<hbm>>) target(%dma_start3A_453 : memref<64x128xf32, #tpu.memory_space<vmem>>) offsets(%dma_start3A_456 : memref<64xi32, #tpu.memory_space<vmem>>) semaphore(%arg13 : memref<!tpu.dma_semaphore, #tpu.memory_space<semaphore_mem>>)
      %add3A_460 = arith.constant 1 : i32
      %add3A_461 = arith.addi %add3A_414, %add3A_460 : i32
      %dma_wait3A_462 = arith.constant 0 : i32
      %dma_wait3A_463 = arith.constant 0 : i32
      %dma_wait3A_464 = tpu.memref_slice %arg8[%scan3A_208, %dma_wait3A_462, %dma_wait3A_463] : memref<4x64x128xf32, #tpu.memory_space<vmem>> -> memref<1x64x128xf32, #tpu.memory_space<vmem>>
      %dma_wait3A_465 = tpu.memref_squeeze %dma_wait3A_464 : memref<1x64x128xf32, #tpu.memory_space<vmem>> -> memref<64x128xf32, #tpu.memory_space<vmem>>
      %dma_wait3A_466 = arith.constant 0 : i32
      %dma_wait3A_467 = tpu.memref_slice %arg6[%add3A_461, %dma_wait3A_466] : memref<80x64xi32, #tpu.memory_space<vmem>> -> memref<1x64xi32, #tpu.memory_space<vmem>>
      %dma_wait3A_468 = tpu.memref_squeeze %dma_wait3A_467 : memref<1x64xi32, #tpu.memory_space<vmem>> -> memref<64xi32, #tpu.memory_space<vmem>>
      %dma_wait3A_469 = arith.constant 0 : i32
      %dma_wait3A_470 = arith.constant 0 : i32
      %dma_wait3A_471 = tpu.memref_slice %arg2[%dma_wait3A_469, %dma_wait3A_470] : memref<10000x128xf32, #tpu.memory_space<hbm>> -> memref<10000x128xf32, #tpu.memory_space<hbm>>
      tpu.wait_indirect_dma semaphore(%arg12 : memref<!tpu.dma_semaphore, #tpu.memory_space<semaphore_mem>>) src(%dma_wait3A_471 : memref<10000x128xf32, #tpu.memory_space<hbm>>) dst(%dma_wait3A_465 : memref<64x128xf32, #tpu.memory_space<vmem>>)
      %dma_start3A_472 = arith.constant 0 : i32
      %dma_start3A_473 = arith.constant 0 : i32
      %dma_start3A_474 = tpu.memref_slice %arg8[%scan3A_208, %dma_start3A_472, %dma_start3A_473] : memref<4x64x128xf32, #tpu.memory_space<vmem>> -> memref<1x64x128xf32, #tpu.memory_space<vmem>>
      %dma_start3A_475 = tpu.memref_squeeze %dma_start3A_474 : memref<1x64x128xf32, #tpu.memory_space<vmem>> -> memref<64x128xf32, #tpu.memory_space<vmem>>
      %dma_start3A_476 = arith.constant 0 : i32
      %dma_start3A_477 = tpu.memref_slice %arg7[%add3A_461, %dma_start3A_476] : memref<80x64xi32, #tpu.memory_space<vmem>> -> memref<1x64xi32, #tpu.memory_space<vmem>>
      %dma_start3A_478 = tpu.memref_squeeze %dma_start3A_477 : memref<1x64xi32, #tpu.memory_space<vmem>> -> memref<64xi32, #tpu.memory_space<vmem>>
      %dma_start3A_479 = arith.constant 0 : i32
      %dma_start3A_480 = arith.constant 0 : i32
      %dma_start3A_481 = tpu.memref_slice %arg10[%dma_start3A_479, %dma_start3A_480] : memref<10240x128xf32, #tpu.memory_space<vmem_shared>> -> memref<10240x128xf32, #tpu.memory_space<vmem_shared>>
      tpu.enqueue_indirect_dma source(%dma_start3A_475 : memref<64x128xf32, #tpu.memory_space<vmem>>) target(%dma_start3A_481 : memref<10240x128xf32, #tpu.memory_space<vmem_shared>>) offsets(%dma_start3A_478 : memref<64xi32, #tpu.memory_space<vmem>>) semaphore(%arg16 : memref<!tpu.dma_semaphore, #tpu.memory_space<semaphore_mem>>) {add = true}
      %sub3A_482 = arith.constant 2 : i32
      %sub3A_483 = arith.subi %add3A_461, %sub3A_482 : i32
      %dma_wait3A_484 = arith.constant 0 : i32
      %dma_wait3A_485 = arith.constant 0 : i32
      %dma_wait3A_486 = tpu.memref_slice %arg8[%scan3A_209, %dma_wait3A_484, %dma_wait3A_485] : memref<4x64x128xf32, #tpu.memory_space<vmem>> -> memref<1x64x128xf32, #tpu.memory_space<vmem>>
      %dma_wait3A_487 = tpu.memref_squeeze %dma_wait3A_486 : memref<1x64x128xf32, #tpu.memory_space<vmem>> -> memref<64x128xf32, #tpu.memory_space<vmem>>
      %dma_wait3A_488 = arith.constant 0 : i32
      %dma_wait3A_489 = tpu.memref_slice %arg7[%sub3A_483, %dma_wait3A_488] : memref<80x64xi32, #tpu.memory_space<vmem>> -> memref<1x64xi32, #tpu.memory_space<vmem>>
      %dma_wait3A_490 = tpu.memref_squeeze %dma_wait3A_489 : memref<1x64xi32, #tpu.memory_space<vmem>> -> memref<64xi32, #tpu.memory_space<vmem>>
      %dma_wait3A_491 = arith.constant 0 : i32
      %dma_wait3A_492 = arith.constant 0 : i32
      %dma_wait3A_493 = tpu.memref_slice %arg10[%dma_wait3A_491, %dma_wait3A_492] : memref<10240x128xf32, #tpu.memory_space<vmem_shared>> -> memref<10240x128xf32, #tpu.memory_space<vmem_shared>>
      tpu.wait_indirect_dma semaphore(%arg18 : memref<!tpu.dma_semaphore, #tpu.memory_space<semaphore_mem>>) src(%dma_wait3A_487 : memref<64x128xf32, #tpu.memory_space<vmem>>) dst(%dma_wait3A_493 : memref<10240x128xf32, #tpu.memory_space<vmem_shared>>)
      %add3A_494 = arith.constant 2 : i32
      %add3A_495 = arith.addi %add3A_461, %add3A_494 : i32
      %dma_start3A_496 = arith.constant 0 : i32
      %dma_start3A_497 = arith.constant 0 : i32
      %dma_start3A_498 = tpu.memref_slice %arg8[%scan3A_209, %dma_start3A_496, %dma_start3A_497] : memref<4x64x128xf32, #tpu.memory_space<vmem>> -> memref<1x64x128xf32, #tpu.memory_space<vmem>>
      %dma_start3A_499 = tpu.memref_squeeze %dma_start3A_498 : memref<1x64x128xf32, #tpu.memory_space<vmem>> -> memref<64x128xf32, #tpu.memory_space<vmem>>
      %dma_start3A_500 = arith.constant 0 : i32
      %dma_start3A_501 = tpu.memref_slice %arg6[%add3A_495, %dma_start3A_500] : memref<80x64xi32, #tpu.memory_space<vmem>> -> memref<1x64xi32, #tpu.memory_space<vmem>>
      %dma_start3A_502 = tpu.memref_squeeze %dma_start3A_501 : memref<1x64xi32, #tpu.memory_space<vmem>> -> memref<64xi32, #tpu.memory_space<vmem>>
      %dma_start3A_503 = arith.constant 0 : i32
      %dma_start3A_504 = arith.constant 0 : i32
      %dma_start3A_505 = tpu.memref_slice %arg2[%dma_start3A_503, %dma_start3A_504] : memref<10000x128xf32, #tpu.memory_space<hbm>> -> memref<10000x128xf32, #tpu.memory_space<hbm>>
      tpu.enqueue_indirect_dma source(%dma_start3A_505 : memref<10000x128xf32, #tpu.memory_space<hbm>>) target(%dma_start3A_499 : memref<64x128xf32, #tpu.memory_space<vmem>>) offsets(%dma_start3A_502 : memref<64xi32, #tpu.memory_space<vmem>>) semaphore(%arg14 : memref<!tpu.dma_semaphore, #tpu.memory_space<semaphore_mem>>)
      %add3A_506 = arith.constant 2 : i32
      %add3A_507 = arith.addi %add3A_414, %add3A_506 : i32
      %dma_wait3A_508 = arith.constant 0 : i32
      %dma_wait3A_509 = arith.constant 0 : i32
      %dma_wait3A_510 = tpu.memref_slice %arg8[%scan3A_207, %dma_wait3A_508, %dma_wait3A_509] : memref<4x64x128xf32, #tpu.memory_space<vmem>> -> memref<1x64x128xf32, #tpu.memory_space<vmem>>
      %dma_wait3A_511 = tpu.memref_squeeze %dma_wait3A_510 : memref<1x64x128xf32, #tpu.memory_space<vmem>> -> memref<64x128xf32, #tpu.memory_space<vmem>>
      %dma_wait3A_512 = arith.constant 0 : i32
      %dma_wait3A_513 = tpu.memref_slice %arg6[%add3A_507, %dma_wait3A_512] : memref<80x64xi32, #tpu.memory_space<vmem>> -> memref<1x64xi32, #tpu.memory_space<vmem>>
      %dma_wait3A_514 = tpu.memref_squeeze %dma_wait3A_513 : memref<1x64xi32, #tpu.memory_space<vmem>> -> memref<64xi32, #tpu.memory_space<vmem>>
      %dma_wait3A_515 = arith.constant 0 : i32
      %dma_wait3A_516 = arith.constant 0 : i32
      %dma_wait3A_517 = tpu.memref_slice %arg2[%dma_wait3A_515, %dma_wait3A_516] : memref<10000x128xf32, #tpu.memory_space<hbm>> -> memref<10000x128xf32, #tpu.memory_space<hbm>>
      tpu.wait_indirect_dma semaphore(%arg13 : memref<!tpu.dma_semaphore, #tpu.memory_space<semaphore_mem>>) src(%dma_wait3A_517 : memref<10000x128xf32, #tpu.memory_space<hbm>>) dst(%dma_wait3A_511 : memref<64x128xf32, #tpu.memory_space<vmem>>)
      %dma_start3A_518 = arith.constant 0 : i32
      %dma_start3A_519 = arith.constant 0 : i32
      %dma_start3A_520 = tpu.memref_slice %arg8[%scan3A_207, %dma_start3A_518, %dma_start3A_519] : memref<4x64x128xf32, #tpu.memory_space<vmem>> -> memref<1x64x128xf32, #tpu.memory_space<vmem>>
      %dma_start3A_521 = tpu.memref_squeeze %dma_start3A_520 : memref<1x64x128xf32, #tpu.memory_space<vmem>> -> memref<64x128xf32, #tpu.memory_space<vmem>>
      %dma_start3A_522 = arith.constant 0 : i32
      %dma_start3A_523 = tpu.memref_slice %arg7[%add3A_507, %dma_start3A_522] : memref<80x64xi32, #tpu.memory_space<vmem>> -> memref<1x64xi32, #tpu.memory_space<vmem>>
      %dma_start3A_524 = tpu.memref_squeeze %dma_start3A_523 : memref<1x64xi32, #tpu.memory_space<vmem>> -> memref<64xi32, #tpu.memory_space<vmem>>
      %dma_start3A_525 = arith.constant 0 : i32
      %dma_start3A_526 = arith.constant 0 : i32
      %dma_start3A_527 = tpu.memref_slice %arg10[%dma_start3A_525, %dma_start3A_526] : memref<10240x128xf32, #tpu.memory_space<vmem_shared>> -> memref<10240x128xf32, #tpu.memory_space<vmem_shared>>
      tpu.enqueue_indirect_dma source(%dma_start3A_521 : memref<64x128xf32, #tpu.memory_space<vmem>>) target(%dma_start3A_527 : memref<10240x128xf32, #tpu.memory_space<vmem_shared>>) offsets(%dma_start3A_524 : memref<64xi32, #tpu.memory_space<vmem>>) semaphore(%arg17 : memref<!tpu.dma_semaphore, #tpu.memory_space<semaphore_mem>>) {add = true}
      %sub3A_528 = arith.constant 2 : i32
      %sub3A_529 = arith.subi %add3A_507, %sub3A_528 : i32
      %dma_wait3A_530 = arith.constant 0 : i32
      %dma_wait3A_531 = arith.constant 0 : i32
      %dma_wait3A_532 = tpu.memref_slice %arg8[%scan3A_206, %dma_wait3A_530, %dma_wait3A_531] : memref<4x64x128xf32, #tpu.memory_space<vmem>> -> memref<1x64x128xf32, #tpu.memory_space<vmem>>
      %dma_wait3A_533 = tpu.memref_squeeze %dma_wait3A_532 : memref<1x64x128xf32, #tpu.memory_space<vmem>> -> memref<64x128xf32, #tpu.memory_space<vmem>>
      %dma_wait3A_534 = arith.constant 0 : i32
      %dma_wait3A_535 = tpu.memref_slice %arg7[%sub3A_529, %dma_wait3A_534] : memref<80x64xi32, #tpu.memory_space<vmem>> -> memref<1x64xi32, #tpu.memory_space<vmem>>
      %dma_wait3A_536 = tpu.memref_squeeze %dma_wait3A_535 : memref<1x64xi32, #tpu.memory_space<vmem>> -> memref<64xi32, #tpu.memory_space<vmem>>
      %dma_wait3A_537 = arith.constant 0 : i32
      %dma_wait3A_538 = arith.constant 0 : i32
      %dma_wait3A_539 = tpu.memref_slice %arg10[%dma_wait3A_537, %dma_wait3A_538] : memref<10240x128xf32, #tpu.memory_space<vmem_shared>> -> memref<10240x128xf32, #tpu.memory_space<vmem_shared>>
      tpu.wait_indirect_dma semaphore(%arg15 : memref<!tpu.dma_semaphore, #tpu.memory_space<semaphore_mem>>) src(%dma_wait3A_533 : memref<64x128xf32, #tpu.memory_space<vmem>>) dst(%dma_wait3A_539 : memref<10240x128xf32, #tpu.memory_space<vmem_shared>>)
      %add3A_540 = arith.constant 2 : i32
      %add3A_541 = arith.addi %add3A_507, %add3A_540 : i32
      %dma_start3A_542 = arith.constant 0 : i32
      %dma_start3A_543 = arith.constant 0 : i32
      %dma_start3A_544 = tpu.memref_slice %arg8[%scan3A_206, %dma_start3A_542, %dma_start3A_543] : memref<4x64x128xf32, #tpu.memory_space<vmem>> -> memref<1x64x128xf32, #tpu.memory_space<vmem>>
      %dma_start3A_545 = tpu.memref_squeeze %dma_start3A_544 : memref<1x64x128xf32, #tpu.memory_space<vmem>> -> memref<64x128xf32, #tpu.memory_space<vmem>>
      %dma_start3A_546 = arith.constant 0 : i32
      %dma_start3A_547 = tpu.memref_slice %arg6[%add3A_541, %dma_start3A_546] : memref<80x64xi32, #tpu.memory_space<vmem>> -> memref<1x64xi32, #tpu.memory_space<vmem>>
      %dma_start3A_548 = tpu.memref_squeeze %dma_start3A_547 : memref<1x64xi32, #tpu.memory_space<vmem>> -> memref<64xi32, #tpu.memory_space<vmem>>
      %dma_start3A_549 = arith.constant 0 : i32
      %dma_start3A_550 = arith.constant 0 : i32
      %dma_start3A_551 = tpu.memref_slice %arg2[%dma_start3A_549, %dma_start3A_550] : memref<10000x128xf32, #tpu.memory_space<hbm>> -> memref<10000x128xf32, #tpu.memory_space<hbm>>
      tpu.enqueue_indirect_dma source(%dma_start3A_551 : memref<10000x128xf32, #tpu.memory_space<hbm>>) target(%dma_start3A_545 : memref<64x128xf32, #tpu.memory_space<vmem>>) offsets(%dma_start3A_548 : memref<64xi32, #tpu.memory_space<vmem>>) semaphore(%arg11 : memref<!tpu.dma_semaphore, #tpu.memory_space<semaphore_mem>>)
      %add3A_552 = arith.constant 3 : i32
      %add3A_553 = arith.addi %add3A_414, %add3A_552 : i32
      %dma_wait3A_554 = arith.constant 0 : i32
      %dma_wait3A_555 = arith.constant 0 : i32
      %dma_wait3A_556 = tpu.memref_slice %arg8[%scan3A_209, %dma_wait3A_554, %dma_wait3A_555] : memref<4x64x128xf32, #tpu.memory_space<vmem>> -> memref<1x64x128xf32, #tpu.memory_space<vmem>>
      %dma_wait3A_557 = tpu.memref_squeeze %dma_wait3A_556 : memref<1x64x128xf32, #tpu.memory_space<vmem>> -> memref<64x128xf32, #tpu.memory_space<vmem>>
      %dma_wait3A_558 = arith.constant 0 : i32
      %dma_wait3A_559 = tpu.memref_slice %arg6[%add3A_553, %dma_wait3A_558] : memref<80x64xi32, #tpu.memory_space<vmem>> -> memref<1x64xi32, #tpu.memory_space<vmem>>
      %dma_wait3A_560 = tpu.memref_squeeze %dma_wait3A_559 : memref<1x64xi32, #tpu.memory_space<vmem>> -> memref<64xi32, #tpu.memory_space<vmem>>
      %dma_wait3A_561 = arith.constant 0 : i32
      %dma_wait3A_562 = arith.constant 0 : i32
      %dma_wait3A_563 = tpu.memref_slice %arg2[%dma_wait3A_561, %dma_wait3A_562] : memref<10000x128xf32, #tpu.memory_space<hbm>> -> memref<10000x128xf32, #tpu.memory_space<hbm>>
      tpu.wait_indirect_dma semaphore(%arg14 : memref<!tpu.dma_semaphore, #tpu.memory_space<semaphore_mem>>) src(%dma_wait3A_563 : memref<10000x128xf32, #tpu.memory_space<hbm>>) dst(%dma_wait3A_557 : memref<64x128xf32, #tpu.memory_space<vmem>>)
      %dma_start3A_564 = arith.constant 0 : i32
      %dma_start3A_565 = arith.constant 0 : i32
      %dma_start3A_566 = tpu.memref_slice %arg8[%scan3A_209, %dma_start3A_564, %dma_start3A_565] : memref<4x64x128xf32, #tpu.memory_space<vmem>> -> memref<1x64x128xf32, #tpu.memory_space<vmem>>
      %dma_start3A_567 = tpu.memref_squeeze %dma_start3A_566 : memref<1x64x128xf32, #tpu.memory_space<vmem>> -> memref<64x128xf32, #tpu.memory_space<vmem>>
      %dma_start3A_568 = arith.constant 0 : i32
      %dma_start3A_569 = tpu.memref_slice %arg7[%add3A_553, %dma_start3A_568] : memref<80x64xi32, #tpu.memory_space<vmem>> -> memref<1x64xi32, #tpu.memory_space<vmem>>
      %dma_start3A_570 = tpu.memref_squeeze %dma_start3A_569 : memref<1x64xi32, #tpu.memory_space<vmem>> -> memref<64xi32, #tpu.memory_space<vmem>>
      %dma_start3A_571 = arith.constant 0 : i32
      %dma_start3A_572 = arith.constant 0 : i32
      %dma_start3A_573 = tpu.memref_slice %arg10[%dma_start3A_571, %dma_start3A_572] : memref<10240x128xf32, #tpu.memory_space<vmem_shared>> -> memref<10240x128xf32, #tpu.memory_space<vmem_shared>>
      tpu.enqueue_indirect_dma source(%dma_start3A_567 : memref<64x128xf32, #tpu.memory_space<vmem>>) target(%dma_start3A_573 : memref<10240x128xf32, #tpu.memory_space<vmem_shared>>) offsets(%dma_start3A_570 : memref<64xi32, #tpu.memory_space<vmem>>) semaphore(%arg18 : memref<!tpu.dma_semaphore, #tpu.memory_space<semaphore_mem>>) {add = true}
      %sub3A_574 = arith.constant 2 : i32
      %sub3A_575 = arith.subi %add3A_553, %sub3A_574 : i32
      %dma_wait3A_576 = arith.constant 0 : i32
      %dma_wait3A_577 = arith.constant 0 : i32
      %dma_wait3A_578 = tpu.memref_slice %arg8[%scan3A_208, %dma_wait3A_576, %dma_wait3A_577] : memref<4x64x128xf32, #tpu.memory_space<vmem>> -> memref<1x64x128xf32, #tpu.memory_space<vmem>>
      %dma_wait3A_579 = tpu.memref_squeeze %dma_wait3A_578 : memref<1x64x128xf32, #tpu.memory_space<vmem>> -> memref<64x128xf32, #tpu.memory_space<vmem>>
      %dma_wait3A_580 = arith.constant 0 : i32
      %dma_wait3A_581 = tpu.memref_slice %arg7[%sub3A_575, %dma_wait3A_580] : memref<80x64xi32, #tpu.memory_space<vmem>> -> memref<1x64xi32, #tpu.memory_space<vmem>>
      %dma_wait3A_582 = tpu.memref_squeeze %dma_wait3A_581 : memref<1x64xi32, #tpu.memory_space<vmem>> -> memref<64xi32, #tpu.memory_space<vmem>>
      %dma_wait3A_583 = arith.constant 0 : i32
      %dma_wait3A_584 = arith.constant 0 : i32
      %dma_wait3A_585 = tpu.memref_slice %arg10[%dma_wait3A_583, %dma_wait3A_584] : memref<10240x128xf32, #tpu.memory_space<vmem_shared>> -> memref<10240x128xf32, #tpu.memory_space<vmem_shared>>
      tpu.wait_indirect_dma semaphore(%arg16 : memref<!tpu.dma_semaphore, #tpu.memory_space<semaphore_mem>>) src(%dma_wait3A_579 : memref<64x128xf32, #tpu.memory_space<vmem>>) dst(%dma_wait3A_585 : memref<10240x128xf32, #tpu.memory_space<vmem_shared>>)
      %add3A_586 = arith.constant 2 : i32
      %add3A_587 = arith.addi %add3A_553, %add3A_586 : i32
      %dma_start3A_588 = arith.constant 0 : i32
      %dma_start3A_589 = arith.constant 0 : i32
      %dma_start3A_590 = tpu.memref_slice %arg8[%scan3A_208, %dma_start3A_588, %dma_start3A_589] : memref<4x64x128xf32, #tpu.memory_space<vmem>> -> memref<1x64x128xf32, #tpu.memory_space<vmem>>
      %dma_start3A_591 = tpu.memref_squeeze %dma_start3A_590 : memref<1x64x128xf32, #tpu.memory_space<vmem>> -> memref<64x128xf32, #tpu.memory_space<vmem>>
      %dma_start3A_592 = arith.constant 0 : i32
      %dma_start3A_593 = tpu.memref_slice %arg6[%add3A_587, %dma_start3A_592] : memref<80x64xi32, #tpu.memory_space<vmem>> -> memref<1x64xi32, #tpu.memory_space<vmem>>
      %dma_start3A_594 = tpu.memref_squeeze %dma_start3A_593 : memref<1x64xi32, #tpu.memory_space<vmem>> -> memref<64xi32, #tpu.memory_space<vmem>>
      %dma_start3A_595 = arith.constant 0 : i32
      %dma_start3A_596 = arith.constant 0 : i32
      %dma_start3A_597 = tpu.memref_slice %arg2[%dma_start3A_595, %dma_start3A_596] : memref<10000x128xf32, #tpu.memory_space<hbm>> -> memref<10000x128xf32, #tpu.memory_space<hbm>>
      tpu.enqueue_indirect_dma source(%dma_start3A_597 : memref<10000x128xf32, #tpu.memory_space<hbm>>) target(%dma_start3A_591 : memref<64x128xf32, #tpu.memory_space<vmem>>) offsets(%dma_start3A_594 : memref<64xi32, #tpu.memory_space<vmem>>) semaphore(%arg12 : memref<!tpu.dma_semaphore, #tpu.memory_space<semaphore_mem>>)
    }
    %scan3A_214 = arith.constant 18 : i32
    %dma_wait3A_215 = arith.constant 76 : i32
    %dma_wait3A_216 = arith.constant 0 : i32
    %dma_wait3A_217 = arith.constant 0 : i32
    %dma_wait3A_218 = arith.constant 0 : i32
    %dma_wait3A_219 = tpu.memref_slice %arg8[%dma_wait3A_216, %dma_wait3A_217, %dma_wait3A_218] : memref<4x64x128xf32, #tpu.memory_space<vmem>> -> memref<1x64x128xf32, #tpu.memory_space<vmem>>
    %dma_wait3A_220 = tpu.memref_squeeze %dma_wait3A_219 : memref<1x64x128xf32, #tpu.memory_space<vmem>> -> memref<64x128xf32, #tpu.memory_space<vmem>>
    %dma_wait3A_221 = arith.constant 0 : i32
    %dma_wait3A_222 = tpu.memref_slice %arg6[%dma_wait3A_215, %dma_wait3A_221] : memref<80x64xi32, #tpu.memory_space<vmem>> -> memref<1x64xi32, #tpu.memory_space<vmem>>
    %dma_wait3A_223 = tpu.memref_squeeze %dma_wait3A_222 : memref<1x64xi32, #tpu.memory_space<vmem>> -> memref<64xi32, #tpu.memory_space<vmem>>
    %dma_wait3A_224 = arith.constant 0 : i32
    %dma_wait3A_225 = arith.constant 0 : i32
    %dma_wait3A_226 = tpu.memref_slice %arg2[%dma_wait3A_224, %dma_wait3A_225] : memref<10000x128xf32, #tpu.memory_space<hbm>> -> memref<10000x128xf32, #tpu.memory_space<hbm>>
    tpu.wait_indirect_dma semaphore(%arg11 : memref<!tpu.dma_semaphore, #tpu.memory_space<semaphore_mem>>) src(%dma_wait3A_226 : memref<10000x128xf32, #tpu.memory_space<hbm>>) dst(%dma_wait3A_220 : memref<64x128xf32, #tpu.memory_space<vmem>>)
    %dma_start3A_227 = arith.constant 0 : i32
    %dma_start3A_228 = arith.constant 76 : i32
    %dma_start3A_229 = arith.constant 0 : i32
    %dma_start3A_230 = arith.constant 0 : i32
    %dma_start3A_231 = tpu.memref_slice %arg8[%dma_start3A_227, %dma_start3A_229, %dma_start3A_230] : memref<4x64x128xf32, #tpu.memory_space<vmem>> -> memref<1x64x128xf32, #tpu.memory_space<vmem>>
    %dma_start3A_232 = tpu.memref_squeeze %dma_start3A_231 : memref<1x64x128xf32, #tpu.memory_space<vmem>> -> memref<64x128xf32, #tpu.memory_space<vmem>>
    %dma_start3A_233 = arith.constant 0 : i32
    %dma_start3A_234 = tpu.memref_slice %arg7[%dma_start3A_228, %dma_start3A_233] : memref<80x64xi32, #tpu.memory_space<vmem>> -> memref<1x64xi32, #tpu.memory_space<vmem>>
    %dma_start3A_235 = tpu.memref_squeeze %dma_start3A_234 : memref<1x64xi32, #tpu.memory_space<vmem>> -> memref<64xi32, #tpu.memory_space<vmem>>
    %dma_start3A_236 = arith.constant 0 : i32
    %dma_start3A_237 = arith.constant 0 : i32
    %dma_start3A_238 = tpu.memref_slice %arg10[%dma_start3A_236, %dma_start3A_237] : memref<10240x128xf32, #tpu.memory_space<vmem_shared>> -> memref<10240x128xf32, #tpu.memory_space<vmem_shared>>
    tpu.enqueue_indirect_dma source(%dma_start3A_232 : memref<64x128xf32, #tpu.memory_space<vmem>>) target(%dma_start3A_238 : memref<10240x128xf32, #tpu.memory_space<vmem_shared>>) offsets(%dma_start3A_235 : memref<64xi32, #tpu.memory_space<vmem>>) semaphore(%arg15 : memref<!tpu.dma_semaphore, #tpu.memory_space<semaphore_mem>>) {add = true}
    %dma_wait3A_239 = arith.constant 2 : i32
    %dma_wait3A_240 = arith.constant 74 : i32
    %dma_wait3A_241 = arith.constant 0 : i32
    %dma_wait3A_242 = arith.constant 0 : i32
    %dma_wait3A_243 = tpu.memref_slice %arg8[%dma_wait3A_239, %dma_wait3A_241, %dma_wait3A_242] : memref<4x64x128xf32, #tpu.memory_space<vmem>> -> memref<1x64x128xf32, #tpu.memory_space<vmem>>
    %dma_wait3A_244 = tpu.memref_squeeze %dma_wait3A_243 : memref<1x64x128xf32, #tpu.memory_space<vmem>> -> memref<64x128xf32, #tpu.memory_space<vmem>>
    %dma_wait3A_245 = arith.constant 0 : i32
    %dma_wait3A_246 = tpu.memref_slice %arg7[%dma_wait3A_240, %dma_wait3A_245] : memref<80x64xi32, #tpu.memory_space<vmem>> -> memref<1x64xi32, #tpu.memory_space<vmem>>
    %dma_wait3A_247 = tpu.memref_squeeze %dma_wait3A_246 : memref<1x64xi32, #tpu.memory_space<vmem>> -> memref<64xi32, #tpu.memory_space<vmem>>
    %dma_wait3A_248 = arith.constant 0 : i32
    %dma_wait3A_249 = arith.constant 0 : i32
    %dma_wait3A_250 = tpu.memref_slice %arg10[%dma_wait3A_248, %dma_wait3A_249] : memref<10240x128xf32, #tpu.memory_space<vmem_shared>> -> memref<10240x128xf32, #tpu.memory_space<vmem_shared>>
    tpu.wait_indirect_dma semaphore(%arg17 : memref<!tpu.dma_semaphore, #tpu.memory_space<semaphore_mem>>) src(%dma_wait3A_244 : memref<64x128xf32, #tpu.memory_space<vmem>>) dst(%dma_wait3A_250 : memref<10240x128xf32, #tpu.memory_space<vmem_shared>>)
    %dma_start3A_251 = arith.constant 78 : i32
    %dma_start3A_252 = arith.constant 2 : i32
    %dma_start3A_253 = arith.constant 0 : i32
    %dma_start3A_254 = arith.constant 0 : i32
    %dma_start3A_255 = tpu.memref_slice %arg8[%dma_start3A_252, %dma_start3A_253, %dma_start3A_254] : memref<4x64x128xf32, #tpu.memory_space<vmem>> -> memref<1x64x128xf32, #tpu.memory_space<vmem>>
    %dma_start3A_256 = tpu.memref_squeeze %dma_start3A_255 : memref<1x64x128xf32, #tpu.memory_space<vmem>> -> memref<64x128xf32, #tpu.memory_space<vmem>>
    %dma_start3A_257 = arith.constant 0 : i32
    %dma_start3A_258 = tpu.memref_slice %arg6[%dma_start3A_251, %dma_start3A_257] : memref<80x64xi32, #tpu.memory_space<vmem>> -> memref<1x64xi32, #tpu.memory_space<vmem>>
    %dma_start3A_259 = tpu.memref_squeeze %dma_start3A_258 : memref<1x64xi32, #tpu.memory_space<vmem>> -> memref<64xi32, #tpu.memory_space<vmem>>
    %dma_start3A_260 = arith.constant 0 : i32
    %dma_start3A_261 = arith.constant 0 : i32
    %dma_start3A_262 = tpu.memref_slice %arg2[%dma_start3A_260, %dma_start3A_261] : memref<10000x128xf32, #tpu.memory_space<hbm>> -> memref<10000x128xf32, #tpu.memory_space<hbm>>
    tpu.enqueue_indirect_dma source(%dma_start3A_262 : memref<10000x128xf32, #tpu.memory_space<hbm>>) target(%dma_start3A_256 : memref<64x128xf32, #tpu.memory_space<vmem>>) offsets(%dma_start3A_259 : memref<64xi32, #tpu.memory_space<vmem>>) semaphore(%arg13 : memref<!tpu.dma_semaphore, #tpu.memory_space<semaphore_mem>>)
    %dma_wait3A_263 = arith.constant 77 : i32
    %dma_wait3A_264 = arith.constant 1 : i32
    %dma_wait3A_265 = arith.constant 0 : i32
    %dma_wait3A_266 = arith.constant 0 : i32
    %dma_wait3A_267 = tpu.memref_slice %arg8[%dma_wait3A_264, %dma_wait3A_265, %dma_wait3A_266] : memref<4x64x128xf32, #tpu.memory_space<vmem>> -> memref<1x64x128xf32, #tpu.memory_space<vmem>>
    %dma_wait3A_268 = tpu.memref_squeeze %dma_wait3A_267 : memref<1x64x128xf32, #tpu.memory_space<vmem>> -> memref<64x128xf32, #tpu.memory_space<vmem>>
    %dma_wait3A_269 = arith.constant 0 : i32
    %dma_wait3A_270 = tpu.memref_slice %arg6[%dma_wait3A_263, %dma_wait3A_269] : memref<80x64xi32, #tpu.memory_space<vmem>> -> memref<1x64xi32, #tpu.memory_space<vmem>>
    %dma_wait3A_271 = tpu.memref_squeeze %dma_wait3A_270 : memref<1x64xi32, #tpu.memory_space<vmem>> -> memref<64xi32, #tpu.memory_space<vmem>>
    %dma_wait3A_272 = arith.constant 0 : i32
    %dma_wait3A_273 = arith.constant 0 : i32
    %dma_wait3A_274 = tpu.memref_slice %arg2[%dma_wait3A_272, %dma_wait3A_273] : memref<10000x128xf32, #tpu.memory_space<hbm>> -> memref<10000x128xf32, #tpu.memory_space<hbm>>
    tpu.wait_indirect_dma semaphore(%arg12 : memref<!tpu.dma_semaphore, #tpu.memory_space<semaphore_mem>>) src(%dma_wait3A_274 : memref<10000x128xf32, #tpu.memory_space<hbm>>) dst(%dma_wait3A_268 : memref<64x128xf32, #tpu.memory_space<vmem>>)
    %dma_start3A_275 = arith.constant 1 : i32
    %dma_start3A_276 = arith.constant 77 : i32
    %dma_start3A_277 = arith.constant 0 : i32
    %dma_start3A_278 = arith.constant 0 : i32
    %dma_start3A_279 = tpu.memref_slice %arg8[%dma_start3A_275, %dma_start3A_277, %dma_start3A_278] : memref<4x64x128xf32, #tpu.memory_space<vmem>> -> memref<1x64x128xf32, #tpu.memory_space<vmem>>
    %dma_start3A_280 = tpu.memref_squeeze %dma_start3A_279 : memref<1x64x128xf32, #tpu.memory_space<vmem>> -> memref<64x128xf32, #tpu.memory_space<vmem>>
    %dma_start3A_281 = arith.constant 0 : i32
    %dma_start3A_282 = tpu.memref_slice %arg7[%dma_start3A_276, %dma_start3A_281] : memref<80x64xi32, #tpu.memory_space<vmem>> -> memref<1x64xi32, #tpu.memory_space<vmem>>
    %dma_start3A_283 = tpu.memref_squeeze %dma_start3A_282 : memref<1x64xi32, #tpu.memory_space<vmem>> -> memref<64xi32, #tpu.memory_space<vmem>>
    %dma_start3A_284 = arith.constant 0 : i32
    %dma_start3A_285 = arith.constant 0 : i32
    %dma_start3A_286 = tpu.memref_slice %arg10[%dma_start3A_284, %dma_start3A_285] : memref<10240x128xf32, #tpu.memory_space<vmem_shared>> -> memref<10240x128xf32, #tpu.memory_space<vmem_shared>>
    tpu.enqueue_indirect_dma source(%dma_start3A_280 : memref<64x128xf32, #tpu.memory_space<vmem>>) target(%dma_start3A_286 : memref<10240x128xf32, #tpu.memory_space<vmem_shared>>) offsets(%dma_start3A_283 : memref<64xi32, #tpu.memory_space<vmem>>) semaphore(%arg16 : memref<!tpu.dma_semaphore, #tpu.memory_space<semaphore_mem>>) {add = true}
    %dma_wait3A_287 = arith.constant 3 : i32
    %dma_wait3A_288 = arith.constant 75 : i32
    %dma_wait3A_289 = arith.constant 0 : i32
    %dma_wait3A_290 = arith.constant 0 : i32
    %dma_wait3A_291 = tpu.memref_slice %arg8[%dma_wait3A_287, %dma_wait3A_289, %dma_wait3A_290] : memref<4x64x128xf32, #tpu.memory_space<vmem>> -> memref<1x64x128xf32, #tpu.memory_space<vmem>>
    %dma_wait3A_292 = tpu.memref_squeeze %dma_wait3A_291 : memref<1x64x128xf32, #tpu.memory_space<vmem>> -> memref<64x128xf32, #tpu.memory_space<vmem>>
    %dma_wait3A_293 = arith.constant 0 : i32
    %dma_wait3A_294 = tpu.memref_slice %arg7[%dma_wait3A_288, %dma_wait3A_293] : memref<80x64xi32, #tpu.memory_space<vmem>> -> memref<1x64xi32, #tpu.memory_space<vmem>>
    %dma_wait3A_295 = tpu.memref_squeeze %dma_wait3A_294 : memref<1x64xi32, #tpu.memory_space<vmem>> -> memref<64xi32, #tpu.memory_space<vmem>>
    %dma_wait3A_296 = arith.constant 0 : i32
    %dma_wait3A_297 = arith.constant 0 : i32
    %dma_wait3A_298 = tpu.memref_slice %arg10[%dma_wait3A_296, %dma_wait3A_297] : memref<10240x128xf32, #tpu.memory_space<vmem_shared>> -> memref<10240x128xf32, #tpu.memory_space<vmem_shared>>
    tpu.wait_indirect_dma semaphore(%arg18 : memref<!tpu.dma_semaphore, #tpu.memory_space<semaphore_mem>>) src(%dma_wait3A_292 : memref<64x128xf32, #tpu.memory_space<vmem>>) dst(%dma_wait3A_298 : memref<10240x128xf32, #tpu.memory_space<vmem_shared>>)
    %dma_start3A_299 = arith.constant 79 : i32
    %dma_start3A_300 = arith.constant 3 : i32
    %dma_start3A_301 = arith.constant 0 : i32
    %dma_start3A_302 = arith.constant 0 : i32
    %dma_start3A_303 = tpu.memref_slice %arg8[%dma_start3A_300, %dma_start3A_301, %dma_start3A_302] : memref<4x64x128xf32, #tpu.memory_space<vmem>> -> memref<1x64x128xf32, #tpu.memory_space<vmem>>
    %dma_start3A_304 = tpu.memref_squeeze %dma_start3A_303 : memref<1x64x128xf32, #tpu.memory_space<vmem>> -> memref<64x128xf32, #tpu.memory_space<vmem>>
    %dma_start3A_305 = arith.constant 0 : i32
    %dma_start3A_306 = tpu.memref_slice %arg6[%dma_start3A_299, %dma_start3A_305] : memref<80x64xi32, #tpu.memory_space<vmem>> -> memref<1x64xi32, #tpu.memory_space<vmem>>
    %dma_start3A_307 = tpu.memref_squeeze %dma_start3A_306 : memref<1x64xi32, #tpu.memory_space<vmem>> -> memref<64xi32, #tpu.memory_space<vmem>>
    %dma_start3A_308 = arith.constant 0 : i32
    %dma_start3A_309 = arith.constant 0 : i32
    %dma_start3A_310 = tpu.memref_slice %arg2[%dma_start3A_308, %dma_start3A_309] : memref<10000x128xf32, #tpu.memory_space<hbm>> -> memref<10000x128xf32, #tpu.memory_space<hbm>>
    tpu.enqueue_indirect_dma source(%dma_start3A_310 : memref<10000x128xf32, #tpu.memory_space<hbm>>) target(%dma_start3A_304 : memref<64x128xf32, #tpu.memory_space<vmem>>) offsets(%dma_start3A_307 : memref<64xi32, #tpu.memory_space<vmem>>) semaphore(%arg14 : memref<!tpu.dma_semaphore, #tpu.memory_space<semaphore_mem>>)
    %dma_wait3A_311 = arith.constant 78 : i32
    %dma_wait3A_312 = arith.constant 2 : i32
    %dma_wait3A_313 = arith.constant 0 : i32
    %dma_wait3A_314 = arith.constant 0 : i32
    %dma_wait3A_315 = tpu.memref_slice %arg8[%dma_wait3A_312, %dma_wait3A_313, %dma_wait3A_314] : memref<4x64x128xf32, #tpu.memory_space<vmem>> -> memref<1x64x128xf32, #tpu.memory_space<vmem>>
    %dma_wait3A_316 = tpu.memref_squeeze %dma_wait3A_315 : memref<1x64x128xf32, #tpu.memory_space<vmem>> -> memref<64x128xf32, #tpu.memory_space<vmem>>
    %dma_wait3A_317 = arith.constant 0 : i32
    %dma_wait3A_318 = tpu.memref_slice %arg6[%dma_wait3A_311, %dma_wait3A_317] : memref<80x64xi32, #tpu.memory_space<vmem>> -> memref<1x64xi32, #tpu.memory_space<vmem>>
    %dma_wait3A_319 = tpu.memref_squeeze %dma_wait3A_318 : memref<1x64xi32, #tpu.memory_space<vmem>> -> memref<64xi32, #tpu.memory_space<vmem>>
    %dma_wait3A_320 = arith.constant 0 : i32
    %dma_wait3A_321 = arith.constant 0 : i32
    %dma_wait3A_322 = tpu.memref_slice %arg2[%dma_wait3A_320, %dma_wait3A_321] : memref<10000x128xf32, #tpu.memory_space<hbm>> -> memref<10000x128xf32, #tpu.memory_space<hbm>>
    tpu.wait_indirect_dma semaphore(%arg13 : memref<!tpu.dma_semaphore, #tpu.memory_space<semaphore_mem>>) src(%dma_wait3A_322 : memref<10000x128xf32, #tpu.memory_space<hbm>>) dst(%dma_wait3A_316 : memref<64x128xf32, #tpu.memory_space<vmem>>)
    %dma_start3A_323 = arith.constant 2 : i32
    %dma_start3A_324 = arith.constant 78 : i32
    %dma_start3A_325 = arith.constant 0 : i32
    %dma_start3A_326 = arith.constant 0 : i32
    %dma_start3A_327 = tpu.memref_slice %arg8[%dma_start3A_323, %dma_start3A_325, %dma_start3A_326] : memref<4x64x128xf32, #tpu.memory_space<vmem>> -> memref<1x64x128xf32, #tpu.memory_space<vmem>>
    %dma_start3A_328 = tpu.memref_squeeze %dma_start3A_327 : memref<1x64x128xf32, #tpu.memory_space<vmem>> -> memref<64x128xf32, #tpu.memory_space<vmem>>
    %dma_start3A_329 = arith.constant 0 : i32
    %dma_start3A_330 = tpu.memref_slice %arg7[%dma_start3A_324, %dma_start3A_329] : memref<80x64xi32, #tpu.memory_space<vmem>> -> memref<1x64xi32, #tpu.memory_space<vmem>>
    %dma_start3A_331 = tpu.memref_squeeze %dma_start3A_330 : memref<1x64xi32, #tpu.memory_space<vmem>> -> memref<64xi32, #tpu.memory_space<vmem>>
    %dma_start3A_332 = arith.constant 0 : i32
    %dma_start3A_333 = arith.constant 0 : i32
    %dma_start3A_334 = tpu.memref_slice %arg10[%dma_start3A_332, %dma_start3A_333] : memref<10240x128xf32, #tpu.memory_space<vmem_shared>> -> memref<10240x128xf32, #tpu.memory_space<vmem_shared>>
    tpu.enqueue_indirect_dma source(%dma_start3A_328 : memref<64x128xf32, #tpu.memory_space<vmem>>) target(%dma_start3A_334 : memref<10240x128xf32, #tpu.memory_space<vmem_shared>>) offsets(%dma_start3A_331 : memref<64xi32, #tpu.memory_space<vmem>>) semaphore(%arg17 : memref<!tpu.dma_semaphore, #tpu.memory_space<semaphore_mem>>) {add = true}
    %dma_wait3A_335 = arith.constant 0 : i32
    %dma_wait3A_336 = arith.constant 76 : i32
    %dma_wait3A_337 = arith.constant 0 : i32
    %dma_wait3A_338 = arith.constant 0 : i32
    %dma_wait3A_339 = tpu.memref_slice %arg8[%dma_wait3A_335, %dma_wait3A_337, %dma_wait3A_338] : memref<4x64x128xf32, #tpu.memory_space<vmem>> -> memref<1x64x128xf32, #tpu.memory_space<vmem>>
    %dma_wait3A_340 = tpu.memref_squeeze %dma_wait3A_339 : memref<1x64x128xf32, #tpu.memory_space<vmem>> -> memref<64x128xf32, #tpu.memory_space<vmem>>
    %dma_wait3A_341 = arith.constant 0 : i32
    %dma_wait3A_342 = tpu.memref_slice %arg7[%dma_wait3A_336, %dma_wait3A_341] : memref<80x64xi32, #tpu.memory_space<vmem>> -> memref<1x64xi32, #tpu.memory_space<vmem>>
    %dma_wait3A_343 = tpu.memref_squeeze %dma_wait3A_342 : memref<1x64xi32, #tpu.memory_space<vmem>> -> memref<64xi32, #tpu.memory_space<vmem>>
    %dma_wait3A_344 = arith.constant 0 : i32
    %dma_wait3A_345 = arith.constant 0 : i32
    %dma_wait3A_346 = tpu.memref_slice %arg10[%dma_wait3A_344, %dma_wait3A_345] : memref<10240x128xf32, #tpu.memory_space<vmem_shared>> -> memref<10240x128xf32, #tpu.memory_space<vmem_shared>>
    tpu.wait_indirect_dma semaphore(%arg15 : memref<!tpu.dma_semaphore, #tpu.memory_space<semaphore_mem>>) src(%dma_wait3A_340 : memref<64x128xf32, #tpu.memory_space<vmem>>) dst(%dma_wait3A_346 : memref<10240x128xf32, #tpu.memory_space<vmem_shared>>)
    %dma_wait3A_347 = arith.constant 79 : i32
    %dma_wait3A_348 = arith.constant 3 : i32
    %dma_wait3A_349 = arith.constant 0 : i32
    %dma_wait3A_350 = arith.constant 0 : i32
    %dma_wait3A_351 = tpu.memref_slice %arg8[%dma_wait3A_348, %dma_wait3A_349, %dma_wait3A_350] : memref<4x64x128xf32, #tpu.memory_space<vmem>> -> memref<1x64x128xf32, #tpu.memory_space<vmem>>
    %dma_wait3A_352 = tpu.memref_squeeze %dma_wait3A_351 : memref<1x64x128xf32, #tpu.memory_space<vmem>> -> memref<64x128xf32, #tpu.memory_space<vmem>>
    %dma_wait3A_353 = arith.constant 0 : i32
    %dma_wait3A_354 = tpu.memref_slice %arg6[%dma_wait3A_347, %dma_wait3A_353] : memref<80x64xi32, #tpu.memory_space<vmem>> -> memref<1x64xi32, #tpu.memory_space<vmem>>
    %dma_wait3A_355 = tpu.memref_squeeze %dma_wait3A_354 : memref<1x64xi32, #tpu.memory_space<vmem>> -> memref<64xi32, #tpu.memory_space<vmem>>
    %dma_wait3A_356 = arith.constant 0 : i32
    %dma_wait3A_357 = arith.constant 0 : i32
    %dma_wait3A_358 = tpu.memref_slice %arg2[%dma_wait3A_356, %dma_wait3A_357] : memref<10000x128xf32, #tpu.memory_space<hbm>> -> memref<10000x128xf32, #tpu.memory_space<hbm>>
    tpu.wait_indirect_dma semaphore(%arg14 : memref<!tpu.dma_semaphore, #tpu.memory_space<semaphore_mem>>) src(%dma_wait3A_358 : memref<10000x128xf32, #tpu.memory_space<hbm>>) dst(%dma_wait3A_352 : memref<64x128xf32, #tpu.memory_space<vmem>>)
    %dma_start3A_359 = arith.constant 3 : i32
    %dma_start3A_360 = arith.constant 79 : i32
    %dma_start3A_361 = arith.constant 0 : i32
    %dma_start3A_362 = arith.constant 0 : i32
    %dma_start3A_363 = tpu.memref_slice %arg8[%dma_start3A_359, %dma_start3A_361, %dma_start3A_362] : memref<4x64x128xf32, #tpu.memory_space<vmem>> -> memref<1x64x128xf32, #tpu.memory_space<vmem>>
    %dma_start3A_364 = tpu.memref_squeeze %dma_start3A_363 : memref<1x64x128xf32, #tpu.memory_space<vmem>> -> memref<64x128xf32, #tpu.memory_space<vmem>>
    %dma_start3A_365 = arith.constant 0 : i32
    %dma_start3A_366 = tpu.memref_slice %arg7[%dma_start3A_360, %dma_start3A_365] : memref<80x64xi32, #tpu.memory_space<vmem>> -> memref<1x64xi32, #tpu.memory_space<vmem>>
    %dma_start3A_367 = tpu.memref_squeeze %dma_start3A_366 : memref<1x64xi32, #tpu.memory_space<vmem>> -> memref<64xi32, #tpu.memory_space<vmem>>
    %dma_start3A_368 = arith.constant 0 : i32
    %dma_start3A_369 = arith.constant 0 : i32
    %dma_start3A_370 = tpu.memref_slice %arg10[%dma_start3A_368, %dma_start3A_369] : memref<10240x128xf32, #tpu.memory_space<vmem_shared>> -> memref<10240x128xf32, #tpu.memory_space<vmem_shared>>
    tpu.enqueue_indirect_dma source(%dma_start3A_364 : memref<64x128xf32, #tpu.memory_space<vmem>>) target(%dma_start3A_370 : memref<10240x128xf32, #tpu.memory_space<vmem_shared>>) offsets(%dma_start3A_367 : memref<64xi32, #tpu.memory_space<vmem>>) semaphore(%arg18 : memref<!tpu.dma_semaphore, #tpu.memory_space<semaphore_mem>>) {add = true}
    %dma_wait3A_371 = arith.constant 1 : i32
    %dma_wait3A_372 = arith.constant 77 : i32
    %dma_wait3A_373 = arith.constant 0 : i32
    %dma_wait3A_374 = arith.constant 0 : i32
    %dma_wait3A_375 = tpu.memref_slice %arg8[%dma_wait3A_371, %dma_wait3A_373, %dma_wait3A_374] : memref<4x64x128xf32, #tpu.memory_space<vmem>> -> memref<1x64x128xf32, #tpu.memory_space<vmem>>
    %dma_wait3A_376 = tpu.memref_squeeze %dma_wait3A_375 : memref<1x64x128xf32, #tpu.memory_space<vmem>> -> memref<64x128xf32, #tpu.memory_space<vmem>>
    %dma_wait3A_377 = arith.constant 0 : i32
    %dma_wait3A_378 = tpu.memref_slice %arg7[%dma_wait3A_372, %dma_wait3A_377] : memref<80x64xi32, #tpu.memory_space<vmem>> -> memref<1x64xi32, #tpu.memory_space<vmem>>
    %dma_wait3A_379 = tpu.memref_squeeze %dma_wait3A_378 : memref<1x64xi32, #tpu.memory_space<vmem>> -> memref<64xi32, #tpu.memory_space<vmem>>
    %dma_wait3A_380 = arith.constant 0 : i32
    %dma_wait3A_381 = arith.constant 0 : i32
    %dma_wait3A_382 = tpu.memref_slice %arg10[%dma_wait3A_380, %dma_wait3A_381] : memref<10240x128xf32, #tpu.memory_space<vmem_shared>> -> memref<10240x128xf32, #tpu.memory_space<vmem_shared>>
    tpu.wait_indirect_dma semaphore(%arg16 : memref<!tpu.dma_semaphore, #tpu.memory_space<semaphore_mem>>) src(%dma_wait3A_376 : memref<64x128xf32, #tpu.memory_space<vmem>>) dst(%dma_wait3A_382 : memref<10240x128xf32, #tpu.memory_space<vmem_shared>>)
    %dma_wait3A_383 = arith.constant 2 : i32
    %dma_wait3A_384 = arith.constant 78 : i32
    %dma_wait3A_385 = arith.constant 0 : i32
    %dma_wait3A_386 = arith.constant 0 : i32
    %dma_wait3A_387 = tpu.memref_slice %arg8[%dma_wait3A_383, %dma_wait3A_385, %dma_wait3A_386] : memref<4x64x128xf32, #tpu.memory_space<vmem>> -> memref<1x64x128xf32, #tpu.memory_space<vmem>>
    %dma_wait3A_388 = tpu.memref_squeeze %dma_wait3A_387 : memref<1x64x128xf32, #tpu.memory_space<vmem>> -> memref<64x128xf32, #tpu.memory_space<vmem>>
    %dma_wait3A_389 = arith.constant 0 : i32
    %dma_wait3A_390 = tpu.memref_slice %arg7[%dma_wait3A_384, %dma_wait3A_389] : memref<80x64xi32, #tpu.memory_space<vmem>> -> memref<1x64xi32, #tpu.memory_space<vmem>>
    %dma_wait3A_391 = tpu.memref_squeeze %dma_wait3A_390 : memref<1x64xi32, #tpu.memory_space<vmem>> -> memref<64xi32, #tpu.memory_space<vmem>>
    %dma_wait3A_392 = arith.constant 0 : i32
    %dma_wait3A_393 = arith.constant 0 : i32
    %dma_wait3A_394 = tpu.memref_slice %arg10[%dma_wait3A_392, %dma_wait3A_393] : memref<10240x128xf32, #tpu.memory_space<vmem_shared>> -> memref<10240x128xf32, #tpu.memory_space<vmem_shared>>
    tpu.wait_indirect_dma semaphore(%arg17 : memref<!tpu.dma_semaphore, #tpu.memory_space<semaphore_mem>>) src(%dma_wait3A_388 : memref<64x128xf32, #tpu.memory_space<vmem>>) dst(%dma_wait3A_394 : memref<10240x128xf32, #tpu.memory_space<vmem_shared>>)
    %dma_wait3A_395 = arith.constant 3 : i32
    %dma_wait3A_396 = arith.constant 79 : i32
    %dma_wait3A_397 = arith.constant 0 : i32
    %dma_wait3A_398 = arith.constant 0 : i32
    %dma_wait3A_399 = tpu.memref_slice %arg8[%dma_wait3A_395, %dma_wait3A_397, %dma_wait3A_398] : memref<4x64x128xf32, #tpu.memory_space<vmem>> -> memref<1x64x128xf32, #tpu.memory_space<vmem>>
    %dma_wait3A_400 = tpu.memref_squeeze %dma_wait3A_399 : memref<1x64x128xf32, #tpu.memory_space<vmem>> -> memref<64x128xf32, #tpu.memory_space<vmem>>
    %dma_wait3A_401 = arith.constant 0 : i32
    %dma_wait3A_402 = tpu.memref_slice %arg7[%dma_wait3A_396, %dma_wait3A_401] : memref<80x64xi32, #tpu.memory_space<vmem>> -> memref<1x64xi32, #tpu.memory_space<vmem>>
    %dma_wait3A_403 = tpu.memref_squeeze %dma_wait3A_402 : memref<1x64xi32, #tpu.memory_space<vmem>> -> memref<64xi32, #tpu.memory_space<vmem>>
    %dma_wait3A_404 = arith.constant 0 : i32
    %dma_wait3A_405 = arith.constant 0 : i32
    %dma_wait3A_406 = tpu.memref_slice %arg10[%dma_wait3A_404, %dma_wait3A_405] : memref<10240x128xf32, #tpu.memory_space<vmem_shared>> -> memref<10240x128xf32, #tpu.memory_space<vmem_shared>>
    tpu.wait_indirect_dma semaphore(%arg18 : memref<!tpu.dma_semaphore, #tpu.memory_space<semaphore_mem>>) src(%dma_wait3A_400 : memref<64x128xf32, #tpu.memory_space<vmem>>) dst(%dma_wait3A_406 : memref<10240x128xf32, #tpu.memory_space<vmem_shared>>)
    %barrier3A_407 = arith.constant 0 : index
    tpu.barrier barrier_id(%barrier3A_407)
    %mul3A_408 = arith.constant 625 : i32
    %mul3A_409 = arith.muli %arg1, %mul3A_408 : i32
    "tpu.region"() ({
      %run_scoped3A = tpu.sem_alloc : memref<!tpu.dma_semaphore, #tpu.memory_space<semaphore_mem>>
      %dma_start3A_410 = arith.constant 0 : i32
      %dma_start3A_411 = arith.constant 0 : i32
      %dma_start3A_412 = tpu.memref_slice %arg5[%arg0, %dma_start3A_410, %dma_start3A_411] : memref<2x10000x128xf32, #tpu.memory_space<hbm>> -> memref<1x10000x128xf32, #tpu.memory_space<hbm>>
      %dma_start3A_413 = tpu.memref_squeeze %dma_start3A_412 : memref<1x10000x128xf32, #tpu.memory_space<hbm>> -> memref<10000x128xf32, #tpu.memory_space<hbm>>
      %dma_start3A_414 = arith.constant 0 : i32
      %dma_start3A_415 = tpu.memref_slice %dma_start3A_413[%mul3A_409, %dma_start3A_414] : memref<10000x128xf32, #tpu.memory_space<hbm>> -> memref<625x128xf32, #tpu.memory_space<hbm>>
      %dma_start3A_416 = arith.constant 0 : i32
      %dma_start3A_417 = tpu.memref_slice %arg10[%mul3A_409, %dma_start3A_416] : memref<10240x128xf32, #tpu.memory_space<vmem_shared>> -> memref<625x128xf32, #tpu.memory_space<vmem_shared>>
      tpu.enqueue_dma source(%dma_start3A_417 : memref<625x128xf32, #tpu.memory_space<vmem_shared>>) target(%dma_start3A_415 : memref<625x128xf32, #tpu.memory_space<hbm>>) target_semaphore(%run_scoped3A : memref<!tpu.dma_semaphore, #tpu.memory_space<semaphore_mem>>)
      %dma_wait3A_418 = arith.constant 0 : i32
      %dma_wait3A_419 = arith.constant 0 : i32
      %dma_wait3A_420 = tpu.memref_slice %arg5[%arg0, %dma_wait3A_418, %dma_wait3A_419] : memref<2x10000x128xf32, #tpu.memory_space<hbm>> -> memref<1x10000x128xf32, #tpu.memory_space<hbm>>
      %dma_wait3A_421 = tpu.memref_squeeze %dma_wait3A_420 : memref<1x10000x128xf32, #tpu.memory_space<hbm>> -> memref<10000x128xf32, #tpu.memory_space<hbm>>
      %dma_wait3A_422 = arith.constant 0 : i32
      %dma_wait3A_423 = tpu.memref_slice %dma_wait3A_421[%mul3A_409, %dma_wait3A_422] : memref<10000x128xf32, #tpu.memory_space<hbm>> -> memref<625x128xf32, #tpu.memory_space<hbm>>
      %dma_wait3A_424 = arith.constant 0 : i32
      %dma_wait3A_425 = tpu.memref_slice %arg10[%mul3A_409, %dma_wait3A_424] : memref<10240x128xf32, #tpu.memory_space<vmem_shared>> -> memref<625x128xf32, #tpu.memory_space<vmem_shared>>
      tpu.wait_dma2 semaphore(%run_scoped3A : memref<!tpu.dma_semaphore, #tpu.memory_space<semaphore_mem>>) src(%dma_wait3A_425 : memref<625x128xf32, #tpu.memory_space<vmem_shared>>) dst(%dma_wait3A_423 : memref<625x128xf32, #tpu.memory_space<hbm>>)
      tpu.yield
    }) : () -> ()
    return
  }
}

#map = affine_map<(d0, d1) -> (0, 0)>
#map1 = affine_map<(d0, d1) -> (0, 0, 0)>
module attributes {stable_mosaic.version = 14 : i64} {
  func.func @_degree_kernel(%arg0: i32, %arg1: i32, %arg2: memref<1280x128xi32, #tpu.memory_space<hbm>>, %arg3: memref<2x10000x16xf32, #tpu.memory_space<hbm>>, %arg4: memref<40x128xi32, #tpu.memory_space<vmem>>, %arg5: memref<128x16xf32, #tpu.memory_space<vmem>>, %arg6: memref<16x16xf32, #tpu.memory_space<vmem>>, %arg7: memref<10240x16xf32, #tpu.memory_space<vmem_shared>>, %arg8: memref<!tpu.dma_semaphore, #tpu.memory_space<semaphore_mem>>) attributes {dimension_semantics = [#tpu.dimension_semantics<core_parallel>, #tpu.dimension_semantics<subcore_parallel>], iteration_bounds = array<i64: 2, 16>, scalar_prefetch = 0 : i64, scratch_operands = 5 : i64, tpu.core_type = #tpu.core_type<sc_vector_subcore>, window_params = [{transform_indices = #map}, {transform_indices = #map1}]} {
    %mul3A = arith.constant 2 : i32
    %mul3A_0 = arith.muli %arg1, %mul3A : i32
    %add3A = arith.addi %mul3A_0, %arg0 : i32
    %mul3A_1 = arith.constant 640 : i32
    %mul3A_2 = arith.muli %arg1, %mul3A_1 : i32
    %mul3A_3 = arith.constant 40 : i32
    %mul3A_4 = arith.muli %add3A, %mul3A_3 : i32
    "tpu.region"() ({
      %run_scoped3A = tpu.sem_alloc : memref<!tpu.dma_semaphore, #tpu.memory_space<semaphore_mem>>
      %dma_start3A = arith.constant 0 : i32
      %dma_start3A_37 = tpu.memref_slice %arg2[%mul3A_4, %dma_start3A] : memref<1280x128xi32, #tpu.memory_space<hbm>> -> memref<40x128xi32, #tpu.memory_space<hbm>>
      %dma_start3A_38 = arith.constant 0 : i32
      %dma_start3A_39 = tpu.memref_slice %arg2[%mul3A_4, %dma_start3A_38] : memref<1280x128xi32, #tpu.memory_space<hbm>> -> memref<40x128xi32, #tpu.memory_space<hbm>>
      tpu.enqueue_dma source(%dma_start3A_39 : memref<40x128xi32, #tpu.memory_space<hbm>>) target(%arg4 : memref<40x128xi32, #tpu.memory_space<vmem>>) target_semaphore(%run_scoped3A : memref<!tpu.dma_semaphore, #tpu.memory_space<semaphore_mem>>)
      %dma_wait3A = arith.constant 0 : i32
      %dma_wait3A_40 = tpu.memref_slice %arg2[%mul3A_4, %dma_wait3A] : memref<1280x128xi32, #tpu.memory_space<hbm>> -> memref<40x128xi32, #tpu.memory_space<hbm>>
      %dma_wait3A_41 = arith.constant 0 : i32
      %dma_wait3A_42 = tpu.memref_slice %arg2[%mul3A_4, %dma_wait3A_41] : memref<1280x128xi32, #tpu.memory_space<hbm>> -> memref<40x128xi32, #tpu.memory_space<hbm>>
      tpu.wait_dma2 semaphore(%run_scoped3A : memref<!tpu.dma_semaphore, #tpu.memory_space<semaphore_mem>>) src(%dma_wait3A_42 : memref<40x128xi32, #tpu.memory_space<hbm>>) dst(%arg4 : memref<40x128xi32, #tpu.memory_space<vmem>>)
      tpu.yield
    }) : () -> ()
    %scan3A = arith.constant 0 : i32
    %scan3A_5 = arith.constant 128 : i32
    %scan3A_6 = arith.addi %scan3A, %scan3A_5 : i32
    %scan3A_7 = arith.constant 1 : i32
    scf.for %scan3A_37 = %scan3A to %scan3A_6 step %scan3A_7  : i32 {
      %mul3A_38 = arith.constant 1 : i32
      %mul3A_39 = arith.muli %scan3A_37, %mul3A_38 : i32
      %add3A_40 = arith.constant 0 : i32
      %add3A_41 = arith.addi %add3A_40, %mul3A_39 : i32
      %broadcast_in_dim3A = arith.constant 1.000000e+00 : f32
      %broadcast_in_dim3A_42 = vector.broadcast %broadcast_in_dim3A : f32 to vector<1x16xf32>
      %swap3A = arith.index_cast %add3A_41 : i32 to index
      %swap3A_43 = arith.constant 0 : index
      %swap3A_44 = tpu.vector_load %arg5[%swap3A, %swap3A_43] {strides = array<i32>} : memref<128x16xf32, #tpu.memory_space<vmem>>, vector<1x16xf32>,
      %swap3A_45 = vector.shape_cast %swap3A_44 : vector<1x16xf32> to vector<1x16xf32>
      %swap3A_46 = vector.shape_cast %broadcast_in_dim3A_42 : vector<1x16xf32> to vector<1x16xf32>
      tpu.vector_store %arg5[%swap3A, %swap3A_43], %swap3A_46 {strides = array<i32>} : memref<128x16xf32, #tpu.memory_space<vmem>>, vector<1x16xf32>,
    }
    %scan3A_8 = arith.constant 128 : i32
    %scan3A_9 = arith.constant 0 : i32
    %scan3A_10 = arith.constant 16 : i32
    %scan3A_11 = arith.addi %scan3A_9, %scan3A_10 : i32
    %scan3A_12 = arith.constant 1 : i32
    scf.for %scan3A_37 = %scan3A_9 to %scan3A_11 step %scan3A_12  : i32 {
      %mul3A_38 = arith.constant 1 : i32
      %mul3A_39 = arith.muli %scan3A_37, %mul3A_38 : i32
      %add3A_40 = arith.constant 0 : i32
      %add3A_41 = arith.addi %add3A_40, %mul3A_39 : i32
      %scan3A_42 = arith.constant 0 : i32
      %mul3A_43 = arith.constant 16 : i32
      %mul3A_44 = arith.muli %scan3A_42, %mul3A_43 : i32
      %add3A_45 = arith.constant 0 : i32
      %add3A_46 = arith.addi %add3A_45, %mul3A_44 : i32
      %broadcast_in_dim3A = arith.constant 0.000000e+00 : f32
      %broadcast_in_dim3A_47 = vector.broadcast %broadcast_in_dim3A : f32 to vector<1x16xf32>
      %swap3A = arith.index_cast %add3A_41 : i32 to index
      %swap3A_48 = arith.index_cast %add3A_46 : i32 to index
      %swap3A_49 = tpu.vector_load %arg6[%swap3A, %swap3A_48] {strides = array<i32>} : memref<16x16xf32, #tpu.memory_space<vmem>>, vector<1x16xf32>,
      %swap3A_50 = vector.shape_cast %swap3A_49 : vector<1x16xf32> to vector<1x16xf32>
      %swap3A_51 = vector.shape_cast %broadcast_in_dim3A_47 : vector<1x16xf32> to vector<1x16xf32>
      tpu.vector_store %arg6[%swap3A, %swap3A_48], %swap3A_51 {strides = array<i32>} : memref<16x16xf32, #tpu.memory_space<vmem>>, vector<1x16xf32>,
      %scan3A_52 = arith.constant 1 : i32
    }
    %scan3A_13 = arith.constant 16 : i32
    %scan3A_14 = arith.constant 0 : i32
    %scan3A_15 = arith.constant 40 : i32
    %scan3A_16 = arith.addi %scan3A_14, %scan3A_15 : i32
    %scan3A_17 = arith.constant 1 : i32
    scf.for %scan3A_37 = %scan3A_14 to %scan3A_16 step %scan3A_17  : i32 {
      %mul3A_38 = arith.constant 16 : i32
      %mul3A_39 = arith.muli %scan3A_37, %mul3A_38 : i32
      %add3A_40 = arith.constant 0 : i32
      %add3A_41 = arith.addi %add3A_40, %mul3A_39 : i32
      %add3A_42 = arith.addi %mul3A_2, %add3A_41 : i32
      "tpu.region"() ({
        %run_scoped3A = tpu.sem_alloc : memref<!tpu.dma_semaphore, #tpu.memory_space<semaphore_mem>>
        %dma_start3A = arith.constant 0 : i32
        %dma_start3A_43 = tpu.memref_slice %arg7[%add3A_42, %dma_start3A] : memref<10240x16xf32, #tpu.memory_space<vmem_shared>> -> memref<16x16xf32, #tpu.memory_space<vmem_shared>>
        %dma_start3A_44 = arith.constant 0 : i32
        %dma_start3A_45 = tpu.memref_slice %arg7[%add3A_42, %dma_start3A_44] : memref<10240x16xf32, #tpu.memory_space<vmem_shared>> -> memref<16x16xf32, #tpu.memory_space<vmem_shared>>
        tpu.enqueue_dma source(%arg6 : memref<16x16xf32, #tpu.memory_space<vmem>>) target(%dma_start3A_45 : memref<16x16xf32, #tpu.memory_space<vmem_shared>>) target_semaphore(%run_scoped3A : memref<!tpu.dma_semaphore, #tpu.memory_space<semaphore_mem>>)
        %dma_wait3A = arith.constant 0 : i32
        %dma_wait3A_46 = tpu.memref_slice %arg7[%add3A_42, %dma_wait3A] : memref<10240x16xf32, #tpu.memory_space<vmem_shared>> -> memref<16x16xf32, #tpu.memory_space<vmem_shared>>
        %dma_wait3A_47 = arith.constant 0 : i32
        %dma_wait3A_48 = tpu.memref_slice %arg7[%add3A_42, %dma_wait3A_47] : memref<10240x16xf32, #tpu.memory_space<vmem_shared>> -> memref<16x16xf32, #tpu.memory_space<vmem_shared>>
        tpu.wait_dma2 semaphore(%run_scoped3A : memref<!tpu.dma_semaphore, #tpu.memory_space<semaphore_mem>>) src(%arg6 : memref<16x16xf32, #tpu.memory_space<vmem>>) dst(%dma_wait3A_48 : memref<16x16xf32, #tpu.memory_space<vmem_shared>>)
        tpu.yield
      }) : () -> ()
    }
    %scan3A_18 = arith.constant 40 : i32
    %barrier3A = arith.constant 0 : index
    tpu.barrier barrier_id(%barrier3A)
    %scan3A_19 = arith.constant 0 : i32
    %scan3A_20 = arith.constant 8 : i32
    %scan3A_21 = arith.addi %scan3A_19, %scan3A_20 : i32
    %scan3A_22 = arith.constant 1 : i32
    scf.for %scan3A_37 = %scan3A_19 to %scan3A_21 step %scan3A_22  : i32 {
      %mul3A_38 = arith.constant 1 : i32
      %mul3A_39 = arith.muli %scan3A_37, %mul3A_38 : i32
      %add3A_40 = arith.constant 0 : i32
      %add3A_41 = arith.addi %add3A_40, %mul3A_39 : i32
      %dma_start3A = arith.constant 0 : i32
      %dma_start3A_42 = tpu.memref_slice %arg4[%add3A_41, %dma_start3A] : memref<40x128xi32, #tpu.memory_space<vmem>> -> memref<1x128xi32, #tpu.memory_space<vmem>>
      %dma_start3A_43 = tpu.memref_squeeze %dma_start3A_42 : memref<1x128xi32, #tpu.memory_space<vmem>> -> memref<128xi32, #tpu.memory_space<vmem>>
      %dma_start3A_44 = arith.constant 0 : i32
      %dma_start3A_45 = arith.constant 0 : i32
      %dma_start3A_46 = tpu.memref_slice %arg7[%dma_start3A_44, %dma_start3A_45] : memref<10240x16xf32, #tpu.memory_space<vmem_shared>> -> memref<10240x16xf32, #tpu.memory_space<vmem_shared>>
      tpu.enqueue_indirect_dma source(%arg5 : memref<128x16xf32, #tpu.memory_space<vmem>>) target(%dma_start3A_46 : memref<10240x16xf32, #tpu.memory_space<vmem_shared>>) offsets(%dma_start3A_43 : memref<128xi32, #tpu.memory_space<vmem>>) semaphore(%arg8 : memref<!tpu.dma_semaphore, #tpu.memory_space<semaphore_mem>>) {add = true}
    }
    %scan3A_23 = arith.constant 8 : i32
    %scan3A_24 = arith.constant 0 : i32
    %scan3A_25 = arith.constant 32 : i32
    %scan3A_26 = arith.addi %scan3A_24, %scan3A_25 : i32
    %scan3A_27 = arith.constant 1 : i32
    scf.for %scan3A_37 = %scan3A_24 to %scan3A_26 step %scan3A_27  : i32 {
      %mul3A_38 = arith.constant 1 : i32
      %mul3A_39 = arith.muli %scan3A_37, %mul3A_38 : i32
      %add3A_40 = arith.constant 8 : i32
      %add3A_41 = arith.addi %add3A_40, %mul3A_39 : i32
      %dma_start3A = arith.constant 0 : i32
      %dma_start3A_42 = tpu.memref_slice %arg4[%add3A_41, %dma_start3A] : memref<40x128xi32, #tpu.memory_space<vmem>> -> memref<1x128xi32, #tpu.memory_space<vmem>>
      %dma_start3A_43 = tpu.memref_squeeze %dma_start3A_42 : memref<1x128xi32, #tpu.memory_space<vmem>> -> memref<128xi32, #tpu.memory_space<vmem>>
      %dma_start3A_44 = arith.constant 0 : i32
      %dma_start3A_45 = arith.constant 0 : i32
      %dma_start3A_46 = tpu.memref_slice %arg7[%dma_start3A_44, %dma_start3A_45] : memref<10240x16xf32, #tpu.memory_space<vmem_shared>> -> memref<10240x16xf32, #tpu.memory_space<vmem_shared>>
      tpu.enqueue_indirect_dma source(%arg5 : memref<128x16xf32, #tpu.memory_space<vmem>>) target(%dma_start3A_46 : memref<10240x16xf32, #tpu.memory_space<vmem_shared>>) offsets(%dma_start3A_43 : memref<128xi32, #tpu.memory_space<vmem>>) semaphore(%arg8 : memref<!tpu.dma_semaphore, #tpu.memory_space<semaphore_mem>>) {add = true}
      %sub3A = arith.constant 8 : i32
      %sub3A_47 = arith.subi %add3A_41, %sub3A : i32
      %dma_wait3A = arith.constant 0 : i32
      %dma_wait3A_48 = tpu.memref_slice %arg4[%sub3A_47, %dma_wait3A] : memref<40x128xi32, #tpu.memory_space<vmem>> -> memref<1x128xi32, #tpu.memory_space<vmem>>
      %dma_wait3A_49 = tpu.memref_squeeze %dma_wait3A_48 : memref<1x128xi32, #tpu.memory_space<vmem>> -> memref<128xi32, #tpu.memory_space<vmem>>
      %dma_wait3A_50 = arith.constant 0 : i32
      %dma_wait3A_51 = arith.constant 0 : i32
      %dma_wait3A_52 = tpu.memref_slice %arg7[%dma_wait3A_50, %dma_wait3A_51] : memref<10240x16xf32, #tpu.memory_space<vmem_shared>> -> memref<10240x16xf32, #tpu.memory_space<vmem_shared>>
      tpu.wait_indirect_dma semaphore(%arg8 : memref<!tpu.dma_semaphore, #tpu.memory_space<semaphore_mem>>) src(%arg5 : memref<128x16xf32, #tpu.memory_space<vmem>>) dst(%dma_wait3A_52 : memref<10240x16xf32, #tpu.memory_space<vmem_shared>>)
    }
    %scan3A_28 = arith.constant 32 : i32
    %scan3A_29 = arith.constant 0 : i32
    %scan3A_30 = arith.constant 8 : i32
    %scan3A_31 = arith.addi %scan3A_29, %scan3A_30 : i32
    %scan3A_32 = arith.constant 1 : i32
    scf.for %scan3A_37 = %scan3A_29 to %scan3A_31 step %scan3A_32  : i32 {
      %mul3A_38 = arith.constant 1 : i32
      %mul3A_39 = arith.muli %scan3A_37, %mul3A_38 : i32
      %add3A_40 = arith.constant 32 : i32
      %add3A_41 = arith.addi %add3A_40, %mul3A_39 : i32
      %dma_wait3A = arith.constant 0 : i32
      %dma_wait3A_42 = tpu.memref_slice %arg4[%add3A_41, %dma_wait3A] : memref<40x128xi32, #tpu.memory_space<vmem>> -> memref<1x128xi32, #tpu.memory_space<vmem>>
      %dma_wait3A_43 = tpu.memref_squeeze %dma_wait3A_42 : memref<1x128xi32, #tpu.memory_space<vmem>> -> memref<128xi32, #tpu.memory_space<vmem>>
      %dma_wait3A_44 = arith.constant 0 : i32
      %dma_wait3A_45 = arith.constant 0 : i32
      %dma_wait3A_46 = tpu.memref_slice %arg7[%dma_wait3A_44, %dma_wait3A_45] : memref<10240x16xf32, #tpu.memory_space<vmem_shared>> -> memref<10240x16xf32, #tpu.memory_space<vmem_shared>>
      tpu.wait_indirect_dma semaphore(%arg8 : memref<!tpu.dma_semaphore, #tpu.memory_space<semaphore_mem>>) src(%arg5 : memref<128x16xf32, #tpu.memory_space<vmem>>) dst(%dma_wait3A_46 : memref<10240x16xf32, #tpu.memory_space<vmem_shared>>)
    }
    %scan3A_33 = arith.constant 8 : i32
    %barrier3A_34 = arith.constant 0 : index
    tpu.barrier barrier_id(%barrier3A_34)
    %mul3A_35 = arith.constant 625 : i32
    %mul3A_36 = arith.muli %arg1, %mul3A_35 : i32
    "tpu.region"() ({
      %run_scoped3A = tpu.sem_alloc : memref<!tpu.dma_semaphore, #tpu.memory_space<semaphore_mem>>
      %dma_start3A = arith.constant 0 : i32
      %dma_start3A_37 = arith.constant 0 : i32
      %dma_start3A_38 = tpu.memref_slice %arg3[%arg0, %dma_start3A, %dma_start3A_37] : memref<2x10000x16xf32, #tpu.memory_space<hbm>> -> memref<1x10000x16xf32, #tpu.memory_space<hbm>>
      %dma_start3A_39 = tpu.memref_squeeze %dma_start3A_38 : memref<1x10000x16xf32, #tpu.memory_space<hbm>> -> memref<10000x16xf32, #tpu.memory_space<hbm>>
      %dma_start3A_40 = arith.constant 0 : i32
      %dma_start3A_41 = tpu.memref_slice %dma_start3A_39[%mul3A_36, %dma_start3A_40] : memref<10000x16xf32, #tpu.memory_space<hbm>> -> memref<625x16xf32, #tpu.memory_space<hbm>>
      %dma_start3A_42 = arith.constant 0 : i32
      %dma_start3A_43 = tpu.memref_slice %arg7[%mul3A_36, %dma_start3A_42] : memref<10240x16xf32, #tpu.memory_space<vmem_shared>> -> memref<625x16xf32, #tpu.memory_space<vmem_shared>>
      tpu.enqueue_dma source(%dma_start3A_43 : memref<625x16xf32, #tpu.memory_space<vmem_shared>>) target(%dma_start3A_41 : memref<625x16xf32, #tpu.memory_space<hbm>>) target_semaphore(%run_scoped3A : memref<!tpu.dma_semaphore, #tpu.memory_space<semaphore_mem>>)
      %dma_wait3A = arith.constant 0 : i32
      %dma_wait3A_44 = arith.constant 0 : i32
      %dma_wait3A_45 = tpu.memref_slice %arg3[%arg0, %dma_wait3A, %dma_wait3A_44] : memref<2x10000x16xf32, #tpu.memory_space<hbm>> -> memref<1x10000x16xf32, #tpu.memory_space<hbm>>
      %dma_wait3A_46 = tpu.memref_squeeze %dma_wait3A_45 : memref<1x10000x16xf32, #tpu.memory_space<hbm>> -> memref<10000x16xf32, #tpu.memory_space<hbm>>
      %dma_wait3A_47 = arith.constant 0 : i32
      %dma_wait3A_48 = tpu.memref_slice %dma_wait3A_46[%mul3A_36, %dma_wait3A_47] : memref<10000x16xf32, #tpu.memory_space<hbm>> -> memref<625x16xf32, #tpu.memory_space<hbm>>
      %dma_wait3A_49 = arith.constant 0 : i32
      %dma_wait3A_50 = tpu.memref_slice %arg7[%mul3A_36, %dma_wait3A_49] : memref<10240x16xf32, #tpu.memory_space<vmem_shared>> -> memref<625x16xf32, #tpu.memory_space<vmem_shared>>
      tpu.wait_dma2 semaphore(%run_scoped3A : memref<!tpu.dma_semaphore, #tpu.memory_space<semaphore_mem>>) src(%dma_wait3A_50 : memref<625x16xf32, #tpu.memory_space<vmem_shared>>) dst(%dma_wait3A_48 : memref<625x16xf32, #tpu.memory_space<hbm>>)
      tpu.yield
    }) : () -> ()
    return
  }
}

#map = affine_map<(d0, d1) -> (0, 0)>
#map1 = affine_map<(d0, d1) -> (0, 0, 0)>
module attributes {stable_mosaic.version = 14 : i64} {
  func.func @k(%arg0: i32, %arg1: i32, %arg2: memref<10000x128xf32, #tpu.memory_space<hbm>>, %arg3: memref<2560x64xi32, #tpu.memory_space<hbm>>, %arg4: memref<2560x64xi32, #tpu.memory_space<hbm>>, %arg5: memref<2x10000x128xf32, #tpu.memory_space<hbm>>, %arg6: memref<80x64xi32, #tpu.memory_space<vmem>>, %arg7: memref<80x64xi32, #tpu.memory_space<vmem>>, %arg8: memref<4x64x128xf32, #tpu.memory_space<vmem>>, %arg9: memref<16x128xf32, #tpu.memory_space<vmem>>, %arg10: memref<10240x128xf32, #tpu.memory_space<vmem_shared>>, %arg11: memref<!tpu.dma_semaphore, #tpu.memory_space<semaphore_mem>>, %arg12: memref<!tpu.dma_semaphore, #tpu.memory_space<semaphore_mem>>, %arg13: memref<!tpu.dma_semaphore, #tpu.memory_space<semaphore_mem>>, %arg14: memref<!tpu.dma_semaphore, #tpu.memory_space<semaphore_mem>>, %arg15: memref<!tpu.dma_semaphore, #tpu.memory_space<semaphore_mem>>, %arg16: memref<!tpu.dma_semaphore, #tpu.memory_space<semaphore_mem>>, %arg17: memref<!tpu.dma_semaphore, #tpu.memory_space<semaphore_mem>>, %arg18: memref<!tpu.dma_semaphore, #tpu.memory_space<semaphore_mem>>) attributes {dimension_semantics = [#tpu.dimension_semantics<core_parallel>, #tpu.dimension_semantics<subcore_parallel>], iteration_bounds = array<i64: 2, 16>, scalar_prefetch = 0 : i64, scratch_operands = 13 : i64, tpu.core_type = #tpu.core_type<sc_vector_subcore>, window_params = [{transform_indices = #map}, {transform_indices = #map}, {transform_indices = #map}, {transform_indices = #map1}]} {
    %mul3A = arith.constant 2 : i32
    %mul3A_0 = arith.muli %arg1, %mul3A : i32
    %add3A = arith.addi %mul3A_0, %arg0 : i32
    %mul3A_1 = arith.constant 640 : i32
    %mul3A_2 = arith.muli %arg1, %mul3A_1 : i32
    %mul3A_3 = arith.constant 80 : i32
    %mul3A_4 = arith.muli %add3A, %mul3A_3 : i32
    "tpu.region"() ({
      %run_scoped3A = tpu.sem_alloc : memref<!tpu.dma_semaphore, #tpu.memory_space<semaphore_mem>>
      %dma_start3A_410 = arith.constant 0 : i32
      %dma_start3A_411 = tpu.memref_slice %arg3[%mul3A_4, %dma_start3A_410] : memref<2560x64xi32, #tpu.memory_space<hbm>> -> memref<80x64xi32, #tpu.memory_space<hbm>>
      %dma_start3A_412 = arith.constant 0 : i32
      %dma_start3A_413 = tpu.memref_slice %arg3[%mul3A_4, %dma_start3A_412] : memref<2560x64xi32, #tpu.memory_space<hbm>> -> memref<80x64xi32, #tpu.memory_space<hbm>>
      tpu.enqueue_dma source(%dma_start3A_413 : memref<80x64xi32, #tpu.memory_space<hbm>>) target(%arg6 : memref<80x64xi32, #tpu.memory_space<vmem>>) target_semaphore(%run_scoped3A : memref<!tpu.dma_semaphore, #tpu.memory_space<semaphore_mem>>)
      %dma_wait3A_414 = arith.constant 0 : i32
      %dma_wait3A_415 = tpu.memref_slice %arg3[%mul3A_4, %dma_wait3A_414] : memref<2560x64xi32, #tpu.memory_space<hbm>> -> memref<80x64xi32, #tpu.memory_space<hbm>>
      %dma_wait3A_416 = arith.constant 0 : i32
      %dma_wait3A_417 = tpu.memref_slice %arg3[%mul3A_4, %dma_wait3A_416] : memref<2560x64xi32, #tpu.memory_space<hbm>> -> memref<80x64xi32, #tpu.memory_space<hbm>>
      tpu.wait_dma2 semaphore(%run_scoped3A : memref<!tpu.dma_semaphore, #tpu.memory_space<semaphore_mem>>) src(%dma_wait3A_417 : memref<80x64xi32, #tpu.memory_space<hbm>>) dst(%arg6 : memref<80x64xi32, #tpu.memory_space<vmem>>)
      tpu.yield
    }) : () -> ()
    %mul3A_5 = arith.constant 80 : i32
    %mul3A_6 = arith.muli %add3A, %mul3A_5 : i32
    "tpu.region"() ({
      %run_scoped3A = tpu.sem_alloc : memref<!tpu.dma_semaphore, #tpu.memory_space<semaphore_mem>>
      %dma_start3A_410 = arith.constant 0 : i32
      %dma_start3A_411 = tpu.memref_slice %arg4[%mul3A_6, %dma_start3A_410] : memref<2560x64xi32, #tpu.memory_space<hbm>> -> memref<80x64xi32, #tpu.memory_space<hbm>>
      %dma_start3A_412 = arith.constant 0 : i32
      %dma_start3A_413 = tpu.memref_slice %arg4[%mul3A_6, %dma_start3A_412] : memref<2560x64xi32, #tpu.memory_space<hbm>> -> memref<80x64xi32, #tpu.memory_space<hbm>>
      tpu.enqueue_dma source(%dma_start3A_413 : memref<80x64xi32, #tpu.memory_space<hbm>>) target(%arg7 : memref<80x64xi32, #tpu.memory_space<vmem>>) target_semaphore(%run_scoped3A : memref<!tpu.dma_semaphore, #tpu.memory_space<semaphore_mem>>)
      %dma_wait3A_414 = arith.constant 0 : i32
      %dma_wait3A_415 = tpu.memref_slice %arg4[%mul3A_6, %dma_wait3A_414] : memref<2560x64xi32, #tpu.memory_space<hbm>> -> memref<80x64xi32, #tpu.memory_space<hbm>>
      %dma_wait3A_416 = arith.constant 0 : i32
      %dma_wait3A_417 = tpu.memref_slice %arg4[%mul3A_6, %dma_wait3A_416] : memref<2560x64xi32, #tpu.memory_space<hbm>> -> memref<80x64xi32, #tpu.memory_space<hbm>>
      tpu.wait_dma2 semaphore(%run_scoped3A : memref<!tpu.dma_semaphore, #tpu.memory_space<semaphore_mem>>) src(%dma_wait3A_417 : memref<80x64xi32, #tpu.memory_space<hbm>>) dst(%arg7 : memref<80x64xi32, #tpu.memory_space<vmem>>)
      tpu.yield
    }) : () -> ()
    %scan3A = arith.constant 0 : i32
    %scan3A_7 = arith.constant 16 : i32
    %scan3A_8 = arith.addi %scan3A, %scan3A_7 : i32
    %scan3A_9 = arith.constant 1 : i32
    scf.for %scan3A_410 = %scan3A to %scan3A_8 step %scan3A_9  : i32 {
      %mul3A_411 = arith.constant 1 : i32
      %mul3A_412 = arith.muli %scan3A_410, %mul3A_411 : i32
      %add3A_413 = arith.constant 0 : i32
      %add3A_414 = arith.addi %add3A_413, %mul3A_412 : i32
      %scan3A_415 = arith.constant 0 : i32
      %scan3A_416 = arith.constant 8 : i32
      %scan3A_417 = arith.addi %scan3A_415, %scan3A_416 : i32
      %scan3A_418 = arith.constant 1 : i32
      scf.for %scan3A_420 = %scan3A_415 to %scan3A_417 step %scan3A_418  : i32 {
        %mul3A_421 = arith.constant 16 : i32
        %mul3A_422 = arith.muli %scan3A_420, %mul3A_421 : i32
        %add3A_423 = arith.constant 0 : i32
        %add3A_424 = arith.addi %add3A_423, %mul3A_422 : i32
        %broadcast_in_dim3A = arith.constant 0.000000e+00 : f32
        %broadcast_in_dim3A_425 = vector.broadcast %broadcast_in_dim3A : f32 to vector<1x16xf32>
        %swap3A = arith.index_cast %add3A_414 : i32 to index
        %swap3A_426 = arith.index_cast %add3A_424 : i32 to index
        %swap3A_427 = tpu.vector_load %arg9[%swap3A, %swap3A_426] {strides = array<i32>} : memref<16x128xf32, #tpu.memory_space<vmem>>, vector<1x16xf32>,
        %swap3A_428 = vector.shape_cast %swap3A_427 : vector<1x16xf32> to vector<1x16xf32>
        %swap3A_429 = vector.shape_cast %broadcast_in_dim3A_425 : vector<1x16xf32> to vector<1x16xf32>
        tpu.vector_store %arg9[%swap3A, %swap3A_426], %swap3A_429 {strides = array<i32>} : memref<16x128xf32, #tpu.memory_space<vmem>>, vector<1x16xf32>,
      }
      %scan3A_419 = arith.constant 8 : i32
    }
    %scan3A_10 = arith.constant 16 : i32
    %scan3A_11 = arith.constant 0 : i32
    %scan3A_12 = arith.constant 40 : i32
    %scan3A_13 = arith.addi %scan3A_11, %scan3A_12 : i32
    %scan3A_14 = arith.constant 1 : i32
    scf.for %scan3A_410 = %scan3A_11 to %scan3A_13 step %scan3A_14  : i32 {
      %mul3A_411 = arith.constant 16 : i32
      %mul3A_412 = arith.muli %scan3A_410, %mul3A_411 : i32
      %add3A_413 = arith.constant 0 : i32
      %add3A_414 = arith.addi %add3A_413, %mul3A_412 : i32
      %add3A_415 = arith.addi %mul3A_2, %add3A_414 : i32
      "tpu.region"() ({
        %run_scoped3A = tpu.sem_alloc : memref<!tpu.dma_semaphore, #tpu.memory_space<semaphore_mem>>
        %dma_start3A_416 = arith.constant 0 : i32
        %dma_start3A_417 = tpu.memref_slice %arg10[%add3A_415, %dma_start3A_416] : memref<10240x128xf32, #tpu.memory_space<vmem_shared>> -> memref<16x128xf32, #tpu.memory_space<vmem_shared>>
        %dma_start3A_418 = arith.constant 0 : i32
        %dma_start3A_419 = tpu.memref_slice %arg10[%add3A_415, %dma_start3A_418] : memref<10240x128xf32, #tpu.memory_space<vmem_shared>> -> memref<16x128xf32, #tpu.memory_space<vmem_shared>>
        tpu.enqueue_dma source(%arg9 : memref<16x128xf32, #tpu.memory_space<vmem>>) target(%dma_start3A_419 : memref<16x128xf32, #tpu.memory_space<vmem_shared>>) target_semaphore(%run_scoped3A : memref<!tpu.dma_semaphore, #tpu.memory_space<semaphore_mem>>)
        %dma_wait3A_420 = arith.constant 0 : i32
        %dma_wait3A_421 = tpu.memref_slice %arg10[%add3A_415, %dma_wait3A_420] : memref<10240x128xf32, #tpu.memory_space<vmem_shared>> -> memref<16x128xf32, #tpu.memory_space<vmem_shared>>
        %dma_wait3A_422 = arith.constant 0 : i32
        %dma_wait3A_423 = tpu.memref_slice %arg10[%add3A_415, %dma_wait3A_422] : memref<10240x128xf32, #tpu.memory_space<vmem_shared>> -> memref<16x128xf32, #tpu.memory_space<vmem_shared>>
        tpu.wait_dma2 semaphore(%run_scoped3A : memref<!tpu.dma_semaphore, #tpu.memory_space<semaphore_mem>>) src(%arg9 : memref<16x128xf32, #tpu.memory_space<vmem>>) dst(%dma_wait3A_423 : memref<16x128xf32, #tpu.memory_space<vmem_shared>>)
        tpu.yield
      }) : () -> ()
    }
    %scan3A_15 = arith.constant 40 : i32
    %barrier3A = arith.constant 0 : index
    tpu.barrier barrier_id(%barrier3A)
    %dma_start3A = arith.constant 0 : i32
    %dma_start3A_16 = arith.constant 0 : i32
    %dma_start3A_17 = arith.constant 0 : i32
    %dma_start3A_18 = arith.constant 0 : i32
    %dma_start3A_19 = tpu.memref_slice %arg8[%dma_start3A_16, %dma_start3A_17, %dma_start3A_18] : memref<4x64x128xf32, #tpu.memory_space<vmem>> -> memref<1x64x128xf32, #tpu.memory_space<vmem>>
    %dma_start3A_20 = tpu.memref_squeeze %dma_start3A_19 : memref<1x64x128xf32, #tpu.memory_space<vmem>> -> memref<64x128xf32, #tpu.memory_space<vmem>>
    %dma_start3A_21 = arith.constant 0 : i32
    %dma_start3A_22 = tpu.memref_slice %arg6[%dma_start3A, %dma_start3A_21] : memref<80x64xi32, #tpu.memory_space<vmem>> -> memref<1x64xi32, #tpu.memory_space<vmem>>
    %dma_start3A_23 = tpu.memref_squeeze %dma_start3A_22 : memref<1x64xi32, #tpu.memory_space<vmem>> -> memref<64xi32, #tpu.memory_space<vmem>>
    %dma_start3A_24 = arith.constant 0 : i32
    %dma_start3A_25 = arith.constant 0 : i32
    %dma_start3A_26 = tpu.memref_slice %arg2[%dma_start3A_24, %dma_start3A_25] : memref<10000x128xf32, #tpu.memory_space<hbm>> -> memref<10000x128xf32, #tpu.memory_space<hbm>>
    tpu.enqueue_indirect_dma source(%dma_start3A_26 : memref<10000x128xf32, #tpu.memory_space<hbm>>) target(%dma_start3A_20 : memref<64x128xf32, #tpu.memory_space<vmem>>) offsets(%dma_start3A_23 : memref<64xi32, #tpu.memory_space<vmem>>) semaphore(%arg11 : memref<!tpu.dma_semaphore, #tpu.memory_space<semaphore_mem>>)
    %dma_start3A_27 = arith.constant 1 : i32
    %dma_start3A_28 = arith.constant 1 : i32
    %dma_start3A_29 = arith.constant 0 : i32
    %dma_start3A_30 = arith.constant 0 : i32
    %dma_start3A_31 = tpu.memref_slice %arg8[%dma_start3A_28, %dma_start3A_29, %dma_start3A_30] : memref<4x64x128xf32, #tpu.memory_space<vmem>> -> memref<1x64x128xf32, #tpu.memory_space<vmem>>
    %dma_start3A_32 = tpu.memref_squeeze %dma_start3A_31 : memref<1x64x128xf32, #tpu.memory_space<vmem>> -> memref<64x128xf32, #tpu.memory_space<vmem>>
    %dma_start3A_33 = arith.constant 0 : i32
    %dma_start3A_34 = tpu.memref_slice %arg6[%dma_start3A_27, %dma_start3A_33] : memref<80x64xi32, #tpu.memory_space<vmem>> -> memref<1x64xi32, #tpu.memory_space<vmem>>
    %dma_start3A_35 = tpu.memref_squeeze %dma_start3A_34 : memref<1x64xi32, #tpu.memory_space<vmem>> -> memref<64xi32, #tpu.memory_space<vmem>>
    %dma_start3A_36 = arith.constant 0 : i32
    %dma_start3A_37 = arith.constant 0 : i32
    %dma_start3A_38 = tpu.memref_slice %arg2[%dma_start3A_36, %dma_start3A_37] : memref<10000x128xf32, #tpu.memory_space<hbm>> -> memref<10000x128xf32, #tpu.memory_space<hbm>>
    tpu.enqueue_indirect_dma source(%dma_start3A_38 : memref<10000x128xf32, #tpu.memory_space<hbm>>) target(%dma_start3A_32 : memref<64x128xf32, #tpu.memory_space<vmem>>) offsets(%dma_start3A_35 : memref<64xi32, #tpu.memory_space<vmem>>) semaphore(%arg12 : memref<!tpu.dma_semaphore, #tpu.memory_space<semaphore_mem>>)
    %dma_wait3A = arith.constant 0 : i32
    %dma_wait3A_39 = arith.constant 0 : i32
    %dma_wait3A_40 = arith.constant 0 : i32
    %dma_wait3A_41 = arith.constant 0 : i32
    %dma_wait3A_42 = tpu.memref_slice %arg8[%dma_wait3A_39, %dma_wait3A_40, %dma_wait3A_41] : memref<4x64x128xf32, #tpu.memory_space<vmem>> -> memref<1x64x128xf32, #tpu.memory_space<vmem>>
    %dma_wait3A_43 = tpu.memref_squeeze %dma_wait3A_42 : memref<1x64x128xf32, #tpu.memory_space<vmem>> -> memref<64x128xf32, #tpu.memory_space<vmem>>
    %dma_wait3A_44 = arith.constant 0 : i32
    %dma_wait3A_45 = tpu.memref_slice %arg6[%dma_wait3A, %dma_wait3A_44] : memref<80x64xi32, #tpu.memory_space<vmem>> -> memref<1x64xi32, #tpu.memory_space<vmem>>
    %dma_wait3A_46 = tpu.memref_squeeze %dma_wait3A_45 : memref<1x64xi32, #tpu.memory_space<vmem>> -> memref<64xi32, #tpu.memory_space<vmem>>
    %dma_wait3A_47 = arith.constant 0 : i32
    %dma_wait3A_48 = arith.constant 0 : i32
    %dma_wait3A_49 = tpu.memref_slice %arg2[%dma_wait3A_47, %dma_wait3A_48] : memref<10000x128xf32, #tpu.memory_space<hbm>> -> memref<10000x128xf32, #tpu.memory_space<hbm>>
    tpu.wait_indirect_dma semaphore(%arg11 : memref<!tpu.dma_semaphore, #tpu.memory_space<semaphore_mem>>) src(%dma_wait3A_49 : memref<10000x128xf32, #tpu.memory_space<hbm>>) dst(%dma_wait3A_43 : memref<64x128xf32, #tpu.memory_space<vmem>>)
    %dma_start3A_50 = arith.constant 0 : i32
    %dma_start3A_51 = arith.constant 0 : i32
    %dma_start3A_52 = arith.constant 0 : i32
    %dma_start3A_53 = arith.constant 0 : i32
    %dma_start3A_54 = tpu.memref_slice %arg8[%dma_start3A_50, %dma_start3A_52, %dma_start3A_53] : memref<4x64x128xf32, #tpu.memory_space<vmem>> -> memref<1x64x128xf32, #tpu.memory_space<vmem>>
    %dma_start3A_55 = tpu.memref_squeeze %dma_start3A_54 : memref<1x64x128xf32, #tpu.memory_space<vmem>> -> memref<64x128xf32, #tpu.memory_space<vmem>>
    %dma_start3A_56 = arith.constant 0 : i32
    %dma_start3A_57 = tpu.memref_slice %arg7[%dma_start3A_51, %dma_start3A_56] : memref<80x64xi32, #tpu.memory_space<vmem>> -> memref<1x64xi32, #tpu.memory_space<vmem>>
    %dma_start3A_58 = tpu.memref_squeeze %dma_start3A_57 : memref<1x64xi32, #tpu.memory_space<vmem>> -> memref<64xi32, #tpu.memory_space<vmem>>
    %dma_start3A_59 = arith.constant 0 : i32
    %dma_start3A_60 = arith.constant 0 : i32
    %dma_start3A_61 = tpu.memref_slice %arg10[%dma_start3A_59, %dma_start3A_60] : memref<10240x128xf32, #tpu.memory_space<vmem_shared>> -> memref<10240x128xf32, #tpu.memory_space<vmem_shared>>
    tpu.enqueue_indirect_dma source(%dma_start3A_55 : memref<64x128xf32, #tpu.memory_space<vmem>>) target(%dma_start3A_61 : memref<10240x128xf32, #tpu.memory_space<vmem_shared>>) offsets(%dma_start3A_58 : memref<64xi32, #tpu.memory_space<vmem>>) semaphore(%arg15 : memref<!tpu.dma_semaphore, #tpu.memory_space<semaphore_mem>>) {add = true}
    %dma_start3A_62 = arith.constant 2 : i32
    %dma_start3A_63 = arith.constant 2 : i32
    %dma_start3A_64 = arith.constant 0 : i32
    %dma_start3A_65 = arith.constant 0 : i32
    %dma_start3A_66 = tpu.memref_slice %arg8[%dma_start3A_63, %dma_start3A_64, %dma_start3A_65] : memref<4x64x128xf32, #tpu.memory_space<vmem>> -> memref<1x64x128xf32, #tpu.memory_space<vmem>>
    %dma_start3A_67 = tpu.memref_squeeze %dma_start3A_66 : memref<1x64x128xf32, #tpu.memory_space<vmem>> -> memref<64x128xf32, #tpu.memory_space<vmem>>
    %dma_start3A_68 = arith.constant 0 : i32
    %dma_start3A_69 = tpu.memref_slice %arg6[%dma_start3A_62, %dma_start3A_68] : memref<80x64xi32, #tpu.memory_space<vmem>> -> memref<1x64xi32, #tpu.memory_space<vmem>>
    %dma_start3A_70 = tpu.memref_squeeze %dma_start3A_69 : memref<1x64xi32, #tpu.memory_space<vmem>> -> memref<64xi32, #tpu.memory_space<vmem>>
    %dma_start3A_71 = arith.constant 0 : i32
    %dma_start3A_72 = arith.constant 0 : i32
    %dma_start3A_73 = tpu.memref_slice %arg2[%dma_start3A_71, %dma_start3A_72] : memref<10000x128xf32, #tpu.memory_space<hbm>> -> memref<10000x128xf32, #tpu.memory_space<hbm>>
    tpu.enqueue_indirect_dma source(%dma_start3A_73 : memref<10000x128xf32, #tpu.memory_space<hbm>>) target(%dma_start3A_67 : memref<64x128xf32, #tpu.memory_space<vmem>>) offsets(%dma_start3A_70 : memref<64xi32, #tpu.memory_space<vmem>>) semaphore(%arg13 : memref<!tpu.dma_semaphore, #tpu.memory_space<semaphore_mem>>)
    %dma_wait3A_74 = arith.constant 1 : i32
    %dma_wait3A_75 = arith.constant 1 : i32
    %dma_wait3A_76 = arith.constant 0 : i32
    %dma_wait3A_77 = arith.constant 0 : i32
    %dma_wait3A_78 = tpu.memref_slice %arg8[%dma_wait3A_75, %dma_wait3A_76, %dma_wait3A_77] : memref<4x64x128xf32, #tpu.memory_space<vmem>> -> memref<1x64x128xf32, #tpu.memory_space<vmem>>
    %dma_wait3A_79 = tpu.memref_squeeze %dma_wait3A_78 : memref<1x64x128xf32, #tpu.memory_space<vmem>> -> memref<64x128xf32, #tpu.memory_space<vmem>>
    %dma_wait3A_80 = arith.constant 0 : i32
    %dma_wait3A_81 = tpu.memref_slice %arg6[%dma_wait3A_74, %dma_wait3A_80] : memref<80x64xi32, #tpu.memory_space<vmem>> -> memref<1x64xi32, #tpu.memory_space<vmem>>
    %dma_wait3A_82 = tpu.memref_squeeze %dma_wait3A_81 : memref<1x64xi32, #tpu.memory_space<vmem>> -> memref<64xi32, #tpu.memory_space<vmem>>
    %dma_wait3A_83 = arith.constant 0 : i32
    %dma_wait3A_84 = arith.constant 0 : i32
    %dma_wait3A_85 = tpu.memref_slice %arg2[%dma_wait3A_83, %dma_wait3A_84] : memref<10000x128xf32, #tpu.memory_space<hbm>> -> memref<10000x128xf32, #tpu.memory_space<hbm>>
    tpu.wait_indirect_dma semaphore(%arg12 : memref<!tpu.dma_semaphore, #tpu.memory_space<semaphore_mem>>) src(%dma_wait3A_85 : memref<10000x128xf32, #tpu.memory_space<hbm>>) dst(%dma_wait3A_79 : memref<64x128xf32, #tpu.memory_space<vmem>>)
    %dma_start3A_86 = arith.constant 1 : i32
    %dma_start3A_87 = arith.constant 1 : i32
    %dma_start3A_88 = arith.constant 0 : i32
    %dma_start3A_89 = arith.constant 0 : i32
    %dma_start3A_90 = tpu.memref_slice %arg8[%dma_start3A_86, %dma_start3A_88, %dma_start3A_89] : memref<4x64x128xf32, #tpu.memory_space<vmem>> -> memref<1x64x128xf32, #tpu.memory_space<vmem>>
    %dma_start3A_91 = tpu.memref_squeeze %dma_start3A_90 : memref<1x64x128xf32, #tpu.memory_space<vmem>> -> memref<64x128xf32, #tpu.memory_space<vmem>>
    %dma_start3A_92 = arith.constant 0 : i32
    %dma_start3A_93 = tpu.memref_slice %arg7[%dma_start3A_87, %dma_start3A_92] : memref<80x64xi32, #tpu.memory_space<vmem>> -> memref<1x64xi32, #tpu.memory_space<vmem>>
    %dma_start3A_94 = tpu.memref_squeeze %dma_start3A_93 : memref<1x64xi32, #tpu.memory_space<vmem>> -> memref<64xi32, #tpu.memory_space<vmem>>
    %dma_start3A_95 = arith.constant 0 : i32
    %dma_start3A_96 = arith.constant 0 : i32
    %dma_start3A_97 = tpu.memref_slice %arg10[%dma_start3A_95, %dma_start3A_96] : memref<10240x128xf32, #tpu.memory_space<vmem_shared>> -> memref<10240x128xf32, #tpu.memory_space<vmem_shared>>
    tpu.enqueue_indirect_dma source(%dma_start3A_91 : memref<64x128xf32, #tpu.memory_space<vmem>>) target(%dma_start3A_97 : memref<10240x128xf32, #tpu.memory_space<vmem_shared>>) offsets(%dma_start3A_94 : memref<64xi32, #tpu.memory_space<vmem>>) semaphore(%arg16 : memref<!tpu.dma_semaphore, #tpu.memory_space<semaphore_mem>>) {add = true}
    %dma_start3A_98 = arith.constant 3 : i32
    %dma_start3A_99 = arith.constant 3 : i32
    %dma_start3A_100 = arith.constant 0 : i32
    %dma_start3A_101 = arith.constant 0 : i32
    %dma_start3A_102 = tpu.memref_slice %arg8[%dma_start3A_99, %dma_start3A_100, %dma_start3A_101] : memref<4x64x128xf32, #tpu.memory_space<vmem>> -> memref<1x64x128xf32, #tpu.memory_space<vmem>>
    %dma_start3A_103 = tpu.memref_squeeze %dma_start3A_102 : memref<1x64x128xf32, #tpu.memory_space<vmem>> -> memref<64x128xf32, #tpu.memory_space<vmem>>
    %dma_start3A_104 = arith.constant 0 : i32
    %dma_start3A_105 = tpu.memref_slice %arg6[%dma_start3A_98, %dma_start3A_104] : memref<80x64xi32, #tpu.memory_space<vmem>> -> memref<1x64xi32, #tpu.memory_space<vmem>>
    %dma_start3A_106 = tpu.memref_squeeze %dma_start3A_105 : memref<1x64xi32, #tpu.memory_space<vmem>> -> memref<64xi32, #tpu.memory_space<vmem>>
    %dma_start3A_107 = arith.constant 0 : i32
    %dma_start3A_108 = arith.constant 0 : i32
    %dma_start3A_109 = tpu.memref_slice %arg2[%dma_start3A_107, %dma_start3A_108] : memref<10000x128xf32, #tpu.memory_space<hbm>> -> memref<10000x128xf32, #tpu.memory_space<hbm>>
    tpu.enqueue_indirect_dma source(%dma_start3A_109 : memref<10000x128xf32, #tpu.memory_space<hbm>>) target(%dma_start3A_103 : memref<64x128xf32, #tpu.memory_space<vmem>>) offsets(%dma_start3A_106 : memref<64xi32, #tpu.memory_space<vmem>>) semaphore(%arg14 : memref<!tpu.dma_semaphore, #tpu.memory_space<semaphore_mem>>)
    %dma_wait3A_110 = arith.constant 2 : i32
    %dma_wait3A_111 = arith.constant 2 : i32
    %dma_wait3A_112 = arith.constant 0 : i32
    %dma_wait3A_113 = arith.constant 0 : i32
    %dma_wait3A_114 = tpu.memref_slice %arg8[%dma_wait3A_111, %dma_wait3A_112, %dma_wait3A_113] : memref<4x64x128xf32, #tpu.memory_space<vmem>> -> memref<1x64x128xf32, #tpu.memory_space<vmem>>
    %dma_wait3A_115 = tpu.memref_squeeze %dma_wait3A_114 : memref<1x64x128xf32, #tpu.memory_space<vmem>> -> memref<64x128xf32, #tpu.memory_space<vmem>>
    %dma_wait3A_116 = arith.constant 0 : i32
    %dma_wait3A_117 = tpu.memref_slice %arg6[%dma_wait3A_110, %dma_wait3A_116] : memref<80x64xi32, #tpu.memory_space<vmem>> -> memref<1x64xi32, #tpu.memory_space<vmem>>
    %dma_wait3A_118 = tpu.memref_squeeze %dma_wait3A_117 : memref<1x64xi32, #tpu.memory_space<vmem>> -> memref<64xi32, #tpu.memory_space<vmem>>
    %dma_wait3A_119 = arith.constant 0 : i32
    %dma_wait3A_120 = arith.constant 0 : i32
    %dma_wait3A_121 = tpu.memref_slice %arg2[%dma_wait3A_119, %dma_wait3A_120] : memref<10000x128xf32, #tpu.memory_space<hbm>> -> memref<10000x128xf32, #tpu.memory_space<hbm>>
    tpu.wait_indirect_dma semaphore(%arg13 : memref<!tpu.dma_semaphore, #tpu.memory_space<semaphore_mem>>) src(%dma_wait3A_121 : memref<10000x128xf32, #tpu.memory_space<hbm>>) dst(%dma_wait3A_115 : memref<64x128xf32, #tpu.memory_space<vmem>>)
    %dma_start3A_122 = arith.constant 2 : i32
    %dma_start3A_123 = arith.constant 2 : i32
    %dma_start3A_124 = arith.constant 0 : i32
    %dma_start3A_125 = arith.constant 0 : i32
    %dma_start3A_126 = tpu.memref_slice %arg8[%dma_start3A_122, %dma_start3A_124, %dma_start3A_125] : memref<4x64x128xf32, #tpu.memory_space<vmem>> -> memref<1x64x128xf32, #tpu.memory_space<vmem>>
    %dma_start3A_127 = tpu.memref_squeeze %dma_start3A_126 : memref<1x64x128xf32, #tpu.memory_space<vmem>> -> memref<64x128xf32, #tpu.memory_space<vmem>>
    %dma_start3A_128 = arith.constant 0 : i32
    %dma_start3A_129 = tpu.memref_slice %arg7[%dma_start3A_123, %dma_start3A_128] : memref<80x64xi32, #tpu.memory_space<vmem>> -> memref<1x64xi32, #tpu.memory_space<vmem>>
    %dma_start3A_130 = tpu.memref_squeeze %dma_start3A_129 : memref<1x64xi32, #tpu.memory_space<vmem>> -> memref<64xi32, #tpu.memory_space<vmem>>
    %dma_start3A_131 = arith.constant 0 : i32
    %dma_start3A_132 = arith.constant 0 : i32
    %dma_start3A_133 = tpu.memref_slice %arg10[%dma_start3A_131, %dma_start3A_132] : memref<10240x128xf32, #tpu.memory_space<vmem_shared>> -> memref<10240x128xf32, #tpu.memory_space<vmem_shared>>
    tpu.enqueue_indirect_dma source(%dma_start3A_127 : memref<64x128xf32, #tpu.memory_space<vmem>>) target(%dma_start3A_133 : memref<10240x128xf32, #tpu.memory_space<vmem_shared>>) offsets(%dma_start3A_130 : memref<64xi32, #tpu.memory_space<vmem>>) semaphore(%arg17 : memref<!tpu.dma_semaphore, #tpu.memory_space<semaphore_mem>>) {add = true}
    %dma_wait3A_134 = arith.constant 0 : i32
    %dma_wait3A_135 = arith.constant 0 : i32
    %dma_wait3A_136 = arith.constant 0 : i32
    %dma_wait3A_137 = arith.constant 0 : i32
    %dma_wait3A_138 = tpu.memref_slice %arg8[%dma_wait3A_134, %dma_wait3A_136, %dma_wait3A_137] : memref<4x64x128xf32, #tpu.memory_space<vmem>> -> memref<1x64x128xf32, #tpu.memory_space<vmem>>
    %dma_wait3A_139 = tpu.memref_squeeze %dma_wait3A_138 : memref<1x64x128xf32, #tpu.memory_space<vmem>> -> memref<64x128xf32, #tpu.memory_space<vmem>>
    %dma_wait3A_140 = arith.constant 0 : i32
    %dma_wait3A_141 = tpu.memref_slice %arg7[%dma_wait3A_135, %dma_wait3A_140] : memref<80x64xi32, #tpu.memory_space<vmem>> -> memref<1x64xi32, #tpu.memory_space<vmem>>
    %dma_wait3A_142 = tpu.memref_squeeze %dma_wait3A_141 : memref<1x64xi32, #tpu.memory_space<vmem>> -> memref<64xi32, #tpu.memory_space<vmem>>
    %dma_wait3A_143 = arith.constant 0 : i32
    %dma_wait3A_144 = arith.constant 0 : i32
    %dma_wait3A_145 = tpu.memref_slice %arg10[%dma_wait3A_143, %dma_wait3A_144] : memref<10240x128xf32, #tpu.memory_space<vmem_shared>> -> memref<10240x128xf32, #tpu.memory_space<vmem_shared>>
    tpu.wait_indirect_dma semaphore(%arg15 : memref<!tpu.dma_semaphore, #tpu.memory_space<semaphore_mem>>) src(%dma_wait3A_139 : memref<64x128xf32, #tpu.memory_space<vmem>>) dst(%dma_wait3A_145 : memref<10240x128xf32, #tpu.memory_space<vmem_shared>>)
    %dma_start3A_146 = arith.constant 4 : i32
    %dma_start3A_147 = arith.constant 0 : i32
    %dma_start3A_148 = arith.constant 0 : i32
    %dma_start3A_149 = arith.constant 0 : i32
    %dma_start3A_150 = tpu.memref_slice %arg8[%dma_start3A_147, %dma_start3A_148, %dma_start3A_149] : memref<4x64x128xf32, #tpu.memory_space<vmem>> -> memref<1x64x128xf32, #tpu.memory_space<vmem>>
    %dma_start3A_151 = tpu.memref_squeeze %dma_start3A_150 : memref<1x64x128xf32, #tpu.memory_space<vmem>> -> memref<64x128xf32, #tpu.memory_space<vmem>>
    %dma_start3A_152 = arith.constant 0 : i32
    %dma_start3A_153 = tpu.memref_slice %arg6[%dma_start3A_146, %dma_start3A_152] : memref<80x64xi32, #tpu.memory_space<vmem>> -> memref<1x64xi32, #tpu.memory_space<vmem>>
    %dma_start3A_154 = tpu.memref_squeeze %dma_start3A_153 : memref<1x64xi32, #tpu.memory_space<vmem>> -> memref<64xi32, #tpu.memory_space<vmem>>
    %dma_start3A_155 = arith.constant 0 : i32
    %dma_start3A_156 = arith.constant 0 : i32
    %dma_start3A_157 = tpu.memref_slice %arg2[%dma_start3A_155, %dma_start3A_156] : memref<10000x128xf32, #tpu.memory_space<hbm>> -> memref<10000x128xf32, #tpu.memory_space<hbm>>
    tpu.enqueue_indirect_dma source(%dma_start3A_157 : memref<10000x128xf32, #tpu.memory_space<hbm>>) target(%dma_start3A_151 : memref<64x128xf32, #tpu.memory_space<vmem>>) offsets(%dma_start3A_154 : memref<64xi32, #tpu.memory_space<vmem>>) semaphore(%arg11 : memref<!tpu.dma_semaphore, #tpu.memory_space<semaphore_mem>>)
    %dma_wait3A_158 = arith.constant 3 : i32
    %dma_wait3A_159 = arith.constant 3 : i32
    %dma_wait3A_160 = arith.constant 0 : i32
    %dma_wait3A_161 = arith.constant 0 : i32
    %dma_wait3A_162 = tpu.memref_slice %arg8[%dma_wait3A_159, %dma_wait3A_160, %dma_wait3A_161] : memref<4x64x128xf32, #tpu.memory_space<vmem>> -> memref<1x64x128xf32, #tpu.memory_space<vmem>>
    %dma_wait3A_163 = tpu.memref_squeeze %dma_wait3A_162 : memref<1x64x128xf32, #tpu.memory_space<vmem>> -> memref<64x128xf32, #tpu.memory_space<vmem>>
    %dma_wait3A_164 = arith.constant 0 : i32
    %dma_wait3A_165 = tpu.memref_slice %arg6[%dma_wait3A_158, %dma_wait3A_164] : memref<80x64xi32, #tpu.memory_space<vmem>> -> memref<1x64xi32, #tpu.memory_space<vmem>>
    %dma_wait3A_166 = tpu.memref_squeeze %dma_wait3A_165 : memref<1x64xi32, #tpu.memory_space<vmem>> -> memref<64xi32, #tpu.memory_space<vmem>>
    %dma_wait3A_167 = arith.constant 0 : i32
    %dma_wait3A_168 = arith.constant 0 : i32
    %dma_wait3A_169 = tpu.memref_slice %arg2[%dma_wait3A_167, %dma_wait3A_168] : memref<10000x128xf32, #tpu.memory_space<hbm>> -> memref<10000x128xf32, #tpu.memory_space<hbm>>
    tpu.wait_indirect_dma semaphore(%arg14 : memref<!tpu.dma_semaphore, #tpu.memory_space<semaphore_mem>>) src(%dma_wait3A_169 : memref<10000x128xf32, #tpu.memory_space<hbm>>) dst(%dma_wait3A_163 : memref<64x128xf32, #tpu.memory_space<vmem>>)
    %dma_start3A_170 = arith.constant 3 : i32
    %dma_start3A_171 = arith.constant 3 : i32
    %dma_start3A_172 = arith.constant 0 : i32
    %dma_start3A_173 = arith.constant 0 : i32
    %dma_start3A_174 = tpu.memref_slice %arg8[%dma_start3A_170, %dma_start3A_172, %dma_start3A_173] : memref<4x64x128xf32, #tpu.memory_space<vmem>> -> memref<1x64x128xf32, #tpu.memory_space<vmem>>
    %dma_start3A_175 = tpu.memref_squeeze %dma_start3A_174 : memref<1x64x128xf32, #tpu.memory_space<vmem>> -> memref<64x128xf32, #tpu.memory_space<vmem>>
    %dma_start3A_176 = arith.constant 0 : i32
    %dma_start3A_177 = tpu.memref_slice %arg7[%dma_start3A_171, %dma_start3A_176] : memref<80x64xi32, #tpu.memory_space<vmem>> -> memref<1x64xi32, #tpu.memory_space<vmem>>
    %dma_start3A_178 = tpu.memref_squeeze %dma_start3A_177 : memref<1x64xi32, #tpu.memory_space<vmem>> -> memref<64xi32, #tpu.memory_space<vmem>>
    %dma_start3A_179 = arith.constant 0 : i32
    %dma_start3A_180 = arith.constant 0 : i32
    %dma_start3A_181 = tpu.memref_slice %arg10[%dma_start3A_179, %dma_start3A_180] : memref<10240x128xf32, #tpu.memory_space<vmem_shared>> -> memref<10240x128xf32, #tpu.memory_space<vmem_shared>>
    tpu.enqueue_indirect_dma source(%dma_start3A_175 : memref<64x128xf32, #tpu.memory_space<vmem>>) target(%dma_start3A_181 : memref<10240x128xf32, #tpu.memory_space<vmem_shared>>) offsets(%dma_start3A_178 : memref<64xi32, #tpu.memory_space<vmem>>) semaphore(%arg18 : memref<!tpu.dma_semaphore, #tpu.memory_space<semaphore_mem>>) {add = true}
    %dma_wait3A_182 = arith.constant 1 : i32
    %dma_wait3A_183 = arith.constant 1 : i32
    %dma_wait3A_184 = arith.constant 0 : i32
    %dma_wait3A_185 = arith.constant 0 : i32
    %dma_wait3A_186 = tpu.memref_slice %arg8[%dma_wait3A_182, %dma_wait3A_184, %dma_wait3A_185] : memref<4x64x128xf32, #tpu.memory_space<vmem>> -> memref<1x64x128xf32, #tpu.memory_space<vmem>>
    %dma_wait3A_187 = tpu.memref_squeeze %dma_wait3A_186 : memref<1x64x128xf32, #tpu.memory_space<vmem>> -> memref<64x128xf32, #tpu.memory_space<vmem>>
    %dma_wait3A_188 = arith.constant 0 : i32
    %dma_wait3A_189 = tpu.memref_slice %arg7[%dma_wait3A_183, %dma_wait3A_188] : memref<80x64xi32, #tpu.memory_space<vmem>> -> memref<1x64xi32, #tpu.memory_space<vmem>>
    %dma_wait3A_190 = tpu.memref_squeeze %dma_wait3A_189 : memref<1x64xi32, #tpu.memory_space<vmem>> -> memref<64xi32, #tpu.memory_space<vmem>>
    %dma_wait3A_191 = arith.constant 0 : i32
    %dma_wait3A_192 = arith.constant 0 : i32
    %dma_wait3A_193 = tpu.memref_slice %arg10[%dma_wait3A_191, %dma_wait3A_192] : memref<10240x128xf32, #tpu.memory_space<vmem_shared>> -> memref<10240x128xf32, #tpu.memory_space<vmem_shared>>
    tpu.wait_indirect_dma semaphore(%arg16 : memref<!tpu.dma_semaphore, #tpu.memory_space<semaphore_mem>>) src(%dma_wait3A_187 : memref<64x128xf32, #tpu.memory_space<vmem>>) dst(%dma_wait3A_193 : memref<10240x128xf32, #tpu.memory_space<vmem_shared>>)
    %dma_start3A_194 = arith.constant 5 : i32
    %dma_start3A_195 = arith.constant 1 : i32
    %dma_start3A_196 = arith.constant 0 : i32
    %dma_start3A_197 = arith.constant 0 : i32
    %dma_start3A_198 = tpu.memref_slice %arg8[%dma_start3A_195, %dma_start3A_196, %dma_start3A_197] : memref<4x64x128xf32, #tpu.memory_space<vmem>> -> memref<1x64x128xf32, #tpu.memory_space<vmem>>
    %dma_start3A_199 = tpu.memref_squeeze %dma_start3A_198 : memref<1x64x128xf32, #tpu.memory_space<vmem>> -> memref<64x128xf32, #tpu.memory_space<vmem>>
    %dma_start3A_200 = arith.constant 0 : i32
    %dma_start3A_201 = tpu.memref_slice %arg6[%dma_start3A_194, %dma_start3A_200] : memref<80x64xi32, #tpu.memory_space<vmem>> -> memref<1x64xi32, #tpu.memory_space<vmem>>
    %dma_start3A_202 = tpu.memref_squeeze %dma_start3A_201 : memref<1x64xi32, #tpu.memory_space<vmem>> -> memref<64xi32, #tpu.memory_space<vmem>>
    %dma_start3A_203 = arith.constant 0 : i32
    %dma_start3A_204 = arith.constant 0 : i32
    %dma_start3A_205 = tpu.memref_slice %arg2[%dma_start3A_203, %dma_start3A_204] : memref<10000x128xf32, #tpu.memory_space<hbm>> -> memref<10000x128xf32, #tpu.memory_space<hbm>>
    tpu.enqueue_indirect_dma source(%dma_start3A_205 : memref<10000x128xf32, #tpu.memory_space<hbm>>) target(%dma_start3A_199 : memref<64x128xf32, #tpu.memory_space<vmem>>) offsets(%dma_start3A_202 : memref<64xi32, #tpu.memory_space<vmem>>) semaphore(%arg12 : memref<!tpu.dma_semaphore, #tpu.memory_space<semaphore_mem>>)
    %scan3A_206 = arith.constant 0 : i32
    %scan3A_207 = arith.constant 2 : i32
    %scan3A_208 = arith.constant 1 : i32
    %scan3A_209 = arith.constant 3 : i32
    %scan3A_210 = arith.constant 0 : i32
    %scan3A_211 = arith.constant 18 : i32
    %scan3A_212 = arith.addi %scan3A_210, %scan3A_211 : i32
    %scan3A_213 = arith.constant 1 : i32
    scf.for %scan3A_410 = %scan3A_210 to %scan3A_212 step %scan3A_213  : i32 {
      %mul3A_411 = arith.constant 4 : i32
      %mul3A_412 = arith.muli %scan3A_410, %mul3A_411 : i32
      %add3A_413 = arith.constant 4 : i32
      %add3A_414 = arith.addi %add3A_413, %mul3A_412 : i32
      %add3A_415 = arith.constant 0 : i32
      %add3A_416 = arith.addi %add3A_414, %add3A_415 : i32
      %dma_wait3A_417 = arith.constant 0 : i32
      %dma_wait3A_418 = arith.constant 0 : i32
      %dma_wait3A_419 = tpu.memref_slice %arg8[%scan3A_206, %dma_wait3A_417, %dma_wait3A_418] : memref<4x64x128xf32, #tpu.memory_space<vmem>> -> memref<1x64x128xf32, #tpu.memory_space<vmem>>
      %dma_wait3A_420 = tpu.memref_squeeze %dma_wait3A_419 : memref<1x64x128xf32, #tpu.memory_space<vmem>> -> memref<64x128xf32, #tpu.memory_space<vmem>>
      %dma_wait3A_421 = arith.constant 0 : i32
      %dma_wait3A_422 = tpu.memref_slice %arg6[%add3A_416, %dma_wait3A_421] : memref<80x64xi32, #tpu.memory_space<vmem>> -> memref<1x64xi32, #tpu.memory_space<vmem>>
      %dma_wait3A_423 = tpu.memref_squeeze %dma_wait3A_422 : memref<1x64xi32, #tpu.memory_space<vmem>> -> memref<64xi32, #tpu.memory_space<vmem>>
      %dma_wait3A_424 = arith.constant 0 : i32
      %dma_wait3A_425 = arith.constant 0 : i32
      %dma_wait3A_426 = tpu.memref_slice %arg2[%dma_wait3A_424, %dma_wait3A_425] : memref<10000x128xf32, #tpu.memory_space<hbm>> -> memref<10000x128xf32, #tpu.memory_space<hbm>>
      tpu.wait_indirect_dma semaphore(%arg11 : memref<!tpu.dma_semaphore, #tpu.memory_space<semaphore_mem>>) src(%dma_wait3A_426 : memref<10000x128xf32, #tpu.memory_space<hbm>>) dst(%dma_wait3A_420 : memref<64x128xf32, #tpu.memory_space<vmem>>)
      %dma_start3A_427 = arith.constant 0 : i32
      %dma_start3A_428 = arith.constant 0 : i32
      %dma_start3A_429 = tpu.memref_slice %arg8[%scan3A_206, %dma_start3A_427, %dma_start3A_428] : memref<4x64x128xf32, #tpu.memory_space<vmem>> -> memref<1x64x128xf32, #tpu.memory_space<vmem>>
      %dma_start3A_430 = tpu.memref_squeeze %dma_start3A_429 : memref<1x64x128xf32, #tpu.memory_space<vmem>> -> memref<64x128xf32, #tpu.memory_space<vmem>>
      %dma_start3A_431 = arith.constant 0 : i32
      %dma_start3A_432 = tpu.memref_slice %arg7[%add3A_416, %dma_start3A_431] : memref<80x64xi32, #tpu.memory_space<vmem>> -> memref<1x64xi32, #tpu.memory_space<vmem>>
      %dma_start3A_433 = tpu.memref_squeeze %dma_start3A_432 : memref<1x64xi32, #tpu.memory_space<vmem>> -> memref<64xi32, #tpu.memory_space<vmem>>
      %dma_start3A_434 = arith.constant 0 : i32
      %dma_start3A_435 = arith.constant 0 : i32
      %dma_start3A_436 = tpu.memref_slice %arg10[%dma_start3A_434, %dma_start3A_435] : memref<10240x128xf32, #tpu.memory_space<vmem_shared>> -> memref<10240x128xf32, #tpu.memory_space<vmem_shared>>
      tpu.enqueue_indirect_dma source(%dma_start3A_430 : memref<64x128xf32, #tpu.memory_space<vmem>>) target(%dma_start3A_436 : memref<10240x128xf32, #tpu.memory_space<vmem_shared>>) offsets(%dma_start3A_433 : memref<64xi32, #tpu.memory_space<vmem>>) semaphore(%arg15 : memref<!tpu.dma_semaphore, #tpu.memory_space<semaphore_mem>>) {add = true}
      %sub3A = arith.constant 2 : i32
      %sub3A_437 = arith.subi %add3A_416, %sub3A : i32
      %dma_wait3A_438 = arith.constant 0 : i32
      %dma_wait3A_439 = arith.constant 0 : i32
      %dma_wait3A_440 = tpu.memref_slice %arg8[%scan3A_207, %dma_wait3A_438, %dma_wait3A_439] : memref<4x64x128xf32, #tpu.memory_space<vmem>> -> memref<1x64x128xf32, #tpu.memory_space<vmem>>
      %dma_wait3A_441 = tpu.memref_squeeze %dma_wait3A_440 : memref<1x64x128xf32, #tpu.memory_space<vmem>> -> memref<64x128xf32, #tpu.memory_space<vmem>>
      %dma_wait3A_442 = arith.constant 0 : i32
      %dma_wait3A_443 = tpu.memref_slice %arg7[%sub3A_437, %dma_wait3A_442] : memref<80x64xi32, #tpu.memory_space<vmem>> -> memref<1x64xi32, #tpu.memory_space<vmem>>
      %dma_wait3A_444 = tpu.memref_squeeze %dma_wait3A_443 : memref<1x64xi32, #tpu.memory_space<vmem>> -> memref<64xi32, #tpu.memory_space<vmem>>
      %dma_wait3A_445 = arith.constant 0 : i32
      %dma_wait3A_446 = arith.constant 0 : i32
      %dma_wait3A_447 = tpu.memref_slice %arg10[%dma_wait3A_445, %dma_wait3A_446] : memref<10240x128xf32, #tpu.memory_space<vmem_shared>> -> memref<10240x128xf32, #tpu.memory_space<vmem_shared>>
      tpu.wait_indirect_dma semaphore(%arg17 : memref<!tpu.dma_semaphore, #tpu.memory_space<semaphore_mem>>) src(%dma_wait3A_441 : memref<64x128xf32, #tpu.memory_space<vmem>>) dst(%dma_wait3A_447 : memref<10240x128xf32, #tpu.memory_space<vmem_shared>>)
      %add3A_448 = arith.constant 2 : i32
      %add3A_449 = arith.addi %add3A_416, %add3A_448 : i32
      %dma_start3A_450 = arith.constant 0 : i32
      %dma_start3A_451 = arith.constant 0 : i32
      %dma_start3A_452 = tpu.memref_slice %arg8[%scan3A_207, %dma_start3A_450, %dma_start3A_451] : memref<4x64x128xf32, #tpu.memory_space<vmem>> -> memref<1x64x128xf32, #tpu.memory_space<vmem>>
      %dma_start3A_453 = tpu.memref_squeeze %dma_start3A_452 : memref<1x64x128xf32, #tpu.memory_space<vmem>> -> memref<64x128xf32, #tpu.memory_space<vmem>>
      %dma_start3A_454 = arith.constant 0 : i32
      %dma_start3A_455 = tpu.memref_slice %arg6[%add3A_449, %dma_start3A_454] : memref<80x64xi32, #tpu.memory_space<vmem>> -> memref<1x64xi32, #tpu.memory_space<vmem>>
      %dma_start3A_456 = tpu.memref_squeeze %dma_start3A_455 : memref<1x64xi32, #tpu.memory_space<vmem>> -> memref<64xi32, #tpu.memory_space<vmem>>
      %dma_start3A_457 = arith.constant 0 : i32
      %dma_start3A_458 = arith.constant 0 : i32
      %dma_start3A_459 = tpu.memref_slice %arg2[%dma_start3A_457, %dma_start3A_458] : memref<10000x128xf32, #tpu.memory_space<hbm>> -> memref<10000x128xf32, #tpu.memory_space<hbm>>
      tpu.enqueue_indirect_dma source(%dma_start3A_459 : memref<10000x128xf32, #tpu.memory_space<hbm>>) target(%dma_start3A_453 : memref<64x128xf32, #tpu.memory_space<vmem>>) offsets(%dma_start3A_456 : memref<64xi32, #tpu.memory_space<vmem>>) semaphore(%arg13 : memref<!tpu.dma_semaphore, #tpu.memory_space<semaphore_mem>>)
      %add3A_460 = arith.constant 1 : i32
      %add3A_461 = arith.addi %add3A_414, %add3A_460 : i32
      %dma_wait3A_462 = arith.constant 0 : i32
      %dma_wait3A_463 = arith.constant 0 : i32
      %dma_wait3A_464 = tpu.memref_slice %arg8[%scan3A_208, %dma_wait3A_462, %dma_wait3A_463] : memref<4x64x128xf32, #tpu.memory_space<vmem>> -> memref<1x64x128xf32, #tpu.memory_space<vmem>>
      %dma_wait3A_465 = tpu.memref_squeeze %dma_wait3A_464 : memref<1x64x128xf32, #tpu.memory_space<vmem>> -> memref<64x128xf32, #tpu.memory_space<vmem>>
      %dma_wait3A_466 = arith.constant 0 : i32
      %dma_wait3A_467 = tpu.memref_slice %arg6[%add3A_461, %dma_wait3A_466] : memref<80x64xi32, #tpu.memory_space<vmem>> -> memref<1x64xi32, #tpu.memory_space<vmem>>
      %dma_wait3A_468 = tpu.memref_squeeze %dma_wait3A_467 : memref<1x64xi32, #tpu.memory_space<vmem>> -> memref<64xi32, #tpu.memory_space<vmem>>
      %dma_wait3A_469 = arith.constant 0 : i32
      %dma_wait3A_470 = arith.constant 0 : i32
      %dma_wait3A_471 = tpu.memref_slice %arg2[%dma_wait3A_469, %dma_wait3A_470] : memref<10000x128xf32, #tpu.memory_space<hbm>> -> memref<10000x128xf32, #tpu.memory_space<hbm>>
      tpu.wait_indirect_dma semaphore(%arg12 : memref<!tpu.dma_semaphore, #tpu.memory_space<semaphore_mem>>) src(%dma_wait3A_471 : memref<10000x128xf32, #tpu.memory_space<hbm>>) dst(%dma_wait3A_465 : memref<64x128xf32, #tpu.memory_space<vmem>>)
      %dma_start3A_472 = arith.constant 0 : i32
      %dma_start3A_473 = arith.constant 0 : i32
      %dma_start3A_474 = tpu.memref_slice %arg8[%scan3A_208, %dma_start3A_472, %dma_start3A_473] : memref<4x64x128xf32, #tpu.memory_space<vmem>> -> memref<1x64x128xf32, #tpu.memory_space<vmem>>
      %dma_start3A_475 = tpu.memref_squeeze %dma_start3A_474 : memref<1x64x128xf32, #tpu.memory_space<vmem>> -> memref<64x128xf32, #tpu.memory_space<vmem>>
      %dma_start3A_476 = arith.constant 0 : i32
      %dma_start3A_477 = tpu.memref_slice %arg7[%add3A_461, %dma_start3A_476] : memref<80x64xi32, #tpu.memory_space<vmem>> -> memref<1x64xi32, #tpu.memory_space<vmem>>
      %dma_start3A_478 = tpu.memref_squeeze %dma_start3A_477 : memref<1x64xi32, #tpu.memory_space<vmem>> -> memref<64xi32, #tpu.memory_space<vmem>>
      %dma_start3A_479 = arith.constant 0 : i32
      %dma_start3A_480 = arith.constant 0 : i32
      %dma_start3A_481 = tpu.memref_slice %arg10[%dma_start3A_479, %dma_start3A_480] : memref<10240x128xf32, #tpu.memory_space<vmem_shared>> -> memref<10240x128xf32, #tpu.memory_space<vmem_shared>>
      tpu.enqueue_indirect_dma source(%dma_start3A_475 : memref<64x128xf32, #tpu.memory_space<vmem>>) target(%dma_start3A_481 : memref<10240x128xf32, #tpu.memory_space<vmem_shared>>) offsets(%dma_start3A_478 : memref<64xi32, #tpu.memory_space<vmem>>) semaphore(%arg16 : memref<!tpu.dma_semaphore, #tpu.memory_space<semaphore_mem>>) {add = true}
      %sub3A_482 = arith.constant 2 : i32
      %sub3A_483 = arith.subi %add3A_461, %sub3A_482 : i32
      %dma_wait3A_484 = arith.constant 0 : i32
      %dma_wait3A_485 = arith.constant 0 : i32
      %dma_wait3A_486 = tpu.memref_slice %arg8[%scan3A_209, %dma_wait3A_484, %dma_wait3A_485] : memref<4x64x128xf32, #tpu.memory_space<vmem>> -> memref<1x64x128xf32, #tpu.memory_space<vmem>>
      %dma_wait3A_487 = tpu.memref_squeeze %dma_wait3A_486 : memref<1x64x128xf32, #tpu.memory_space<vmem>> -> memref<64x128xf32, #tpu.memory_space<vmem>>
      %dma_wait3A_488 = arith.constant 0 : i32
      %dma_wait3A_489 = tpu.memref_slice %arg7[%sub3A_483, %dma_wait3A_488] : memref<80x64xi32, #tpu.memory_space<vmem>> -> memref<1x64xi32, #tpu.memory_space<vmem>>
      %dma_wait3A_490 = tpu.memref_squeeze %dma_wait3A_489 : memref<1x64xi32, #tpu.memory_space<vmem>> -> memref<64xi32, #tpu.memory_space<vmem>>
      %dma_wait3A_491 = arith.constant 0 : i32
      %dma_wait3A_492 = arith.constant 0 : i32
      %dma_wait3A_493 = tpu.memref_slice %arg10[%dma_wait3A_491, %dma_wait3A_492] : memref<10240x128xf32, #tpu.memory_space<vmem_shared>> -> memref<10240x128xf32, #tpu.memory_space<vmem_shared>>
      tpu.wait_indirect_dma semaphore(%arg18 : memref<!tpu.dma_semaphore, #tpu.memory_space<semaphore_mem>>) src(%dma_wait3A_487 : memref<64x128xf32, #tpu.memory_space<vmem>>) dst(%dma_wait3A_493 : memref<10240x128xf32, #tpu.memory_space<vmem_shared>>)
      %add3A_494 = arith.constant 2 : i32
      %add3A_495 = arith.addi %add3A_461, %add3A_494 : i32
      %dma_start3A_496 = arith.constant 0 : i32
      %dma_start3A_497 = arith.constant 0 : i32
      %dma_start3A_498 = tpu.memref_slice %arg8[%scan3A_209, %dma_start3A_496, %dma_start3A_497] : memref<4x64x128xf32, #tpu.memory_space<vmem>> -> memref<1x64x128xf32, #tpu.memory_space<vmem>>
      %dma_start3A_499 = tpu.memref_squeeze %dma_start3A_498 : memref<1x64x128xf32, #tpu.memory_space<vmem>> -> memref<64x128xf32, #tpu.memory_space<vmem>>
      %dma_start3A_500 = arith.constant 0 : i32
      %dma_start3A_501 = tpu.memref_slice %arg6[%add3A_495, %dma_start3A_500] : memref<80x64xi32, #tpu.memory_space<vmem>> -> memref<1x64xi32, #tpu.memory_space<vmem>>
      %dma_start3A_502 = tpu.memref_squeeze %dma_start3A_501 : memref<1x64xi32, #tpu.memory_space<vmem>> -> memref<64xi32, #tpu.memory_space<vmem>>
      %dma_start3A_503 = arith.constant 0 : i32
      %dma_start3A_504 = arith.constant 0 : i32
      %dma_start3A_505 = tpu.memref_slice %arg2[%dma_start3A_503, %dma_start3A_504] : memref<10000x128xf32, #tpu.memory_space<hbm>> -> memref<10000x128xf32, #tpu.memory_space<hbm>>
      tpu.enqueue_indirect_dma source(%dma_start3A_505 : memref<10000x128xf32, #tpu.memory_space<hbm>>) target(%dma_start3A_499 : memref<64x128xf32, #tpu.memory_space<vmem>>) offsets(%dma_start3A_502 : memref<64xi32, #tpu.memory_space<vmem>>) semaphore(%arg14 : memref<!tpu.dma_semaphore, #tpu.memory_space<semaphore_mem>>)
      %add3A_506 = arith.constant 2 : i32
      %add3A_507 = arith.addi %add3A_414, %add3A_506 : i32
      %dma_wait3A_508 = arith.constant 0 : i32
      %dma_wait3A_509 = arith.constant 0 : i32
      %dma_wait3A_510 = tpu.memref_slice %arg8[%scan3A_207, %dma_wait3A_508, %dma_wait3A_509] : memref<4x64x128xf32, #tpu.memory_space<vmem>> -> memref<1x64x128xf32, #tpu.memory_space<vmem>>
      %dma_wait3A_511 = tpu.memref_squeeze %dma_wait3A_510 : memref<1x64x128xf32, #tpu.memory_space<vmem>> -> memref<64x128xf32, #tpu.memory_space<vmem>>
      %dma_wait3A_512 = arith.constant 0 : i32
      %dma_wait3A_513 = tpu.memref_slice %arg6[%add3A_507, %dma_wait3A_512] : memref<80x64xi32, #tpu.memory_space<vmem>> -> memref<1x64xi32, #tpu.memory_space<vmem>>
      %dma_wait3A_514 = tpu.memref_squeeze %dma_wait3A_513 : memref<1x64xi32, #tpu.memory_space<vmem>> -> memref<64xi32, #tpu.memory_space<vmem>>
      %dma_wait3A_515 = arith.constant 0 : i32
      %dma_wait3A_516 = arith.constant 0 : i32
      %dma_wait3A_517 = tpu.memref_slice %arg2[%dma_wait3A_515, %dma_wait3A_516] : memref<10000x128xf32, #tpu.memory_space<hbm>> -> memref<10000x128xf32, #tpu.memory_space<hbm>>
      tpu.wait_indirect_dma semaphore(%arg13 : memref<!tpu.dma_semaphore, #tpu.memory_space<semaphore_mem>>) src(%dma_wait3A_517 : memref<10000x128xf32, #tpu.memory_space<hbm>>) dst(%dma_wait3A_511 : memref<64x128xf32, #tpu.memory_space<vmem>>)
      %dma_start3A_518 = arith.constant 0 : i32
      %dma_start3A_519 = arith.constant 0 : i32
      %dma_start3A_520 = tpu.memref_slice %arg8[%scan3A_207, %dma_start3A_518, %dma_start3A_519] : memref<4x64x128xf32, #tpu.memory_space<vmem>> -> memref<1x64x128xf32, #tpu.memory_space<vmem>>
      %dma_start3A_521 = tpu.memref_squeeze %dma_start3A_520 : memref<1x64x128xf32, #tpu.memory_space<vmem>> -> memref<64x128xf32, #tpu.memory_space<vmem>>
      %dma_start3A_522 = arith.constant 0 : i32
      %dma_start3A_523 = tpu.memref_slice %arg7[%add3A_507, %dma_start3A_522] : memref<80x64xi32, #tpu.memory_space<vmem>> -> memref<1x64xi32, #tpu.memory_space<vmem>>
      %dma_start3A_524 = tpu.memref_squeeze %dma_start3A_523 : memref<1x64xi32, #tpu.memory_space<vmem>> -> memref<64xi32, #tpu.memory_space<vmem>>
      %dma_start3A_525 = arith.constant 0 : i32
      %dma_start3A_526 = arith.constant 0 : i32
      %dma_start3A_527 = tpu.memref_slice %arg10[%dma_start3A_525, %dma_start3A_526] : memref<10240x128xf32, #tpu.memory_space<vmem_shared>> -> memref<10240x128xf32, #tpu.memory_space<vmem_shared>>
      tpu.enqueue_indirect_dma source(%dma_start3A_521 : memref<64x128xf32, #tpu.memory_space<vmem>>) target(%dma_start3A_527 : memref<10240x128xf32, #tpu.memory_space<vmem_shared>>) offsets(%dma_start3A_524 : memref<64xi32, #tpu.memory_space<vmem>>) semaphore(%arg17 : memref<!tpu.dma_semaphore, #tpu.memory_space<semaphore_mem>>) {add = true}
      %sub3A_528 = arith.constant 2 : i32
      %sub3A_529 = arith.subi %add3A_507, %sub3A_528 : i32
      %dma_wait3A_530 = arith.constant 0 : i32
      %dma_wait3A_531 = arith.constant 0 : i32
      %dma_wait3A_532 = tpu.memref_slice %arg8[%scan3A_206, %dma_wait3A_530, %dma_wait3A_531] : memref<4x64x128xf32, #tpu.memory_space<vmem>> -> memref<1x64x128xf32, #tpu.memory_space<vmem>>
      %dma_wait3A_533 = tpu.memref_squeeze %dma_wait3A_532 : memref<1x64x128xf32, #tpu.memory_space<vmem>> -> memref<64x128xf32, #tpu.memory_space<vmem>>
      %dma_wait3A_534 = arith.constant 0 : i32
      %dma_wait3A_535 = tpu.memref_slice %arg7[%sub3A_529, %dma_wait3A_534] : memref<80x64xi32, #tpu.memory_space<vmem>> -> memref<1x64xi32, #tpu.memory_space<vmem>>
      %dma_wait3A_536 = tpu.memref_squeeze %dma_wait3A_535 : memref<1x64xi32, #tpu.memory_space<vmem>> -> memref<64xi32, #tpu.memory_space<vmem>>
      %dma_wait3A_537 = arith.constant 0 : i32
      %dma_wait3A_538 = arith.constant 0 : i32
      %dma_wait3A_539 = tpu.memref_slice %arg10[%dma_wait3A_537, %dma_wait3A_538] : memref<10240x128xf32, #tpu.memory_space<vmem_shared>> -> memref<10240x128xf32, #tpu.memory_space<vmem_shared>>
      tpu.wait_indirect_dma semaphore(%arg15 : memref<!tpu.dma_semaphore, #tpu.memory_space<semaphore_mem>>) src(%dma_wait3A_533 : memref<64x128xf32, #tpu.memory_space<vmem>>) dst(%dma_wait3A_539 : memref<10240x128xf32, #tpu.memory_space<vmem_shared>>)
      %add3A_540 = arith.constant 2 : i32
      %add3A_541 = arith.addi %add3A_507, %add3A_540 : i32
      %dma_start3A_542 = arith.constant 0 : i32
      %dma_start3A_543 = arith.constant 0 : i32
      %dma_start3A_544 = tpu.memref_slice %arg8[%scan3A_206, %dma_start3A_542, %dma_start3A_543] : memref<4x64x128xf32, #tpu.memory_space<vmem>> -> memref<1x64x128xf32, #tpu.memory_space<vmem>>
      %dma_start3A_545 = tpu.memref_squeeze %dma_start3A_544 : memref<1x64x128xf32, #tpu.memory_space<vmem>> -> memref<64x128xf32, #tpu.memory_space<vmem>>
      %dma_start3A_546 = arith.constant 0 : i32
      %dma_start3A_547 = tpu.memref_slice %arg6[%add3A_541, %dma_start3A_546] : memref<80x64xi32, #tpu.memory_space<vmem>> -> memref<1x64xi32, #tpu.memory_space<vmem>>
      %dma_start3A_548 = tpu.memref_squeeze %dma_start3A_547 : memref<1x64xi32, #tpu.memory_space<vmem>> -> memref<64xi32, #tpu.memory_space<vmem>>
      %dma_start3A_549 = arith.constant 0 : i32
      %dma_start3A_550 = arith.constant 0 : i32
      %dma_start3A_551 = tpu.memref_slice %arg2[%dma_start3A_549, %dma_start3A_550] : memref<10000x128xf32, #tpu.memory_space<hbm>> -> memref<10000x128xf32, #tpu.memory_space<hbm>>
      tpu.enqueue_indirect_dma source(%dma_start3A_551 : memref<10000x128xf32, #tpu.memory_space<hbm>>) target(%dma_start3A_545 : memref<64x128xf32, #tpu.memory_space<vmem>>) offsets(%dma_start3A_548 : memref<64xi32, #tpu.memory_space<vmem>>) semaphore(%arg11 : memref<!tpu.dma_semaphore, #tpu.memory_space<semaphore_mem>>)
      %add3A_552 = arith.constant 3 : i32
      %add3A_553 = arith.addi %add3A_414, %add3A_552 : i32
      %dma_wait3A_554 = arith.constant 0 : i32
      %dma_wait3A_555 = arith.constant 0 : i32
      %dma_wait3A_556 = tpu.memref_slice %arg8[%scan3A_209, %dma_wait3A_554, %dma_wait3A_555] : memref<4x64x128xf32, #tpu.memory_space<vmem>> -> memref<1x64x128xf32, #tpu.memory_space<vmem>>
      %dma_wait3A_557 = tpu.memref_squeeze %dma_wait3A_556 : memref<1x64x128xf32, #tpu.memory_space<vmem>> -> memref<64x128xf32, #tpu.memory_space<vmem>>
      %dma_wait3A_558 = arith.constant 0 : i32
      %dma_wait3A_559 = tpu.memref_slice %arg6[%add3A_553, %dma_wait3A_558] : memref<80x64xi32, #tpu.memory_space<vmem>> -> memref<1x64xi32, #tpu.memory_space<vmem>>
      %dma_wait3A_560 = tpu.memref_squeeze %dma_wait3A_559 : memref<1x64xi32, #tpu.memory_space<vmem>> -> memref<64xi32, #tpu.memory_space<vmem>>
      %dma_wait3A_561 = arith.constant 0 : i32
      %dma_wait3A_562 = arith.constant 0 : i32
      %dma_wait3A_563 = tpu.memref_slice %arg2[%dma_wait3A_561, %dma_wait3A_562] : memref<10000x128xf32, #tpu.memory_space<hbm>> -> memref<10000x128xf32, #tpu.memory_space<hbm>>
      tpu.wait_indirect_dma semaphore(%arg14 : memref<!tpu.dma_semaphore, #tpu.memory_space<semaphore_mem>>) src(%dma_wait3A_563 : memref<10000x128xf32, #tpu.memory_space<hbm>>) dst(%dma_wait3A_557 : memref<64x128xf32, #tpu.memory_space<vmem>>)
      %dma_start3A_564 = arith.constant 0 : i32
      %dma_start3A_565 = arith.constant 0 : i32
      %dma_start3A_566 = tpu.memref_slice %arg8[%scan3A_209, %dma_start3A_564, %dma_start3A_565] : memref<4x64x128xf32, #tpu.memory_space<vmem>> -> memref<1x64x128xf32, #tpu.memory_space<vmem>>
      %dma_start3A_567 = tpu.memref_squeeze %dma_start3A_566 : memref<1x64x128xf32, #tpu.memory_space<vmem>> -> memref<64x128xf32, #tpu.memory_space<vmem>>
      %dma_start3A_568 = arith.constant 0 : i32
      %dma_start3A_569 = tpu.memref_slice %arg7[%add3A_553, %dma_start3A_568] : memref<80x64xi32, #tpu.memory_space<vmem>> -> memref<1x64xi32, #tpu.memory_space<vmem>>
      %dma_start3A_570 = tpu.memref_squeeze %dma_start3A_569 : memref<1x64xi32, #tpu.memory_space<vmem>> -> memref<64xi32, #tpu.memory_space<vmem>>
      %dma_start3A_571 = arith.constant 0 : i32
      %dma_start3A_572 = arith.constant 0 : i32
      %dma_start3A_573 = tpu.memref_slice %arg10[%dma_start3A_571, %dma_start3A_572] : memref<10240x128xf32, #tpu.memory_space<vmem_shared>> -> memref<10240x128xf32, #tpu.memory_space<vmem_shared>>
      tpu.enqueue_indirect_dma source(%dma_start3A_567 : memref<64x128xf32, #tpu.memory_space<vmem>>) target(%dma_start3A_573 : memref<10240x128xf32, #tpu.memory_space<vmem_shared>>) offsets(%dma_start3A_570 : memref<64xi32, #tpu.memory_space<vmem>>) semaphore(%arg18 : memref<!tpu.dma_semaphore, #tpu.memory_space<semaphore_mem>>) {add = true}
      %sub3A_574 = arith.constant 2 : i32
      %sub3A_575 = arith.subi %add3A_553, %sub3A_574 : i32
      %dma_wait3A_576 = arith.constant 0 : i32
      %dma_wait3A_577 = arith.constant 0 : i32
      %dma_wait3A_578 = tpu.memref_slice %arg8[%scan3A_208, %dma_wait3A_576, %dma_wait3A_577] : memref<4x64x128xf32, #tpu.memory_space<vmem>> -> memref<1x64x128xf32, #tpu.memory_space<vmem>>
      %dma_wait3A_579 = tpu.memref_squeeze %dma_wait3A_578 : memref<1x64x128xf32, #tpu.memory_space<vmem>> -> memref<64x128xf32, #tpu.memory_space<vmem>>
      %dma_wait3A_580 = arith.constant 0 : i32
      %dma_wait3A_581 = tpu.memref_slice %arg7[%sub3A_575, %dma_wait3A_580] : memref<80x64xi32, #tpu.memory_space<vmem>> -> memref<1x64xi32, #tpu.memory_space<vmem>>
      %dma_wait3A_582 = tpu.memref_squeeze %dma_wait3A_581 : memref<1x64xi32, #tpu.memory_space<vmem>> -> memref<64xi32, #tpu.memory_space<vmem>>
      %dma_wait3A_583 = arith.constant 0 : i32
      %dma_wait3A_584 = arith.constant 0 : i32
      %dma_wait3A_585 = tpu.memref_slice %arg10[%dma_wait3A_583, %dma_wait3A_584] : memref<10240x128xf32, #tpu.memory_space<vmem_shared>> -> memref<10240x128xf32, #tpu.memory_space<vmem_shared>>
      tpu.wait_indirect_dma semaphore(%arg16 : memref<!tpu.dma_semaphore, #tpu.memory_space<semaphore_mem>>) src(%dma_wait3A_579 : memref<64x128xf32, #tpu.memory_space<vmem>>) dst(%dma_wait3A_585 : memref<10240x128xf32, #tpu.memory_space<vmem_shared>>)
      %add3A_586 = arith.constant 2 : i32
      %add3A_587 = arith.addi %add3A_553, %add3A_586 : i32
      %dma_start3A_588 = arith.constant 0 : i32
      %dma_start3A_589 = arith.constant 0 : i32
      %dma_start3A_590 = tpu.memref_slice %arg8[%scan3A_208, %dma_start3A_588, %dma_start3A_589] : memref<4x64x128xf32, #tpu.memory_space<vmem>> -> memref<1x64x128xf32, #tpu.memory_space<vmem>>
      %dma_start3A_591 = tpu.memref_squeeze %dma_start3A_590 : memref<1x64x128xf32, #tpu.memory_space<vmem>> -> memref<64x128xf32, #tpu.memory_space<vmem>>
      %dma_start3A_592 = arith.constant 0 : i32
      %dma_start3A_593 = tpu.memref_slice %arg6[%add3A_587, %dma_start3A_592] : memref<80x64xi32, #tpu.memory_space<vmem>> -> memref<1x64xi32, #tpu.memory_space<vmem>>
      %dma_start3A_594 = tpu.memref_squeeze %dma_start3A_593 : memref<1x64xi32, #tpu.memory_space<vmem>> -> memref<64xi32, #tpu.memory_space<vmem>>
      %dma_start3A_595 = arith.constant 0 : i32
      %dma_start3A_596 = arith.constant 0 : i32
      %dma_start3A_597 = tpu.memref_slice %arg2[%dma_start3A_595, %dma_start3A_596] : memref<10000x128xf32, #tpu.memory_space<hbm>> -> memref<10000x128xf32, #tpu.memory_space<hbm>>
      tpu.enqueue_indirect_dma source(%dma_start3A_597 : memref<10000x128xf32, #tpu.memory_space<hbm>>) target(%dma_start3A_591 : memref<64x128xf32, #tpu.memory_space<vmem>>) offsets(%dma_start3A_594 : memref<64xi32, #tpu.memory_space<vmem>>) semaphore(%arg12 : memref<!tpu.dma_semaphore, #tpu.memory_space<semaphore_mem>>)
    }
    %scan3A_214 = arith.constant 18 : i32
    %dma_wait3A_215 = arith.constant 76 : i32
    %dma_wait3A_216 = arith.constant 0 : i32
    %dma_wait3A_217 = arith.constant 0 : i32
    %dma_wait3A_218 = arith.constant 0 : i32
    %dma_wait3A_219 = tpu.memref_slice %arg8[%dma_wait3A_216, %dma_wait3A_217, %dma_wait3A_218] : memref<4x64x128xf32, #tpu.memory_space<vmem>> -> memref<1x64x128xf32, #tpu.memory_space<vmem>>
    %dma_wait3A_220 = tpu.memref_squeeze %dma_wait3A_219 : memref<1x64x128xf32, #tpu.memory_space<vmem>> -> memref<64x128xf32, #tpu.memory_space<vmem>>
    %dma_wait3A_221 = arith.constant 0 : i32
    %dma_wait3A_222 = tpu.memref_slice %arg6[%dma_wait3A_215, %dma_wait3A_221] : memref<80x64xi32, #tpu.memory_space<vmem>> -> memref<1x64xi32, #tpu.memory_space<vmem>>
    %dma_wait3A_223 = tpu.memref_squeeze %dma_wait3A_222 : memref<1x64xi32, #tpu.memory_space<vmem>> -> memref<64xi32, #tpu.memory_space<vmem>>
    %dma_wait3A_224 = arith.constant 0 : i32
    %dma_wait3A_225 = arith.constant 0 : i32
    %dma_wait3A_226 = tpu.memref_slice %arg2[%dma_wait3A_224, %dma_wait3A_225] : memref<10000x128xf32, #tpu.memory_space<hbm>> -> memref<10000x128xf32, #tpu.memory_space<hbm>>
    tpu.wait_indirect_dma semaphore(%arg11 : memref<!tpu.dma_semaphore, #tpu.memory_space<semaphore_mem>>) src(%dma_wait3A_226 : memref<10000x128xf32, #tpu.memory_space<hbm>>) dst(%dma_wait3A_220 : memref<64x128xf32, #tpu.memory_space<vmem>>)
    %dma_start3A_227 = arith.constant 0 : i32
    %dma_start3A_228 = arith.constant 76 : i32
    %dma_start3A_229 = arith.constant 0 : i32
    %dma_start3A_230 = arith.constant 0 : i32
    %dma_start3A_231 = tpu.memref_slice %arg8[%dma_start3A_227, %dma_start3A_229, %dma_start3A_230] : memref<4x64x128xf32, #tpu.memory_space<vmem>> -> memref<1x64x128xf32, #tpu.memory_space<vmem>>
    %dma_start3A_232 = tpu.memref_squeeze %dma_start3A_231 : memref<1x64x128xf32, #tpu.memory_space<vmem>> -> memref<64x128xf32, #tpu.memory_space<vmem>>
    %dma_start3A_233 = arith.constant 0 : i32
    %dma_start3A_234 = tpu.memref_slice %arg7[%dma_start3A_228, %dma_start3A_233] : memref<80x64xi32, #tpu.memory_space<vmem>> -> memref<1x64xi32, #tpu.memory_space<vmem>>
    %dma_start3A_235 = tpu.memref_squeeze %dma_start3A_234 : memref<1x64xi32, #tpu.memory_space<vmem>> -> memref<64xi32, #tpu.memory_space<vmem>>
    %dma_start3A_236 = arith.constant 0 : i32
    %dma_start3A_237 = arith.constant 0 : i32
    %dma_start3A_238 = tpu.memref_slice %arg10[%dma_start3A_236, %dma_start3A_237] : memref<10240x128xf32, #tpu.memory_space<vmem_shared>> -> memref<10240x128xf32, #tpu.memory_space<vmem_shared>>
    tpu.enqueue_indirect_dma source(%dma_start3A_232 : memref<64x128xf32, #tpu.memory_space<vmem>>) target(%dma_start3A_238 : memref<10240x128xf32, #tpu.memory_space<vmem_shared>>) offsets(%dma_start3A_235 : memref<64xi32, #tpu.memory_space<vmem>>) semaphore(%arg15 : memref<!tpu.dma_semaphore, #tpu.memory_space<semaphore_mem>>) {add = true}
    %dma_wait3A_239 = arith.constant 2 : i32
    %dma_wait3A_240 = arith.constant 74 : i32
    %dma_wait3A_241 = arith.constant 0 : i32
    %dma_wait3A_242 = arith.constant 0 : i32
    %dma_wait3A_243 = tpu.memref_slice %arg8[%dma_wait3A_239, %dma_wait3A_241, %dma_wait3A_242] : memref<4x64x128xf32, #tpu.memory_space<vmem>> -> memref<1x64x128xf32, #tpu.memory_space<vmem>>
    %dma_wait3A_244 = tpu.memref_squeeze %dma_wait3A_243 : memref<1x64x128xf32, #tpu.memory_space<vmem>> -> memref<64x128xf32, #tpu.memory_space<vmem>>
    %dma_wait3A_245 = arith.constant 0 : i32
    %dma_wait3A_246 = tpu.memref_slice %arg7[%dma_wait3A_240, %dma_wait3A_245] : memref<80x64xi32, #tpu.memory_space<vmem>> -> memref<1x64xi32, #tpu.memory_space<vmem>>
    %dma_wait3A_247 = tpu.memref_squeeze %dma_wait3A_246 : memref<1x64xi32, #tpu.memory_space<vmem>> -> memref<64xi32, #tpu.memory_space<vmem>>
    %dma_wait3A_248 = arith.constant 0 : i32
    %dma_wait3A_249 = arith.constant 0 : i32
    %dma_wait3A_250 = tpu.memref_slice %arg10[%dma_wait3A_248, %dma_wait3A_249] : memref<10240x128xf32, #tpu.memory_space<vmem_shared>> -> memref<10240x128xf32, #tpu.memory_space<vmem_shared>>
    tpu.wait_indirect_dma semaphore(%arg17 : memref<!tpu.dma_semaphore, #tpu.memory_space<semaphore_mem>>) src(%dma_wait3A_244 : memref<64x128xf32, #tpu.memory_space<vmem>>) dst(%dma_wait3A_250 : memref<10240x128xf32, #tpu.memory_space<vmem_shared>>)
    %dma_start3A_251 = arith.constant 78 : i32
    %dma_start3A_252 = arith.constant 2 : i32
    %dma_start3A_253 = arith.constant 0 : i32
    %dma_start3A_254 = arith.constant 0 : i32
    %dma_start3A_255 = tpu.memref_slice %arg8[%dma_start3A_252, %dma_start3A_253, %dma_start3A_254] : memref<4x64x128xf32, #tpu.memory_space<vmem>> -> memref<1x64x128xf32, #tpu.memory_space<vmem>>
    %dma_start3A_256 = tpu.memref_squeeze %dma_start3A_255 : memref<1x64x128xf32, #tpu.memory_space<vmem>> -> memref<64x128xf32, #tpu.memory_space<vmem>>
    %dma_start3A_257 = arith.constant 0 : i32
    %dma_start3A_258 = tpu.memref_slice %arg6[%dma_start3A_251, %dma_start3A_257] : memref<80x64xi32, #tpu.memory_space<vmem>> -> memref<1x64xi32, #tpu.memory_space<vmem>>
    %dma_start3A_259 = tpu.memref_squeeze %dma_start3A_258 : memref<1x64xi32, #tpu.memory_space<vmem>> -> memref<64xi32, #tpu.memory_space<vmem>>
    %dma_start3A_260 = arith.constant 0 : i32
    %dma_start3A_261 = arith.constant 0 : i32
    %dma_start3A_262 = tpu.memref_slice %arg2[%dma_start3A_260, %dma_start3A_261] : memref<10000x128xf32, #tpu.memory_space<hbm>> -> memref<10000x128xf32, #tpu.memory_space<hbm>>
    tpu.enqueue_indirect_dma source(%dma_start3A_262 : memref<10000x128xf32, #tpu.memory_space<hbm>>) target(%dma_start3A_256 : memref<64x128xf32, #tpu.memory_space<vmem>>) offsets(%dma_start3A_259 : memref<64xi32, #tpu.memory_space<vmem>>) semaphore(%arg13 : memref<!tpu.dma_semaphore, #tpu.memory_space<semaphore_mem>>)
    %dma_wait3A_263 = arith.constant 77 : i32
    %dma_wait3A_264 = arith.constant 1 : i32
    %dma_wait3A_265 = arith.constant 0 : i32
    %dma_wait3A_266 = arith.constant 0 : i32
    %dma_wait3A_267 = tpu.memref_slice %arg8[%dma_wait3A_264, %dma_wait3A_265, %dma_wait3A_266] : memref<4x64x128xf32, #tpu.memory_space<vmem>> -> memref<1x64x128xf32, #tpu.memory_space<vmem>>
    %dma_wait3A_268 = tpu.memref_squeeze %dma_wait3A_267 : memref<1x64x128xf32, #tpu.memory_space<vmem>> -> memref<64x128xf32, #tpu.memory_space<vmem>>
    %dma_wait3A_269 = arith.constant 0 : i32
    %dma_wait3A_270 = tpu.memref_slice %arg6[%dma_wait3A_263, %dma_wait3A_269] : memref<80x64xi32, #tpu.memory_space<vmem>> -> memref<1x64xi32, #tpu.memory_space<vmem>>
    %dma_wait3A_271 = tpu.memref_squeeze %dma_wait3A_270 : memref<1x64xi32, #tpu.memory_space<vmem>> -> memref<64xi32, #tpu.memory_space<vmem>>
    %dma_wait3A_272 = arith.constant 0 : i32
    %dma_wait3A_273 = arith.constant 0 : i32
    %dma_wait3A_274 = tpu.memref_slice %arg2[%dma_wait3A_272, %dma_wait3A_273] : memref<10000x128xf32, #tpu.memory_space<hbm>> -> memref<10000x128xf32, #tpu.memory_space<hbm>>
    tpu.wait_indirect_dma semaphore(%arg12 : memref<!tpu.dma_semaphore, #tpu.memory_space<semaphore_mem>>) src(%dma_wait3A_274 : memref<10000x128xf32, #tpu.memory_space<hbm>>) dst(%dma_wait3A_268 : memref<64x128xf32, #tpu.memory_space<vmem>>)
    %dma_start3A_275 = arith.constant 1 : i32
    %dma_start3A_276 = arith.constant 77 : i32
    %dma_start3A_277 = arith.constant 0 : i32
    %dma_start3A_278 = arith.constant 0 : i32
    %dma_start3A_279 = tpu.memref_slice %arg8[%dma_start3A_275, %dma_start3A_277, %dma_start3A_278] : memref<4x64x128xf32, #tpu.memory_space<vmem>> -> memref<1x64x128xf32, #tpu.memory_space<vmem>>
    %dma_start3A_280 = tpu.memref_squeeze %dma_start3A_279 : memref<1x64x128xf32, #tpu.memory_space<vmem>> -> memref<64x128xf32, #tpu.memory_space<vmem>>
    %dma_start3A_281 = arith.constant 0 : i32
    %dma_start3A_282 = tpu.memref_slice %arg7[%dma_start3A_276, %dma_start3A_281] : memref<80x64xi32, #tpu.memory_space<vmem>> -> memref<1x64xi32, #tpu.memory_space<vmem>>
    %dma_start3A_283 = tpu.memref_squeeze %dma_start3A_282 : memref<1x64xi32, #tpu.memory_space<vmem>> -> memref<64xi32, #tpu.memory_space<vmem>>
    %dma_start3A_284 = arith.constant 0 : i32
    %dma_start3A_285 = arith.constant 0 : i32
    %dma_start3A_286 = tpu.memref_slice %arg10[%dma_start3A_284, %dma_start3A_285] : memref<10240x128xf32, #tpu.memory_space<vmem_shared>> -> memref<10240x128xf32, #tpu.memory_space<vmem_shared>>
    tpu.enqueue_indirect_dma source(%dma_start3A_280 : memref<64x128xf32, #tpu.memory_space<vmem>>) target(%dma_start3A_286 : memref<10240x128xf32, #tpu.memory_space<vmem_shared>>) offsets(%dma_start3A_283 : memref<64xi32, #tpu.memory_space<vmem>>) semaphore(%arg16 : memref<!tpu.dma_semaphore, #tpu.memory_space<semaphore_mem>>) {add = true}
    %dma_wait3A_287 = arith.constant 3 : i32
    %dma_wait3A_288 = arith.constant 75 : i32
    %dma_wait3A_289 = arith.constant 0 : i32
    %dma_wait3A_290 = arith.constant 0 : i32
    %dma_wait3A_291 = tpu.memref_slice %arg8[%dma_wait3A_287, %dma_wait3A_289, %dma_wait3A_290] : memref<4x64x128xf32, #tpu.memory_space<vmem>> -> memref<1x64x128xf32, #tpu.memory_space<vmem>>
    %dma_wait3A_292 = tpu.memref_squeeze %dma_wait3A_291 : memref<1x64x128xf32, #tpu.memory_space<vmem>> -> memref<64x128xf32, #tpu.memory_space<vmem>>
    %dma_wait3A_293 = arith.constant 0 : i32
    %dma_wait3A_294 = tpu.memref_slice %arg7[%dma_wait3A_288, %dma_wait3A_293] : memref<80x64xi32, #tpu.memory_space<vmem>> -> memref<1x64xi32, #tpu.memory_space<vmem>>
    %dma_wait3A_295 = tpu.memref_squeeze %dma_wait3A_294 : memref<1x64xi32, #tpu.memory_space<vmem>> -> memref<64xi32, #tpu.memory_space<vmem>>
    %dma_wait3A_296 = arith.constant 0 : i32
    %dma_wait3A_297 = arith.constant 0 : i32
    %dma_wait3A_298 = tpu.memref_slice %arg10[%dma_wait3A_296, %dma_wait3A_297] : memref<10240x128xf32, #tpu.memory_space<vmem_shared>> -> memref<10240x128xf32, #tpu.memory_space<vmem_shared>>
    tpu.wait_indirect_dma semaphore(%arg18 : memref<!tpu.dma_semaphore, #tpu.memory_space<semaphore_mem>>) src(%dma_wait3A_292 : memref<64x128xf32, #tpu.memory_space<vmem>>) dst(%dma_wait3A_298 : memref<10240x128xf32, #tpu.memory_space<vmem_shared>>)
    %dma_start3A_299 = arith.constant 79 : i32
    %dma_start3A_300 = arith.constant 3 : i32
    %dma_start3A_301 = arith.constant 0 : i32
    %dma_start3A_302 = arith.constant 0 : i32
    %dma_start3A_303 = tpu.memref_slice %arg8[%dma_start3A_300, %dma_start3A_301, %dma_start3A_302] : memref<4x64x128xf32, #tpu.memory_space<vmem>> -> memref<1x64x128xf32, #tpu.memory_space<vmem>>
    %dma_start3A_304 = tpu.memref_squeeze %dma_start3A_303 : memref<1x64x128xf32, #tpu.memory_space<vmem>> -> memref<64x128xf32, #tpu.memory_space<vmem>>
    %dma_start3A_305 = arith.constant 0 : i32
    %dma_start3A_306 = tpu.memref_slice %arg6[%dma_start3A_299, %dma_start3A_305] : memref<80x64xi32, #tpu.memory_space<vmem>> -> memref<1x64xi32, #tpu.memory_space<vmem>>
    %dma_start3A_307 = tpu.memref_squeeze %dma_start3A_306 : memref<1x64xi32, #tpu.memory_space<vmem>> -> memref<64xi32, #tpu.memory_space<vmem>>
    %dma_start3A_308 = arith.constant 0 : i32
    %dma_start3A_309 = arith.constant 0 : i32
    %dma_start3A_310 = tpu.memref_slice %arg2[%dma_start3A_308, %dma_start3A_309] : memref<10000x128xf32, #tpu.memory_space<hbm>> -> memref<10000x128xf32, #tpu.memory_space<hbm>>
    tpu.enqueue_indirect_dma source(%dma_start3A_310 : memref<10000x128xf32, #tpu.memory_space<hbm>>) target(%dma_start3A_304 : memref<64x128xf32, #tpu.memory_space<vmem>>) offsets(%dma_start3A_307 : memref<64xi32, #tpu.memory_space<vmem>>) semaphore(%arg14 : memref<!tpu.dma_semaphore, #tpu.memory_space<semaphore_mem>>)
    %dma_wait3A_311 = arith.constant 78 : i32
    %dma_wait3A_312 = arith.constant 2 : i32
    %dma_wait3A_313 = arith.constant 0 : i32
    %dma_wait3A_314 = arith.constant 0 : i32
    %dma_wait3A_315 = tpu.memref_slice %arg8[%dma_wait3A_312, %dma_wait3A_313, %dma_wait3A_314] : memref<4x64x128xf32, #tpu.memory_space<vmem>> -> memref<1x64x128xf32, #tpu.memory_space<vmem>>
    %dma_wait3A_316 = tpu.memref_squeeze %dma_wait3A_315 : memref<1x64x128xf32, #tpu.memory_space<vmem>> -> memref<64x128xf32, #tpu.memory_space<vmem>>
    %dma_wait3A_317 = arith.constant 0 : i32
    %dma_wait3A_318 = tpu.memref_slice %arg6[%dma_wait3A_311, %dma_wait3A_317] : memref<80x64xi32, #tpu.memory_space<vmem>> -> memref<1x64xi32, #tpu.memory_space<vmem>>
    %dma_wait3A_319 = tpu.memref_squeeze %dma_wait3A_318 : memref<1x64xi32, #tpu.memory_space<vmem>> -> memref<64xi32, #tpu.memory_space<vmem>>
    %dma_wait3A_320 = arith.constant 0 : i32
    %dma_wait3A_321 = arith.constant 0 : i32
    %dma_wait3A_322 = tpu.memref_slice %arg2[%dma_wait3A_320, %dma_wait3A_321] : memref<10000x128xf32, #tpu.memory_space<hbm>> -> memref<10000x128xf32, #tpu.memory_space<hbm>>
    tpu.wait_indirect_dma semaphore(%arg13 : memref<!tpu.dma_semaphore, #tpu.memory_space<semaphore_mem>>) src(%dma_wait3A_322 : memref<10000x128xf32, #tpu.memory_space<hbm>>) dst(%dma_wait3A_316 : memref<64x128xf32, #tpu.memory_space<vmem>>)
    %dma_start3A_323 = arith.constant 2 : i32
    %dma_start3A_324 = arith.constant 78 : i32
    %dma_start3A_325 = arith.constant 0 : i32
    %dma_start3A_326 = arith.constant 0 : i32
    %dma_start3A_327 = tpu.memref_slice %arg8[%dma_start3A_323, %dma_start3A_325, %dma_start3A_326] : memref<4x64x128xf32, #tpu.memory_space<vmem>> -> memref<1x64x128xf32, #tpu.memory_space<vmem>>
    %dma_start3A_328 = tpu.memref_squeeze %dma_start3A_327 : memref<1x64x128xf32, #tpu.memory_space<vmem>> -> memref<64x128xf32, #tpu.memory_space<vmem>>
    %dma_start3A_329 = arith.constant 0 : i32
    %dma_start3A_330 = tpu.memref_slice %arg7[%dma_start3A_324, %dma_start3A_329] : memref<80x64xi32, #tpu.memory_space<vmem>> -> memref<1x64xi32, #tpu.memory_space<vmem>>
    %dma_start3A_331 = tpu.memref_squeeze %dma_start3A_330 : memref<1x64xi32, #tpu.memory_space<vmem>> -> memref<64xi32, #tpu.memory_space<vmem>>
    %dma_start3A_332 = arith.constant 0 : i32
    %dma_start3A_333 = arith.constant 0 : i32
    %dma_start3A_334 = tpu.memref_slice %arg10[%dma_start3A_332, %dma_start3A_333] : memref<10240x128xf32, #tpu.memory_space<vmem_shared>> -> memref<10240x128xf32, #tpu.memory_space<vmem_shared>>
    tpu.enqueue_indirect_dma source(%dma_start3A_328 : memref<64x128xf32, #tpu.memory_space<vmem>>) target(%dma_start3A_334 : memref<10240x128xf32, #tpu.memory_space<vmem_shared>>) offsets(%dma_start3A_331 : memref<64xi32, #tpu.memory_space<vmem>>) semaphore(%arg17 : memref<!tpu.dma_semaphore, #tpu.memory_space<semaphore_mem>>) {add = true}
    %dma_wait3A_335 = arith.constant 0 : i32
    %dma_wait3A_336 = arith.constant 76 : i32
    %dma_wait3A_337 = arith.constant 0 : i32
    %dma_wait3A_338 = arith.constant 0 : i32
    %dma_wait3A_339 = tpu.memref_slice %arg8[%dma_wait3A_335, %dma_wait3A_337, %dma_wait3A_338] : memref<4x64x128xf32, #tpu.memory_space<vmem>> -> memref<1x64x128xf32, #tpu.memory_space<vmem>>
    %dma_wait3A_340 = tpu.memref_squeeze %dma_wait3A_339 : memref<1x64x128xf32, #tpu.memory_space<vmem>> -> memref<64x128xf32, #tpu.memory_space<vmem>>
    %dma_wait3A_341 = arith.constant 0 : i32
    %dma_wait3A_342 = tpu.memref_slice %arg7[%dma_wait3A_336, %dma_wait3A_341] : memref<80x64xi32, #tpu.memory_space<vmem>> -> memref<1x64xi32, #tpu.memory_space<vmem>>
    %dma_wait3A_343 = tpu.memref_squeeze %dma_wait3A_342 : memref<1x64xi32, #tpu.memory_space<vmem>> -> memref<64xi32, #tpu.memory_space<vmem>>
    %dma_wait3A_344 = arith.constant 0 : i32
    %dma_wait3A_345 = arith.constant 0 : i32
    %dma_wait3A_346 = tpu.memref_slice %arg10[%dma_wait3A_344, %dma_wait3A_345] : memref<10240x128xf32, #tpu.memory_space<vmem_shared>> -> memref<10240x128xf32, #tpu.memory_space<vmem_shared>>
    tpu.wait_indirect_dma semaphore(%arg15 : memref<!tpu.dma_semaphore, #tpu.memory_space<semaphore_mem>>) src(%dma_wait3A_340 : memref<64x128xf32, #tpu.memory_space<vmem>>) dst(%dma_wait3A_346 : memref<10240x128xf32, #tpu.memory_space<vmem_shared>>)
    %dma_wait3A_347 = arith.constant 79 : i32
    %dma_wait3A_348 = arith.constant 3 : i32
    %dma_wait3A_349 = arith.constant 0 : i32
    %dma_wait3A_350 = arith.constant 0 : i32
    %dma_wait3A_351 = tpu.memref_slice %arg8[%dma_wait3A_348, %dma_wait3A_349, %dma_wait3A_350] : memref<4x64x128xf32, #tpu.memory_space<vmem>> -> memref<1x64x128xf32, #tpu.memory_space<vmem>>
    %dma_wait3A_352 = tpu.memref_squeeze %dma_wait3A_351 : memref<1x64x128xf32, #tpu.memory_space<vmem>> -> memref<64x128xf32, #tpu.memory_space<vmem>>
    %dma_wait3A_353 = arith.constant 0 : i32
    %dma_wait3A_354 = tpu.memref_slice %arg6[%dma_wait3A_347, %dma_wait3A_353] : memref<80x64xi32, #tpu.memory_space<vmem>> -> memref<1x64xi32, #tpu.memory_space<vmem>>
    %dma_wait3A_355 = tpu.memref_squeeze %dma_wait3A_354 : memref<1x64xi32, #tpu.memory_space<vmem>> -> memref<64xi32, #tpu.memory_space<vmem>>
    %dma_wait3A_356 = arith.constant 0 : i32
    %dma_wait3A_357 = arith.constant 0 : i32
    %dma_wait3A_358 = tpu.memref_slice %arg2[%dma_wait3A_356, %dma_wait3A_357] : memref<10000x128xf32, #tpu.memory_space<hbm>> -> memref<10000x128xf32, #tpu.memory_space<hbm>>
    tpu.wait_indirect_dma semaphore(%arg14 : memref<!tpu.dma_semaphore, #tpu.memory_space<semaphore_mem>>) src(%dma_wait3A_358 : memref<10000x128xf32, #tpu.memory_space<hbm>>) dst(%dma_wait3A_352 : memref<64x128xf32, #tpu.memory_space<vmem>>)
    %dma_start3A_359 = arith.constant 3 : i32
    %dma_start3A_360 = arith.constant 79 : i32
    %dma_start3A_361 = arith.constant 0 : i32
    %dma_start3A_362 = arith.constant 0 : i32
    %dma_start3A_363 = tpu.memref_slice %arg8[%dma_start3A_359, %dma_start3A_361, %dma_start3A_362] : memref<4x64x128xf32, #tpu.memory_space<vmem>> -> memref<1x64x128xf32, #tpu.memory_space<vmem>>
    %dma_start3A_364 = tpu.memref_squeeze %dma_start3A_363 : memref<1x64x128xf32, #tpu.memory_space<vmem>> -> memref<64x128xf32, #tpu.memory_space<vmem>>
    %dma_start3A_365 = arith.constant 0 : i32
    %dma_start3A_366 = tpu.memref_slice %arg7[%dma_start3A_360, %dma_start3A_365] : memref<80x64xi32, #tpu.memory_space<vmem>> -> memref<1x64xi32, #tpu.memory_space<vmem>>
    %dma_start3A_367 = tpu.memref_squeeze %dma_start3A_366 : memref<1x64xi32, #tpu.memory_space<vmem>> -> memref<64xi32, #tpu.memory_space<vmem>>
    %dma_start3A_368 = arith.constant 0 : i32
    %dma_start3A_369 = arith.constant 0 : i32
    %dma_start3A_370 = tpu.memref_slice %arg10[%dma_start3A_368, %dma_start3A_369] : memref<10240x128xf32, #tpu.memory_space<vmem_shared>> -> memref<10240x128xf32, #tpu.memory_space<vmem_shared>>
    tpu.enqueue_indirect_dma source(%dma_start3A_364 : memref<64x128xf32, #tpu.memory_space<vmem>>) target(%dma_start3A_370 : memref<10240x128xf32, #tpu.memory_space<vmem_shared>>) offsets(%dma_start3A_367 : memref<64xi32, #tpu.memory_space<vmem>>) semaphore(%arg18 : memref<!tpu.dma_semaphore, #tpu.memory_space<semaphore_mem>>) {add = true}
    %dma_wait3A_371 = arith.constant 1 : i32
    %dma_wait3A_372 = arith.constant 77 : i32
    %dma_wait3A_373 = arith.constant 0 : i32
    %dma_wait3A_374 = arith.constant 0 : i32
    %dma_wait3A_375 = tpu.memref_slice %arg8[%dma_wait3A_371, %dma_wait3A_373, %dma_wait3A_374] : memref<4x64x128xf32, #tpu.memory_space<vmem>> -> memref<1x64x128xf32, #tpu.memory_space<vmem>>
    %dma_wait3A_376 = tpu.memref_squeeze %dma_wait3A_375 : memref<1x64x128xf32, #tpu.memory_space<vmem>> -> memref<64x128xf32, #tpu.memory_space<vmem>>
    %dma_wait3A_377 = arith.constant 0 : i32
    %dma_wait3A_378 = tpu.memref_slice %arg7[%dma_wait3A_372, %dma_wait3A_377] : memref<80x64xi32, #tpu.memory_space<vmem>> -> memref<1x64xi32, #tpu.memory_space<vmem>>
    %dma_wait3A_379 = tpu.memref_squeeze %dma_wait3A_378 : memref<1x64xi32, #tpu.memory_space<vmem>> -> memref<64xi32, #tpu.memory_space<vmem>>
    %dma_wait3A_380 = arith.constant 0 : i32
    %dma_wait3A_381 = arith.constant 0 : i32
    %dma_wait3A_382 = tpu.memref_slice %arg10[%dma_wait3A_380, %dma_wait3A_381] : memref<10240x128xf32, #tpu.memory_space<vmem_shared>> -> memref<10240x128xf32, #tpu.memory_space<vmem_shared>>
    tpu.wait_indirect_dma semaphore(%arg16 : memref<!tpu.dma_semaphore, #tpu.memory_space<semaphore_mem>>) src(%dma_wait3A_376 : memref<64x128xf32, #tpu.memory_space<vmem>>) dst(%dma_wait3A_382 : memref<10240x128xf32, #tpu.memory_space<vmem_shared>>)
    %dma_wait3A_383 = arith.constant 2 : i32
    %dma_wait3A_384 = arith.constant 78 : i32
    %dma_wait3A_385 = arith.constant 0 : i32
    %dma_wait3A_386 = arith.constant 0 : i32
    %dma_wait3A_387 = tpu.memref_slice %arg8[%dma_wait3A_383, %dma_wait3A_385, %dma_wait3A_386] : memref<4x64x128xf32, #tpu.memory_space<vmem>> -> memref<1x64x128xf32, #tpu.memory_space<vmem>>
    %dma_wait3A_388 = tpu.memref_squeeze %dma_wait3A_387 : memref<1x64x128xf32, #tpu.memory_space<vmem>> -> memref<64x128xf32, #tpu.memory_space<vmem>>
    %dma_wait3A_389 = arith.constant 0 : i32
    %dma_wait3A_390 = tpu.memref_slice %arg7[%dma_wait3A_384, %dma_wait3A_389] : memref<80x64xi32, #tpu.memory_space<vmem>> -> memref<1x64xi32, #tpu.memory_space<vmem>>
    %dma_wait3A_391 = tpu.memref_squeeze %dma_wait3A_390 : memref<1x64xi32, #tpu.memory_space<vmem>> -> memref<64xi32, #tpu.memory_space<vmem>>
    %dma_wait3A_392 = arith.constant 0 : i32
    %dma_wait3A_393 = arith.constant 0 : i32
    %dma_wait3A_394 = tpu.memref_slice %arg10[%dma_wait3A_392, %dma_wait3A_393] : memref<10240x128xf32, #tpu.memory_space<vmem_shared>> -> memref<10240x128xf32, #tpu.memory_space<vmem_shared>>
    tpu.wait_indirect_dma semaphore(%arg17 : memref<!tpu.dma_semaphore, #tpu.memory_space<semaphore_mem>>) src(%dma_wait3A_388 : memref<64x128xf32, #tpu.memory_space<vmem>>) dst(%dma_wait3A_394 : memref<10240x128xf32, #tpu.memory_space<vmem_shared>>)
    %dma_wait3A_395 = arith.constant 3 : i32
    %dma_wait3A_396 = arith.constant 79 : i32
    %dma_wait3A_397 = arith.constant 0 : i32
    %dma_wait3A_398 = arith.constant 0 : i32
    %dma_wait3A_399 = tpu.memref_slice %arg8[%dma_wait3A_395, %dma_wait3A_397, %dma_wait3A_398] : memref<4x64x128xf32, #tpu.memory_space<vmem>> -> memref<1x64x128xf32, #tpu.memory_space<vmem>>
    %dma_wait3A_400 = tpu.memref_squeeze %dma_wait3A_399 : memref<1x64x128xf32, #tpu.memory_space<vmem>> -> memref<64x128xf32, #tpu.memory_space<vmem>>
    %dma_wait3A_401 = arith.constant 0 : i32
    %dma_wait3A_402 = tpu.memref_slice %arg7[%dma_wait3A_396, %dma_wait3A_401] : memref<80x64xi32, #tpu.memory_space<vmem>> -> memref<1x64xi32, #tpu.memory_space<vmem>>
    %dma_wait3A_403 = tpu.memref_squeeze %dma_wait3A_402 : memref<1x64xi32, #tpu.memory_space<vmem>> -> memref<64xi32, #tpu.memory_space<vmem>>
    %dma_wait3A_404 = arith.constant 0 : i32
    %dma_wait3A_405 = arith.constant 0 : i32
    %dma_wait3A_406 = tpu.memref_slice %arg10[%dma_wait3A_404, %dma_wait3A_405] : memref<10240x128xf32, #tpu.memory_space<vmem_shared>> -> memref<10240x128xf32, #tpu.memory_space<vmem_shared>>
    tpu.wait_indirect_dma semaphore(%arg18 : memref<!tpu.dma_semaphore, #tpu.memory_space<semaphore_mem>>) src(%dma_wait3A_400 : memref<64x128xf32, #tpu.memory_space<vmem>>) dst(%dma_wait3A_406 : memref<10240x128xf32, #tpu.memory_space<vmem_shared>>)
    %barrier3A_407 = arith.constant 0 : index
    tpu.barrier barrier_id(%barrier3A_407)
    %mul3A_408 = arith.constant 625 : i32
    %mul3A_409 = arith.muli %arg1, %mul3A_408 : i32
    "tpu.region"() ({
      %run_scoped3A = tpu.sem_alloc : memref<!tpu.dma_semaphore, #tpu.memory_space<semaphore_mem>>
      %dma_start3A_410 = arith.constant 0 : i32
      %dma_start3A_411 = arith.constant 0 : i32
      %dma_start3A_412 = tpu.memref_slice %arg5[%arg0, %dma_start3A_410, %dma_start3A_411] : memref<2x10000x128xf32, #tpu.memory_space<hbm>> -> memref<1x10000x128xf32, #tpu.memory_space<hbm>>
      %dma_start3A_413 = tpu.memref_squeeze %dma_start3A_412 : memref<1x10000x128xf32, #tpu.memory_space<hbm>> -> memref<10000x128xf32, #tpu.memory_space<hbm>>
      %dma_start3A_414 = arith.constant 0 : i32
      %dma_start3A_415 = tpu.memref_slice %dma_start3A_413[%mul3A_409, %dma_start3A_414] : memref<10000x128xf32, #tpu.memory_space<hbm>> -> memref<625x128xf32, #tpu.memory_space<hbm>>
      %dma_start3A_416 = arith.constant 0 : i32
      %dma_start3A_417 = tpu.memref_slice %arg10[%mul3A_409, %dma_start3A_416] : memref<10240x128xf32, #tpu.memory_space<vmem_shared>> -> memref<625x128xf32, #tpu.memory_space<vmem_shared>>
      tpu.enqueue_dma source(%dma_start3A_417 : memref<625x128xf32, #tpu.memory_space<vmem_shared>>) target(%dma_start3A_415 : memref<625x128xf32, #tpu.memory_space<hbm>>) target_semaphore(%run_scoped3A : memref<!tpu.dma_semaphore, #tpu.memory_space<semaphore_mem>>)
      %dma_wait3A_418 = arith.constant 0 : i32
      %dma_wait3A_419 = arith.constant 0 : i32
      %dma_wait3A_420 = tpu.memref_slice %arg5[%arg0, %dma_wait3A_418, %dma_wait3A_419] : memref<2x10000x128xf32, #tpu.memory_space<hbm>> -> memref<1x10000x128xf32, #tpu.memory_space<hbm>>
      %dma_wait3A_421 = tpu.memref_squeeze %dma_wait3A_420 : memref<1x10000x128xf32, #tpu.memory_space<hbm>> -> memref<10000x128xf32, #tpu.memory_space<hbm>>
      %dma_wait3A_422 = arith.constant 0 : i32
      %dma_wait3A_423 = tpu.memref_slice %dma_wait3A_421[%mul3A_409, %dma_wait3A_422] : memref<10000x128xf32, #tpu.memory_space<hbm>> -> memref<625x128xf32, #tpu.memory_space<hbm>>
      %dma_wait3A_424 = arith.constant 0 : i32
      %dma_wait3A_425 = tpu.memref_slice %arg10[%mul3A_409, %dma_wait3A_424] : memref<10240x128xf32, #tpu.memory_space<vmem_shared>> -> memref<625x128xf32, #tpu.memory_space<vmem_shared>>
      tpu.wait_dma2 semaphore(%run_scoped3A : memref<!tpu.dma_semaphore, #tpu.memory_space<semaphore_mem>>) src(%dma_wait3A_425 : memref<625x128xf32, #tpu.memory_space<vmem_shared>>) dst(%dma_wait3A_423 : memref<625x128xf32, #tpu.memory_space<hbm>>)
      tpu.yield
    }) : () -> ()
    return
  }
}

module attributes {stable_mosaic.version = 14 : i64} {
  func.func @_scale_body(%arg0: i32, %arg1: memref<2x10000x16xf32, #tpu.memory_space<any>>, %arg2: memref<2000x128xf32, #tpu.memory_space<vmem>>, %arg3: memref<2000x128xf32, #tpu.memory_space<vmem>>, %arg4: memref<2000x16xf32, #tpu.memory_space<vmem>>, %arg5: memref<2x2000x16xf32, #tpu.memory_space<vmem>>, %arg6: memref<!tpu.dma_semaphore, #tpu.memory_space<semaphore_mem>>) attributes {dimension_semantics = [#tpu.dimension_semantics<arbitrary>], iteration_bounds = array<i64: 5>, scalar_prefetch = 0 : i64, scratch_operands = 2 : i64, tpu.core_type = #tpu.core_type<tc>, window_params = [{}, {transform_indices = @transform_1, window_bounds = array<i64: 2000, 128>}, {transform_indices = @transform_2, window_bounds = array<i64: 2000, 128>}, {transform_indices = @transform_3, window_bounds = array<i64: 2000, 16>}]} {
    %mul3A = arith.constant 2000 : i32
    %mul3A_0 = arith.muli %arg0, %mul3A : i32
    %dma_start3A = arith.constant 0 : i32
    %dma_start3A_1 = arith.constant 0 : i32
    %dma_start3A_2 = tpu.memref_slice %arg1[%dma_start3A, %mul3A_0, %dma_start3A_1] : memref<2x10000x16xf32, #tpu.memory_space<any>> -> memref<2x2000x16xf32, #tpu.memory_space<any>>
    tpu.enqueue_dma source(%dma_start3A_2 : memref<2x2000x16xf32, #tpu.memory_space<any>>) target(%arg5 : memref<2x2000x16xf32, #tpu.memory_space<vmem>>) target_semaphore(%arg6 : memref<!tpu.dma_semaphore, #tpu.memory_space<semaphore_mem>>)
    %dma_wait3A = arith.constant 0 : i32
    %dma_wait3A_3 = arith.constant 0 : i32
    %dma_wait3A_4 = tpu.memref_slice %arg1[%dma_wait3A, %mul3A_0, %dma_wait3A_3] : memref<2x10000x16xf32, #tpu.memory_space<any>> -> memref<2x2000x16xf32, #tpu.memory_space<any>>
    tpu.wait_dma2 semaphore(%arg6 : memref<!tpu.dma_semaphore, #tpu.memory_space<semaphore_mem>>) src(%dma_wait3A_4 : memref<2x2000x16xf32, #tpu.memory_space<any>>) dst(%arg5 : memref<2x2000x16xf32, #tpu.memory_space<vmem>>)
    %get3A = arith.constant 0 : index
    %get3A_5 = arith.constant 0 : index
    %get3A_6 = arith.constant 0 : index
    %get3A_7 = vector.load %arg5[%get3A, %get3A_5, %get3A_6] : memref<2x2000x16xf32, #tpu.memory_space<vmem>>, vector<2x2000x16xf32>
    %slice3A = vector.extract_strided_slice %get3A_7 {offsets = [0, 0, 0], sizes = [1, 2000, 16], strides = [1, 1, 1]} : vector<2x2000x16xf32> to vector<1x2000x16xf32>
    %squeeze3A = vector.shape_cast %slice3A : vector<1x2000x16xf32> to vector<2000x16xf32>
    %slice3A_8 = vector.extract_strided_slice %get3A_7 {offsets = [1, 0, 0], sizes = [1, 2000, 16], strides = [1, 1, 1]} : vector<2x2000x16xf32> to vector<1x2000x16xf32>
    %squeeze3A_9 = vector.shape_cast %slice3A_8 : vector<1x2000x16xf32> to vector<2000x16xf32>
    %add3A = arith.addf %squeeze3A, %squeeze3A_9 : vector<2000x16xf32>
    %add3A_10 = arith.constant 1.000000e+00 : f32
    %add3A_11 = vector.broadcast %add3A_10 : f32 to vector<2000x16xf32>
    %add3A_12 = arith.addf %add3A, %add3A_11 : vector<2000x16xf32>
    %rsqrt3A = math.rsqrt %add3A_12 : vector<2000x16xf32>
    %slice3A_13 = vector.extract_strided_slice %rsqrt3A {offsets = [0, 0], sizes = [2000, 1], strides = [1, 1]} : vector<2000x16xf32> to vector<2000x1xf32>
    %get3A_14 = arith.constant 0 : index
    %get3A_15 = arith.constant 0 : index
    %get3A_16 = vector.load %arg2[%get3A_14, %get3A_15] : memref<2000x128xf32, #tpu.memory_space<vmem>>, vector<2000x128xf32>
    %mul3A_17 = vector.broadcast %slice3A_13 : vector<2000x1xf32> to vector<2000x128xf32>
    %mul3A_18 = arith.mulf %mul3A_17, %get3A_16 : vector<2000x128xf32>
    %swap3A = arith.constant 0 : index
    %swap3A_19 = arith.constant 0 : index
    %swap3A_20 = vector.load %arg3[%swap3A, %swap3A_19] : memref<2000x128xf32, #tpu.memory_space<vmem>>, vector<2000x128xf32>
    tpu.vector_store %arg3[%swap3A, %swap3A_19], %mul3A_18 {strides = array<i32>} : memref<2000x128xf32, #tpu.memory_space<vmem>>, vector<2000x128xf32>,
    %swap3A_21 = arith.constant 0 : index
    %swap3A_22 = arith.constant 0 : index
    %swap3A_23 = vector.load %arg4[%swap3A_21, %swap3A_22] : memref<2000x16xf32, #tpu.memory_space<vmem>>, vector<2000x16xf32>
    tpu.vector_store %arg4[%swap3A_21, %swap3A_22], %rsqrt3A {strides = array<i32>} : memref<2000x16xf32, #tpu.memory_space<vmem>>, vector<2000x16xf32>,
    return
  }
  func.func @transform_1(%arg0: i32) -> (i32, i32) {
    %c0_i32 = arith.constant 0 : i32
    %c0_i32_0 = arith.constant 0 : i32
    return %arg0, %c0_i32 : i32, i32
  }
  func.func @transform_2(%arg0: i32) -> (i32, i32) {
    %c0_i32 = arith.constant 0 : i32
    %c0_i32_0 = arith.constant 0 : i32
    return %arg0, %c0_i32 : i32, i32
  }
  func.func @transform_3(%arg0: i32) -> (i32, i32) {
    %c0_i32 = arith.constant 0 : i32
    %c0_i32_0 = arith.constant 0 : i32
    return %arg0, %c0_i32 : i32, i32
  }
}

module attributes {stable_mosaic.version = 14 : i64} {
  func.func @_mm_body(%arg0: i32, %arg1: memref<2000x256xf32, #tpu.memory_space<vmem>>, %arg2: memref<256x128xf32, #tpu.memory_space<vmem>>, %arg3: memref<2000x128xf32, #tpu.memory_space<vmem>>) attributes {dimension_semantics = [#tpu.dimension_semantics<arbitrary>], iteration_bounds = array<i64: 5>, scalar_prefetch = 0 : i64, scratch_operands = 0 : i64, tpu.core_type = #tpu.core_type<tc>, window_params = [{transform_indices = @transform_0, window_bounds = array<i64: 2000, 256>}, {pipeline_mode = #tpu.pipeline_mode<synchronous>, transform_indices = @transform_1, window_bounds = array<i64: 256, 128>}, {transform_indices = @transform_2, window_bounds = array<i64: 2000, 128>}]} {
    %get3A = arith.constant 0 : index
    %get3A_0 = arith.constant 0 : index
    %get3A_1 = vector.load %arg1[%get3A, %get3A_0] : memref<2000x256xf32, #tpu.memory_space<vmem>>, vector<2000x256xf32>
    %get3A_2 = arith.constant 0 : index
    %get3A_3 = arith.constant 0 : index
    %get3A_4 = vector.load %arg2[%get3A_2, %get3A_3] : memref<256x128xf32, #tpu.memory_space<vmem>>, vector<256x128xf32>
    %dot_general3A = arith.constant dense<0.000000e+00> : vector<2000x128xf32>
    %dot_general3A_5 = tpu.matmul %get3A_1, %get3A_4, %dot_general3A {dimension_numbers = #tpu.dot_dimension_numbers<[1], [0], [0], [1], [0, 0, 1, 1], [], []>, transpose_lhs_hint = false} : vector<2000x256xf32>, vector<256x128xf32>, vector<2000x128xf32> -> vector<2000x128xf32>
    %swap3A = arith.constant 0 : index
    %swap3A_6 = arith.constant 0 : index
    %swap3A_7 = vector.load %arg3[%swap3A, %swap3A_6] : memref<2000x128xf32, #tpu.memory_space<vmem>>, vector<2000x128xf32>
    tpu.vector_store %arg3[%swap3A, %swap3A_6], %dot_general3A_5 {strides = array<i32>} : memref<2000x128xf32, #tpu.memory_space<vmem>>, vector<2000x128xf32>,
    return
  }
  func.func @transform_0(%arg0: i32) -> (i32, i32) {
    %c0_i32 = arith.constant 0 : i32
    %c0_i32_0 = arith.constant 0 : i32
    return %arg0, %c0_i32 : i32, i32
  }
  func.func @transform_1(%arg0: i32) -> (i32, i32) {
    %c0_i32 = arith.constant 0 : i32
    %c0_i32_0 = arith.constant 0 : i32
    %c0_i32_1 = arith.constant 0 : i32
    return %c0_i32, %c0_i32_0 : i32, i32
  }
  func.func @transform_2(%arg0: i32) -> (i32, i32) {
    %c0_i32 = arith.constant 0 : i32
    %c0_i32_0 = arith.constant 0 : i32
    return %arg0, %c0_i32 : i32, i32
  }
}

module attributes {stable_mosaic.version = 14 : i64} {
  func.func @_layer_body(%arg0: i32, %arg1: memref<2x2000x128xf32, #tpu.memory_space<vmem>>, %arg2: memref<2000x128xf32, #tpu.memory_space<vmem>>, %arg3: memref<2000x16xf32, #tpu.memory_space<vmem>>, %arg4: memref<1x128xf32, #tpu.memory_space<vmem>>, %arg5: memref<128x128xf32, #tpu.memory_space<vmem>>, %arg6: memref<2000x128xf32, #tpu.memory_space<vmem>>) attributes {dimension_semantics = [#tpu.dimension_semantics<arbitrary>], iteration_bounds = array<i64: 5>, scalar_prefetch = 0 : i64, scratch_operands = 0 : i64, tpu.core_type = #tpu.core_type<tc>, window_params = [{transform_indices = @transform_0, window_bounds = array<i64: 2, 2000, 128>}, {transform_indices = @transform_1, window_bounds = array<i64: 2000, 128>}, {transform_indices = @transform_2, window_bounds = array<i64: 2000, 16>}, {pipeline_mode = #tpu.pipeline_mode<synchronous>, transform_indices = @transform_3, window_bounds = array<i64: 1, 128>}, {pipeline_mode = #tpu.pipeline_mode<synchronous>, transform_indices = @transform_4, window_bounds = array<i64: 128, 128>}, {transform_indices = @transform_5, window_bounds = array<i64: 2000, 128>}]} {
    %get3A = arith.constant 0 : index
    %get3A_0 = arith.constant 0 : index
    %get3A_1 = vector.load %arg3[%get3A, %get3A_0] : memref<2000x16xf32, #tpu.memory_space<vmem>>, vector<2000x16xf32>
    %slice3A = vector.extract_strided_slice %get3A_1 {offsets = [0, 0], sizes = [2000, 1], strides = [1, 1]} : vector<2000x16xf32> to vector<2000x1xf32>
    %get3A_2 = arith.constant 0 : index
    %get3A_3 = arith.constant 0 : index
    %get3A_4 = arith.constant 0 : index
    %get3A_5 = vector.load %arg1[%get3A_2, %get3A_3, %get3A_4] : memref<2x2000x128xf32, #tpu.memory_space<vmem>>, vector<1x2000x128xf32>
    %get3A_6 = vector.shape_cast %get3A_5 : vector<1x2000x128xf32> to vector<2000x128xf32>
    %get3A_7 = arith.constant 1 : index
    %get3A_8 = arith.constant 0 : index
    %get3A_9 = arith.constant 0 : index
    %get3A_10 = vector.load %arg1[%get3A_7, %get3A_8, %get3A_9] : memref<2x2000x128xf32, #tpu.memory_space<vmem>>, vector<1x2000x128xf32>
    %get3A_11 = vector.shape_cast %get3A_10 : vector<1x2000x128xf32> to vector<2000x128xf32>
    %add3A = arith.addf %get3A_6, %get3A_11 : vector<2000x128xf32>
    %get3A_12 = arith.constant 0 : index
    %get3A_13 = arith.constant 0 : index
    %get3A_14 = vector.load %arg2[%get3A_12, %get3A_13] : memref<2000x128xf32, #tpu.memory_space<vmem>>, vector<2000x128xf32>
    %add3A_15 = arith.addf %add3A, %get3A_14 : vector<2000x128xf32>
    %mul3A = vector.broadcast %slice3A : vector<2000x1xf32> to vector<2000x128xf32>
    %mul3A_16 = arith.mulf %mul3A, %add3A_15 : vector<2000x128xf32>
    %get3A_17 = arith.constant 0 : index
    %get3A_18 = arith.constant 0 : index
    %get3A_19 = vector.load %arg4[%get3A_17, %get3A_18] : memref<1x128xf32, #tpu.memory_space<vmem>>, vector<1x128xf32>
    %add3A_20 = vector.broadcast %get3A_19 : vector<1x128xf32> to vector<2000x128xf32>
    %add3A_21 = arith.addf %mul3A_16, %add3A_20 : vector<2000x128xf32>
    %gt3A = arith.constant 0.000000e+00 : f32
    %gt3A_22 = vector.broadcast %gt3A : f32 to vector<2000x128xf32>
    %gt3A_23 = arith.cmpf ogt, %add3A_21, %gt3A_22 : vector<2000x128xf32>
    %exp3A = math.exp %add3A_21 : vector<2000x128xf32>
    %sub3A = arith.constant 1.000000e+00 : f32
    %sub3A_24 = vector.broadcast %sub3A : f32 to vector<2000x128xf32>
    %sub3A_25 = arith.subf %exp3A, %sub3A_24 : vector<2000x128xf32>
    %mul3A_26 = arith.constant 1.67326319 : f32
    %mul3A_27 = vector.broadcast %mul3A_26 : f32 to vector<2000x128xf32>
    %mul3A_28 = arith.mulf %mul3A_27, %sub3A_25 : vector<2000x128xf32>
    %select_n3A = arith.select %gt3A_23, %add3A_21, %mul3A_28 : vector<2000x128xi1>, vector<2000x128xf32>
    %mul3A_29 = arith.constant 1.05070102 : f32
    %mul3A_30 = vector.broadcast %mul3A_29 : f32 to vector<2000x128xf32>
    %mul3A_31 = arith.mulf %mul3A_30, %select_n3A : vector<2000x128xf32>
    %mul3A_32 = vector.broadcast %slice3A : vector<2000x1xf32> to vector<2000x128xf32>
    %mul3A_33 = arith.mulf %mul3A_31, %mul3A_32 : vector<2000x128xf32>
    %get3A_34 = arith.constant 0 : index
    %get3A_35 = arith.constant 0 : index
    %get3A_36 = vector.load %arg5[%get3A_34, %get3A_35] : memref<128x128xf32, #tpu.memory_space<vmem>>, vector<128x128xf32>
    %dot_general3A = arith.constant dense<0.000000e+00> : vector<2000x128xf32>
    %dot_general3A_37 = tpu.matmul %mul3A_33, %get3A_36, %dot_general3A {dimension_numbers = #tpu.dot_dimension_numbers<[1], [0], [0], [1], [0, 0, 1, 1], [], []>, transpose_lhs_hint = false} : vector<2000x128xf32>, vector<128x128xf32>, vector<2000x128xf32> -> vector<2000x128xf32>
    %swap3A = arith.constant 0 : index
    %swap3A_38 = arith.constant 0 : index
    %swap3A_39 = vector.load %arg6[%swap3A, %swap3A_38] : memref<2000x128xf32, #tpu.memory_space<vmem>>, vector<2000x128xf32>
    tpu.vector_store %arg6[%swap3A, %swap3A_38], %dot_general3A_37 {strides = array<i32>} : memref<2000x128xf32, #tpu.memory_space<vmem>>, vector<2000x128xf32>,
    return
  }
  func.func @transform_0(%arg0: i32) -> (i32, i32, i32) {
    %c0_i32 = arith.constant 0 : i32
    %c0_i32_0 = arith.constant 0 : i32
    %c0_i32_1 = arith.constant 0 : i32
    return %c0_i32, %arg0, %c0_i32_0 : i32, i32, i32
  }
  func.func @transform_1(%arg0: i32) -> (i32, i32) {
    %c0_i32 = arith.constant 0 : i32
    %c0_i32_0 = arith.constant 0 : i32
    return %arg0, %c0_i32 : i32, i32
  }
  func.func @transform_2(%arg0: i32) -> (i32, i32) {
    %c0_i32 = arith.constant 0 : i32
    %c0_i32_0 = arith.constant 0 : i32
    return %arg0, %c0_i32 : i32, i32
  }
  func.func @transform_3(%arg0: i32) -> (i32, i32) {
    %c0_i32 = arith.constant 0 : i32
    %c0_i32_0 = arith.constant 0 : i32
    %c0_i32_1 = arith.constant 0 : i32
    return %c0_i32, %c0_i32_0 : i32, i32
  }
  func.func @transform_4(%arg0: i32) -> (i32, i32) {
    %c0_i32 = arith.constant 0 : i32
    %c0_i32_0 = arith.constant 0 : i32
    %c0_i32_1 = arith.constant 0 : i32
    return %c0_i32, %c0_i32_0 : i32, i32
  }
  func.func @transform_5(%arg0: i32) -> (i32, i32) {
    %c0_i32 = arith.constant 0 : i32
    %c0_i32_0 = arith.constant 0 : i32
    return %arg0, %c0_i32 : i32, i32
  }
}

module attributes {stable_mosaic.version = 14 : i64} {
  func.func @_layer_body(%arg0: i32, %arg1: memref<2x2000x128xf32, #tpu.memory_space<vmem>>, %arg2: memref<2000x128xf32, #tpu.memory_space<vmem>>, %arg3: memref<2000x16xf32, #tpu.memory_space<vmem>>, %arg4: memref<1x128xf32, #tpu.memory_space<vmem>>, %arg5: memref<128x16xf32, #tpu.memory_space<vmem>>, %arg6: memref<2000x16xf32, #tpu.memory_space<vmem>>) attributes {dimension_semantics = [#tpu.dimension_semantics<arbitrary>], iteration_bounds = array<i64: 5>, scalar_prefetch = 0 : i64, scratch_operands = 0 : i64, tpu.core_type = #tpu.core_type<tc>, window_params = [{transform_indices = @transform_0, window_bounds = array<i64: 2, 2000, 128>}, {transform_indices = @transform_1, window_bounds = array<i64: 2000, 128>}, {transform_indices = @transform_2, window_bounds = array<i64: 2000, 16>}, {pipeline_mode = #tpu.pipeline_mode<synchronous>, transform_indices = @transform_3, window_bounds = array<i64: 1, 128>}, {pipeline_mode = #tpu.pipeline_mode<synchronous>, transform_indices = @transform_4, window_bounds = array<i64: 128, 16>}, {transform_indices = @transform_5, window_bounds = array<i64: 2000, 16>}]} {
    %get3A = arith.constant 0 : index
    %get3A_0 = arith.constant 0 : index
    %get3A_1 = vector.load %arg3[%get3A, %get3A_0] : memref<2000x16xf32, #tpu.memory_space<vmem>>, vector<2000x16xf32>
    %slice3A = vector.extract_strided_slice %get3A_1 {offsets = [0, 0], sizes = [2000, 1], strides = [1, 1]} : vector<2000x16xf32> to vector<2000x1xf32>
    %get3A_2 = arith.constant 0 : index
    %get3A_3 = arith.constant 0 : index
    %get3A_4 = arith.constant 0 : index
    %get3A_5 = vector.load %arg1[%get3A_2, %get3A_3, %get3A_4] : memref<2x2000x128xf32, #tpu.memory_space<vmem>>, vector<1x2000x128xf32>
    %get3A_6 = vector.shape_cast %get3A_5 : vector<1x2000x128xf32> to vector<2000x128xf32>
    %get3A_7 = arith.constant 1 : index
    %get3A_8 = arith.constant 0 : index
    %get3A_9 = arith.constant 0 : index
    %get3A_10 = vector.load %arg1[%get3A_7, %get3A_8, %get3A_9] : memref<2x2000x128xf32, #tpu.memory_space<vmem>>, vector<1x2000x128xf32>
    %get3A_11 = vector.shape_cast %get3A_10 : vector<1x2000x128xf32> to vector<2000x128xf32>
    %add3A = arith.addf %get3A_6, %get3A_11 : vector<2000x128xf32>
    %get3A_12 = arith.constant 0 : index
    %get3A_13 = arith.constant 0 : index
    %get3A_14 = vector.load %arg2[%get3A_12, %get3A_13] : memref<2000x128xf32, #tpu.memory_space<vmem>>, vector<2000x128xf32>
    %add3A_15 = arith.addf %add3A, %get3A_14 : vector<2000x128xf32>
    %mul3A = vector.broadcast %slice3A : vector<2000x1xf32> to vector<2000x128xf32>
    %mul3A_16 = arith.mulf %mul3A, %add3A_15 : vector<2000x128xf32>
    %get3A_17 = arith.constant 0 : index
    %get3A_18 = arith.constant 0 : index
    %get3A_19 = vector.load %arg4[%get3A_17, %get3A_18] : memref<1x128xf32, #tpu.memory_space<vmem>>, vector<1x128xf32>
    %add3A_20 = vector.broadcast %get3A_19 : vector<1x128xf32> to vector<2000x128xf32>
    %add3A_21 = arith.addf %mul3A_16, %add3A_20 : vector<2000x128xf32>
    %gt3A = arith.constant 0.000000e+00 : f32
    %gt3A_22 = vector.broadcast %gt3A : f32 to vector<2000x128xf32>
    %gt3A_23 = arith.cmpf ogt, %add3A_21, %gt3A_22 : vector<2000x128xf32>
    %exp3A = math.exp %add3A_21 : vector<2000x128xf32>
    %sub3A = arith.constant 1.000000e+00 : f32
    %sub3A_24 = vector.broadcast %sub3A : f32 to vector<2000x128xf32>
    %sub3A_25 = arith.subf %exp3A, %sub3A_24 : vector<2000x128xf32>
    %mul3A_26 = arith.constant 1.67326319 : f32
    %mul3A_27 = vector.broadcast %mul3A_26 : f32 to vector<2000x128xf32>
    %mul3A_28 = arith.mulf %mul3A_27, %sub3A_25 : vector<2000x128xf32>
    %select_n3A = arith.select %gt3A_23, %add3A_21, %mul3A_28 : vector<2000x128xi1>, vector<2000x128xf32>
    %mul3A_29 = arith.constant 1.05070102 : f32
    %mul3A_30 = vector.broadcast %mul3A_29 : f32 to vector<2000x128xf32>
    %mul3A_31 = arith.mulf %mul3A_30, %select_n3A : vector<2000x128xf32>
    %mul3A_32 = vector.broadcast %slice3A : vector<2000x1xf32> to vector<2000x128xf32>
    %mul3A_33 = arith.mulf %mul3A_31, %mul3A_32 : vector<2000x128xf32>
    %get3A_34 = arith.constant 0 : index
    %get3A_35 = arith.constant 0 : index
    %get3A_36 = vector.load %arg5[%get3A_34, %get3A_35] : memref<128x16xf32, #tpu.memory_space<vmem>>, vector<128x16xf32>
    %dot_general3A = arith.constant dense<0.000000e+00> : vector<2000x16xf32>
    %dot_general3A_37 = tpu.matmul %mul3A_33, %get3A_36, %dot_general3A {dimension_numbers = #tpu.dot_dimension_numbers<[1], [0], [0], [1], [0, 0, 1, 1], [], []>, transpose_lhs_hint = false} : vector<2000x128xf32>, vector<128x16xf32>, vector<2000x16xf32> -> vector<2000x16xf32>
    %swap3A = arith.constant 0 : index
    %swap3A_38 = arith.constant 0 : index
    %swap3A_39 = vector.load %arg6[%swap3A, %swap3A_38] : memref<2000x16xf32, #tpu.memory_space<vmem>>, vector<2000x16xf32>
    tpu.vector_store %arg6[%swap3A, %swap3A_38], %dot_general3A_37 {strides = array<i32>} : memref<2000x16xf32, #tpu.memory_space<vmem>>, vector<2000x16xf32>,
    return
  }
  func.func @transform_0(%arg0: i32) -> (i32, i32, i32) {
    %c0_i32 = arith.constant 0 : i32
    %c0_i32_0 = arith.constant 0 : i32
    %c0_i32_1 = arith.constant 0 : i32
    return %c0_i32, %arg0, %c0_i32_0 : i32, i32, i32
  }
  func.func @transform_1(%arg0: i32) -> (i32, i32) {
    %c0_i32 = arith.constant 0 : i32
    %c0_i32_0 = arith.constant 0 : i32
    return %arg0, %c0_i32 : i32, i32
  }
  func.func @transform_2(%arg0: i32) -> (i32, i32) {
    %c0_i32 = arith.constant 0 : i32
    %c0_i32_0 = arith.constant 0 : i32
    return %arg0, %c0_i32 : i32, i32
  }
  func.func @transform_3(%arg0: i32) -> (i32, i32) {
    %c0_i32 = arith.constant 0 : i32
    %c0_i32_0 = arith.constant 0 : i32
    %c0_i32_1 = arith.constant 0 : i32
    return %c0_i32, %c0_i32_0 : i32, i32
  }
  func.func @transform_4(%arg0: i32) -> (i32, i32) {
    %c0_i32 = arith.constant 0 : i32
    %c0_i32_0 = arith.constant 0 : i32
    %c0_i32_1 = arith.constant 0 : i32
    return %c0_i32, %c0_i32_0 : i32, i32
  }
  func.func @transform_5(%arg0: i32) -> (i32, i32) {
    %c0_i32 = arith.constant 0 : i32
    %c0_i32_0 = arith.constant 0 : i32
    return %arg0, %c0_i32 : i32, i32
  }
}

module attributes {stable_mosaic.version = 14 : i64} {
  func.func @_final_body(%arg0: i32, %arg1: memref<2x2000x16xf32, #tpu.memory_space<vmem>>, %arg2: memref<2000x16xf32, #tpu.memory_space<vmem>>, %arg3: memref<2000x16xf32, #tpu.memory_space<vmem>>, %arg4: memref<1x16xf32, #tpu.memory_space<vmem>>, %arg5: memref<2000x12xf32, #tpu.memory_space<vmem>>) attributes {dimension_semantics = [#tpu.dimension_semantics<arbitrary>], iteration_bounds = array<i64: 5>, scalar_prefetch = 0 : i64, scratch_operands = 0 : i64, tpu.core_type = #tpu.core_type<tc>, window_params = [{transform_indices = @transform_0, window_bounds = array<i64: 2, 2000, 16>}, {transform_indices = @transform_1, window_bounds = array<i64: 2000, 16>}, {transform_indices = @transform_2, window_bounds = array<i64: 2000, 16>}, {pipeline_mode = #tpu.pipeline_mode<synchronous>, transform_indices = @transform_3, window_bounds = array<i64: 1, 16>}, {transform_indices = @transform_4, window_bounds = array<i64: 2000, 12>}]} {
    %get3A = arith.constant 0 : index
    %get3A_0 = arith.constant 0 : index
    %get3A_1 = vector.load %arg3[%get3A, %get3A_0] : memref<2000x16xf32, #tpu.memory_space<vmem>>, vector<2000x16xf32>
    %slice3A = vector.extract_strided_slice %get3A_1 {offsets = [0, 0], sizes = [2000, 1], strides = [1, 1]} : vector<2000x16xf32> to vector<2000x1xf32>
    %get3A_2 = arith.constant 0 : index
    %get3A_3 = arith.constant 0 : index
    %get3A_4 = arith.constant 0 : index
    %get3A_5 = vector.load %arg1[%get3A_2, %get3A_3, %get3A_4] : memref<2x2000x16xf32, #tpu.memory_space<vmem>>, vector<1x2000x16xf32>
    %get3A_6 = vector.shape_cast %get3A_5 : vector<1x2000x16xf32> to vector<2000x16xf32>
    %get3A_7 = arith.constant 1 : index
    %get3A_8 = arith.constant 0 : index
    %get3A_9 = arith.constant 0 : index
    %get3A_10 = vector.load %arg1[%get3A_7, %get3A_8, %get3A_9] : memref<2x2000x16xf32, #tpu.memory_space<vmem>>, vector<1x2000x16xf32>
    %get3A_11 = vector.shape_cast %get3A_10 : vector<1x2000x16xf32> to vector<2000x16xf32>
    %add3A = arith.addf %get3A_6, %get3A_11 : vector<2000x16xf32>
    %get3A_12 = arith.constant 0 : index
    %get3A_13 = arith.constant 0 : index
    %get3A_14 = vector.load %arg2[%get3A_12, %get3A_13] : memref<2000x16xf32, #tpu.memory_space<vmem>>, vector<2000x16xf32>
    %add3A_15 = arith.addf %add3A, %get3A_14 : vector<2000x16xf32>
    %mul3A = vector.broadcast %slice3A : vector<2000x1xf32> to vector<2000x16xf32>
    %mul3A_16 = arith.mulf %mul3A, %add3A_15 : vector<2000x16xf32>
    %get3A_17 = arith.constant 0 : index
    %get3A_18 = arith.constant 0 : index
    %get3A_19 = vector.load %arg4[%get3A_17, %get3A_18] : memref<1x16xf32, #tpu.memory_space<vmem>>, vector<1x16xf32>
    %add3A_20 = vector.broadcast %get3A_19 : vector<1x16xf32> to vector<2000x16xf32>
    %add3A_21 = arith.addf %mul3A_16, %add3A_20 : vector<2000x16xf32>
    %iota3A = tpu.iota {dimensions = array<i32: 1>} : vector<2000x16xi32>
    %lt3A = arith.constant 12 : i32
    %lt3A_22 = vector.broadcast %lt3A : i32 to vector<2000x16xi32>
    %lt3A_23 = arith.cmpi slt, %iota3A, %lt3A_22 : vector<2000x16xi32>
    %jit3A = arith.constant -1.000000e+30 : f32
    %broadcast_in_dim3A = vector.broadcast %jit3A : f32 to vector<2000x16xf32>
    %select_n3A = arith.select %lt3A_23, %add3A_21, %broadcast_in_dim3A : vector<2000x16xi1>, vector<2000x16xf32>
    %reduce_max3A = arith.constant dense<0xFF800000> : vector<2000xf32>
    %reduce_max3A_24 = vector.multi_reduction <maximumf>, %select_n3A, %reduce_max3A [1] : vector<2000x16xf32> to vector<2000xf32>
    %broadcast_in_dim3A_25 = vector.shape_cast %reduce_max3A_24 : vector<2000xf32> to vector<2000x1xf32>
    %sub3A = vector.broadcast %broadcast_in_dim3A_25 : vector<2000x1xf32> to vector<2000x16xf32>
    %sub3A_26 = arith.subf %select_n3A, %sub3A : vector<2000x16xf32>
    %exp3A = math.exp %sub3A_26 : vector<2000x16xf32>
    %reduce_sum3A = arith.constant dense<0.000000e+00> : vector<2000xf32>
    %reduce_sum3A_27 = vector.multi_reduction <add>, %exp3A, %reduce_sum3A [1] : vector<2000x16xf32> to vector<2000xf32>
    %broadcast_in_dim3A_28 = vector.shape_cast %reduce_sum3A_27 : vector<2000xf32> to vector<2000x1xf32>
    %log3A = math.log %broadcast_in_dim3A_28 : vector<2000x1xf32>
    %add3A_29 = arith.addf %log3A, %broadcast_in_dim3A_25 : vector<2000x1xf32>
    %sub3A_30 = vector.broadcast %add3A_29 : vector<2000x1xf32> to vector<2000x16xf32>
    %sub3A_31 = arith.subf %add3A_21, %sub3A_30 : vector<2000x16xf32>
    %slice3A_32 = vector.extract_strided_slice %sub3A_31 {offsets = [0, 0], sizes = [2000, 12], strides = [1, 1]} : vector<2000x16xf32> to vector<2000x12xf32>
    %swap3A = arith.constant 0 : index
    %swap3A_33 = arith.constant 0 : index
    %swap3A_34 = vector.load %arg5[%swap3A, %swap3A_33] : memref<2000x12xf32, #tpu.memory_space<vmem>>, vector<2000x12xf32>
    tpu.vector_store %arg5[%swap3A, %swap3A_33], %slice3A_32 {strides = array<i32>} : memref<2000x12xf32, #tpu.memory_space<vmem>>, vector<2000x12xf32>,
    return
  }
  func.func @transform_0(%arg0: i32) -> (i32, i32, i32) {
    %c0_i32 = arith.constant 0 : i32
    %c0_i32_0 = arith.constant 0 : i32
    %c0_i32_1 = arith.constant 0 : i32
    return %c0_i32, %arg0, %c0_i32_0 : i32, i32, i32
  }
  func.func @transform_1(%arg0: i32) -> (i32, i32) {
    %c0_i32 = arith.constant 0 : i32
    %c0_i32_0 = arith.constant 0 : i32
    return %arg0, %c0_i32 : i32, i32
  }
  func.func @transform_2(%arg0: i32) -> (i32, i32) {
    %c0_i32 = arith.constant 0 : i32
    %c0_i32_0 = arith.constant 0 : i32
    return %arg0, %c0_i32 : i32, i32
  }
  func.func @transform_3(%arg0: i32) -> (i32, i32) {
    %c0_i32 = arith.constant 0 : i32
    %c0_i32_0 = arith.constant 0 : i32
    %c0_i32_1 = arith.constant 0 : i32
    return %c0_i32, %c0_i32_0 : i32, i32
  }
  func.func @transform_4(%arg0: i32) -> (i32, i32) {
    %c0_i32 = arith.constant 0 : i32
    %c0_i32_0 = arith.constant 0 : i32
    return %arg0, %c0_i32 : i32, i32
  }
}

</mosaic_0001>

<sc_bundles>
// kernel: kernel.11.cloned.1.call-start
scs
__scs_entry_jumppad:
0x0: {  	(pc) =	sbr.rel $0x88, $3  }
0x1: {  	(tag) =	ssettag $0x0;
	lr =	simm.s32 $0x1  }
0x2: {  	[smem:$0x3F99] =	sst lr;
	_ =	strace $0xD0000000  }
0x3: {  	_ = 	snop  }
0x4: {  	_ = 	snop  }
0x5: {  	_ = 	snop  }
0x6: {  	_ = 	snop  }
0x7: {  	_ = 	snop  }
__scs_overlays_trampoline_lowered:
0x8: {  	[smem:$0x3FA8] =	sst s0  }
0x9: {  	[smem:$0x3FA9] =	sst s1  }
0xa: {  	[smem:$0x3FAA] =	sst s2  }
0xb: {  	[smem:$0x3FAB] =	sst s3  }
0xc: {  	[smem:$0x3FAC] =	sst s4  }
0xd: {  	[smem:$0x3FAD] =	sst s5  }
0xe: {  	[smem:$0x3FAE] =	sst s6  }
0xf: {  	[smem:$0x3FAF] =	sst s7  }
0x10: {  	[smem:$0x3FB0] =	sst s8  }
0x11: {  	[smem:$0x3FB1] =	sst s9;
	s0 =	simm.s32 @!p0 $0x0  }
0x12: {  	s1 =	sld [smem:$0x3F97];
	s0 =	simm.s32 @p0 $0x1  }
0x13: {  	[smem:$0x3FB2] =	sst s0;
	s0 =	simm.s32 @!p1 $0x0  }
0x14: {  	s2 =	sld [smem:$0x3F96];
	s0 =	simm.s32 @p1 $0x1  }
0x15: {  	[smem:$0x3FB3] =	sst s0;
	s0 =	simm.s32 @!p2 $0x0  }
0x16: {  	s3 =	sld [smem:$0x3FDB];
	s0 =	simm.s32 @p2 $0x1  }
0x17: {  	s4 =	simm.s32 $0x1BF5;
	[smem:$0x3FB5] =	sst s0  }
0x18: {  	s0 =	sld [smem:$0x3F98];
	_ =	swait.ge [sflag:s4], $0x0  }
0x19: {  	s7 =	sld [smem:$0x3F99]  }
0x1a: {  	s8 =	sadd.s32 $0xFFFFE003, lr  }
0x1b: {  	s9 =	sadd.s32 $0xFFFFFEF7, lr;
	s5 =	simm.s32 $0xFFFFFFFF;
	p2 =	slt.u32 s8, $0xFFFFF086  }
0x1c: {  	p1 =	slt.u32 s9, $0xF7A;
	s5 =	simm.s32 @!p2 $0x0  }
0x1d: {  	s5 =	simm.s32 @p1 $0x1;
	p0 =	seq.s32 s7, s2  }
0x1e: {  	s7 =	smul.u32 @!p0 $0xF7A, s2;
	p2 =	seq.s32 @!p0 s5, $0x0  }
0x1f: {  	s9 =	smul.u32 $0xF7A, s1;
	s8 =	simm.s32 @!p0 $0x1BF5;
	p2 =	por !p2, p0  }
0x20: {  	[sflag:s8] =	ssyncset.s32 @!p0 $0xFFFFF086;
	s6 =	sadd.s32 @!p0 s3, s7;
	s7 =	simm.s32 @!p0 $0x108  }
0x21: {  	s3 =	sadd.s32 s3, s9;
	s6 =	sadd.s32 @!p0 $0x88, s6;
	s7 =	simm.s32 @p2 $0x1082  }
0x22: {  	[simem:s7], [sflag:s8] =	dma.local @!p0 [hbm:s6], $0xF7A  }
0x23: {  	s9 =	sor.u32 $0xD0000000, s2;
	s6 =	simm.s32 $0x108;
	_ =	swait.ge @!p0 [sflag:s8], $0x0  }
0x24: {  	s3 =	sadd.s32 $0x88, s3;
	s6 =	simm.s32 @!p1 $0x1082;
	[sflag:s4] =	ssyncset.s32 $0xFFFFF086  }
0x25: {  	[simem:s6], [sflag:s4] =	dma.local [hbm:s3], $0xF7A  }
0x26: {  	[smem:$0x3F99] =	sst s1;
	(tag) =	ssettag s2;
	_ =	strace s9  }
0x27: {  	s1 =	sld [smem:$0x3FA9]  }
0x28: {  	s2 =	sld [smem:$0x3FAA]  }
0x29: {  	s4 =	sld [smem:$0x3FAC]  }
0x2a: {  	p0 =	seq.s32 s5, $0x0;
	s5 =	sld [smem:$0x3FAD]  }
0x2b: {  	s6 =	sld [smem:$0x3FAE]  }
0x2c: {  	s7 =	sld [smem:$0x3FAF]  }
0x2d: {  	s3 =	simm.s32 $0x108;
	s8 =	sld [smem:$0x3FB0]  }
0x2e: {  	s3 =	simm.s32 @!p0 $0x1082;
	s9 =	sld [smem:$0x3FB1]  }
0x2f: {  	lr =	sadd.s32 s0, s3;
	s0 =	sld [smem:$0x3FA8]  }
0x30: {  	s3 =	sld [smem:$0x3FAB]  }
0x31: {  	[smem:$0x3FB4] =	sst s10  }
0x32: {  	s10 =	sld [smem:$0x3FB2];
	_ =	sdelay $0x3  }
0x33: {  	p0 =	seq.s32 s10, $0x1;
	s10 =	sld [smem:$0x3FB4];
	_ =	sdelay $0x3  }
0x34: {  	[smem:$0x3FB4] =	sst s10  }
0x35: {  	s10 =	sld [smem:$0x3FB3];
	_ =	sdelay $0x3  }
0x36: {  	p1 =	seq.s32 s10, $0x1;
	s10 =	sld [smem:$0x3FB4];
	_ =	sdelay $0x3  }
0x37: {  	[smem:$0x3FB4] =	sst s10  }
0x38: {  	s10 =	sld [smem:$0x3FB5]  }
0x39: {  	_ = 	snop;
	(pc) =	sbr.ind lr, $3  }
0x3a: {  	_ = 	snop  }
0x3b: {  	_ = 	snop  }
0x3c: {  	p2 =	seq.s32 s10, $0x1;
	s10 =	sld [smem:$0x3FB4]  }
0x3d: {  	_ =	shalt  }
0x3e: {  	_ =	shalt  }
0x3f: {  	_ =	shalt  }
0x40: {  	_ =	shalt  }
0x41: {  	_ =	shalt  }
0x42: {  	_ =	shalt  }
0x43: {  	_ =	shalt  }
0x44: {  	_ =	shalt  }
0x45: {  	_ =	shalt  }
0x46: {  	_ =	shalt  }
0x47: {  	_ =	shalt  }
0x48: {  	_ =	shalt  }
0x49: {  	_ =	shalt  }
0x4a: {  	_ =	shalt  }
0x4b: {  	_ =	shalt  }
0x4c: {  	_ =	shalt  }
0x4d: {  	_ =	shalt  }
0x4e: {  	_ =	shalt  }
0x4f: {  	_ =	shalt  }
0x50: {  	_ =	shalt  }
0x51: {  	_ =	shalt  }
0x52: {  	_ =	shalt  }
0x53: {  	_ =	shalt  }
0x54: {  	_ =	shalt  }
0x55: {  	_ =	shalt  }
0x56: {  	_ =	shalt  }
0x57: {  	_ =	shalt  }
0x58: {  	_ =	shalt  }
0x59: {  	_ =	shalt  }
0x5a: {  	_ =	shalt  }
0x5b: {  	_ =	shalt  }
0x5c: {  	_ =	shalt  }
0x5d: {  	_ =	shalt  }
0x5e: {  	_ =	shalt  }
0x5f: {  	_ =	shalt  }
0x60: {  	_ =	shalt  }
0x61: {  	_ =	shalt  }
0x62: {  	_ =	shalt  }
0x63: {  	_ =	shalt  }
0x64: {  	_ =	shalt  }
0x65: {  	_ =	shalt  }
0x66: {  	_ =	shalt  }
0x67: {  	_ =	shalt  }
0x68: {  	_ =	shalt  }
0x69: {  	_ =	shalt  }
0x6a: {  	_ =	shalt  }
0x6b: {  	_ =	shalt  }
0x6c: {  	_ =	shalt  }
0x6d: {  	_ =	shalt  }
0x6e: {  	_ =	shalt  }
0x6f: {  	_ =	shalt  }
0x70: {  	_ =	shalt  }
0x71: {  	_ =	shalt  }
0x72: {  	_ =	shalt  }
0x73: {  	_ =	shalt  }
0x74: {  	_ =	shalt  }
0x75: {  	_ =	shalt  }
0x76: {  	_ =	shalt  }
0x77: {  	_ =	shalt  }
0x78: {  	_ =	shalt  }
0x79: {  	_ =	shalt  }
0x7a: {  	_ =	shalt  }
0x7b: {  	_ =	shalt  }
0x7c: {  	_ =	shalt  }
0x7d: {  	_ =	shalt  }
0x7e: {  	_ =	shalt  }
0x7f: {  	_ =	shalt  }
0x80: {  	_ =	shalt  }
0x81: {  	_ =	shalt  }
0x82: {  	_ =	shalt  }
0x83: {  	_ =	shalt  }
0x84: {  	_ =	shalt  }
0x85: {  	_ =	shalt  }
0x86: {  	_ =	shalt  }
0x87: {  	_ =	shalt  }
.Lfunc_end0:
.L_simem_size_0:
called_computation_lowered:
.L_overlay_start_0:
0x88: {  	s2 =	sld [smem:$0x3FD9]  }
0x89: {  	s3 =	sld [smem:$0x3FFE];
	_ =	sdelay $0x1  }
0x8a: {  	s1 =	srdreg.scid  }
0x8b: {  	s0 =	sand.u32 $0x1, s1  }
0x8c: {  	s16 =	sshll.u32 s0, $0xA;
	s2 =	sadd.s32 s3, s2  }
0x8d: {  	s2 =	sadd.s32 s2, s16  }
0x8e: {  	[smem:$0x3FC0] =	sst s2  }
0x8f: {  	_ = 	snop  }
0x90: {  	(tm) =	ssettm $0x1  }
0x91: {  	s17 =	sld [smem:$0x3FFB];
	_ =	sdelay $0x3  }
0x92: {  	_ =	strace s17  }
0x93: {  	s2 =	sld [smem:$0x3FFC];
	_ =	sdelay $0x3  }
0x94: {  	_ =	strace s2  }
0x95: {  	s2 =	sld [smem:$0x3FFD];
	_ =	sdelay $0x3  }
0x96: {  	_ =	strace s2  }
0x97: {  	_ =	strace $0x8FFFFFFF  }
0x98: {  	s18 =	sld [smem:$0x3FDB];
	_ =	sdelay $0x1  }
0x99: {  	s19 =	simm.s32 $_scs_section_size  }
0x9a: {  	s4 =	simm.s32 $_size__tile_overlayer_lowered;
	s5 =	simm.s32 $_tile_overlayer_lowered  }
0x9b: {  	s22 =	simm.s32 $0x1BFF;
	s21 =	sshll.u32 s5, $0x1;
	s2 =	sadd.s32 s19, s18  }
0x9c: {  	s6 =	simm.s32 $0x0;
	s20 =	sshll.u32 s4, $0x1;
	s4 =	sadd.s32 s21, s2  }
0x9d: {  	[timem:s6], [sflag:s22] =	dma.local [hbm:s4], s20  }
0x9e: {  	_ =	swait.ge [sflag:s22], s20  }
0x9f: {  	s3 =	ssub.s32 $0x0, s20;
	[sflag:s22] =	ssyncset.done $0x0  }
0xa0: {  	[sflag:s22] =	ssyncadd.s32 s3;
	_ =	sdelay $0x1  }
0xa1: {  	s23 =	simm.s32 $0x1B8B  }
0xa2: {  	_ =	swait.ge [sflag:s23], $0x1  }
0xa3: {  	[sflag:s23] =	ssyncset.done $0x0  }
0xa4: {  	s25 =	simm.s32 $0x1B8E;
	s24 =	sld [smem:$0x3FFE];
	[sflag:s23] =	ssyncadd.s32 $0xFFFFFFFF  }
0xa5: {  	s26 =	simm.s32 $execute0_lowered;
	[smem:$0x3FD2] =	sst s25  }
0xa6: {  	s4 =	sshll.u32 s26, $0x1;
	_ =	strace $0x80000046;
	[dreg:$0x1] =	wrdreg $0xFFFFFFFF  }
0xa7: {  	s28 =	simm.s32 $_size_execute0_lowered;
	s2 =	sadd.s32 s2, s4;
	[dreg:$0x0] =	wrdreg $0x0  }
0xa8: {  	s4 =	sshll.u32 s28, $0x1;
	[dreg:$0x2] =	wrdreg s2  }
0xa9: {  	[dreg:$0x3] =	wrdreg s4  }
0xaa: {  	[dreg:$0x4] =	wrdreg $0xC0  }
0xab: {  	_ =	task [dreg:s6], $0x5FFFF  }
0xac: {  	[dreg:$0x1] =	wrdreg $0xFFFFFFFF  }
0xad: {  	[dreg:$0x0] =	wrdreg $0x60  }
0xae: {  	[dreg:$0x2] =	wrdreg s24  }
0xaf: {  	[dreg:$0x3] =	wrdreg $0x1D000  }
0xb0: {  	[dreg:$0x4] =	wrdreg $0x9  }
0xb1: {  	_ =	task.clear_ibuf [dreg:s6], $0x5FFFF;
	_ =	strace $0x90000046  }
0xb2: {  	s29 =	simm.s32 $0x9;
	_ =	strace $0x80000048  }
0xb3: {  	_ =	swait.ge [sflag:s29], $0x1  }
0xb4: {  	[sflag:s29] =	ssyncadd.s32 $0xFFFFFFFF  }
0xb5: {  	_ =	strace $0x90000048  }
0xb6: {  	_ =	sfence  }
0xb7: {  	s30 =	sld [smem:$0x0];
	_ =	sdelay $0x2  }
0xb8: {  	s31 =	sshll.u32 s1, $0xD;
	s1 =	sshrl.u32 s1, $0x2  }
0xb9: {  	s3 =	sand.u32 $0x4000, s31;
	s1 =	sadd.s32 s1, s30  }
0xba: {  	s0 =	sor.u32 s3, s0;
	s1 =	sshll.u32 s1, $0x11  }
0xbb: {  	s0 =	sor.u32 s1, s0  }
0xbc: {  	s0 =	sadd.s32 $0x8F2B, s0  }
0xbd: {  	[sflag:s0] =	ssyncadd.remote.s32 $0x1  }
0xbe: {  	_ =	sfence.sel $0xFFFF  }
0xbf: {  	[dreg:$0x0] =	wrdreg $0xFFFFFFFF;
	(pc) =	sbr.abs _section_cstart, $3  }
0xc0: {  	[dreg:$0x1] =	wrdreg $0xFFFFFFFF  }
0xc1: {  	_ =	task.clear_ibuf [dreg:s6], $0x2FFFF;
	_ =	strace $0x9FFFFFFF  }
0xc2: {  	(tm) =	ssettm $0x7FFFFFFF  }
0xc3: {  	_ =	shalt  }
tec
execute0_lowered:
.L_overlay_start_1:
0x0: {  	(tag) =	ssettag $0x1  }
0x1: {  	s4 =	rddreg [dreg:$0x0];
	s1 =	srdreg.scid  }
0x2: {  	s0 =	stileid.u32;
	s2 =	rddreg [dreg:$0x1]  }
0x3: {  	s3 =	simm.s32 $0x0;
	s11 =	simm.s32 $0x100;
	s12 =	simm.s32 $0x180  }
0x4: {  	s13 =	simm.s32 $0x200;
	s14 =	simm.s32 $0x280;
	s15 =	simm.s32 $0x300  }
0x5: {  	s16 =	simm.s32 $0x380;
	s17 =	simm.s32 $0x1;
	s21 =	simm.s32 $0x0  }
0x6: {  	s5 =	sand.u32 $0x1, s1;
	s1 =	rddreg [dreg:$0x2];
	s8 =	smul.u32 $0xA000, s0  }
0x7: {  	s6 =	sshll.u32 s0, $0x1;
	[smem:$0x7FF] =	sst s3;
	s9 =	smul.u32 $0x2710, s0  }
0x8: {  	s31 =	sshll.u32 s0, $0x6;
	s6 =	sor.u32 s5, s6;
	s7 =	smul.u32 $0x4E20, s5  }
0x9: {  	_ =	strace $0x80000047;
	s5 =	ssub.s32 $0x2, s5;
	s6 =	smul.u32 $0x280, s6  }
0xa: {  	s29 =	sshrl.u32 s5, $0x1;
	s30 =	sshrl.u32 s8, $0x2;
	s19 =	sshrl.u32 s9, $0x3  }
0xb: {  	s20 =	sadd.s32 s9, s2;
	s8 =	simm.s32 $0x1C00;
	s9 =	simm.s32 $0x80  }
0xc: {  	s7 =	sadd.s32 s7, s4;
	s10 =	ssub.s32 s5, s29;
	s5 =	sadd.s32 s30, s2  }
0xd: {  	s20 =	sshrl.u32 s20, $0x3;
	s6 =	sadd.s32 s6, s4;
	s18 =	sadd.s32 $0xC200, s7  }
0xe: {  	s7 =	simm.s32 $0x2;
	s4 =	sadd.s32 $0x2200, s6;
	s6 =	smax.u32 s10, $0x1  }
0xf: {  	v0 =	vimm.f32 $1.000000000e+00;
	v1 =	vimm.f32 $0.0e+00;
	s10 =	simm.s32 $0x1400;
	s18 =	sadd.s32 s19, s18;
	s19 =	sor.u32 $0x1C02, s31  }
.LBB2_1:
0x10: {  	[tilespmem:s3], [sflag:$0x2] =	stream.linear.gather [hbm4b:s4+s3], $0x1400, $0x38;
	[tilespmem:$0x4500] =	vst v63  }
0x11: {  	_ =	swait.ge [sflag:s7], $0x1400  }
0x12: {  	[sflag:s7] =	ssyncset.done $0x0  }
0x13: {  	s22 =	simm.s32 $0x40;
	s23 =	simm.s32 $0x0;
	[sflag:s7] =	ssyncadd.s32 $0xFFFFEC00  }
.LBB2_2:
0x14: {  	p0 =	sne.s32 s22, $0x1FC0;
	[tilespmem:s23+$0x1400] =	vst v0;
	s23 =	smov.u32 s22;
	s22 =	sadd.s32 $0x40, s22  }
.Ltmp0:
0x15: {  	(pc) =	sbr.rel @p0 .LBB2_2-.Ltmp0, $2  }
0x16: {  	_ =	sdelay $0x2  }
0x17: {  	s23 =	sshra.s32 s23, $0x2  }
0x18: {  	[tilespmem:s23+$0x1400] =	vst v0  }
0x19: {  	[tilespmem:$0x1C00] =	vst v1  }
0x1a: {  	[tilespmem:$0x1C10] =	vst v1  }
0x1b: {  	[tilespmem:$0x1C20] =	vst v1  }
0x1c: {  	[tilespmem:$0x1C30] =	vst v1  }
0x1d: {  	[tilespmem:$0x1C40] =	vst v1  }
0x1e: {  	[tilespmem:$0x1C50] =	vst v1  }
0x1f: {  	[tilespmem:$0x1C60] =	vst v1  }
0x20: {  	[tilespmem:$0x1C70] =	vst v1  }
0x21: {  	[tilespmem:$0x1C80] =	vst v1  }
0x22: {  	[tilespmem:$0x1C90] =	vst v1  }
0x23: {  	[tilespmem:$0x1CA0] =	vst v1  }
0x24: {  	[tilespmem:$0x1CB0] =	vst v1  }
0x25: {  	[tilespmem:$0x1CC0] =	vst v1  }
0x26: {  	[tilespmem:$0x1CD0] =	vst v1  }
0x27: {  	[tilespmem:$0x1CE0] =	vst v1  }
0x28: {  	s22 =	sadd.s32 $0x0, s5;
	[tilespmem:$0x1CF0] =	vst v1  }
0x29: {  	[spmem:s22] =	stream.linear.scatter [tilespmem:s8], [sflag:$0x2], $0x100, $0x38;
	[tilespmem:$0x4500] =	vst v63  }
0x2a: {  	s22 =	simm.s32 $0x400;
	_ =	swait.ge [sflag:s7], $0x100  }
.LBB2_4:
0x2b: {  	s23 =	sshra.s32 s22, $0x2;
	[sflag:s7] =	ssyncset.done $0x0;
	p0 =	sne.s32 s22, $0x9C00  }
.Ltmp1:
0x2c: {  	s23 =	sadd.s32 s23, s5;
	[sflag:s7] =	ssyncadd.s32 $0xFFFFFF00;
	(pc) =	sbr.rel @p0 .LBB2_4-.Ltmp1, $3  }
0x2d: {  	[spmem:s23] =	stream.linear.scatter [tilespmem:s8], [sflag:$0x2], $0x100, $0x38;
	[tilespmem:$0x4500] =	vst v63  }
0x2e: {  	s22 =	sadd.s32 $0x400, s22;
	_ =	sdelay $0x1  }
0x2f: {  	_ =	swait.ge [sflag:s7], $0x100  }
0x30: {  	[sflag:s7] =	ssyncset.done $0x0  }
0x31: {  	[sflag:s7] =	ssyncadd.s32 $0xFFFFFF00  }
0x32: {  	s22 =	simm.s32 $0x0;
	[bflag:$0x0] =	sbarrier.arrive $0xFFFF  }
0x33: {  	[spmem:s2] =	stream.indirect.scatter.add.f32 [tilespmem:s10], [sflag:$0x1], $0x10, s22, s9, $0xb8;
	[tilespmem:$0x4500] =	vst v63  }
0x34: {  	_ = 	snop  }
0x35: {  	[spmem:s2] =	stream.indirect.scatter.add.f32 [tilespmem:s10], [sflag:$0x1], $0x10, s9, s9, $0xb8;
	[tilespmem:$0x4500] =	vst v63  }
0x36: {  	_ = 	snop  }
0x37: {  	[spmem:s2] =	stream.indirect.scatter.add.f32 [tilespmem:s10], [sflag:$0x1], $0x10, s11, s9, $0xb8;
	[tilespmem:$0x4500] =	vst v63  }
0x38: {  	_ = 	snop  }
0x39: {  	[spmem:s2] =	stream.indirect.scatter.add.f32 [tilespmem:s10], [sflag:$0x1], $0x10, s12, s9, $0xb8;
	[tilespmem:$0x4500] =	vst v63  }
0x3a: {  	_ = 	snop  }
0x3b: {  	[spmem:s2] =	stream.indirect.scatter.add.f32 [tilespmem:s10], [sflag:$0x1], $0x10, s13, s9, $0xb8;
	[tilespmem:$0x4500] =	vst v63  }
0x3c: {  	_ = 	snop  }
0x3d: {  	[spmem:s2] =	stream.indirect.scatter.add.f32 [tilespmem:s10], [sflag:$0x1], $0x10, s14, s9, $0xb8;
	[tilespmem:$0x4500] =	vst v63  }
0x3e: {  	_ = 	snop  }
0x3f: {  	[spmem:s2] =	stream.indirect.scatter.add.f32 [tilespmem:s10], [sflag:$0x1], $0x10, s15, s9, $0xb8;
	[tilespmem:$0x4500] =	vst v63  }
0x40: {  	_ = 	snop  }
0x41: {  	[spmem:s2] =	stream.indirect.scatter.add.f32 [tilespmem:s10], [sflag:$0x1], $0x10, s16, s9, $0xb8;
	[tilespmem:$0x4500] =	vst v63  }
0x42: {  	s31 =	simm.s32 $0x400  }
0x43: {  	[spmem:s2] =	stream.indirect.scatter.add.f32 [tilespmem:s10], [sflag:$0x1], $0x10, s31, s9, $0xb8;
	[tilespmem:$0x4500] =	vst v63  }
0x44: {  	s22 =	simm.s32 $0x200;
	_ =	swait.ge [sflag:s17], $0x800  }
.LBB2_6:
0x45: {  	s23 =	sshra.s32 s22, $0x2;
	[sflag:s17] =	ssyncset.done $0x0;
	p0 =	sne.s32 s22, $0x3E00  }
.Ltmp2:
0x46: {  	s23 =	sadd.s32 $0x400, s23;
	[sflag:s17] =	ssyncadd.s32 $0xFFFFF800;
	(pc) =	sbr.rel @p0 .LBB2_6-.Ltmp2, $3  }
0x47: {  	[spmem:s2] =	stream.indirect.scatter.add.f32 [tilespmem:s10], [sflag:$0x1], $0x10, s23, s9, $0xb8;
	[tilespmem:$0x4500] =	vst v63  }
0x48: {  	s22 =	sadd.s32 $0x200, s22;
	_ =	sdelay $0x1  }
0x49: {  	_ =	swait.ge [sflag:s17], $0x800  }
0x4a: {  	[sflag:s17] =	ssyncset.done $0x0  }
0x4b: {  	[sflag:s17] =	ssyncadd.s32 $0xFFFFF800  }
0x4c: {  	_ =	swait.ge [sflag:s17], $0x800  }
0x4d: {  	[sflag:s17] =	ssyncset.done $0x0  }
0x4e: {  	[sflag:s17] =	ssyncadd.s32 $0xFFFFF800  }
0x4f: {  	_ =	swait.ge [sflag:s17], $0x800  }
0x50: {  	[sflag:s17] =	ssyncset.done $0x0  }
0x51: {  	[sflag:s17] =	ssyncadd.s32 $0xFFFFF800  }
0x52: {  	_ =	swait.ge [sflag:s17], $0x800  }
0x53: {  	[sflag:s17] =	ssyncset.done $0x0  }
0x54: {  	[sflag:s17] =	ssyncadd.s32 $0xFFFFF800  }
0x55: {  	_ =	swait.ge [sflag:s17], $0x800  }
0x56: {  	[sflag:s17] =	ssyncset.done $0x0  }
0x57: {  	[sflag:s17] =	ssyncadd.s32 $0xFFFFF800  }
0x58: {  	_ =	swait.ge [sflag:s17], $0x800  }
0x59: {  	[sflag:s17] =	ssyncset.done $0x0  }
0x5a: {  	[sflag:s17] =	ssyncadd.s32 $0xFFFFF800  }
0x5b: {  	_ =	swait.ge [sflag:s17], $0x800  }
0x5c: {  	[sflag:s17] =	ssyncset.done $0x0  }
0x5d: {  	[sflag:s17] =	ssyncadd.s32 $0xFFFFF800  }
0x5e: {  	_ =	swait.ge [sflag:s17], $0x800  }
0x5f: {  	[sflag:s17] =	ssyncset.done $0x0  }
0x60: {  	[sflag:s17] =	ssyncadd.s32 $0xFFFFF800  }
0x61: {  	_ =	swait.ge [sflag:s17], $0x800  }
0x62: {  	s21 =	sadd.s32 $0x1, s21;
	[sflag:s17] =	ssyncset.done $0x0  }
0x63: {  	p0 =	sne.s32 s21, s6;
	[sflag:s17] =	ssyncadd.s32 $0xFFFFF800  }
.Ltmp3:
0x64: {  	[bflag:$0x0] =	sbarrier.arrive $0xFFFF;
	(pc) =	sbr.rel @p0 .LBB2_1-.Ltmp3, $4  }
0x65: {  	[hbm:s18], [sflag:s19] =	dma.local [spmem:s20], $0x4E2  }
0x66: {  	_ =	swait.ge [sflag:s7], $0x4E2  }
0x67: {  	[sflag:s7] =	ssyncset.done $0x0  }
0x68: {  	[sflag:s7] =	ssyncadd.s32 $0xFFFFFB1E  }
0x69: {  	_ =	sfence.sel $0x180000  }
0x6a: {  	[bflag:$0x0] =	sbarrier.arrive $0xFFFF  }
0x6b: {  	p0 =	sne.s32 s0, $0x0;
	_ =	strace $0x90000047  }
0x6c: {  	s0 =	sadd.s32 @!p0 $0x100000, s1;
	[bflag:$0x2] =	sbarrier.arrive $0xFFFF  }
0x6d: {  	[sflag:s0] =	ssyncadd.tile.s32 @!p0 $0x1;
	_ =	shalt  }
.Lfunc_end2:
_tile_overlayer_lowered:
.L_overlay_start_2:
0x6e: {  	(tag) =	ssettag $0x2  }
0x6f: {  	s0 =	rddreg [dreg:$0x0];
	s2 =	stileid.u32  }
0x70: {  	s1 =	rddreg [dreg:$0x1];
	p0 =	sne.s32 s2, $0x0  }
0x71: {  	s3 =	rddreg [dreg:$0x2];
	[bflag:$0x3] =	sbarrier.arrive $0xFFFF;
	s2 =	simm.s32 @!p0 $0x1C02  }
0x72: {  	[timem:s3], [sflag:s2] =	dma.local @!p0 [hbm:s0], s1  }
0x73: {  	s0 =	simm.s32 @!p0 $0x2  }
0x74: {  	_ =	swait.ge @!p0 [sflag:s0], s1  }
0x75: {  	s1 =	ssub.s32 @!p0 $0x0, s1;
	[sflag:s0] =	ssyncset.done @!p0 $0x0  }
0x76: {  	[sflag:s0] =	ssyncadd.s32 @!p0 s1  }
0x77: {  	[bflag:$0x3] =	sbarrier.arrive $0xFFFF  }
0x78: {  	_ =	shalt  }

// kernel: kernel.14.cloned.1.call-start
scs
__scs_entry_jumppad:
0x0: {  	(pc) =	sbr.rel $0x88, $3  }
0x1: {  	(tag) =	ssettag $0x0;
	lr =	simm.s32 $0x1  }
0x2: {  	[smem:$0x3F99] =	sst lr;
	_ =	strace $0xD0000000  }
0x3: {  	_ = 	snop  }
0x4: {  	_ = 	snop  }
0x5: {  	_ = 	snop  }
0x6: {  	_ = 	snop  }
0x7: {  	_ = 	snop  }
__scs_overlays_trampoline_lowered:
0x8: {  	[smem:$0x3FA8] =	sst s0  }
0x9: {  	[smem:$0x3FA9] =	sst s1  }
0xa: {  	[smem:$0x3FAA] =	sst s2  }
0xb: {  	[smem:$0x3FAB] =	sst s3  }
0xc: {  	[smem:$0x3FAC] =	sst s4  }
0xd: {  	[smem:$0x3FAD] =	sst s5  }
0xe: {  	[smem:$0x3FAE] =	sst s6  }
0xf: {  	[smem:$0x3FAF] =	sst s7  }
0x10: {  	[smem:$0x3FB0] =	sst s8  }
0x11: {  	[smem:$0x3FB1] =	sst s9;
	s0 =	simm.s32 @!p0 $0x0  }
0x12: {  	s1 =	sld [smem:$0x3F97];
	s0 =	simm.s32 @p0 $0x1  }
0x13: {  	[smem:$0x3FB2] =	sst s0;
	s0 =	simm.s32 @!p1 $0x0  }
0x14: {  	s2 =	sld [smem:$0x3F96];
	s0 =	simm.s32 @p1 $0x1  }
0x15: {  	[smem:$0x3FB3] =	sst s0;
	s0 =	simm.s32 @!p2 $0x0  }
0x16: {  	s3 =	sld [smem:$0x3FDB];
	s0 =	simm.s32 @p2 $0x1  }
0x17: {  	s4 =	simm.s32 $0x1BF5;
	[smem:$0x3FB5] =	sst s0  }
0x18: {  	s0 =	sld [smem:$0x3F98];
	_ =	swait.ge [sflag:s4], $0x0  }
0x19: {  	s7 =	sld [smem:$0x3F99]  }
0x1a: {  	s8 =	sadd.s32 $0xFFFFE003, lr  }
0x1b: {  	s9 =	sadd.s32 $0xFFFFFEF7, lr;
	s5 =	simm.s32 $0xFFFFFFFF;
	p2 =	slt.u32 s8, $0xFFFFF086  }
0x1c: {  	p1 =	slt.u32 s9, $0xF7A;
	s5 =	simm.s32 @!p2 $0x0  }
0x1d: {  	s5 =	simm.s32 @p1 $0x1;
	p0 =	seq.s32 s7, s2  }
0x1e: {  	s7 =	smul.u32 @!p0 $0xF7A, s2;
	p2 =	seq.s32 @!p0 s5, $0x0  }
0x1f: {  	s9 =	smul.u32 $0xF7A, s1;
	s8 =	simm.s32 @!p0 $0x1BF5;
	p2 =	por !p2, p0  }
0x20: {  	[sflag:s8] =	ssyncset.s32 @!p0 $0xFFFFF086;
	s6 =	sadd.s32 @!p0 s3, s7;
	s7 =	simm.s32 @!p0 $0x108  }
0x21: {  	s3 =	sadd.s32 s3, s9;
	s6 =	sadd.s32 @!p0 $0x88, s6;
	s7 =	simm.s32 @p2 $0x1082  }
0x22: {  	[simem:s7], [sflag:s8] =	dma.local @!p0 [hbm:s6], $0xF7A  }
0x23: {  	s9 =	sor.u32 $0xD0000000, s2;
	s6 =	simm.s32 $0x108;
	_ =	swait.ge @!p0 [sflag:s8], $0x0  }
0x24: {  	s3 =	sadd.s32 $0x88, s3;
	s6 =	simm.s32 @!p1 $0x1082;
	[sflag:s4] =	ssyncset.s32 $0xFFFFF086  }
0x25: {  	[simem:s6], [sflag:s4] =	dma.local [hbm:s3], $0xF7A  }
0x26: {  	[smem:$0x3F99] =	sst s1;
	(tag) =	ssettag s2;
	_ =	strace s9  }
0x27: {  	s1 =	sld [smem:$0x3FA9]  }
0x28: {  	s2 =	sld [smem:$0x3FAA]  }
0x29: {  	s4 =	sld [smem:$0x3FAC]  }
0x2a: {  	p0 =	seq.s32 s5, $0x0;
	s5 =	sld [smem:$0x3FAD]  }
0x2b: {  	s6 =	sld [smem:$0x3FAE]  }
0x2c: {  	s7 =	sld [smem:$0x3FAF]  }
0x2d: {  	s3 =	simm.s32 $0x108;
	s8 =	sld [smem:$0x3FB0]  }
0x2e: {  	s3 =	simm.s32 @!p0 $0x1082;
	s9 =	sld [smem:$0x3FB1]  }
0x2f: {  	lr =	sadd.s32 s0, s3;
	s0 =	sld [smem:$0x3FA8]  }
0x30: {  	s3 =	sld [smem:$0x3FAB]  }
0x31: {  	[smem:$0x3FB4] =	sst s10  }
0x32: {  	s10 =	sld [smem:$0x3FB2];
	_ =	sdelay $0x3  }
0x33: {  	p0 =	seq.s32 s10, $0x1;
	s10 =	sld [smem:$0x3FB4];
	_ =	sdelay $0x3  }
0x34: {  	[smem:$0x3FB4] =	sst s10  }
0x35: {  	s10 =	sld [smem:$0x3FB3];
	_ =	sdelay $0x3  }
0x36: {  	p1 =	seq.s32 s10, $0x1;
	s10 =	sld [smem:$0x3FB4];
	_ =	sdelay $0x3  }
0x37: {  	[smem:$0x3FB4] =	sst s10  }
0x38: {  	s10 =	sld [smem:$0x3FB5]  }
0x39: {  	_ = 	snop;
	(pc) =	sbr.ind lr, $3  }
0x3a: {  	_ = 	snop  }
0x3b: {  	_ = 	snop  }
0x3c: {  	p2 =	seq.s32 s10, $0x1;
	s10 =	sld [smem:$0x3FB4]  }
0x3d: {  	_ =	shalt  }
0x3e: {  	_ =	shalt  }
0x3f: {  	_ =	shalt  }
0x40: {  	_ =	shalt  }
0x41: {  	_ =	shalt  }
0x42: {  	_ =	shalt  }
0x43: {  	_ =	shalt  }
0x44: {  	_ =	shalt  }
0x45: {  	_ =	shalt  }
0x46: {  	_ =	shalt  }
0x47: {  	_ =	shalt  }
0x48: {  	_ =	shalt  }
0x49: {  	_ =	shalt  }
0x4a: {  	_ =	shalt  }
0x4b: {  	_ =	shalt  }
0x4c: {  	_ =	shalt  }
0x4d: {  	_ =	shalt  }
0x4e: {  	_ =	shalt  }
0x4f: {  	_ =	shalt  }
0x50: {  	_ =	shalt  }
0x51: {  	_ =	shalt  }
0x52: {  	_ =	shalt  }
0x53: {  	_ =	shalt  }
0x54: {  	_ =	shalt  }
0x55: {  	_ =	shalt  }
0x56: {  	_ =	shalt  }
0x57: {  	_ =	shalt  }
0x58: {  	_ =	shalt  }
0x59: {  	_ =	shalt  }
0x5a: {  	_ =	shalt  }
0x5b: {  	_ =	shalt  }
0x5c: {  	_ =	shalt  }
0x5d: {  	_ =	shalt  }
0x5e: {  	_ =	shalt  }
0x5f: {  	_ =	shalt  }
0x60: {  	_ =	shalt  }
0x61: {  	_ =	shalt  }
0x62: {  	_ =	shalt  }
0x63: {  	_ =	shalt  }
0x64: {  	_ =	shalt  }
0x65: {  	_ =	shalt  }
0x66: {  	_ =	shalt  }
0x67: {  	_ =	shalt  }
0x68: {  	_ =	shalt  }
0x69: {  	_ =	shalt  }
0x6a: {  	_ =	shalt  }
0x6b: {  	_ =	shalt  }
0x6c: {  	_ =	shalt  }
0x6d: {  	_ =	shalt  }
0x6e: {  	_ =	shalt  }
0x6f: {  	_ =	shalt  }
0x70: {  	_ =	shalt  }
0x71: {  	_ =	shalt  }
0x72: {  	_ =	shalt  }
0x73: {  	_ =	shalt  }
0x74: {  	_ =	shalt  }
0x75: {  	_ =	shalt  }
0x76: {  	_ =	shalt  }
0x77: {  	_ =	shalt  }
0x78: {  	_ =	shalt  }
0x79: {  	_ =	shalt  }
0x7a: {  	_ =	shalt  }
0x7b: {  	_ =	shalt  }
0x7c: {  	_ =	shalt  }
0x7d: {  	_ =	shalt  }
0x7e: {  	_ =	shalt  }
0x7f: {  	_ =	shalt  }
0x80: {  	_ =	shalt  }
0x81: {  	_ =	shalt  }
0x82: {  	_ =	shalt  }
0x83: {  	_ =	shalt  }
0x84: {  	_ =	shalt  }
0x85: {  	_ =	shalt  }
0x86: {  	_ =	shalt  }
0x87: {  	_ =	shalt  }
.Lfunc_end0:
.L_simem_size_0:
called_computation.1_lowered:
.L_overlay_start_0:
0x88: {  	s2 =	sld [smem:$0x3FD9]  }
0x89: {  	s3 =	sld [smem:$0x3FFE];
	_ =	sdelay $0x1  }
0x8a: {  	s1 =	srdreg.scid  }
0x8b: {  	s0 =	sand.u32 $0x1, s1  }
0x8c: {  	s16 =	sshll.u32 s0, $0xA;
	s2 =	sadd.s32 s3, s2  }
0x8d: {  	s2 =	sadd.s32 s2, s16  }
0x8e: {  	[smem:$0x3FC0] =	sst s2  }
0x8f: {  	_ = 	snop  }
0x90: {  	(tm) =	ssettm $0x1  }
0x91: {  	s17 =	sld [smem:$0x3FFB];
	_ =	sdelay $0x3  }
0x92: {  	_ =	strace s17  }
0x93: {  	s2 =	sld [smem:$0x3FFC];
	_ =	sdelay $0x3  }
0x94: {  	_ =	strace s2  }
0x95: {  	s2 =	sld [smem:$0x3FFD];
	_ =	sdelay $0x3  }
0x96: {  	_ =	strace s2  }
0x97: {  	_ =	strace $0x8FFFFFFF  }
0x98: {  	s18 =	sld [smem:$0x3FDB];
	_ =	sdelay $0x1  }
0x99: {  	s19 =	simm.s32 $_scs_section_size  }
0x9a: {  	s4 =	simm.s32 $_size__tile_overlayer_lowered;
	s5 =	simm.s32 $_tile_overlayer_lowered  }
0x9b: {  	s22 =	simm.s32 $0x1BFF;
	s21 =	sshll.u32 s5, $0x1;
	s2 =	sadd.s32 s19, s18  }
0x9c: {  	s6 =	simm.s32 $0x0;
	s20 =	sshll.u32 s4, $0x1;
	s4 =	sadd.s32 s21, s2  }
0x9d: {  	[timem:s6], [sflag:s22] =	dma.local [hbm:s4], s20  }
0x9e: {  	_ =	swait.ge [sflag:s22], s20  }
0x9f: {  	s3 =	ssub.s32 $0x0, s20;
	[sflag:s22] =	ssyncset.done $0x0  }
0xa0: {  	[sflag:s22] =	ssyncadd.s32 s3;
	_ =	sdelay $0x1  }
0xa1: {  	s23 =	simm.s32 $0x1B8B  }
0xa2: {  	_ =	swait.ge [sflag:s23], $0x1  }
0xa3: {  	[sflag:s23] =	ssyncset.done $0x0  }
0xa4: {  	s25 =	simm.s32 $0x1B8E;
	s24 =	sld [smem:$0x3FFE];
	[sflag:s23] =	ssyncadd.s32 $0xFFFFFFFF  }
0xa5: {  	s26 =	simm.s32 $execute0_lowered;
	[smem:$0x3FD2] =	sst s25  }
0xa6: {  	s4 =	sshll.u32 s26, $0x1;
	_ =	strace $0x80000049;
	[dreg:$0x1] =	wrdreg $0xFFFFFFFF  }
0xa7: {  	s28 =	simm.s32 $_size_execute0_lowered;
	s2 =	sadd.s32 s2, s4;
	[dreg:$0x0] =	wrdreg $0x0  }
0xa8: {  	s4 =	sshll.u32 s28, $0x1;
	[dreg:$0x2] =	wrdreg s2  }
0xa9: {  	[dreg:$0x3] =	wrdreg s4  }
0xaa: {  	[dreg:$0x4] =	wrdreg $0xC0  }
0xab: {  	_ =	task [dreg:s6], $0x5FFFF  }
0xac: {  	[dreg:$0x1] =	wrdreg $0xFFFFFFFF  }
0xad: {  	[dreg:$0x0] =	wrdreg $0x60  }
0xae: {  	[dreg:$0x2] =	wrdreg s24  }
0xaf: {  	[dreg:$0x3] =	wrdreg $0xB0000  }
0xb0: {  	[dreg:$0x4] =	wrdreg $0x9  }
0xb1: {  	_ =	task.clear_ibuf [dreg:s6], $0x5FFFF;
	_ =	strace $0x90000049  }
0xb2: {  	s29 =	simm.s32 $0x9;
	_ =	strace $0x8000004B  }
0xb3: {  	_ =	swait.ge [sflag:s29], $0x1  }
0xb4: {  	[sflag:s29] =	ssyncadd.s32 $0xFFFFFFFF  }
0xb5: {  	_ =	strace $0x9000004B  }
0xb6: {  	_ =	sfence  }
0xb7: {  	s30 =	sld [smem:$0x0];
	_ =	sdelay $0x2  }
0xb8: {  	s31 =	sshll.u32 s1, $0xD;
	s1 =	sshrl.u32 s1, $0x2  }
0xb9: {  	s3 =	sand.u32 $0x4000, s31;
	s1 =	sadd.s32 s1, s30  }
0xba: {  	s0 =	sor.u32 s3, s0;
	s1 =	sshll.u32 s1, $0x11  }
0xbb: {  	s0 =	sor.u32 s1, s0  }
0xbc: {  	s0 =	sadd.s32 $0x8F2B, s0  }
0xbd: {  	[sflag:s0] =	ssyncadd.remote.s32 $0x1  }
0xbe: {  	_ =	sfence.sel $0xFFFF  }
0xbf: {  	[dreg:$0x0] =	wrdreg $0xFFFFFFFF;
	(pc) =	sbr.abs _section_cstart, $3  }
0xc0: {  	[dreg:$0x1] =	wrdreg $0xFFFFFFFF  }
0xc1: {  	_ =	task.clear_ibuf [dreg:s6], $0x2FFFF;
	_ =	strace $0x9FFFFFFF  }
0xc2: {  	(tm) =	ssettm $0x7FFFFFFF  }
0xc3: {  	_ =	shalt  }
tec
execute0_lowered:
.L_overlay_start_1:
0x0: {  	(tag) =	ssettag $0x1  }
0x1: {  	s0 =	rddreg [dreg:$0x0];
	s1 =	srdreg.scid  }
0x2: {  	s9 =	stileid.u32;
	s2 =	rddreg [dreg:$0x1]  }
0x3: {  	s3 =	simm.s32 $0x0;
	s10 =	simm.s32 $0x1400;
	s11 =	simm.s32 $0xA800  }
0x4: {  	s12 =	simm.s32 $0x40;
	s13 =	simm.s32 $0x2800;
	s14 =	simm.s32 $0x4800  }
0x5: {  	s15 =	simm.s32 $0x1;
	s17 =	simm.s32 $0x6800;
	s18 =	simm.s32 $0x2  }
0x6: {  	s21 =	simm.s32 $0x8800;
	s22 =	simm.s32 $0x3;
	s26 =	simm.s32 $0x5  }
0x7: {  	s29 =	simm.s32 $0x4;
	s31 =	simm.s32 $0x6;
	s30 =	simm.s32 $0x2780  }
0x8: {  	s1 =	sand.u32 $0x1, s1;
	s4 =	sshll.u32 s9, $0x1;
	s7 =	smul.u32 $0x50000, s9  }
0x9: {  	[smem:$0x7FF] =	sst s3;
	s9 =	smul.u32 $0x13880, s9;
	s4 =	sor.u32 s1, s4  }
0xa: {  	_ =	strace $0x8000004A;
	s6 =	smul.u32 $0x27100, s1;
	s1 =	ssub.s32 $0x2, s1  }
0xb: {  	s5 =	smul.u32 $0x280, s4;
	s4 =	sadd.s32 $0xC200, s0;
	s28 =	sshrl.u32 s1, $0x1  }
0xc: {  	s7 =	sshrl.u32 s7, $0x2;
	s16 =	sshrl.u32 s9, $0x3;
	s19 =	sadd.s32 s9, s2  }
0xd: {  	s9 =	simm.s32 $0x9;
	s1 =	ssub.s32 s1, s28;
	s7 =	sadd.s32 s7, s2  }
0xe: {  	s25 =	sshrl.u32 s19, $0x3;
	s19 =	simm.s32 $0x0;
	s8 =	sadd.s32 s5, s0  }
0xf: {  	s0 =	sadd.s32 s6, s0;
	s5 =	sadd.s32 $0x7200, s8;
	s6 =	sadd.s32 $0x2200, s8  }
0x10: {  	s0 =	sadd.s32 $0x33400, s0;
	s8 =	smax.u32 s1, $0x1;
	s1 =	simm.s32 $0x27C0  }
0x11: {  	v0 =	vimm.f32 $0.0e+00;
	s23 =	sadd.s32 s16, s0;
	s0 =	simm.s32 $0x7;
	s16 =	simm.s32 $0x8  }
.LBB2_1:
0x12: {  	[tilespmem:s3], [sflag:$0x9] =	stream.linear.gather [hbm4b:s5+s3], $0x1400, $0x38;
	[tilespmem:$0x1F000] =	vst v63  }
0x13: {  	_ =	swait.ge [sflag:s9], $0x1400  }
0x14: {  	[sflag:s9] =	ssyncset.done $0x0  }
0x15: {  	[sflag:s9] =	ssyncadd.s32 $0xFFFFEC00  }
0x16: {  	[tilespmem:s10], [sflag:$0x9] =	stream.linear.gather [hbm4b:s6+s3], $0x1400, $0x38;
	[tilespmem:$0x1F000] =	vst v63  }
0x17: {  	_ =	swait.ge [sflag:s9], $0x1400  }
0x18: {  	[sflag:s9] =	ssyncset.done $0x0  }
0x19: {  	s20 =	simm.s32 $0x0;
	s24 =	simm.s32 $0x200;
	[sflag:s9] =	ssyncadd.s32 $0xFFFFEC00  }
.LBB2_2:
0x1a: {  	p0 =	sne.s32 s24, $0x1E00;
	[tilespmem:s20+$0xA870] =	vst v0  }
0x1b: {  	[tilespmem:s20+$0xA800] =	vst v0  }
0x1c: {  	[tilespmem:s20+$0xA810] =	vst v0  }
.Ltmp0:
0x1d: {  	[tilespmem:s20+$0xA820] =	vst v0;
	(pc) =	sbr.rel @p0 .LBB2_2-.Ltmp0, $4  }
0x1e: {  	[tilespmem:s20+$0xA830] =	vst v0  }
0x1f: {  	[tilespmem:s20+$0xA840] =	vst v0  }
0x20: {  	[tilespmem:s20+$0xA850] =	vst v0  }
0x21: {  	[tilespmem:s20+$0xA860] =	vst v0;
	s20 =	sshra.s32 s24, $0x2;
	s24 =	sadd.s32 $0x200, s24  }
0x22: {  	[tilespmem:s20+$0xA870] =	vst v0  }
0x23: {  	[tilespmem:s20+$0xA800] =	vst v0  }
0x24: {  	[tilespmem:s20+$0xA810] =	vst v0  }
0x25: {  	[tilespmem:s20+$0xA820] =	vst v0  }
0x26: {  	[tilespmem:s20+$0xA830] =	vst v0  }
0x27: {  	[tilespmem:s20+$0xA840] =	vst v0  }
0x28: {  	[tilespmem:s20+$0xA850] =	vst v0  }
0x29: {  	[tilespmem:s20+$0xA860] =	vst v0;
	s28 =	sadd.s32 $0x0, s7  }
0x2a: {  	[spmem:s28] =	stream.linear.scatter [tilespmem:s11], [sflag:$0x9], $0x800, $0x38;
	[tilespmem:$0x1F000] =	vst v63  }
0x2b: {  	s20 =	simm.s32 $0x2000;
	_ =	swait.ge [sflag:s9], $0x800  }
.LBB2_4:
0x2c: {  	s24 =	sshra.s32 s20, $0x2;
	[sflag:s9] =	ssyncset.done $0x0;
	p0 =	sne.s32 s20, $0x4E000  }
.Ltmp1:
0x2d: {  	s24 =	sadd.s32 s24, s7;
	[sflag:s9] =	ssyncadd.s32 $0xFFFFF800;
	(pc) =	sbr.rel @p0 .LBB2_4-.Ltmp1, $3  }
0x2e: {  	[spmem:s24] =	stream.linear.scatter [tilespmem:s11], [sflag:$0x9], $0x800, $0x38;
	[tilespmem:$0x1F000] =	vst v63  }
0x2f: {  	s20 =	sadd.s32 $0x2000, s20;
	_ =	sdelay $0x1  }
0x30: {  	_ =	swait.ge [sflag:s9], $0x800  }
0x31: {  	[sflag:s9] =	ssyncset.done $0x0  }
0x32: {  	[sflag:s9] =	ssyncadd.s32 $0xFFFFF800  }
0x33: {  	s20 =	simm.s32 $0x0;
	[bflag:$0x0] =	sbarrier.arrive $0xFFFF  }
0x34: {  	[tilespmem:s13], [sflag:$0x1] =	stream.indirect.gather [hbm4b:s4+s12], $0x80, s20, s12, $0xb8;
	[tilespmem:$0x1F000] =	vst v63  }
0x35: {  	_ = 	snop  }
0x36: {  	[tilespmem:s14], [sflag:$0x2] =	stream.indirect.gather [hbm4b:s4+s12], $0x80, s12, s12, $0xb8;
	[tilespmem:$0x1F000] =	vst v63  }
0x37: {  	_ =	swait.ge [sflag:s15], $0x2000  }
0x38: {  	[sflag:s15] =	ssyncset.done $0x0  }
0x39: {  	[sflag:s15] =	ssyncadd.s32 $0xFFFFE000  }
0x3a: {  	[spmem:s2] =	stream.indirect.scatter.add.f32 [tilespmem:s13], [sflag:$0x5], $0x80, s10, s12, $0xb8;
	[tilespmem:$0x1F000] =	vst v63  }
0x3b: {  	s24 =	simm.s32 $0x80  }
0x3c: {  	[tilespmem:s17], [sflag:$0x3] =	stream.indirect.gather [hbm4b:s4+s12], $0x80, s24, s12, $0xb8;
	[tilespmem:$0x1F000] =	vst v63  }
0x3d: {  	_ =	swait.ge [sflag:s18], $0x2000  }
0x3e: {  	[sflag:s18] =	ssyncset.done $0x0  }
0x3f: {  	s28 =	simm.s32 $0x1440;
	[sflag:s18] =	ssyncadd.s32 $0xFFFFE000  }
0x40: {  	[spmem:s2] =	stream.indirect.scatter.add.f32 [tilespmem:s14], [sflag:$0x6], $0x80, s28, s12, $0xb8;
	[tilespmem:$0x1F000] =	vst v63  }
0x41: {  	s24 =	simm.s32 $0xC0  }
0x42: {  	[tilespmem:s21], [sflag:$0x4] =	stream.indirect.gather [hbm4b:s4+s12], $0x80, s24, s12, $0xb8;
	[tilespmem:$0x1F000] =	vst v63  }
0x43: {  	_ =	swait.ge [sflag:s22], $0x2000  }
0x44: {  	[sflag:s22] =	ssyncset.done $0x0  }
0x45: {  	s28 =	simm.s32 $0x1480;
	[sflag:s22] =	ssyncadd.s32 $0xFFFFE000  }
0x46: {  	[spmem:s2] =	stream.indirect.scatter.add.f32 [tilespmem:s17], [sflag:$0x7], $0x80, s28, s12, $0xb8;
	[tilespmem:$0x1F000] =	vst v63  }
0x47: {  	_ =	swait.ge [sflag:s26], $0x2000  }
0x48: {  	[sflag:s26] =	ssyncset.done $0x0  }
0x49: {  	s24 =	simm.s32 $0x100;
	[sflag:s26] =	ssyncadd.s32 $0xFFFFE000  }
0x4a: {  	[tilespmem:s13], [sflag:$0x1] =	stream.indirect.gather [hbm4b:s4+s12], $0x80, s24, s12, $0xb8;
	[tilespmem:$0x1F000] =	vst v63  }
0x4b: {  	_ =	swait.ge [sflag:s29], $0x2000  }
0x4c: {  	[sflag:s29] =	ssyncset.done $0x0  }
0x4d: {  	s28 =	simm.s32 $0x14C0;
	[sflag:s29] =	ssyncadd.s32 $0xFFFFE000  }
0x4e: {  	[spmem:s2] =	stream.indirect.scatter.add.f32 [tilespmem:s21], [sflag:$0x8], $0x80, s28, s12, $0xb8;
	[tilespmem:$0x1F000] =	vst v63  }
0x4f: {  	_ =	swait.ge [sflag:s31], $0x2000  }
0x50: {  	[sflag:s31] =	ssyncset.done $0x0  }
0x51: {  	s24 =	simm.s32 $0x140;
	[sflag:s31] =	ssyncadd.s32 $0xFFFFE000  }
0x52: {  	[tilespmem:s14], [sflag:$0x2] =	stream.indirect.gather [hbm4b:s4+s12], $0x80, s24, s12, $0xb8;
	[tilespmem:$0x1F000] =	vst v63  }
0x53: {  	_ =	swait.ge [sflag:s15], $0x2000  }
0x54: {  	[sflag:s15] =	ssyncset.done $0x0  }
0x55: {  	s28 =	simm.s32 $0x1500;
	[sflag:s15] =	ssyncadd.s32 $0xFFFFE000  }
0x56: {  	[spmem:s2] =	stream.indirect.scatter.add.f32 [tilespmem:s13], [sflag:$0x5], $0x80, s28, s12, $0xb8;
	[tilespmem:$0x1F000] =	vst v63  }
0x57: {  	_ =	swait.ge [sflag:s0], $0x2000  }
0x58: {  	[sflag:s0] =	ssyncset.done $0x0  }
0x59: {  	s24 =	simm.s32 $0x180;
	[sflag:s0] =	ssyncadd.s32 $0xFFFFE000  }
0x5a: {  	[tilespmem:s17], [sflag:$0x3] =	stream.indirect.gather [hbm4b:s4+s12], $0x80, s24, s12, $0xb8;
	[tilespmem:$0x1F000] =	vst v63  }
0x5b: {  	_ =	swait.ge [sflag:s18], $0x2000  }
0x5c: {  	[sflag:s18] =	ssyncset.done $0x0  }
0x5d: {  	s28 =	simm.s32 $0x1540;
	[sflag:s18] =	ssyncadd.s32 $0xFFFFE000  }
0x5e: {  	[spmem:s2] =	stream.indirect.scatter.add.f32 [tilespmem:s14], [sflag:$0x6], $0x80, s28, s12, $0xb8;
	[tilespmem:$0x1F000] =	vst v63  }
0x5f: {  	_ =	swait.ge [sflag:s16], $0x2000  }
0x60: {  	[sflag:s16] =	ssyncset.done $0x0  }
0x61: {  	s24 =	simm.s32 $0x1C0;
	[sflag:s16] =	ssyncadd.s32 $0xFFFFE000  }
0x62: {  	[tilespmem:s21], [sflag:$0x4] =	stream.indirect.gather [hbm4b:s4+s12], $0x80, s24, s12, $0xb8;
	[tilespmem:$0x1F000] =	vst v63  }
0x63: {  	_ =	swait.ge [sflag:s22], $0x2000  }
0x64: {  	[sflag:s22] =	ssyncset.done $0x0  }
0x65: {  	s28 =	simm.s32 $0x1580;
	[sflag:s22] =	ssyncadd.s32 $0xFFFFE000  }
0x66: {  	[spmem:s2] =	stream.indirect.scatter.add.f32 [tilespmem:s17], [sflag:$0x7], $0x80, s28, s12, $0xb8;
	[tilespmem:$0x1F000] =	vst v63  }
0x67: {  	_ =	swait.ge [sflag:s26], $0x2000  }
0x68: {  	[sflag:s26] =	ssyncset.done $0x0  }
0x69: {  	s24 =	simm.s32 $0x200;
	[sflag:s26] =	ssyncadd.s32 $0xFFFFE000  }
0x6a: {  	[tilespmem:s13], [sflag:$0x1] =	stream.indirect.gather [hbm4b:s4+s12], $0x80, s24, s12, $0xb8;
	[tilespmem:$0x1F000] =	vst v63  }
0x6b: {  	_ =	swait.ge [sflag:s29], $0x2000  }
0x6c: {  	[sflag:s29] =	ssyncset.done $0x0  }
0x6d: {  	s28 =	simm.s32 $0x15C0;
	[sflag:s29] =	ssyncadd.s32 $0xFFFFE000  }
0x6e: {  	[spmem:s2] =	stream.indirect.scatter.add.f32 [tilespmem:s21], [sflag:$0x8], $0x80, s28, s12, $0xb8;
	[tilespmem:$0x1F000] =	vst v63  }
0x6f: {  	_ =	swait.ge [sflag:s31], $0x2000  }
0x70: {  	[sflag:s31] =	ssyncset.done $0x0  }
0x71: {  	s20 =	simm.s32 $0x400;
	s24 =	simm.s32 $0x240;
	[sflag:s31] =	ssyncadd.s32 $0xFFFFE000  }
.LBB2_6:
0x72: {  	[tilespmem:s14], [sflag:$0x2] =	stream.indirect.gather [hbm4b:s4+s12], $0x80, s24, s12, $0xb8;
	[tilespmem:$0x1F000] =	vst v63  }
0x73: {  	s24 =	smov.u32 s20  }
0x74: {  	p0 =	sne.s32 s20, $0x4400;
	s20 =	sadd.s32 $0x400, s20;
	_ =	swait.ge [sflag:s15], $0x2000  }
0x75: {  	s24 =	sshra.s32 s24, $0x2;
	[sflag:s15] =	ssyncset.done $0x0  }
0x76: {  	s28 =	sadd.s32 $0x1500, s24;
	[sflag:s15] =	ssyncadd.s32 $0xFFFFE000  }
0x77: {  	[spmem:s2] =	stream.indirect.scatter.add.f32 [tilespmem:s13], [sflag:$0x5], $0x80, s28, s12, $0xb8;
	[tilespmem:$0x1F000] =	vst v63  }
0x78: {  	_ =	swait.ge [sflag:s0], $0x2000  }
0x79: {  	[sflag:s0] =	ssyncset.done $0x0  }
0x7a: {  	s28 =	sadd.s32 $0x180, s24;
	[sflag:s0] =	ssyncadd.s32 $0xFFFFE000  }
0x7b: {  	[tilespmem:s17], [sflag:$0x3] =	stream.indirect.gather [hbm4b:s4+s12], $0x80, s28, s12, $0xb8;
	[tilespmem:$0x1F000] =	vst v63  }
0x7c: {  	_ =	swait.ge [sflag:s18], $0x2000  }
0x7d: {  	[sflag:s18] =	ssyncset.done $0x0  }
0x7e: {  	s28 =	sadd.s32 $0x1540, s24;
	[sflag:s18] =	ssyncadd.s32 $0xFFFFE000  }
0x7f: {  	[spmem:s2] =	stream.indirect.scatter.add.f32 [tilespmem:s14], [sflag:$0x6], $0x80, s28, s12, $0xb8;
	[tilespmem:$0x1F000] =	vst v63  }
0x80: {  	_ =	swait.ge [sflag:s16], $0x2000  }
0x81: {  	[sflag:s16] =	ssyncset.done $0x0  }
0x82: {  	s28 =	sadd.s32 $0x1C0, s24;
	[sflag:s16] =	ssyncadd.s32 $0xFFFFE000  }
0x83: {  	[tilespmem:s21], [sflag:$0x4] =	stream.indirect.gather [hbm4b:s4+s12], $0x80, s28, s12, $0xb8;
	[tilespmem:$0x1F000] =	vst v63  }
0x84: {  	_ =	swait.ge [sflag:s22], $0x2000  }
0x85: {  	[sflag:s22] =	ssyncset.done $0x0  }
0x86: {  	s28 =	sadd.s32 $0x1580, s24;
	[sflag:s22] =	ssyncadd.s32 $0xFFFFE000  }
0x87: {  	[spmem:s2] =	stream.indirect.scatter.add.f32 [tilespmem:s17], [sflag:$0x7], $0x80, s28, s12, $0xb8;
	[tilespmem:$0x1F000] =	vst v63  }
0x88: {  	_ =	swait.ge [sflag:s26], $0x2000  }
0x89: {  	[sflag:s26] =	ssyncset.done $0x0  }
0x8a: {  	s28 =	sadd.s32 $0x200, s24;
	[sflag:s26] =	ssyncadd.s32 $0xFFFFE000  }
0x8b: {  	[tilespmem:s13], [sflag:$0x1] =	stream.indirect.gather [hbm4b:s4+s12], $0x80, s28, s12, $0xb8;
	[tilespmem:$0x1F000] =	vst v63  }
0x8c: {  	_ =	swait.ge [sflag:s29], $0x2000  }
0x8d: {  	[sflag:s29] =	ssyncset.done $0x0  }
.Ltmp2:
0x8e: {  	s28 =	sadd.s32 $0x15C0, s24;
	[sflag:s29] =	ssyncadd.s32 $0xFFFFE000;
	(pc) =	sbr.rel @p0 .LBB2_6-.Ltmp2, $4  }
0x8f: {  	[spmem:s2] =	stream.indirect.scatter.add.f32 [tilespmem:s21], [sflag:$0x8], $0x80, s28, s12, $0xb8;
	[tilespmem:$0x1F000] =	vst v63  }
0x90: {  	_ =	swait.ge [sflag:s31], $0x2000  }
0x91: {  	[sflag:s31] =	ssyncset.done $0x0  }
0x92: {  	s24 =	sadd.s32 $0x240, s24;
	[sflag:s31] =	ssyncadd.s32 $0xFFFFE000  }
0x93: {  	[tilespmem:s14], [sflag:$0x2] =	stream.indirect.gather [hbm4b:s4+s12], $0x80, s24, s12, $0xb8;
	[tilespmem:$0x1F000] =	vst v63  }
0x94: {  	_ =	swait.ge [sflag:s15], $0x2000  }
0x95: {  	[sflag:s15] =	ssyncset.done $0x0  }
0x96: {  	s20 =	simm.s32 $0x2700;
	[sflag:s15] =	ssyncadd.s32 $0xFFFFE000  }
0x97: {  	[spmem:s2] =	stream.indirect.scatter.add.f32 [tilespmem:s13], [sflag:$0x5], $0x80, s20, s12, $0xb8;
	[tilespmem:$0x1F000] =	vst v63  }
0x98: {  	_ =	swait.ge [sflag:s0], $0x2000  }
0x99: {  	[sflag:s0] =	ssyncset.done $0x0  }
0x9a: {  	s24 =	simm.s32 $0x1380;
	[sflag:s0] =	ssyncadd.s32 $0xFFFFE000  }
0x9b: {  	[tilespmem:s17], [sflag:$0x3] =	stream.indirect.gather [hbm4b:s4+s12], $0x80, s24, s12, $0xb8;
	[tilespmem:$0x1F000] =	vst v63  }
0x9c: {  	_ =	swait.ge [sflag:s18], $0x2000  }
0x9d: {  	[sflag:s18] =	ssyncset.done $0x0  }
0x9e: {  	s28 =	simm.s32 $0x2740;
	[sflag:s18] =	ssyncadd.s32 $0xFFFFE000  }
0x9f: {  	[spmem:s2] =	stream.indirect.scatter.add.f32 [tilespmem:s14], [sflag:$0x6], $0x80, s28, s12, $0xb8;
	[tilespmem:$0x1F000] =	vst v63  }
0xa0: {  	_ =	swait.ge [sflag:s16], $0x2000  }
0xa1: {  	[sflag:s16] =	ssyncset.done $0x0  }
0xa2: {  	s24 =	simm.s32 $0x13C0;
	[sflag:s16] =	ssyncadd.s32 $0xFFFFE000  }
0xa3: {  	[tilespmem:s21], [sflag:$0x4] =	stream.indirect.gather [hbm4b:s4+s12], $0x80, s24, s12, $0xb8;
	[tilespmem:$0x1F000] =	vst v63  }
0xa4: {  	_ =	swait.ge [sflag:s22], $0x2000  }
0xa5: {  	[sflag:s22] =	ssyncset.done $0x0  }
0xa6: {  	[sflag:s22] =	ssyncadd.s32 $0xFFFFE000  }
0xa7: {  	[spmem:s2] =	stream.indirect.scatter.add.f32 [tilespmem:s17], [sflag:$0x7], $0x80, s30, s12, $0xb8;
	[tilespmem:$0x1F000] =	vst v63  }
0xa8: {  	_ =	swait.ge [sflag:s26], $0x2000  }
0xa9: {  	[sflag:s26] =	ssyncset.done $0x0  }
0xaa: {  	[sflag:s26] =	ssyncadd.s32 $0xFFFFE000  }
0xab: {  	_ =	swait.ge [sflag:s29], $0x2000  }
0xac: {  	[sflag:s29] =	ssyncset.done $0x0  }
0xad: {  	[sflag:s29] =	ssyncadd.s32 $0xFFFFE000  }
0xae: {  	[spmem:s2] =	stream.indirect.scatter.add.f32 [tilespmem:s21], [sflag:$0x8], $0x80, s1, s12, $0xb8;
	[tilespmem:$0x1F000] =	vst v63  }
0xaf: {  	_ =	swait.ge [sflag:s31], $0x2000  }
0xb0: {  	[sflag:s31] =	ssyncset.done $0x0  }
0xb1: {  	[sflag:s31] =	ssyncadd.s32 $0xFFFFE000  }
0xb2: {  	_ =	swait.ge [sflag:s0], $0x2000  }
0xb3: {  	[sflag:s0] =	ssyncset.done $0x0  }
0xb4: {  	[sflag:s0] =	ssyncadd.s32 $0xFFFFE000  }
0xb5: {  	_ =	swait.ge [sflag:s16], $0x2000  }
0xb6: {  	s19 =	sadd.s32 $0x1, s19;
	s28 =	stileid.u32;
	[sflag:s16] =	ssyncset.done $0x0  }
0xb7: {  	p0 =	sne.s32 s19, s8;
	s20 =	sshll.u32 s28, $0x6;
	[sflag:s16] =	ssyncadd.s32 $0xFFFFE000  }
.Ltmp3:
0xb8: {  	s20 =	sor.u32 $0x1C09, s20;
	[bflag:$0x0] =	sbarrier.arrive $0xFFFF;
	(pc) =	sbr.rel @p0 .LBB2_1-.Ltmp3, $4  }
0xb9: {  	[hbm:s23], [sflag:s20] =	dma.local [spmem:s25], $0x2710  }
0xba: {  	_ =	swait.ge [sflag:s9], $0x2710  }
0xbb: {  	[sflag:s9] =	ssyncset.done $0x0  }
0xbc: {  	[sflag:s9] =	ssyncadd.s32 $0xFFFFD8F0  }
0xbd: {  	_ =	sfence.sel $0x180000  }
0xbe: {  	[bflag:$0x0] =	sbarrier.arrive $0xFFFF  }
0xbf: {  	_ =	strace $0x9000004A  }
0xc0: {  	s0 =	stileid.u32;
	[bflag:$0x2] =	sbarrier.arrive $0xFFFF  }
0xc1: {  	p0 =	sne.s32 s0, $0x0;
	s0 =	rddreg [dreg:$0x2]  }
0xc2: {  	s0 =	sadd.s32 @!p0 $0x100000, s0  }
0xc3: {  	[sflag:s0] =	ssyncadd.tile.s32 @!p0 $0x1;
	_ =	shalt  }
.Lfunc_end2:
_tile_overlayer_lowered:
.L_overlay_start_2:
0xc4: {  	(tag) =	ssettag $0x2  }
0xc5: {  	s0 =	rddreg [dreg:$0x0];
	s2 =	stileid.u32  }
0xc6: {  	s1 =	rddreg [dreg:$0x1];
	p0 =	sne.s32 s2, $0x0  }
0xc7: {  	s3 =	rddreg [dreg:$0x2];
	[bflag:$0x3] =	sbarrier.arrive $0xFFFF;
	s2 =	simm.s32 @!p0 $0x1C09  }
0xc8: {  	[timem:s3], [sflag:s2] =	dma.local @!p0 [hbm:s0], s1  }
0xc9: {  	s0 =	simm.s32 @!p0 $0x9  }
0xca: {  	_ =	swait.ge @!p0 [sflag:s0], s1  }
0xcb: {  	s1 =	ssub.s32 @!p0 $0x0, s1;
	[sflag:s0] =	ssyncset.done @!p0 $0x0  }
0xcc: {  	[sflag:s0] =	ssyncadd.s32 @!p0 s1  }
0xcd: {  	[bflag:$0x3] =	sbarrier.arrive $0xFFFF  }
0xce: {  	_ =	shalt  }

// kernel: kernel.17.cloned.1.call-start
scs
__scs_entry_jumppad:
0x0: {  	(pc) =	sbr.rel $0x88, $3  }
0x1: {  	(tag) =	ssettag $0x0;
	lr =	simm.s32 $0x1  }
0x2: {  	[smem:$0x3F99] =	sst lr;
	_ =	strace $0xD0000000  }
0x3: {  	_ = 	snop  }
0x4: {  	_ = 	snop  }
0x5: {  	_ = 	snop  }
0x6: {  	_ = 	snop  }
0x7: {  	_ = 	snop  }
__scs_overlays_trampoline_lowered:
0x8: {  	[smem:$0x3FA8] =	sst s0  }
0x9: {  	[smem:$0x3FA9] =	sst s1  }
0xa: {  	[smem:$0x3FAA] =	sst s2  }
0xb: {  	[smem:$0x3FAB] =	sst s3  }
0xc: {  	[smem:$0x3FAC] =	sst s4  }
0xd: {  	[smem:$0x3FAD] =	sst s5  }
0xe: {  	[smem:$0x3FAE] =	sst s6  }
0xf: {  	[smem:$0x3FAF] =	sst s7  }
0x10: {  	[smem:$0x3FB0] =	sst s8  }
0x11: {  	[smem:$0x3FB1] =	sst s9;
	s0 =	simm.s32 @!p0 $0x0  }
0x12: {  	s1 =	sld [smem:$0x3F97];
	s0 =	simm.s32 @p0 $0x1  }
0x13: {  	[smem:$0x3FB2] =	sst s0;
	s0 =	simm.s32 @!p1 $0x0  }
0x14: {  	s2 =	sld [smem:$0x3F96];
	s0 =	simm.s32 @p1 $0x1  }
0x15: {  	[smem:$0x3FB3] =	sst s0;
	s0 =	simm.s32 @!p2 $0x0  }
0x16: {  	s3 =	sld [smem:$0x3FDB];
	s0 =	simm.s32 @p2 $0x1  }
0x17: {  	s4 =	simm.s32 $0x1BF5;
	[smem:$0x3FB5] =	sst s0  }
0x18: {  	s0 =	sld [smem:$0x3F98];
	_ =	swait.ge [sflag:s4], $0x0  }
0x19: {  	s7 =	sld [smem:$0x3F99]  }
0x1a: {  	s8 =	sadd.s32 $0xFFFFE003, lr  }
0x1b: {  	s9 =	sadd.s32 $0xFFFFFEF7, lr;
	s5 =	simm.s32 $0xFFFFFFFF;
	p2 =	slt.u32 s8, $0xFFFFF086  }
0x1c: {  	p1 =	slt.u32 s9, $0xF7A;
	s5 =	simm.s32 @!p2 $0x0  }
0x1d: {  	s5 =	simm.s32 @p1 $0x1;
	p0 =	seq.s32 s7, s2  }
0x1e: {  	s7 =	smul.u32 @!p0 $0xF7A, s2;
	p2 =	seq.s32 @!p0 s5, $0x0  }
0x1f: {  	s9 =	smul.u32 $0xF7A, s1;
	s8 =	simm.s32 @!p0 $0x1BF5;
	p2 =	por !p2, p0  }
0x20: {  	[sflag:s8] =	ssyncset.s32 @!p0 $0xFFFFF086;
	s6 =	sadd.s32 @!p0 s3, s7;
	s7 =	simm.s32 @!p0 $0x108  }
0x21: {  	s3 =	sadd.s32 s3, s9;
	s6 =	sadd.s32 @!p0 $0x88, s6;
	s7 =	simm.s32 @p2 $0x1082  }
0x22: {  	[simem:s7], [sflag:s8] =	dma.local @!p0 [hbm:s6], $0xF7A  }
0x23: {  	s9 =	sor.u32 $0xD0000000, s2;
	s6 =	simm.s32 $0x108;
	_ =	swait.ge @!p0 [sflag:s8], $0x0  }
0x24: {  	s3 =	sadd.s32 $0x88, s3;
	s6 =	simm.s32 @!p1 $0x1082;
	[sflag:s4] =	ssyncset.s32 $0xFFFFF086  }
0x25: {  	[simem:s6], [sflag:s4] =	dma.local [hbm:s3], $0xF7A  }
0x26: {  	[smem:$0x3F99] =	sst s1;
	(tag) =	ssettag s2;
	_ =	strace s9  }
0x27: {  	s1 =	sld [smem:$0x3FA9]  }
0x28: {  	s2 =	sld [smem:$0x3FAA]  }
0x29: {  	s4 =	sld [smem:$0x3FAC]  }
0x2a: {  	p0 =	seq.s32 s5, $0x0;
	s5 =	sld [smem:$0x3FAD]  }
0x2b: {  	s6 =	sld [smem:$0x3FAE]  }
0x2c: {  	s7 =	sld [smem:$0x3FAF]  }
0x2d: {  	s3 =	simm.s32 $0x108;
	s8 =	sld [smem:$0x3FB0]  }
0x2e: {  	s3 =	simm.s32 @!p0 $0x1082;
	s9 =	sld [smem:$0x3FB1]  }
0x2f: {  	lr =	sadd.s32 s0, s3;
	s0 =	sld [smem:$0x3FA8]  }
0x30: {  	s3 =	sld [smem:$0x3FAB]  }
0x31: {  	[smem:$0x3FB4] =	sst s10  }
0x32: {  	s10 =	sld [smem:$0x3FB2];
	_ =	sdelay $0x3  }
0x33: {  	p0 =	seq.s32 s10, $0x1;
	s10 =	sld [smem:$0x3FB4];
	_ =	sdelay $0x3  }
0x34: {  	[smem:$0x3FB4] =	sst s10  }
0x35: {  	s10 =	sld [smem:$0x3FB3];
	_ =	sdelay $0x3  }
0x36: {  	p1 =	seq.s32 s10, $0x1;
	s10 =	sld [smem:$0x3FB4];
	_ =	sdelay $0x3  }
0x37: {  	[smem:$0x3FB4] =	sst s10  }
0x38: {  	s10 =	sld [smem:$0x3FB5]  }
0x39: {  	_ = 	snop;
	(pc) =	sbr.ind lr, $3  }
0x3a: {  	_ = 	snop  }
0x3b: {  	_ = 	snop  }
0x3c: {  	p2 =	seq.s32 s10, $0x1;
	s10 =	sld [smem:$0x3FB4]  }
0x3d: {  	_ =	shalt  }
0x3e: {  	_ =	shalt  }
0x3f: {  	_ =	shalt  }
0x40: {  	_ =	shalt  }
0x41: {  	_ =	shalt  }
0x42: {  	_ =	shalt  }
0x43: {  	_ =	shalt  }
0x44: {  	_ =	shalt  }
0x45: {  	_ =	shalt  }
0x46: {  	_ =	shalt  }
0x47: {  	_ =	shalt  }
0x48: {  	_ =	shalt  }
0x49: {  	_ =	shalt  }
0x4a: {  	_ =	shalt  }
0x4b: {  	_ =	shalt  }
0x4c: {  	_ =	shalt  }
0x4d: {  	_ =	shalt  }
0x4e: {  	_ =	shalt  }
0x4f: {  	_ =	shalt  }
0x50: {  	_ =	shalt  }
0x51: {  	_ =	shalt  }
0x52: {  	_ =	shalt  }
0x53: {  	_ =	shalt  }
0x54: {  	_ =	shalt  }
0x55: {  	_ =	shalt  }
0x56: {  	_ =	shalt  }
0x57: {  	_ =	shalt  }
0x58: {  	_ =	shalt  }
0x59: {  	_ =	shalt  }
0x5a: {  	_ =	shalt  }
0x5b: {  	_ =	shalt  }
0x5c: {  	_ =	shalt  }
0x5d: {  	_ =	shalt  }
0x5e: {  	_ =	shalt  }
0x5f: {  	_ =	shalt  }
0x60: {  	_ =	shalt  }
0x61: {  	_ =	shalt  }
0x62: {  	_ =	shalt  }
0x63: {  	_ =	shalt  }
0x64: {  	_ =	shalt  }
0x65: {  	_ =	shalt  }
0x66: {  	_ =	shalt  }
0x67: {  	_ =	shalt  }
0x68: {  	_ =	shalt  }
0x69: {  	_ =	shalt  }
0x6a: {  	_ =	shalt  }
0x6b: {  	_ =	shalt  }
0x6c: {  	_ =	shalt  }
0x6d: {  	_ =	shalt  }
0x6e: {  	_ =	shalt  }
0x6f: {  	_ =	shalt  }
0x70: {  	_ =	shalt  }
0x71: {  	_ =	shalt  }
0x72: {  	_ =	shalt  }
0x73: {  	_ =	shalt  }
0x74: {  	_ =	shalt  }
0x75: {  	_ =	shalt  }
0x76: {  	_ =	shalt  }
0x77: {  	_ =	shalt  }
0x78: {  	_ =	shalt  }
0x79: {  	_ =	shalt  }
0x7a: {  	_ =	shalt  }
0x7b: {  	_ =	shalt  }
0x7c: {  	_ =	shalt  }
0x7d: {  	_ =	shalt  }
0x7e: {  	_ =	shalt  }
0x7f: {  	_ =	shalt  }
0x80: {  	_ =	shalt  }
0x81: {  	_ =	shalt  }
0x82: {  	_ =	shalt  }
0x83: {  	_ =	shalt  }
0x84: {  	_ =	shalt  }
0x85: {  	_ =	shalt  }
0x86: {  	_ =	shalt  }
0x87: {  	_ =	shalt  }
.Lfunc_end0:
.L_simem_size_0:
called_computation.2_lowered:
.L_overlay_start_0:
0x88: {  	s2 =	sld [smem:$0x3FD9]  }
0x89: {  	s3 =	sld [smem:$0x3FFE];
	_ =	sdelay $0x1  }
0x8a: {  	s1 =	srdreg.scid  }
0x8b: {  	s0 =	sand.u32 $0x1, s1  }
0x8c: {  	s16 =	sshll.u32 s0, $0xA;
	s2 =	sadd.s32 s3, s2  }
0x8d: {  	s2 =	sadd.s32 s2, s16  }
0x8e: {  	[smem:$0x3FC0] =	sst s2  }
0x8f: {  	_ = 	snop  }
0x90: {  	(tm) =	ssettm $0x1  }
0x91: {  	s17 =	sld [smem:$0x3FFB];
	_ =	sdelay $0x3  }
0x92: {  	_ =	strace s17  }
0x93: {  	s2 =	sld [smem:$0x3FFC];
	_ =	sdelay $0x3  }
0x94: {  	_ =	strace s2  }
0x95: {  	s2 =	sld [smem:$0x3FFD];
	_ =	sdelay $0x3  }
0x96: {  	_ =	strace s2  }
0x97: {  	_ =	strace $0x8FFFFFFF  }
0x98: {  	s18 =	sld [smem:$0x3FDB];
	_ =	sdelay $0x1  }
0x99: {  	s19 =	simm.s32 $_scs_section_size  }
0x9a: {  	s4 =	simm.s32 $_size__tile_overlayer_lowered;
	s5 =	simm.s32 $_tile_overlayer_lowered  }
0x9b: {  	s22 =	simm.s32 $0x1BFF;
	s21 =	sshll.u32 s5, $0x1;
	s2 =	sadd.s32 s19, s18  }
0x9c: {  	s6 =	simm.s32 $0x0;
	s20 =	sshll.u32 s4, $0x1;
	s4 =	sadd.s32 s21, s2  }
0x9d: {  	[timem:s6], [sflag:s22] =	dma.local [hbm:s4], s20  }
0x9e: {  	_ =	swait.ge [sflag:s22], s20  }
0x9f: {  	s3 =	ssub.s32 $0x0, s20;
	[sflag:s22] =	ssyncset.done $0x0  }
0xa0: {  	[sflag:s22] =	ssyncadd.s32 s3;
	_ =	sdelay $0x1  }
0xa1: {  	s23 =	simm.s32 $0x1B8B  }
0xa2: {  	_ =	swait.ge [sflag:s23], $0x1  }
0xa3: {  	[sflag:s23] =	ssyncset.done $0x0  }
0xa4: {  	s25 =	simm.s32 $0x1B8E;
	s24 =	sld [smem:$0x3FFE];
	[sflag:s23] =	ssyncadd.s32 $0xFFFFFFFF  }
0xa5: {  	s26 =	simm.s32 $execute0_lowered;
	[smem:$0x3FD2] =	sst s25  }
0xa6: {  	s4 =	sshll.u32 s26, $0x1;
	_ =	strace $0x8000004C;
	[dreg:$0x1] =	wrdreg $0xFFFFFFFF  }
0xa7: {  	s28 =	simm.s32 $_size_execute0_lowered;
	s2 =	sadd.s32 s2, s4;
	[dreg:$0x0] =	wrdreg $0x0  }
0xa8: {  	s4 =	sshll.u32 s28, $0x1;
	[dreg:$0x2] =	wrdreg s2  }
0xa9: {  	[dreg:$0x3] =	wrdreg s4  }
0xaa: {  	[dreg:$0x4] =	wrdreg $0xC0  }
0xab: {  	_ =	task [dreg:s6], $0x5FFFF  }
0xac: {  	[dreg:$0x1] =	wrdreg $0xFFFFFFFF  }
0xad: {  	[dreg:$0x0] =	wrdreg $0x60  }
0xae: {  	[dreg:$0x2] =	wrdreg s24  }
0xaf: {  	[dreg:$0x3] =	wrdreg $0xB0000  }
0xb0: {  	[dreg:$0x4] =	wrdreg $0x9  }
0xb1: {  	_ =	task.clear_ibuf [dreg:s6], $0x5FFFF;
	_ =	strace $0x9000004C  }
0xb2: {  	s29 =	simm.s32 $0x9;
	_ =	strace $0x8000004E  }
0xb3: {  	_ =	swait.ge [sflag:s29], $0x1  }
0xb4: {  	[sflag:s29] =	ssyncadd.s32 $0xFFFFFFFF  }
0xb5: {  	_ =	strace $0x9000004E  }
0xb6: {  	_ =	sfence  }
0xb7: {  	s30 =	sld [smem:$0x0];
	_ =	sdelay $0x2  }
0xb8: {  	s31 =	sshll.u32 s1, $0xD;
	s1 =	sshrl.u32 s1, $0x2  }
0xb9: {  	s3 =	sand.u32 $0x4000, s31;
	s1 =	sadd.s32 s1, s30  }
0xba: {  	s0 =	sor.u32 s3, s0;
	s1 =	sshll.u32 s1, $0x11  }
0xbb: {  	s0 =	sor.u32 s1, s0  }
0xbc: {  	s0 =	sadd.s32 $0x8F2B, s0  }
0xbd: {  	[sflag:s0] =	ssyncadd.remote.s32 $0x1  }
0xbe: {  	_ =	sfence.sel $0xFFFF  }
0xbf: {  	[dreg:$0x0] =	wrdreg $0xFFFFFFFF;
	(pc) =	sbr.abs _section_cstart, $3  }
0xc0: {  	[dreg:$0x1] =	wrdreg $0xFFFFFFFF  }
0xc1: {  	_ =	task.clear_ibuf [dreg:s6], $0x2FFFF;
	_ =	strace $0x9FFFFFFF  }
0xc2: {  	(tm) =	ssettm $0x7FFFFFFF  }
0xc3: {  	_ =	shalt  }
tec
execute0_lowered:
.L_overlay_start_1:
0x0: {  	(tag) =	ssettag $0x1  }
0x1: {  	s0 =	rddreg [dreg:$0x0];
	s1 =	srdreg.scid  }
0x2: {  	s9 =	stileid.u32;
	s2 =	rddreg [dreg:$0x1]  }
0x3: {  	s3 =	simm.s32 $0x0;
	s10 =	simm.s32 $0x1400;
	s11 =	simm.s32 $0xA800  }
0x4: {  	s12 =	simm.s32 $0x40;
	s13 =	simm.s32 $0x2800;
	s14 =	simm.s32 $0x4800  }
0x5: {  	s15 =	simm.s32 $0x1;
	s17 =	simm.s32 $0x6800;
	s18 =	simm.s32 $0x2  }
0x6: {  	s21 =	simm.s32 $0x8800;
	s22 =	simm.s32 $0x3;
	s26 =	simm.s32 $0x5  }
0x7: {  	s29 =	simm.s32 $0x4;
	s31 =	simm.s32 $0x6;
	s30 =	simm.s32 $0x2780  }
0x8: {  	s1 =	sand.u32 $0x1, s1;
	s4 =	sshll.u32 s9, $0x1;
	s7 =	smul.u32 $0x50000, s9  }
0x9: {  	[smem:$0x7FF] =	sst s3;
	s9 =	smul.u32 $0x13880, s9;
	s4 =	sor.u32 s1, s4  }
0xa: {  	_ =	strace $0x8000004D;
	s6 =	smul.u32 $0x27100, s1;
	s1 =	ssub.s32 $0x2, s1  }
0xb: {  	s5 =	smul.u32 $0x280, s4;
	s4 =	sadd.s32 $0xC200, s0;
	s28 =	sshrl.u32 s1, $0x1  }
0xc: {  	s7 =	sshrl.u32 s7, $0x2;
	s16 =	sshrl.u32 s9, $0x3;
	s19 =	sadd.s32 s9, s2  }
0xd: {  	s9 =	simm.s32 $0x9;
	s1 =	ssub.s32 s1, s28;
	s7 =	sadd.s32 s7, s2  }
0xe: {  	s25 =	sshrl.u32 s19, $0x3;
	s19 =	simm.s32 $0x0;
	s8 =	sadd.s32 s5, s0  }
0xf: {  	s0 =	sadd.s32 s6, s0;
	s5 =	sadd.s32 $0x7200, s8;
	s6 =	sadd.s32 $0x2200, s8  }
0x10: {  	s0 =	sadd.s32 $0x33400, s0;
	s8 =	smax.u32 s1, $0x1;
	s1 =	simm.s32 $0x27C0  }
0x11: {  	v0 =	vimm.f32 $0.0e+00;
	s23 =	sadd.s32 s16, s0;
	s0 =	simm.s32 $0x7;
	s16 =	simm.s32 $0x8  }
.LBB2_1:
0x12: {  	[tilespmem:s3], [sflag:$0x9] =	stream.linear.gather [hbm4b:s5+s3], $0x1400, $0x38;
	[tilespmem:$0x1F000] =	vst v63  }
0x13: {  	_ =	swait.ge [sflag:s9], $0x1400  }
0x14: {  	[sflag:s9] =	ssyncset.done $0x0  }
0x15: {  	[sflag:s9] =	ssyncadd.s32 $0xFFFFEC00  }
0x16: {  	[tilespmem:s10], [sflag:$0x9] =	stream.linear.gather [hbm4b:s6+s3], $0x1400, $0x38;
	[tilespmem:$0x1F000] =	vst v63  }
0x17: {  	_ =	swait.ge [sflag:s9], $0x1400  }
0x18: {  	[sflag:s9] =	ssyncset.done $0x0  }
0x19: {  	s20 =	simm.s32 $0x0;
	s24 =	simm.s32 $0x200;
	[sflag:s9] =	ssyncadd.s32 $0xFFFFEC00  }
.LBB2_2:
0x1a: {  	p0 =	sne.s32 s24, $0x1E00;
	[tilespmem:s20+$0xA870] =	vst v0  }
0x1b: {  	[tilespmem:s20+$0xA800] =	vst v0  }
0x1c: {  	[tilespmem:s20+$0xA810] =	vst v0  }
.Ltmp0:
0x1d: {  	[tilespmem:s20+$0xA820] =	vst v0;
	(pc) =	sbr.rel @p0 .LBB2_2-.Ltmp0, $4  }
0x1e: {  	[tilespmem:s20+$0xA830] =	vst v0  }
0x1f: {  	[tilespmem:s20+$0xA840] =	vst v0  }
0x20: {  	[tilespmem:s20+$0xA850] =	vst v0  }
0x21: {  	[tilespmem:s20+$0xA860] =	vst v0;
	s20 =	sshra.s32 s24, $0x2;
	s24 =	sadd.s32 $0x200, s24  }
0x22: {  	[tilespmem:s20+$0xA870] =	vst v0  }
0x23: {  	[tilespmem:s20+$0xA800] =	vst v0  }
0x24: {  	[tilespmem:s20+$0xA810] =	vst v0  }
0x25: {  	[tilespmem:s20+$0xA820] =	vst v0  }
0x26: {  	[tilespmem:s20+$0xA830] =	vst v0  }
0x27: {  	[tilespmem:s20+$0xA840] =	vst v0  }
0x28: {  	[tilespmem:s20+$0xA850] =	vst v0  }
0x29: {  	[tilespmem:s20+$0xA860] =	vst v0;
	s28 =	sadd.s32 $0x0, s7  }
0x2a: {  	[spmem:s28] =	stream.linear.scatter [tilespmem:s11], [sflag:$0x9], $0x800, $0x38;
	[tilespmem:$0x1F000] =	vst v63  }
0x2b: {  	s20 =	simm.s32 $0x2000;
	_ =	swait.ge [sflag:s9], $0x800  }
.LBB2_4:
0x2c: {  	s24 =	sshra.s32 s20, $0x2;
	[sflag:s9] =	ssyncset.done $0x0;
	p0 =	sne.s32 s20, $0x4E000  }
.Ltmp1:
0x2d: {  	s24 =	sadd.s32 s24, s7;
	[sflag:s9] =	ssyncadd.s32 $0xFFFFF800;
	(pc) =	sbr.rel @p0 .LBB2_4-.Ltmp1, $3  }
0x2e: {  	[spmem:s24] =	stream.linear.scatter [tilespmem:s11], [sflag:$0x9], $0x800, $0x38;
	[tilespmem:$0x1F000] =	vst v63  }
0x2f: {  	s20 =	sadd.s32 $0x2000, s20;
	_ =	sdelay $0x1  }
0x30: {  	_ =	swait.ge [sflag:s9], $0x800  }
0x31: {  	[sflag:s9] =	ssyncset.done $0x0  }
0x32: {  	[sflag:s9] =	ssyncadd.s32 $0xFFFFF800  }
0x33: {  	s20 =	simm.s32 $0x0;
	[bflag:$0x0] =	sbarrier.arrive $0xFFFF  }
0x34: {  	[tilespmem:s13], [sflag:$0x1] =	stream.indirect.gather [hbm4b:s4+s12], $0x80, s20, s12, $0xb8;
	[tilespmem:$0x1F000] =	vst v63  }
0x35: {  	_ = 	snop  }
0x36: {  	[tilespmem:s14], [sflag:$0x2] =	stream.indirect.gather [hbm4b:s4+s12], $0x80, s12, s12, $0xb8;
	[tilespmem:$0x1F000] =	vst v63  }
0x37: {  	_ =	swait.ge [sflag:s15], $0x2000  }
0x38: {  	[sflag:s15] =	ssyncset.done $0x0  }
0x39: {  	[sflag:s15] =	ssyncadd.s32 $0xFFFFE000  }
0x3a: {  	[spmem:s2] =	stream.indirect.scatter.add.f32 [tilespmem:s13], [sflag:$0x5], $0x80, s10, s12, $0xb8;
	[tilespmem:$0x1F000] =	vst v63  }
0x3b: {  	s24 =	simm.s32 $0x80  }
0x3c: {  	[tilespmem:s17], [sflag:$0x3] =	stream.indirect.gather [hbm4b:s4+s12], $0x80, s24, s12, $0xb8;
	[tilespmem:$0x1F000] =	vst v63  }
0x3d: {  	_ =	swait.ge [sflag:s18], $0x2000  }
0x3e: {  	[sflag:s18] =	ssyncset.done $0x0  }
0x3f: {  	s28 =	simm.s32 $0x1440;
	[sflag:s18] =	ssyncadd.s32 $0xFFFFE000  }
0x40: {  	[spmem:s2] =	stream.indirect.scatter.add.f32 [tilespmem:s14], [sflag:$0x6], $0x80, s28, s12, $0xb8;
	[tilespmem:$0x1F000] =	vst v63  }
0x41: {  	s24 =	simm.s32 $0xC0  }
0x42: {  	[tilespmem:s21], [sflag:$0x4] =	stream.indirect.gather [hbm4b:s4+s12], $0x80, s24, s12, $0xb8;
	[tilespmem:$0x1F000] =	vst v63  }
0x43: {  	_ =	swait.ge [sflag:s22], $0x2000  }
0x44: {  	[sflag:s22] =	ssyncset.done $0x0  }
0x45: {  	s28 =	simm.s32 $0x1480;
	[sflag:s22] =	ssyncadd.s32 $0xFFFFE000  }
0x46: {  	[spmem:s2] =	stream.indirect.scatter.add.f32 [tilespmem:s17], [sflag:$0x7], $0x80, s28, s12, $0xb8;
	[tilespmem:$0x1F000] =	vst v63  }
0x47: {  	_ =	swait.ge [sflag:s26], $0x2000  }
0x48: {  	[sflag:s26] =	ssyncset.done $0x0  }
0x49: {  	s24 =	simm.s32 $0x100;
	[sflag:s26] =	ssyncadd.s32 $0xFFFFE000  }
0x4a: {  	[tilespmem:s13], [sflag:$0x1] =	stream.indirect.gather [hbm4b:s4+s12], $0x80, s24, s12, $0xb8;
	[tilespmem:$0x1F000] =	vst v63  }
0x4b: {  	_ =	swait.ge [sflag:s29], $0x2000  }
0x4c: {  	[sflag:s29] =	ssyncset.done $0x0  }
0x4d: {  	s28 =	simm.s32 $0x14C0;
	[sflag:s29] =	ssyncadd.s32 $0xFFFFE000  }
0x4e: {  	[spmem:s2] =	stream.indirect.scatter.add.f32 [tilespmem:s21], [sflag:$0x8], $0x80, s28, s12, $0xb8;
	[tilespmem:$0x1F000] =	vst v63  }
0x4f: {  	_ =	swait.ge [sflag:s31], $0x2000  }
0x50: {  	[sflag:s31] =	ssyncset.done $0x0  }
0x51: {  	s24 =	simm.s32 $0x140;
	[sflag:s31] =	ssyncadd.s32 $0xFFFFE000  }
0x52: {  	[tilespmem:s14], [sflag:$0x2] =	stream.indirect.gather [hbm4b:s4+s12], $0x80, s24, s12, $0xb8;
	[tilespmem:$0x1F000] =	vst v63  }
0x53: {  	_ =	swait.ge [sflag:s15], $0x2000  }
0x54: {  	[sflag:s15] =	ssyncset.done $0x0  }
0x55: {  	s28 =	simm.s32 $0x1500;
	[sflag:s15] =	ssyncadd.s32 $0xFFFFE000  }
0x56: {  	[spmem:s2] =	stream.indirect.scatter.add.f32 [tilespmem:s13], [sflag:$0x5], $0x80, s28, s12, $0xb8;
	[tilespmem:$0x1F000] =	vst v63  }
0x57: {  	_ =	swait.ge [sflag:s0], $0x2000  }
0x58: {  	[sflag:s0] =	ssyncset.done $0x0  }
0x59: {  	s24 =	simm.s32 $0x180;
	[sflag:s0] =	ssyncadd.s32 $0xFFFFE000  }
0x5a: {  	[tilespmem:s17], [sflag:$0x3] =	stream.indirect.gather [hbm4b:s4+s12], $0x80, s24, s12, $0xb8;
	[tilespmem:$0x1F000] =	vst v63  }
0x5b: {  	_ =	swait.ge [sflag:s18], $0x2000  }
0x5c: {  	[sflag:s18] =	ssyncset.done $0x0  }
0x5d: {  	s28 =	simm.s32 $0x1540;
	[sflag:s18] =	ssyncadd.s32 $0xFFFFE000  }
0x5e: {  	[spmem:s2] =	stream.indirect.scatter.add.f32 [tilespmem:s14], [sflag:$0x6], $0x80, s28, s12, $0xb8;
	[tilespmem:$0x1F000] =	vst v63  }
0x5f: {  	_ =	swait.ge [sflag:s16], $0x2000  }
0x60: {  	[sflag:s16] =	ssyncset.done $0x0  }
0x61: {  	s24 =	simm.s32 $0x1C0;
	[sflag:s16] =	ssyncadd.s32 $0xFFFFE000  }
0x62: {  	[tilespmem:s21], [sflag:$0x4] =	stream.indirect.gather [hbm4b:s4+s12], $0x80, s24, s12, $0xb8;
	[tilespmem:$0x1F000] =	vst v63  }
0x63: {  	_ =	swait.ge [sflag:s22], $0x2000  }
0x64: {  	[sflag:s22] =	ssyncset.done $0x0  }
0x65: {  	s28 =	simm.s32 $0x1580;
	[sflag:s22] =	ssyncadd.s32 $0xFFFFE000  }
0x66: {  	[spmem:s2] =	stream.indirect.scatter.add.f32 [tilespmem:s17], [sflag:$0x7], $0x80, s28, s12, $0xb8;
	[tilespmem:$0x1F000] =	vst v63  }
0x67: {  	_ =	swait.ge [sflag:s26], $0x2000  }
0x68: {  	[sflag:s26] =	ssyncset.done $0x0  }
0x69: {  	s24 =	simm.s32 $0x200;
	[sflag:s26] =	ssyncadd.s32 $0xFFFFE000  }
0x6a: {  	[tilespmem:s13], [sflag:$0x1] =	stream.indirect.gather [hbm4b:s4+s12], $0x80, s24, s12, $0xb8;
	[tilespmem:$0x1F000] =	vst v63  }
0x6b: {  	_ =	swait.ge [sflag:s29], $0x2000  }
0x6c: {  	[sflag:s29] =	ssyncset.done $0x0  }
0x6d: {  	s28 =	simm.s32 $0x15C0;
	[sflag:s29] =	ssyncadd.s32 $0xFFFFE000  }
0x6e: {  	[spmem:s2] =	stream.indirect.scatter.add.f32 [tilespmem:s21], [sflag:$0x8], $0x80, s28, s12, $0xb8;
	[tilespmem:$0x1F000] =	vst v63  }
0x6f: {  	_ =	swait.ge [sflag:s31], $0x2000  }
0x70: {  	[sflag:s31] =	ssyncset.done $0x0  }
0x71: {  	s20 =	simm.s32 $0x400;
	s24 =	simm.s32 $0x240;
	[sflag:s31] =	ssyncadd.s32 $0xFFFFE000  }
.LBB2_6:
0x72: {  	[tilespmem:s14], [sflag:$0x2] =	stream.indirect.gather [hbm4b:s4+s12], $0x80, s24, s12, $0xb8;
	[tilespmem:$0x1F000] =	vst v63  }
0x73: {  	s24 =	smov.u32 s20  }
0x74: {  	p0 =	sne.s32 s20, $0x4400;
	s20 =	sadd.s32 $0x400, s20;
	_ =	swait.ge [sflag:s15], $0x2000  }
0x75: {  	s24 =	sshra.s32 s24, $0x2;
	[sflag:s15] =	ssyncset.done $0x0  }
0x76: {  	s28 =	sadd.s32 $0x1500, s24;
	[sflag:s15] =	ssyncadd.s32 $0xFFFFE000  }
0x77: {  	[spmem:s2] =	stream.indirect.scatter.add.f32 [tilespmem:s13], [sflag:$0x5], $0x80, s28, s12, $0xb8;
	[tilespmem:$0x1F000] =	vst v63  }
0x78: {  	_ =	swait.ge [sflag:s0], $0x2000  }
0x79: {  	[sflag:s0] =	ssyncset.done $0x0  }
0x7a: {  	s28 =	sadd.s32 $0x180, s24;
	[sflag:s0] =	ssyncadd.s32 $0xFFFFE000  }
0x7b: {  	[tilespmem:s17], [sflag:$0x3] =	stream.indirect.gather [hbm4b:s4+s12], $0x80, s28, s12, $0xb8;
	[tilespmem:$0x1F000] =	vst v63  }
0x7c: {  	_ =	swait.ge [sflag:s18], $0x2000  }
0x7d: {  	[sflag:s18] =	ssyncset.done $0x0  }
0x7e: {  	s28 =	sadd.s32 $0x1540, s24;
	[sflag:s18] =	ssyncadd.s32 $0xFFFFE000  }
0x7f: {  	[spmem:s2] =	stream.indirect.scatter.add.f32 [tilespmem:s14], [sflag:$0x6], $0x80, s28, s12, $0xb8;
	[tilespmem:$0x1F000] =	vst v63  }
0x80: {  	_ =	swait.ge [sflag:s16], $0x2000  }
0x81: {  	[sflag:s16] =	ssyncset.done $0x0  }
0x82: {  	s28 =	sadd.s32 $0x1C0, s24;
	[sflag:s16] =	ssyncadd.s32 $0xFFFFE000  }
0x83: {  	[tilespmem:s21], [sflag:$0x4] =	stream.indirect.gather [hbm4b:s4+s12], $0x80, s28, s12, $0xb8;
	[tilespmem:$0x1F000] =	vst v63  }
0x84: {  	_ =	swait.ge [sflag:s22], $0x2000  }
0x85: {  	[sflag:s22] =	ssyncset.done $0x0  }
0x86: {  	s28 =	sadd.s32 $0x1580, s24;
	[sflag:s22] =	ssyncadd.s32 $0xFFFFE000  }
0x87: {  	[spmem:s2] =	stream.indirect.scatter.add.f32 [tilespmem:s17], [sflag:$0x7], $0x80, s28, s12, $0xb8;
	[tilespmem:$0x1F000] =	vst v63  }
0x88: {  	_ =	swait.ge [sflag:s26], $0x2000  }
0x89: {  	[sflag:s26] =	ssyncset.done $0x0  }
0x8a: {  	s28 =	sadd.s32 $0x200, s24;
	[sflag:s26] =	ssyncadd.s32 $0xFFFFE000  }
0x8b: {  	[tilespmem:s13], [sflag:$0x1] =	stream.indirect.gather [hbm4b:s4+s12], $0x80, s28, s12, $0xb8;
	[tilespmem:$0x1F000] =	vst v63  }
0x8c: {  	_ =	swait.ge [sflag:s29], $0x2000  }
0x8d: {  	[sflag:s29] =	ssyncset.done $0x0  }
.Ltmp2:
0x8e: {  	s28 =	sadd.s32 $0x15C0, s24;
	[sflag:s29] =	ssyncadd.s32 $0xFFFFE000;
	(pc) =	sbr.rel @p0 .LBB2_6-.Ltmp2, $4  }
0x8f: {  	[spmem:s2] =	stream.indirect.scatter.add.f32 [tilespmem:s21], [sflag:$0x8], $0x80, s28, s12, $0xb8;
	[tilespmem:$0x1F000] =	vst v63  }
0x90: {  	_ =	swait.ge [sflag:s31], $0x2000  }
0x91: {  	[sflag:s31] =	ssyncset.done $0x0  }
0x92: {  	s24 =	sadd.s32 $0x240, s24;
	[sflag:s31] =	ssyncadd.s32 $0xFFFFE000  }
0x93: {  	[tilespmem:s14], [sflag:$0x2] =	stream.indirect.gather [hbm4b:s4+s12], $0x80, s24, s12, $0xb8;
	[tilespmem:$0x1F000] =	vst v63  }
0x94: {  	_ =	swait.ge [sflag:s15], $0x2000  }
0x95: {  	[sflag:s15] =	ssyncset.done $0x0  }
0x96: {  	s20 =	simm.s32 $0x2700;
	[sflag:s15] =	ssyncadd.s32 $0xFFFFE000  }
0x97: {  	[spmem:s2] =	stream.indirect.scatter.add.f32 [tilespmem:s13], [sflag:$0x5], $0x80, s20, s12, $0xb8;
	[tilespmem:$0x1F000] =	vst v63  }
0x98: {  	_ =	swait.ge [sflag:s0], $0x2000  }
0x99: {  	[sflag:s0] =	ssyncset.done $0x0  }
0x9a: {  	s24 =	simm.s32 $0x1380;
	[sflag:s0] =	ssyncadd.s32 $0xFFFFE000  }
0x9b: {  	[tilespmem:s17], [sflag:$0x3] =	stream.indirect.gather [hbm4b:s4+s12], $0x80, s24, s12, $0xb8;
	[tilespmem:$0x1F000] =	vst v63  }
0x9c: {  	_ =	swait.ge [sflag:s18], $0x2000  }
0x9d: {  	[sflag:s18] =	ssyncset.done $0x0  }
0x9e: {  	s28 =	simm.s32 $0x2740;
	[sflag:s18] =	ssyncadd.s32 $0xFFFFE000  }
0x9f: {  	[spmem:s2] =	stream.indirect.scatter.add.f32 [tilespmem:s14], [sflag:$0x6], $0x80, s28, s12, $0xb8;
	[tilespmem:$0x1F000] =	vst v63  }
0xa0: {  	_ =	swait.ge [sflag:s16], $0x2000  }
0xa1: {  	[sflag:s16] =	ssyncset.done $0x0  }
0xa2: {  	s24 =	simm.s32 $0x13C0;
	[sflag:s16] =	ssyncadd.s32 $0xFFFFE000  }
0xa3: {  	[tilespmem:s21], [sflag:$0x4] =	stream.indirect.gather [hbm4b:s4+s12], $0x80, s24, s12, $0xb8;
	[tilespmem:$0x1F000] =	vst v63  }
0xa4: {  	_ =	swait.ge [sflag:s22], $0x2000  }
0xa5: {  	[sflag:s22] =	ssyncset.done $0x0  }
0xa6: {  	[sflag:s22] =	ssyncadd.s32 $0xFFFFE000  }
0xa7: {  	[spmem:s2] =	stream.indirect.scatter.add.f32 [tilespmem:s17], [sflag:$0x7], $0x80, s30, s12, $0xb8;
	[tilespmem:$0x1F000] =	vst v63  }
0xa8: {  	_ =	swait.ge [sflag:s26], $0x2000  }
0xa9: {  	[sflag:s26] =	ssyncset.done $0x0  }
0xaa: {  	[sflag:s26] =	ssyncadd.s32 $0xFFFFE000  }
0xab: {  	_ =	swait.ge [sflag:s29], $0x2000  }
0xac: {  	[sflag:s29] =	ssyncset.done $0x0  }
0xad: {  	[sflag:s29] =	ssyncadd.s32 $0xFFFFE000  }
0xae: {  	[spmem:s2] =	stream.indirect.scatter.add.f32 [tilespmem:s21], [sflag:$0x8], $0x80, s1, s12, $0xb8;
	[tilespmem:$0x1F000] =	vst v63  }
0xaf: {  	_ =	swait.ge [sflag:s31], $0x2000  }
0xb0: {  	[sflag:s31] =	ssyncset.done $0x0  }
0xb1: {  	[sflag:s31] =	ssyncadd.s32 $0xFFFFE000  }
0xb2: {  	_ =	swait.ge [sflag:s0], $0x2000  }
0xb3: {  	[sflag:s0] =	ssyncset.done $0x0  }
0xb4: {  	[sflag:s0] =	ssyncadd.s32 $0xFFFFE000  }
0xb5: {  	_ =	swait.ge [sflag:s16], $0x2000  }
0xb6: {  	s19 =	sadd.s32 $0x1, s19;
	s28 =	stileid.u32;
	[sflag:s16] =	ssyncset.done $0x0  }
0xb7: {  	p0 =	sne.s32 s19, s8;
	s20 =	sshll.u32 s28, $0x6;
	[sflag:s16] =	ssyncadd.s32 $0xFFFFE000  }
.Ltmp3:
0xb8: {  	s20 =	sor.u32 $0x1C09, s20;
	[bflag:$0x0] =	sbarrier.arrive $0xFFFF;
	(pc) =	sbr.rel @p0 .LBB2_1-.Ltmp3, $4  }
0xb9: {  	[hbm:s23], [sflag:s20] =	dma.local [spmem:s25], $0x2710  }
0xba: {  	_ =	swait.ge [sflag:s9], $0x2710  }
0xbb: {  	[sflag:s9] =	ssyncset.done $0x0  }
0xbc: {  	[sflag:s9] =	ssyncadd.s32 $0xFFFFD8F0  }
0xbd: {  	_ =	sfence.sel $0x180000  }
0xbe: {  	[bflag:$0x0] =	sbarrier.arrive $0xFFFF  }
0xbf: {  	_ =	strace $0x9000004D  }
0xc0: {  	s0 =	stileid.u32;
	[bflag:$0x2] =	sbarrier.arrive $0xFFFF  }
0xc1: {  	p0 =	sne.s32 s0, $0x0;
	s0 =	rddreg [dreg:$0x2]  }
0xc2: {  	s0 =	sadd.s32 @!p0 $0x100000, s0  }
0xc3: {  	[sflag:s0] =	ssyncadd.tile.s32 @!p0 $0x1;
	_ =	shalt  }
.Lfunc_end2:
_tile_overlayer_lowered:
.L_overlay_start_2:
0xc4: {  	(tag) =	ssettag $0x2  }
0xc5: {  	s0 =	rddreg [dreg:$0x0];
	s2 =	stileid.u32  }
0xc6: {  	s1 =	rddreg [dreg:$0x1];
	p0 =	sne.s32 s2, $0x0  }
0xc7: {  	s3 =	rddreg [dreg:$0x2];
	[bflag:$0x3] =	sbarrier.arrive $0xFFFF;
	s2 =	simm.s32 @!p0 $0x1C09  }
0xc8: {  	[timem:s3], [sflag:s2] =	dma.local @!p0 [hbm:s0], s1  }
0xc9: {  	s0 =	simm.s32 @!p0 $0x9  }
0xca: {  	_ =	swait.ge @!p0 [sflag:s0], s1  }
0xcb: {  	s1 =	ssub.s32 @!p0 $0x0, s1;
	[sflag:s0] =	ssyncset.done @!p0 $0x0  }
0xcc: {  	[sflag:s0] =	ssyncadd.s32 @!p0 s1  }
0xcd: {  	[bflag:$0x3] =	sbarrier.arrive $0xFFFF  }
0xce: {  	_ =	shalt  }

// kernel: kernel.20.cloned.1.call-start
scs
__scs_entry_jumppad:
0x0: {  	(pc) =	sbr.rel $0x88, $3  }
0x1: {  	(tag) =	ssettag $0x0;
	lr =	simm.s32 $0x1  }
0x2: {  	[smem:$0x3F99] =	sst lr;
	_ =	strace $0xD0000000  }
0x3: {  	_ = 	snop  }
0x4: {  	_ = 	snop  }
0x5: {  	_ = 	snop  }
0x6: {  	_ = 	snop  }
0x7: {  	_ = 	snop  }
__scs_overlays_trampoline_lowered:
0x8: {  	[smem:$0x3FA8] =	sst s0  }
0x9: {  	[smem:$0x3FA9] =	sst s1  }
0xa: {  	[smem:$0x3FAA] =	sst s2  }
0xb: {  	[smem:$0x3FAB] =	sst s3  }
0xc: {  	[smem:$0x3FAC] =	sst s4  }
0xd: {  	[smem:$0x3FAD] =	sst s5  }
0xe: {  	[smem:$0x3FAE] =	sst s6  }
0xf: {  	[smem:$0x3FAF] =	sst s7  }
0x10: {  	[smem:$0x3FB0] =	sst s8  }
0x11: {  	[smem:$0x3FB1] =	sst s9;
	s0 =	simm.s32 @!p0 $0x0  }
0x12: {  	s1 =	sld [smem:$0x3F97];
	s0 =	simm.s32 @p0 $0x1  }
0x13: {  	[smem:$0x3FB2] =	sst s0;
	s0 =	simm.s32 @!p1 $0x0  }
0x14: {  	s2 =	sld [smem:$0x3F96];
	s0 =	simm.s32 @p1 $0x1  }
0x15: {  	[smem:$0x3FB3] =	sst s0;
	s0 =	simm.s32 @!p2 $0x0  }
0x16: {  	s3 =	sld [smem:$0x3FDB];
	s0 =	simm.s32 @p2 $0x1  }
0x17: {  	s4 =	simm.s32 $0x1BF5;
	[smem:$0x3FB5] =	sst s0  }
0x18: {  	s0 =	sld [smem:$0x3F98];
	_ =	swait.ge [sflag:s4], $0x0  }
0x19: {  	s7 =	sld [smem:$0x3F99]  }
0x1a: {  	s8 =	sadd.s32 $0xFFFFE003, lr  }
0x1b: {  	s9 =	sadd.s32 $0xFFFFFEF7, lr;
	s5 =	simm.s32 $0xFFFFFFFF;
	p2 =	slt.u32 s8, $0xFFFFF086  }
0x1c: {  	p1 =	slt.u32 s9, $0xF7A;
	s5 =	simm.s32 @!p2 $0x0  }
0x1d: {  	s5 =	simm.s32 @p1 $0x1;
	p0 =	seq.s32 s7, s2  }
0x1e: {  	s7 =	smul.u32 @!p0 $0xF7A, s2;
	p2 =	seq.s32 @!p0 s5, $0x0  }
0x1f: {  	s9 =	smul.u32 $0xF7A, s1;
	s8 =	simm.s32 @!p0 $0x1BF5;
	p2 =	por !p2, p0  }
0x20: {  	[sflag:s8] =	ssyncset.s32 @!p0 $0xFFFFF086;
	s6 =	sadd.s32 @!p0 s3, s7;
	s7 =	simm.s32 @!p0 $0x108  }
0x21: {  	s3 =	sadd.s32 s3, s9;
	s6 =	sadd.s32 @!p0 $0x88, s6;
	s7 =	simm.s32 @p2 $0x1082  }
0x22: {  	[simem:s7], [sflag:s8] =	dma.local @!p0 [hbm:s6], $0xF7A  }
0x23: {  	s9 =	sor.u32 $0xD0000000, s2;
	s6 =	simm.s32 $0x108;
	_ =	swait.ge @!p0 [sflag:s8], $0x0  }
0x24: {  	s3 =	sadd.s32 $0x88, s3;
	s6 =	simm.s32 @!p1 $0x1082;
	[sflag:s4] =	ssyncset.s32 $0xFFFFF086  }
0x25: {  	[simem:s6], [sflag:s4] =	dma.local [hbm:s3], $0xF7A  }
0x26: {  	[smem:$0x3F99] =	sst s1;
	(tag) =	ssettag s2;
	_ =	strace s9  }
0x27: {  	s1 =	sld [smem:$0x3FA9]  }
0x28: {  	s2 =	sld [smem:$0x3FAA]  }
0x29: {  	s4 =	sld [smem:$0x3FAC]  }
0x2a: {  	p0 =	seq.s32 s5, $0x0;
	s5 =	sld [smem:$0x3FAD]  }
0x2b: {  	s6 =	sld [smem:$0x3FAE]  }
0x2c: {  	s7 =	sld [smem:$0x3FAF]  }
0x2d: {  	s3 =	simm.s32 $0x108;
	s8 =	sld [smem:$0x3FB0]  }
0x2e: {  	s3 =	simm.s32 @!p0 $0x1082;
	s9 =	sld [smem:$0x3FB1]  }
0x2f: {  	lr =	sadd.s32 s0, s3;
	s0 =	sld [smem:$0x3FA8]  }
0x30: {  	s3 =	sld [smem:$0x3FAB]  }
0x31: {  	[smem:$0x3FB4] =	sst s10  }
0x32: {  	s10 =	sld [smem:$0x3FB2];
	_ =	sdelay $0x3  }
0x33: {  	p0 =	seq.s32 s10, $0x1;
	s10 =	sld [smem:$0x3FB4];
	_ =	sdelay $0x3  }
0x34: {  	[smem:$0x3FB4] =	sst s10  }
0x35: {  	s10 =	sld [smem:$0x3FB3];
	_ =	sdelay $0x3  }
0x36: {  	p1 =	seq.s32 s10, $0x1;
	s10 =	sld [smem:$0x3FB4];
	_ =	sdelay $0x3  }
0x37: {  	[smem:$0x3FB4] =	sst s10  }
0x38: {  	s10 =	sld [smem:$0x3FB5]  }
0x39: {  	_ = 	snop;
	(pc) =	sbr.ind lr, $3  }
0x3a: {  	_ = 	snop  }
0x3b: {  	_ = 	snop  }
0x3c: {  	p2 =	seq.s32 s10, $0x1;
	s10 =	sld [smem:$0x3FB4]  }
0x3d: {  	_ =	shalt  }
0x3e: {  	_ =	shalt  }
0x3f: {  	_ =	shalt  }
0x40: {  	_ =	shalt  }
0x41: {  	_ =	shalt  }
0x42: {  	_ =	shalt  }
0x43: {  	_ =	shalt  }
0x44: {  	_ =	shalt  }
0x45: {  	_ =	shalt  }
0x46: {  	_ =	shalt  }
0x47: {  	_ =	shalt  }
0x48: {  	_ =	shalt  }
0x49: {  	_ =	shalt  }
0x4a: {  	_ =	shalt  }
0x4b: {  	_ =	shalt  }
0x4c: {  	_ =	shalt  }
0x4d: {  	_ =	shalt  }
0x4e: {  	_ =	shalt  }
0x4f: {  	_ =	shalt  }
0x50: {  	_ =	shalt  }
0x51: {  	_ =	shalt  }
0x52: {  	_ =	shalt  }
0x53: {  	_ =	shalt  }
0x54: {  	_ =	shalt  }
0x55: {  	_ =	shalt  }
0x56: {  	_ =	shalt  }
0x57: {  	_ =	shalt  }
0x58: {  	_ =	shalt  }
0x59: {  	_ =	shalt  }
0x5a: {  	_ =	shalt  }
0x5b: {  	_ =	shalt  }
0x5c: {  	_ =	shalt  }
0x5d: {  	_ =	shalt  }
0x5e: {  	_ =	shalt  }
0x5f: {  	_ =	shalt  }
0x60: {  	_ =	shalt  }
0x61: {  	_ =	shalt  }
0x62: {  	_ =	shalt  }
0x63: {  	_ =	shalt  }
0x64: {  	_ =	shalt  }
0x65: {  	_ =	shalt  }
0x66: {  	_ =	shalt  }
0x67: {  	_ =	shalt  }
0x68: {  	_ =	shalt  }
0x69: {  	_ =	shalt  }
0x6a: {  	_ =	shalt  }
0x6b: {  	_ =	shalt  }
0x6c: {  	_ =	shalt  }
0x6d: {  	_ =	shalt  }
0x6e: {  	_ =	shalt  }
0x6f: {  	_ =	shalt  }
0x70: {  	_ =	shalt  }
0x71: {  	_ =	shalt  }
0x72: {  	_ =	shalt  }
0x73: {  	_ =	shalt  }
0x74: {  	_ =	shalt  }
0x75: {  	_ =	shalt  }
0x76: {  	_ =	shalt  }
0x77: {  	_ =	shalt  }
0x78: {  	_ =	shalt  }
0x79: {  	_ =	shalt  }
0x7a: {  	_ =	shalt  }
0x7b: {  	_ =	shalt  }
0x7c: {  	_ =	shalt  }
0x7d: {  	_ =	shalt  }
0x7e: {  	_ =	shalt  }
0x7f: {  	_ =	shalt  }
0x80: {  	_ =	shalt  }
0x81: {  	_ =	shalt  }
0x82: {  	_ =	shalt  }
0x83: {  	_ =	shalt  }
0x84: {  	_ =	shalt  }
0x85: {  	_ =	shalt  }
0x86: {  	_ =	shalt  }
0x87: {  	_ =	shalt  }
.Lfunc_end0:
.L_simem_size_0:
called_computation.3_lowered:
.L_overlay_start_0:
0x88: {  	s2 =	sld [smem:$0x3FD9]  }
0x89: {  	s3 =	sld [smem:$0x3FFE];
	_ =	sdelay $0x1  }
0x8a: {  	s1 =	srdreg.scid  }
0x8b: {  	s0 =	sand.u32 $0x1, s1  }
0x8c: {  	s17 =	sshll.u32 s0, $0xA;
	s2 =	sadd.s32 s3, s2  }
0x8d: {  	s2 =	sadd.s32 s2, s17  }
0x8e: {  	[smem:$0x3FC0] =	sst s2  }
0x8f: {  	_ = 	snop  }
0x90: {  	s2 =	sld [smem:$0x3FD0];
	(tm) =	ssettm $0x1  }
0x91: {  	s18 =	sld [smem:$0x3FFB];
	_ =	sdelay $0x3  }
0x92: {  	_ =	strace s18  }
0x93: {  	s3 =	sld [smem:$0x3FFC];
	_ =	sdelay $0x3  }
0x94: {  	_ =	strace s3  }
0x95: {  	s3 =	sld [smem:$0x3FFD];
	_ =	sdelay $0x3  }
0x96: {  	_ =	strace s3  }
0x97: {  	_ =	strace $0x8FFFFFFF  }
0x98: {  	s19 =	sld [smem:$0x3FDB];
	_ =	sdelay $0x1  }
0x99: {  	s4 =	simm.s32 $_scs_section_size  }
0x9a: {  	s5 =	simm.s32 $_size__tile_overlayer_lowered;
	s6 =	simm.s32 $_tile_overlayer_lowered  }
0x9b: {  	s22 =	simm.s32 $0x1BFF;
	s21 =	sshll.u32 s6, $0x1;
	s3 =	sadd.s32 s4, s19  }
0x9c: {  	s7 =	simm.s32 $0x0;
	s20 =	sshll.u32 s5, $0x1;
	s5 =	sadd.s32 s21, s3  }
0x9d: {  	[timem:s7], [sflag:s22] =	dma.local [hbm:s5], s20  }
0x9e: {  	_ =	swait.ge [sflag:s22], s20  }
0x9f: {  	s4 =	ssub.s32 $0x0, s20;
	[sflag:s22] =	ssyncset.done $0x0  }
0xa0: {  	[sflag:s22] =	ssyncadd.s32 s4;
	_ =	sdelay $0x1  }
0xa1: {  	s23 =	simm.s32 $0x1B8B  }
0xa2: {  	_ =	swait.ge [sflag:s23], $0x1  }
0xa3: {  	[sflag:s23] =	ssyncset.done $0x0  }
0xa4: {  	s25 =	simm.s32 $0x1B8E;
	s24 =	sld [smem:$0x3FFE];
	[sflag:s23] =	ssyncadd.s32 $0xFFFFFFFF  }
0xa5: {  	s26 =	simm.s32 $execute0_lowered;
	[smem:$0x3FD2] =	sst s25  }
0xa6: {  	s5 =	sshll.u32 s26, $0x1;
	_ =	strace $0x8000004F;
	[dreg:$0x1] =	wrdreg $0xFFFFFFFF  }
0xa7: {  	s28 =	simm.s32 $_size_execute0_lowered;
	s3 =	sadd.s32 s3, s5;
	[dreg:$0x0] =	wrdreg $0x0  }
0xa8: {  	s5 =	sshll.u32 s28, $0x1;
	[dreg:$0x2] =	wrdreg s3  }
0xa9: {  	[dreg:$0x3] =	wrdreg s5  }
0xaa: {  	[dreg:$0x4] =	wrdreg $0xC0  }
0xab: {  	_ =	task [dreg:s7], $0x5FFFF  }
0xac: {  	[dreg:$0x1] =	wrdreg $0xFFFFFFFF  }
0xad: {  	[dreg:$0x0] =	wrdreg $0x60  }
0xae: {  	[dreg:$0x2] =	wrdreg s2  }
0xaf: {  	[dreg:$0x3] =	wrdreg s24  }
0xb0: {  	[dreg:$0x4] =	wrdreg $0x69000  }
0xb1: {  	[dreg:$0x5] =	wrdreg $0x9  }
0xb2: {  	_ =	task.clear_ibuf [dreg:s7], $0x6FFFF;
	_ =	strace $0x9000004F  }
0xb3: {  	s29 =	simm.s32 $0x9;
	_ =	strace $0x80000051  }
0xb4: {  	_ =	swait.ge [sflag:s29], $0x1  }
0xb5: {  	[sflag:s29] =	ssyncadd.s32 $0xFFFFFFFF  }
0xb6: {  	_ =	strace $0x90000051  }
0xb7: {  	_ =	sfence  }
0xb8: {  	s30 =	sld [smem:$0x0];
	_ =	sdelay $0x2  }
0xb9: {  	s31 =	sshll.u32 s1, $0xD;
	s1 =	sshrl.u32 s1, $0x2  }
0xba: {  	s3 =	sand.u32 $0x4000, s31;
	s1 =	sadd.s32 s1, s30  }
0xbb: {  	s0 =	sor.u32 s3, s0;
	s1 =	sshll.u32 s1, $0x11  }
0xbc: {  	s0 =	sor.u32 s1, s0  }
0xbd: {  	s0 =	sadd.s32 $0x8F2B, s0  }
0xbe: {  	[sflag:s0] =	ssyncadd.remote.s32 $0x1  }
0xbf: {  	_ =	sfence.sel $0xFFFF  }
0xc0: {  	[dreg:$0x0] =	wrdreg $0xFFFFFFFF;
	(pc) =	sbr.abs _section_cstart, $3  }
0xc1: {  	[dreg:$0x1] =	wrdreg $0xFFFFFFFF  }
0xc2: {  	_ =	task.clear_ibuf [dreg:s7], $0x2FFFF;
	_ =	strace $0x9FFFFFFF  }
0xc3: {  	(tm) =	ssettm $0x7FFFFFFF  }
tec
execute0_lowered:
.L_overlay_start_1:
0x0: {  	(tag) =	ssettag $0x1  }
0x1: {  	s1 =	rddreg [dreg:$0x0]  }
0x2: {  	s0 =	srdreg.scid;
	s2 =	rddreg [dreg:$0x1]  }
0x3: {  	s8 =	stileid.u32;
	s3 =	rddreg [dreg:$0x2]  }
0x4: {  	s5 =	simm.s32 $0x0;
	s9 =	simm.s32 $0x11;
	s12 =	simm.s32 $0x80  }
0x5: {  	s14 =	simm.s32 $0x3000;
	s16 =	simm.s32 $0x3800;
	s28 =	simm.s32 $0x5000  }
0x6: {  	s29 =	simm.s32 $0x3;
	s15 =	simm.s32 $0x4;
	s31 =	simm.s32 $0x9  }
0x7: {  	s30 =	simm.s32 $0xA;
	s17 =	simm.s32 $0xB;
	s10 =	simm.s32 $0xD  }
0x8: {  	s11 =	simm.s32 $0x0;
	s0 =	sand.u32 $0x1, s0;
	s7 =	smul.u32 $0xA000, s8  }
0x9: {  	s4 =	sshll.u32 s8, $0x1;
	[smem:$0x7FF] =	sst s5;
	s21 =	smul.u32 $0x2710, s8  }
0xa: {  	s5 =	simm.s32 $0xC;
	s8 =	simm.s32 $0xF;
	s4 =	sor.u32 s0, s4  }
0xb: {  	s18 =	smul.u32 $0x4E20, s0;
	s0 =	ssub.s32 $0x2, s0;
	_ =	strace $0x80000050  }
0xc: {  	s4 =	smul.u32 $0x280, s4;
	s6 =	sshrl.u32 s0, $0x1;
	s20 =	sshrl.u32 s7, $0x2  }
0xd: {  	s23 =	sshrl.u32 s21, $0x3;
	s24 =	sadd.s32 s21, s3;
	s21 =	simm.s32 $0x4800  }
0xe: {  	s0 =	ssub.s32 s0, s6;
	s22 =	sadd.s32 s20, s3;
	s26 =	sshrl.u32 s24, $0x3  }
0xf: {  	s24 =	simm.s32 $0x6000;
	s20 =	simm.s32 $0x6;
	s6 =	simm.s32 $0xE  }
0x10: {  	s4 =	sadd.s32 s4, s2;
	s2 =	sadd.s32 s18, s2;
	[dreg:$0x6] =	wrdreg s22  }
0x11: {  	s0 =	smax.u32 s0, $0x1;
	s18 =	simm.s32 $0x4000;
	[dreg:$0x9] =	wrdreg s26  }
0x12: {  	s22 =	simm.s32 $0x2;
	s19 =	sadd.s32 $0x7200, s4;
	[dreg:$0x7] =	wrdreg s0  }
0x13: {  	s26 =	simm.s32 $0x5;
	s4 =	sadd.s32 $0x2200, s4;
	[dreg:$0x4] =	wrdreg s19  }
0x14: {  	s2 =	sadd.s32 $0xC200, s2;
	s0 =	simm.s32 $0x7;
	[dreg:$0x5] =	wrdreg s4  }
0x15: {  	s19 =	simm.s32 $0x1;
	s25 =	sadd.s32 s23, s2;
	s2 =	simm.s32 $0x5800  }
0x16: {  	v0 =	vimm.f32 $0.0e+00;
	s4 =	simm.s32 $0x8;
	s23 =	simm.s32 $0x10;
	[dreg:$0x8] =	wrdreg s25  }
.LBB2_1:
0x17: {  	[dreg:$0xa] =	wrdreg s11  }
0x18: {  	s7 =	simm.s32 $0x0;
	s25 =	rddreg [dreg:$0x4]  }
0x19: {  	[tilespmem:s7], [sflag:$0x11] =	stream.linear.gather [hbm4b:s25+s7], $0x1400, $0x38;
	[tilespmem:$0x9100] =	vst v63  }
0x1a: {  	_ =	swait.ge [sflag:s9], $0x1400  }
0x1b: {  	[sflag:s9] =	ssyncset.done $0x0  }
0x1c: {  	s25 =	simm.s32 $0x1400;
	s13 =	rddreg [dreg:$0x5];
	[sflag:s9] =	ssyncadd.s32 $0xFFFFEC00  }
0x1d: {  	[tilespmem:s25], [sflag:$0x11] =	stream.linear.gather [hbm4b:s13+s7], $0x1400, $0x38;
	[tilespmem:$0x9100] =	vst v63  }
0x1e: {  	_ =	swait.ge [sflag:s9], $0x1400  }
0x1f: {  	[sflag:s9] =	ssyncset.done $0x0  }
0x20: {  	[sflag:s9] =	ssyncadd.s32 $0xFFFFEC00  }
0x21: {  	[tilespmem:$0x6800] =	vst v0  }
0x22: {  	[tilespmem:$0x6810] =	vst v0  }
0x23: {  	[tilespmem:$0x6820] =	vst v0  }
0x24: {  	[tilespmem:$0x6830] =	vst v0  }
0x25: {  	[tilespmem:$0x6840] =	vst v0  }
0x26: {  	[tilespmem:$0x6850] =	vst v0  }
0x27: {  	[tilespmem:$0x6860] =	vst v0  }
0x28: {  	[tilespmem:$0x6870] =	vst v0  }
0x29: {  	[tilespmem:$0x6880] =	vst v0  }
0x2a: {  	[tilespmem:$0x6890] =	vst v0  }
0x2b: {  	[tilespmem:$0x68A0] =	vst v0  }
0x2c: {  	[tilespmem:$0x68B0] =	vst v0  }
0x2d: {  	[tilespmem:$0x68C0] =	vst v0  }
0x2e: {  	[tilespmem:$0x68D0] =	vst v0  }
0x2f: {  	s7 =	rddreg [dreg:$0x6];
	[tilespmem:$0x68E0] =	vst v0  }
0x30: {  	s13 =	simm.s32 $0x6800;
	s25 =	sadd.s32 $0x0, s7;
	[tilespmem:$0x68F0] =	vst v0  }
0x31: {  	[spmem:s25] =	stream.linear.scatter [tilespmem:s13], [sflag:$0x11], $0x100, $0x38;
	[tilespmem:$0x9100] =	vst v63  }
0x32: {  	s11 =	simm.s32 $0x400;
	_ =	swait.ge [sflag:s9], $0x100  }
.LBB2_2:
0x33: {  	s25 =	sshra.s32 s11, $0x2;
	[sflag:s9] =	ssyncset.done $0x0;
	p0 =	sne.s32 s11, $0x9C00  }
.Ltmp0:
0x34: {  	s25 =	sadd.s32 s25, s7;
	[sflag:s9] =	ssyncadd.s32 $0xFFFFFF00;
	(pc) =	sbr.rel @p0 .LBB2_2-.Ltmp0, $3  }
0x35: {  	[spmem:s25] =	stream.linear.scatter [tilespmem:s13], [sflag:$0x11], $0x100, $0x38;
	[tilespmem:$0x9100] =	vst v63  }
0x36: {  	s11 =	sadd.s32 $0x400, s11;
	_ =	sdelay $0x1  }
0x37: {  	_ =	swait.ge [sflag:s9], $0x100  }
0x38: {  	[sflag:s9] =	ssyncset.done $0x0  }
0x39: {  	[sflag:s9] =	ssyncadd.s32 $0xFFFFFF00  }
0x3a: {  	s11 =	simm.s32 $0x0;
	s13 =	simm.s32 $0x2800;
	[bflag:$0x0] =	sbarrier.arrive $0xFFFF  }
0x3b: {  	[tilespmem:s13], [sflag:$0x1] =	stream.indirect.gather [hbm4b:s1+s12], $0x10, s11, s12, $0xb8;
	[tilespmem:$0x9100] =	vst v63  }
0x3c: {  	_ = 	snop  }
0x3d: {  	[tilespmem:s14], [sflag:$0x2] =	stream.indirect.gather [hbm4b:s1+s12], $0x10, s12, s12, $0xb8;
	[tilespmem:$0x9100] =	vst v63  }
0x3e: {  	s7 =	simm.s32 $0x100  }
0x3f: {  	[tilespmem:s16], [sflag:$0x3] =	stream.indirect.gather [hbm4b:s1+s12], $0x10, s7, s12, $0xb8;
	[tilespmem:$0x9100] =	vst v63  }
0x40: {  	s11 =	simm.s32 $0x180  }
0x41: {  	[tilespmem:s18], [sflag:$0x4] =	stream.indirect.gather [hbm4b:s1+s12], $0x10, s11, s12, $0xb8;
	[tilespmem:$0x9100] =	vst v63  }
0x42: {  	_ =	swait.ge [sflag:s19], $0x800  }
0x43: {  	[sflag:s19] =	ssyncset.done $0x0  }
0x44: {  	s25 =	simm.s32 $0x1400;
	[sflag:s19] =	ssyncadd.s32 $0xFFFFF800  }
0x45: {  	[spmem:s3] =	stream.indirect.scatter.add.f32 [tilespmem:s13], [sflag:$0x9], $0x10, s25, s12, $0xb8;
	[tilespmem:$0x9100] =	vst v63  }
0x46: {  	s11 =	simm.s32 $0x200  }
0x47: {  	[tilespmem:s21], [sflag:$0x5] =	stream.indirect.gather [hbm4b:s1+s12], $0x10, s11, s12, $0xb8;
	[tilespmem:$0x9100] =	vst v63  }
0x48: {  	_ =	swait.ge [sflag:s22], $0x800  }
0x49: {  	[sflag:s22] =	ssyncset.done $0x0  }
0x4a: {  	s25 =	simm.s32 $0x1480;
	[sflag:s22] =	ssyncadd.s32 $0xFFFFF800  }
0x4b: {  	[spmem:s3] =	stream.indirect.scatter.add.f32 [tilespmem:s14], [sflag:$0xA], $0x10, s25, s12, $0xb8;
	[tilespmem:$0x9100] =	vst v63  }
0x4c: {  	s11 =	simm.s32 $0x280  }
0x4d: {  	[tilespmem:s28], [sflag:$0x6] =	stream.indirect.gather [hbm4b:s1+s12], $0x10, s11, s12, $0xb8;
	[tilespmem:$0x9100] =	vst v63  }
0x4e: {  	_ =	swait.ge [sflag:s29], $0x800  }
0x4f: {  	[sflag:s29] =	ssyncset.done $0x0  }
0x50: {  	s25 =	simm.s32 $0x1500;
	[sflag:s29] =	ssyncadd.s32 $0xFFFFF800  }
0x51: {  	[spmem:s3] =	stream.indirect.scatter.add.f32 [tilespmem:s16], [sflag:$0xB], $0x10, s25, s12, $0xb8;
	[tilespmem:$0x9100] =	vst v63  }
0x52: {  	s11 =	simm.s32 $0x300  }
0x53: {  	[tilespmem:s2], [sflag:$0x7] =	stream.indirect.gather [hbm4b:s1+s12], $0x10, s11, s12, $0xb8;
	[tilespmem:$0x9100] =	vst v63  }
0x54: {  	_ =	swait.ge [sflag:s15], $0x800  }
0x55: {  	[sflag:s15] =	ssyncset.done $0x0  }
0x56: {  	s25 =	simm.s32 $0x1580;
	[sflag:s15] =	ssyncadd.s32 $0xFFFFF800  }
0x57: {  	[spmem:s3] =	stream.indirect.scatter.add.f32 [tilespmem:s18], [sflag:$0xC], $0x10, s25, s12, $0xb8;
	[tilespmem:$0x9100] =	vst v63  }
0x58: {  	s11 =	simm.s32 $0x380  }
0x59: {  	[tilespmem:s24], [sflag:$0x8] =	stream.indirect.gather [hbm4b:s1+s12], $0x10, s11, s12, $0xb8;
	[tilespmem:$0x9100] =	vst v63  }
0x5a: {  	_ =	swait.ge [sflag:s26], $0x800  }
0x5b: {  	[sflag:s26] =	ssyncset.done $0x0  }
0x5c: {  	s25 =	simm.s32 $0x1600;
	[sflag:s26] =	ssyncadd.s32 $0xFFFFF800  }
0x5d: {  	[spmem:s3] =	stream.indirect.scatter.add.f32 [tilespmem:s21], [sflag:$0xD], $0x10, s25, s12, $0xb8;
	[tilespmem:$0x9100] =	vst v63  }
0x5e: {  	_ =	swait.ge [sflag:s31], $0x800  }
0x5f: {  	[sflag:s31] =	ssyncset.done $0x0  }
0x60: {  	s11 =	simm.s32 $0x400;
	[sflag:s31] =	ssyncadd.s32 $0xFFFFF800  }
0x61: {  	[tilespmem:s13], [sflag:$0x1] =	stream.indirect.gather [hbm4b:s1+s12], $0x10, s11, s12, $0xb8;
	[tilespmem:$0x9100] =	vst v63  }
0x62: {  	_ =	swait.ge [sflag:s20], $0x800  }
0x63: {  	[sflag:s20] =	ssyncset.done $0x0  }
0x64: {  	s25 =	simm.s32 $0x1680;
	[sflag:s20] =	ssyncadd.s32 $0xFFFFF800  }
0x65: {  	[spmem:s3] =	stream.indirect.scatter.add.f32 [tilespmem:s28], [sflag:$0xE], $0x10, s25, s12, $0xb8;
	[tilespmem:$0x9100] =	vst v63  }
0x66: {  	_ =	swait.ge [sflag:s30], $0x800  }
0x67: {  	[sflag:s30] =	ssyncset.done $0x0  }
0x68: {  	s11 =	simm.s32 $0x480;
	[sflag:s30] =	ssyncadd.s32 $0xFFFFF800  }
0x69: {  	[tilespmem:s14], [sflag:$0x2] =	stream.indirect.gather [hbm4b:s1+s12], $0x10, s11, s12, $0xb8;
	[tilespmem:$0x9100] =	vst v63  }
0x6a: {  	_ =	swait.ge [sflag:s0], $0x800  }
0x6b: {  	[sflag:s0] =	ssyncset.done $0x0  }
0x6c: {  	s25 =	simm.s32 $0x1700;
	[sflag:s0] =	ssyncadd.s32 $0xFFFFF800  }
0x6d: {  	[spmem:s3] =	stream.indirect.scatter.add.f32 [tilespmem:s2], [sflag:$0xF], $0x10, s25, s12, $0xb8;
	[tilespmem:$0x9100] =	vst v63  }
0x6e: {  	_ =	swait.ge [sflag:s17], $0x800  }
0x6f: {  	[sflag:s17] =	ssyncset.done $0x0  }
0x70: {  	s11 =	simm.s32 $0x500;
	[sflag:s17] =	ssyncadd.s32 $0xFFFFF800  }
0x71: {  	[tilespmem:s16], [sflag:$0x3] =	stream.indirect.gather [hbm4b:s1+s12], $0x10, s11, s12, $0xb8;
	[tilespmem:$0x9100] =	vst v63  }
0x72: {  	_ =	swait.ge [sflag:s4], $0x800  }
0x73: {  	[sflag:s4] =	ssyncset.done $0x0  }
0x74: {  	s25 =	simm.s32 $0x1780;
	[sflag:s4] =	ssyncadd.s32 $0xFFFFF800  }
0x75: {  	[spmem:s3] =	stream.indirect.scatter.add.f32 [tilespmem:s24], [sflag:$0x10], $0x10, s25, s12, $0xb8;
	[tilespmem:$0x9100] =	vst v63  }
0x76: {  	_ =	swait.ge [sflag:s5], $0x800  }
0x77: {  	[sflag:s5] =	ssyncset.done $0x0  }
0x78: {  	s11 =	simm.s32 $0x580;
	[sflag:s5] =	ssyncadd.s32 $0xFFFFF800  }
0x79: {  	[tilespmem:s18], [sflag:$0x4] =	stream.indirect.gather [hbm4b:s1+s12], $0x10, s11, s12, $0xb8;
	[tilespmem:$0x9100] =	vst v63  }
0x7a: {  	_ =	swait.ge [sflag:s19], $0x800  }
0x7b: {  	[sflag:s19] =	ssyncset.done $0x0  }
0x7c: {  	s25 =	simm.s32 $0x1800;
	[sflag:s19] =	ssyncadd.s32 $0xFFFFF800  }
0x7d: {  	[spmem:s3] =	stream.indirect.scatter.add.f32 [tilespmem:s13], [sflag:$0x9], $0x10, s25, s12, $0xb8;
	[tilespmem:$0x9100] =	vst v63  }
0x7e: {  	_ =	swait.ge [sflag:s10], $0x800  }
0x7f: {  	[sflag:s10] =	ssyncset.done $0x0  }
0x80: {  	s7 =	simm.s32 $0x600;
	[sflag:s10] =	ssyncadd.s32 $0xFFFFF800  }
0x81: {  	[tilespmem:s21], [sflag:$0x5] =	stream.indirect.gather [hbm4b:s1+s12], $0x10, s7, s12, $0xb8;
	[tilespmem:$0x9100] =	vst v63  }
0x82: {  	_ =	swait.ge [sflag:s22], $0x800  }
0x83: {  	[sflag:s22] =	ssyncset.done $0x0  }
0x84: {  	s25 =	simm.s32 $0x1880;
	[sflag:s22] =	ssyncadd.s32 $0xFFFFF800  }
0x85: {  	[spmem:s3] =	stream.indirect.scatter.add.f32 [tilespmem:s14], [sflag:$0xA], $0x10, s25, s12, $0xb8;
	[tilespmem:$0x9100] =	vst v63  }
0x86: {  	_ =	swait.ge [sflag:s6], $0x800  }
0x87: {  	[sflag:s6] =	ssyncset.done $0x0  }
0x88: {  	s7 =	simm.s32 $0x680;
	[sflag:s6] =	ssyncadd.s32 $0xFFFFF800  }
0x89: {  	[tilespmem:s28], [sflag:$0x6] =	stream.indirect.gather [hbm4b:s1+s12], $0x10, s7, s12, $0xb8;
	[tilespmem:$0x9100] =	vst v63  }
0x8a: {  	_ =	swait.ge [sflag:s29], $0x800  }
0x8b: {  	[sflag:s29] =	ssyncset.done $0x0  }
0x8c: {  	s25 =	simm.s32 $0x1900;
	[sflag:s29] =	ssyncadd.s32 $0xFFFFF800  }
0x8d: {  	[spmem:s3] =	stream.indirect.scatter.add.f32 [tilespmem:s16], [sflag:$0xB], $0x10, s25, s12, $0xb8;
	[tilespmem:$0x9100] =	vst v63  }
0x8e: {  	_ =	swait.ge [sflag:s8], $0x800  }
0x8f: {  	[sflag:s8] =	ssyncset.done $0x0  }
0x90: {  	s7 =	simm.s32 $0x700;
	[sflag:s8] =	ssyncadd.s32 $0xFFFFF800  }
0x91: {  	[tilespmem:s2], [sflag:$0x7] =	stream.indirect.gather [hbm4b:s1+s12], $0x10, s7, s12, $0xb8;
	[tilespmem:$0x9100] =	vst v63  }
0x92: {  	_ =	swait.ge [sflag:s15], $0x800  }
0x93: {  	[sflag:s15] =	ssyncset.done $0x0  }
0x94: {  	s25 =	simm.s32 $0x1980;
	[sflag:s15] =	ssyncadd.s32 $0xFFFFF800  }
0x95: {  	[spmem:s3] =	stream.indirect.scatter.add.f32 [tilespmem:s18], [sflag:$0xC], $0x10, s25, s12, $0xb8;
	[tilespmem:$0x9100] =	vst v63  }
0x96: {  	_ =	swait.ge [sflag:s23], $0x800  }
0x97: {  	[sflag:s23] =	ssyncset.done $0x0  }
0x98: {  	s7 =	simm.s32 $0x780;
	[sflag:s23] =	ssyncadd.s32 $0xFFFFF800  }
0x99: {  	[tilespmem:s24], [sflag:$0x8] =	stream.indirect.gather [hbm4b:s1+s12], $0x10, s7, s12, $0xb8;
	[tilespmem:$0x9100] =	vst v63  }
0x9a: {  	_ =	swait.ge [sflag:s26], $0x800  }
0x9b: {  	[sflag:s26] =	ssyncset.done $0x0  }
0x9c: {  	s25 =	simm.s32 $0x1A00;
	[sflag:s26] =	ssyncadd.s32 $0xFFFFF800  }
0x9d: {  	[spmem:s3] =	stream.indirect.scatter.add.f32 [tilespmem:s21], [sflag:$0xD], $0x10, s25, s12, $0xb8;
	[tilespmem:$0x9100] =	vst v63  }
0x9e: {  	_ =	swait.ge [sflag:s31], $0x800  }
0x9f: {  	[sflag:s31] =	ssyncset.done $0x0  }
0xa0: {  	s7 =	simm.s32 $0x800;
	[sflag:s31] =	ssyncadd.s32 $0xFFFFF800  }
0xa1: {  	[tilespmem:s13], [sflag:$0x1] =	stream.indirect.gather [hbm4b:s1+s12], $0x10, s7, s12, $0xb8;
	[tilespmem:$0x9100] =	vst v63  }
0xa2: {  	_ =	swait.ge [sflag:s20], $0x800  }
0xa3: {  	[sflag:s20] =	ssyncset.done $0x0  }
0xa4: {  	s25 =	simm.s32 $0x1A80;
	[sflag:s20] =	ssyncadd.s32 $0xFFFFF800  }
0xa5: {  	[spmem:s3] =	stream.indirect.scatter.add.f32 [tilespmem:s28], [sflag:$0xE], $0x10, s25, s12, $0xb8;
	[tilespmem:$0x9100] =	vst v63  }
0xa6: {  	_ =	swait.ge [sflag:s30], $0x800  }
0xa7: {  	[sflag:s30] =	ssyncset.done $0x0  }
0xa8: {  	s7 =	simm.s32 $0x880;
	[sflag:s30] =	ssyncadd.s32 $0xFFFFF800  }
0xa9: {  	[tilespmem:s14], [sflag:$0x2] =	stream.indirect.gather [hbm4b:s1+s12], $0x10, s7, s12, $0xb8;
	[tilespmem:$0x9100] =	vst v63  }
0xaa: {  	_ =	swait.ge [sflag:s0], $0x800  }
0xab: {  	[sflag:s0] =	ssyncset.done $0x0  }
0xac: {  	s25 =	simm.s32 $0x1B00;
	[sflag:s0] =	ssyncadd.s32 $0xFFFFF800  }
0xad: {  	[spmem:s3] =	stream.indirect.scatter.add.f32 [tilespmem:s2], [sflag:$0xF], $0x10, s25, s12, $0xb8;
	[tilespmem:$0x9100] =	vst v63  }
0xae: {  	_ =	swait.ge [sflag:s17], $0x800  }
0xaf: {  	[sflag:s17] =	ssyncset.done $0x0  }
0xb0: {  	s7 =	simm.s32 $0x900;
	[sflag:s17] =	ssyncadd.s32 $0xFFFFF800  }
0xb1: {  	[tilespmem:s16], [sflag:$0x3] =	stream.indirect.gather [hbm4b:s1+s12], $0x10, s7, s12, $0xb8;
	[tilespmem:$0x9100] =	vst v63  }
0xb2: {  	_ =	swait.ge [sflag:s4], $0x800  }
0xb3: {  	[sflag:s4] =	ssyncset.done $0x0  }
0xb4: {  	s25 =	simm.s32 $0x1B80;
	[sflag:s4] =	ssyncadd.s32 $0xFFFFF800  }
0xb5: {  	[spmem:s3] =	stream.indirect.scatter.add.f32 [tilespmem:s24], [sflag:$0x10], $0x10, s25, s12, $0xb8;
	[tilespmem:$0x9100] =	vst v63  }
0xb6: {  	_ =	swait.ge [sflag:s5], $0x800  }
0xb7: {  	[sflag:s5] =	ssyncset.done $0x0  }
0xb8: {  	s11 =	simm.s32 $0x980;
	s25 =	simm.s32 $0x1000;
	[sflag:s5] =	ssyncadd.s32 $0xFFFFF800  }
.LBB2_4:
0xb9: {  	[tilespmem:s18], [sflag:$0x4] =	stream.indirect.gather [hbm4b:s1+s12], $0x10, s11, s12, $0xb8;
	[tilespmem:$0x9100] =	vst v63  }
0xba: {  	s11 =	smov.u32 s25  }
0xbb: {  	p0 =	sne.s32 s25, $0x2000;
	s25 =	sadd.s32 $0x1000, s25;
	_ =	swait.ge [sflag:s19], $0x800  }
0xbc: {  	s11 =	sshra.s32 s11, $0x2;
	[sflag:s19] =	ssyncset.done $0x0  }
0xbd: {  	s7 =	sadd.s32 $0x1800, s11;
	[sflag:s19] =	ssyncadd.s32 $0xFFFFF800  }
0xbe: {  	[spmem:s3] =	stream.indirect.scatter.add.f32 [tilespmem:s13], [sflag:$0x9], $0x10, s7, s12, $0xb8;
	[tilespmem:$0x9100] =	vst v63  }
0xbf: {  	_ =	swait.ge [sflag:s10], $0x800  }
0xc0: {  	[sflag:s10] =	ssyncset.done $0x0  }
0xc1: {  	s7 =	sadd.s32 $0x600, s11;
	[sflag:s10] =	ssyncadd.s32 $0xFFFFF800  }
0xc2: {  	[tilespmem:s21], [sflag:$0x5] =	stream.indirect.gather [hbm4b:s1+s12], $0x10, s7, s12, $0xb8;
	[tilespmem:$0x9100] =	vst v63  }
0xc3: {  	_ =	swait.ge [sflag:s22], $0x800  }
0xc4: {  	[sflag:s22] =	ssyncset.done $0x0  }
0xc5: {  	s7 =	sadd.s32 $0x1880, s11;
	[sflag:s22] =	ssyncadd.s32 $0xFFFFF800  }
0xc6: {  	[spmem:s3] =	stream.indirect.scatter.add.f32 [tilespmem:s14], [sflag:$0xA], $0x10, s7, s12, $0xb8;
	[tilespmem:$0x9100] =	vst v63  }
0xc7: {  	_ =	swait.ge [sflag:s6], $0x800  }
0xc8: {  	[sflag:s6] =	ssyncset.done $0x0  }
0xc9: {  	s7 =	sadd.s32 $0x680, s11;
	[sflag:s6] =	ssyncadd.s32 $0xFFFFF800  }
0xca: {  	[tilespmem:s28], [sflag:$0x6] =	stream.indirect.gather [hbm4b:s1+s12], $0x10, s7, s12, $0xb8;
	[tilespmem:$0x9100] =	vst v63  }
0xcb: {  	_ =	swait.ge [sflag:s29], $0x800  }
0xcc: {  	[sflag:s29] =	ssyncset.done $0x0  }
0xcd: {  	s7 =	sadd.s32 $0x1900, s11;
	[sflag:s29] =	ssyncadd.s32 $0xFFFFF800  }
0xce: {  	[spmem:s3] =	stream.indirect.scatter.add.f32 [tilespmem:s16], [sflag:$0xB], $0x10, s7, s12, $0xb8;
	[tilespmem:$0x9100] =	vst v63  }
0xcf: {  	_ =	swait.ge [sflag:s8], $0x800  }
0xd0: {  	[sflag:s8] =	ssyncset.done $0x0  }
0xd1: {  	s7 =	sadd.s32 $0x700, s11;
	[sflag:s8] =	ssyncadd.s32 $0xFFFFF800  }
0xd2: {  	[tilespmem:s2], [sflag:$0x7] =	stream.indirect.gather [hbm4b:s1+s12], $0x10, s7, s12, $0xb8;
	[tilespmem:$0x9100] =	vst v63  }
0xd3: {  	_ =	swait.ge [sflag:s15], $0x800  }
0xd4: {  	[sflag:s15] =	ssyncset.done $0x0  }
0xd5: {  	s7 =	sadd.s32 $0x1980, s11;
	[sflag:s15] =	ssyncadd.s32 $0xFFFFF800  }
0xd6: {  	[spmem:s3] =	stream.indirect.scatter.add.f32 [tilespmem:s18], [sflag:$0xC], $0x10, s7, s12, $0xb8;
	[tilespmem:$0x9100] =	vst v63  }
0xd7: {  	_ =	swait.ge [sflag:s23], $0x800  }
0xd8: {  	[sflag:s23] =	ssyncset.done $0x0  }
0xd9: {  	s7 =	sadd.s32 $0x780, s11;
	[sflag:s23] =	ssyncadd.s32 $0xFFFFF800  }
0xda: {  	[tilespmem:s24], [sflag:$0x8] =	stream.indirect.gather [hbm4b:s1+s12], $0x10, s7, s12, $0xb8;
	[tilespmem:$0x9100] =	vst v63  }
0xdb: {  	_ =	swait.ge [sflag:s26], $0x800  }
0xdc: {  	[sflag:s26] =	ssyncset.done $0x0  }
0xdd: {  	s7 =	sadd.s32 $0x1A00, s11;
	[sflag:s26] =	ssyncadd.s32 $0xFFFFF800  }
0xde: {  	[spmem:s3] =	stream.indirect.scatter.add.f32 [tilespmem:s21], [sflag:$0xD], $0x10, s7, s12, $0xb8;
	[tilespmem:$0x9100] =	vst v63  }
0xdf: {  	_ =	swait.ge [sflag:s31], $0x800  }
0xe0: {  	[sflag:s31] =	ssyncset.done $0x0  }
0xe1: {  	s7 =	sadd.s32 $0x800, s11;
	[sflag:s31] =	ssyncadd.s32 $0xFFFFF800  }
0xe2: {  	[tilespmem:s13], [sflag:$0x1] =	stream.indirect.gather [hbm4b:s1+s12], $0x10, s7, s12, $0xb8;
	[tilespmem:$0x9100] =	vst v63  }
0xe3: {  	_ =	swait.ge [sflag:s20], $0x800  }
0xe4: {  	[sflag:s20] =	ssyncset.done $0x0  }
0xe5: {  	s7 =	sadd.s32 $0x1A80, s11;
	[sflag:s20] =	ssyncadd.s32 $0xFFFFF800  }
0xe6: {  	[spmem:s3] =	stream.indirect.scatter.add.f32 [tilespmem:s28], [sflag:$0xE], $0x10, s7, s12, $0xb8;
	[tilespmem:$0x9100] =	vst v63  }
0xe7: {  	_ =	swait.ge [sflag:s30], $0x800  }
0xe8: {  	[sflag:s30] =	ssyncset.done $0x0  }
0xe9: {  	s7 =	sadd.s32 $0x880, s11;
	[sflag:s30] =	ssyncadd.s32 $0xFFFFF800  }
0xea: {  	[tilespmem:s14], [sflag:$0x2] =	stream.indirect.gather [hbm4b:s1+s12], $0x10, s7, s12, $0xb8;
	[tilespmem:$0x9100] =	vst v63  }
0xeb: {  	_ =	swait.ge [sflag:s0], $0x800  }
0xec: {  	[sflag:s0] =	ssyncset.done $0x0  }
0xed: {  	s7 =	sadd.s32 $0x1B00, s11;
	[sflag:s0] =	ssyncadd.s32 $0xFFFFF800  }
0xee: {  	[spmem:s3] =	stream.indirect.scatter.add.f32 [tilespmem:s2], [sflag:$0xF], $0x10, s7, s12, $0xb8;
	[tilespmem:$0x9100] =	vst v63  }
0xef: {  	_ =	swait.ge [sflag:s17], $0x800  }
0xf0: {  	[sflag:s17] =	ssyncset.done $0x0  }
0xf1: {  	s7 =	sadd.s32 $0x900, s11;
	[sflag:s17] =	ssyncadd.s32 $0xFFFFF800  }
0xf2: {  	[tilespmem:s16], [sflag:$0x3] =	stream.indirect.gather [hbm4b:s1+s12], $0x10, s7, s12, $0xb8;
	[tilespmem:$0x9100] =	vst v63  }
0xf3: {  	_ =	swait.ge [sflag:s4], $0x800  }
0xf4: {  	[sflag:s4] =	ssyncset.done $0x0  }
.Ltmp1:
0xf5: {  	s7 =	sadd.s32 $0x1B80, s11;
	[sflag:s4] =	ssyncadd.s32 $0xFFFFF800;
	(pc) =	sbr.rel @p0 .LBB2_4-.Ltmp1, $4  }
0xf6: {  	[spmem:s3] =	stream.indirect.scatter.add.f32 [tilespmem:s24], [sflag:$0x10], $0x10, s7, s12, $0xb8;
	[tilespmem:$0x9100] =	vst v63  }
0xf7: {  	_ =	swait.ge [sflag:s5], $0x800  }
0xf8: {  	[sflag:s5] =	ssyncset.done $0x0  }
0xf9: {  	s11 =	sadd.s32 $0x980, s11;
	[sflag:s5] =	ssyncadd.s32 $0xFFFFF800  }
0xfa: {  	[tilespmem:s18], [sflag:$0x4] =	stream.indirect.gather [hbm4b:s1+s12], $0x10, s11, s12, $0xb8;
	[tilespmem:$0x9100] =	vst v63  }
0xfb: {  	_ =	swait.ge [sflag:s19], $0x800  }
0xfc: {  	[sflag:s19] =	ssyncset.done $0x0  }
0xfd: {  	s7 =	simm.s32 $0x2400;
	[sflag:s19] =	ssyncadd.s32 $0xFFFFF800  }
0xfe: {  	[spmem:s3] =	stream.indirect.scatter.add.f32 [tilespmem:s13], [sflag:$0x9], $0x10, s7, s12, $0xb8;
	[tilespmem:$0x9100] =	vst v63  }
0xff: {  	_ =	swait.ge [sflag:s10], $0x800  }
0x100: {  	[sflag:s10] =	ssyncset.done $0x0  }
0x101: {  	s13 =	simm.s32 $0x1200;
	[sflag:s10] =	ssyncadd.s32 $0xFFFFF800  }
0x102: {  	[tilespmem:s21], [sflag:$0x5] =	stream.indirect.gather [hbm4b:s1+s12], $0x10, s13, s12, $0xb8;
	[tilespmem:$0x9100] =	vst v63  }
0x103: {  	_ =	swait.ge [sflag:s22], $0x800  }
0x104: {  	[sflag:s22] =	ssyncset.done $0x0  }
0x105: {  	s25 =	simm.s32 $0x2480;
	[sflag:s22] =	ssyncadd.s32 $0xFFFFF800  }
0x106: {  	[spmem:s3] =	stream.indirect.scatter.add.f32 [tilespmem:s14], [sflag:$0xA], $0x10, s25, s12, $0xb8;
	[tilespmem:$0x9100] =	vst v63  }
0x107: {  	_ =	swait.ge [sflag:s6], $0x800  }
0x108: {  	[sflag:s6] =	ssyncset.done $0x0  }
0x109: {  	s11 =	simm.s32 $0x1280;
	[sflag:s6] =	ssyncadd.s32 $0xFFFFF800  }
0x10a: {  	[tilespmem:s28], [sflag:$0x6] =	stream.indirect.gather [hbm4b:s1+s12], $0x10, s11, s12, $0xb8;
	[tilespmem:$0x9100] =	vst v63  }
0x10b: {  	_ =	swait.ge [sflag:s29], $0x800  }
0x10c: {  	[sflag:s29] =	ssyncset.done $0x0  }
0x10d: {  	s13 =	simm.s32 $0x2500;
	[sflag:s29] =	ssyncadd.s32 $0xFFFFF800  }
0x10e: {  	[spmem:s3] =	stream.indirect.scatter.add.f32 [tilespmem:s16], [sflag:$0xB], $0x10, s13, s12, $0xb8;
	[tilespmem:$0x9100] =	vst v63  }
0x10f: {  	_ =	swait.ge [sflag:s8], $0x800  }
0x110: {  	[sflag:s8] =	ssyncset.done $0x0  }
0x111: {  	s25 =	simm.s32 $0x1300;
	[sflag:s8] =	ssyncadd.s32 $0xFFFFF800  }
0x112: {  	[tilespmem:s2], [sflag:$0x7] =	stream.indirect.gather [hbm4b:s1+s12], $0x10, s25, s12, $0xb8;
	[tilespmem:$0x9100] =	vst v63  }
0x113: {  	_ =	swait.ge [sflag:s15], $0x800  }
0x114: {  	[sflag:s15] =	ssyncset.done $0x0  }
0x115: {  	s11 =	simm.s32 $0x2580;
	[sflag:s15] =	ssyncadd.s32 $0xFFFFF800  }
0x116: {  	[spmem:s3] =	stream.indirect.scatter.add.f32 [tilespmem:s18], [sflag:$0xC], $0x10, s11, s12, $0xb8;
	[tilespmem:$0x9100] =	vst v63  }
0x117: {  	_ =	swait.ge [sflag:s23], $0x800  }
0x118: {  	[sflag:s23] =	ssyncset.done $0x0  }
0x119: {  	s13 =	simm.s32 $0x1380;
	[sflag:s23] =	ssyncadd.s32 $0xFFFFF800  }
0x11a: {  	[tilespmem:s24], [sflag:$0x8] =	stream.indirect.gather [hbm4b:s1+s12], $0x10, s13, s12, $0xb8;
	[tilespmem:$0x9100] =	vst v63  }
0x11b: {  	_ =	swait.ge [sflag:s26], $0x800  }
0x11c: {  	[sflag:s26] =	ssyncset.done $0x0  }
0x11d: {  	s25 =	simm.s32 $0x2600;
	[sflag:s26] =	ssyncadd.s32 $0xFFFFF800  }
0x11e: {  	[spmem:s3] =	stream.indirect.scatter.add.f32 [tilespmem:s21], [sflag:$0xD], $0x10, s25, s12, $0xb8;
	[tilespmem:$0x9100] =	vst v63  }
0x11f: {  	_ =	swait.ge [sflag:s31], $0x800  }
0x120: {  	[sflag:s31] =	ssyncset.done $0x0  }
0x121: {  	[sflag:s31] =	ssyncadd.s32 $0xFFFFF800  }
0x122: {  	_ =	swait.ge [sflag:s20], $0x800  }
0x123: {  	[sflag:s20] =	ssyncset.done $0x0  }
0x124: {  	s11 =	simm.s32 $0x2680;
	[sflag:s20] =	ssyncadd.s32 $0xFFFFF800  }
0x125: {  	[spmem:s3] =	stream.indirect.scatter.add.f32 [tilespmem:s28], [sflag:$0xE], $0x10, s11, s12, $0xb8;
	[tilespmem:$0x9100] =	vst v63  }
0x126: {  	_ =	swait.ge [sflag:s30], $0x800  }
0x127: {  	[sflag:s30] =	ssyncset.done $0x0  }
0x128: {  	[sflag:s30] =	ssyncadd.s32 $0xFFFFF800  }
0x129: {  	_ =	swait.ge [sflag:s0], $0x800  }
0x12a: {  	[sflag:s0] =	ssyncset.done $0x0  }
0x12b: {  	s13 =	simm.s32 $0x2700;
	[sflag:s0] =	ssyncadd.s32 $0xFFFFF800  }
0x12c: {  	[spmem:s3] =	stream.indirect.scatter.add.f32 [tilespmem:s2], [sflag:$0xF], $0x10, s13, s12, $0xb8;
	[tilespmem:$0x9100] =	vst v63  }
0x12d: {  	_ =	swait.ge [sflag:s17], $0x800  }
0x12e: {  	[sflag:s17] =	ssyncset.done $0x0  }
0x12f: {  	[sflag:s17] =	ssyncadd.s32 $0xFFFFF800  }
0x130: {  	_ =	swait.ge [sflag:s4], $0x800  }
0x131: {  	[sflag:s4] =	ssyncset.done $0x0  }
0x132: {  	s25 =	simm.s32 $0x2780;
	[sflag:s4] =	ssyncadd.s32 $0xFFFFF800  }
0x133: {  	[spmem:s3] =	stream.indirect.scatter.add.f32 [tilespmem:s24], [sflag:$0x10], $0x10, s25, s12, $0xb8;
	[tilespmem:$0x9100] =	vst v63  }
0x134: {  	_ =	swait.ge [sflag:s5], $0x800  }
0x135: {  	[sflag:s5] =	ssyncset.done $0x0  }
0x136: {  	[sflag:s5] =	ssyncadd.s32 $0xFFFFF800  }
0x137: {  	_ =	swait.ge [sflag:s10], $0x800  }
0x138: {  	[sflag:s10] =	ssyncset.done $0x0  }
0x139: {  	[sflag:s10] =	ssyncadd.s32 $0xFFFFF800  }
0x13a: {  	_ =	swait.ge [sflag:s6], $0x800  }
0x13b: {  	[sflag:s6] =	ssyncset.done $0x0  }
0x13c: {  	[sflag:s6] =	ssyncadd.s32 $0xFFFFF800  }
0x13d: {  	_ =	swait.ge [sflag:s8], $0x800  }
0x13e: {  	[sflag:s8] =	ssyncset.done $0x0  }
0x13f: {  	[sflag:s8] =	ssyncadd.s32 $0xFFFFF800  }
0x140: {  	_ =	swait.ge [sflag:s23], $0x800  }
0x141: {  	[sflag:s23] =	ssyncset.done $0x0  }
0x142: {  	[sflag:s23] =	ssyncadd.s32 $0xFFFFF800  }
0x143: {  	s11 =	stileid.u32;
	[bflag:$0x0] =	sbarrier.arrive $0xFFFF  }
0x144: {  	s7 =	sshll.u32 s11, $0x6;
	s13 =	rddreg [dreg:$0x8]  }
0x145: {  	s7 =	sor.u32 $0x1C11, s7;
	s25 =	rddreg [dreg:$0x9]  }
0x146: {  	[hbm:s13], [sflag:s7] =	dma.local [spmem:s25], $0x4E2  }
0x147: {  	_ =	swait.ge [sflag:s9], $0x4E2  }
0x148: {  	s13 =	rddreg [dreg:$0xa]  }
0x149: {  	s25 =	rddreg [dreg:$0x7];
	s11 =	sadd.s32 $0x1, s13  }
0x14a: {  	p0 =	sne.s32 s11, s25  }
.Ltmp2:
0x14b: {  	_ = 	snop;
	(pc) =	sbr.rel @p0 .LBB2_1-.Ltmp2, $3  }
0x14c: {  	_ =	sdelay $0x1  }
0x14d: {  	[sflag:s9] =	ssyncset.done $0x0  }
0x14e: {  	[sflag:s9] =	ssyncadd.s32 $0xFFFFFB1E  }
0x14f: {  	_ =	sfence.sel $0x180000  }
0x150: {  	[bflag:$0x0] =	sbarrier.arrive $0xFFFF  }
0x151: {  	_ =	strace $0x90000050  }
0x152: {  	s0 =	stileid.u32;
	[bflag:$0x2] =	sbarrier.arrive $0xFFFF  }
0x153: {  	p0 =	sne.s32 s0, $0x0;
	s0 =	rddreg [dreg:$0x3]  }
0x154: {  	s0 =	sadd.s32 @!p0 $0x100000, s0  }
0x155: {  	[sflag:s0] =	ssyncadd.tile.s32 @!p0 $0x1;
	_ =	shalt  }
.Lfunc_end2:
_tile_overlayer_lowered:
.L_overlay_start_2:
0x156: {  	(tag) =	ssettag $0x2  }
0x157: {  	s0 =	rddreg [dreg:$0x0];
	s2 =	stileid.u32  }
0x158: {  	s1 =	rddreg [dreg:$0x1];
	p0 =	sne.s32 s2, $0x0  }
0x159: {  	s3 =	rddreg [dreg:$0x2];
	[bflag:$0x3] =	sbarrier.arrive $0xFFFF;
	s2 =	simm.s32 @!p0 $0x1C11  }
0x15a: {  	[timem:s3], [sflag:s2] =	dma.local @!p0 [hbm:s0], s1  }
0x15b: {  	s0 =	simm.s32 @!p0 $0x11  }
0x15c: {  	_ =	swait.ge @!p0 [sflag:s0], s1  }
0x15d: {  	s1 =	ssub.s32 @!p0 $0x0, s1;
	[sflag:s0] =	ssyncset.done @!p0 $0x0  }
0x15e: {  	[sflag:s0] =	ssyncadd.s32 @!p0 s1  }
0x15f: {  	[bflag:$0x3] =	sbarrier.arrive $0xFFFF  }
0x160: {  	_ =	shalt  }

</sc_bundles>
